<compile_context>
chip_gen: v7x
topology: tpu7x:2x2x1
jax: 0.10.2.dev20260603
libtpu: 0.0.44.dev20260713+nightly
codegen_flags: <defaults>
</compile_context>

<pallas_src>
import functools

import jax
import jax.numpy as jnp
from jax import lax
from jax.experimental import pallas as pl
from jax.experimental.pallas import tpu as pltpu
from jax.experimental.pallas import tpu_sc as plsc

_NN = 10000
_NE = 320000
_NW = 32
_CH = 128
_NCH = 81
_NG = _CH // 16
_EPW = _CH * _NCH
_NEP = _EPW * _NW
_TABN = 10008
_NNP = 10240
_RPS = _NNP // 16



def _logits(h, a_s, a_d):
    es = jnp.sum(h * a_s, axis=1)
    ed = jnp.sum(h * a_d, axis=1)
    cm = jnp.max(es) + jnp.max(ed)
    c = jnp.where(cm >= 0.0, cm, 0.2 * cm)
    pad = jnp.zeros((_TABN - _NN,), jnp.float32)
    return (jnp.concatenate([es, pad]), jnp.concatenate([ed, pad]),
            jnp.full((1, 16), c, jnp.float32))


def _pad_tab(h):
    d = h.shape[1]
    out = h if d == 8 else jnp.concatenate(
        [h, jnp.zeros((_NN, 8 - d), jnp.float32)], axis=1)
    return jnp.concatenate([out, jnp.zeros((_TABN - _NN, 8), jnp.float32)],
                           axis=0)


def _prep1_body(x_ref, edge_ref, w1_ref, asrc_ref, adst_ref,
                htab_ref, es_ref, ed_ref, c_ref, src3_ref, dst3_ref):
    h = jnp.dot(x_ref[...], w1_ref[...], preferred_element_type=jnp.float32)
    htab_ref[...] = _pad_tab(h)
    es_ref[...], ed_ref[...], c_ref[...] = _logits(
        h, asrc_ref[...], adst_ref[...])
    loops = lax.iota(jnp.int32, _NN)
    pads = jnp.full((_NEP - _NE - _NN,), _NN, jnp.int32)
    src3_ref[...] = jnp.concatenate(
        [edge_ref[0], loops, pads]).reshape(_NW * _NCH, _CH)
    dst3_ref[...] = jnp.concatenate(
        [edge_ref[1], loops, pads]).reshape(_NW * _NCH, _CH)


_prep1 = pl.pallas_call(
    _prep1_body,
    out_shape=(
        jax.ShapeDtypeStruct((_TABN, 8), jnp.float32),
        jax.ShapeDtypeStruct((_TABN,), jnp.float32),
        jax.ShapeDtypeStruct((_TABN,), jnp.float32),
        jax.ShapeDtypeStruct((1, 16), jnp.float32),
        jax.ShapeDtypeStruct((_NW * _NCH, _CH), jnp.int32),
        jax.ShapeDtypeStruct((_NW * _NCH, _CH), jnp.int32),
    ),
)


def _mid_body(acch_ref, accd_ref, b1_ref, w2_ref, asrc_ref, adst_ref,
              htab2_ref, es2_ref, ed2_ref, c2_ref):
    num = acch_ref[0, :_NN, :] + acch_ref[1, :_NN, :]
    den = accd_ref[0, :_NN] + accd_ref[1, :_NN]
    h1 = jnp.maximum(num / den[:, None] + b1_ref[...], 0.0)
    h2 = jnp.dot(h1, w2_ref[...], preferred_element_type=jnp.float32)
    htab2_ref[...] = _pad_tab(h2)
    es2_ref[...], ed2_ref[...], c2_ref[...] = _logits(
        h2, asrc_ref[...], adst_ref[...])


_mid = pl.pallas_call(
    _mid_body,
    out_shape=(
        jax.ShapeDtypeStruct((_TABN, 8), jnp.float32),
        jax.ShapeDtypeStruct((_TABN,), jnp.float32),
        jax.ShapeDtypeStruct((_TABN,), jnp.float32),
        jax.ShapeDtypeStruct((1, 16), jnp.float32),
    ),
)


def _final_body(acch_ref, b2_ref, out_ref):
    num = acch_ref[0, :_NN, :7] + acch_ref[1, :_NN, :7]
    den = acch_ref[0, :_NN, 7] + acch_ref[1, :_NN, 7]
    logits = num / den[:, None] + b2_ref[...]
    m = jnp.max(logits, axis=1, keepdims=True)
    lse = m + jnp.log(jnp.sum(jnp.exp(logits - m), axis=1, keepdims=True))
    out_ref[...] = logits - lse


_final = pl.pallas_call(
    _final_body,
    out_shape=jax.ShapeDtypeStruct((_NN, 7), jnp.float32),
)



_sc_mesh = plsc.VectorSubcoreMesh(core_axis_name="c", subcore_axis_name="s")


def _make_sc_edges(sep_den):
    nj = 8 if sep_den else 7
    out_type = [jax.ShapeDtypeStruct((2, _NNP, 8), jnp.float32)]
    scratch = [
        pltpu.VMEM_SHARED((_NNP, 8), jnp.float32),
        pltpu.VMEM((_TABN, 8), jnp.float32),
        pltpu.VMEM((_TABN,), jnp.float32),
        pltpu.VMEM((_TABN,), jnp.float32),
        pltpu.VMEM((16,), jnp.float32),
        [pltpu.VMEM((4, _CH), jnp.int32) for _ in range(2)],
        [pltpu.VMEM((4, _CH), jnp.int32) for _ in range(2)],
        [pltpu.VMEM((_CH, 8), jnp.float32) for _ in range(2)],
        [pltpu.SemaphoreType.DMA for _ in range(2)],
        [pltpu.SemaphoreType.DMA for _ in range(2)],
    ]
    if sep_den:
        out_type.append(jax.ShapeDtypeStruct((2, _NNP), jnp.float32))
        scratch.append(pltpu.VMEM_SHARED((_NNP,), jnp.float32))
        scratch.append([pltpu.VMEM((_CH,), jnp.float32) for _ in range(2)])

    @functools.partial(
        pl.kernel,
        out_type=tuple(out_type),
        mesh=_sc_mesh,
        compiler_params=pltpu.CompilerParams(needs_layout_passes=False,
                                             use_tc_tiling_on_sc=False),
        scratch_types=scratch,
    )
    def _sc_edges(src_hbm, dst_hbm, htab_hbm, es_hbm, ed_hbm, c_hbm,
                  zerosh_hbm, zerosd_hbm, *rest):
        if sep_den:
            (acc_out, den_out, acc_sh, htab_v, es_v, ed_v, c_v,
             sidxb, didxb, ctrs, sems, isems, den_sh, ctrd) = rest
        else:
            (acc_out, acc_sh, htab_v, es_v, ed_v, c_v,
             sidxb, didxb, ctrs, sems, isems) = rest
        cid = lax.axis_index("c")
        sid = lax.axis_index("s")
        wid = cid * 16 + sid
        pltpu.sync_copy(htab_hbm, htab_v)
        pltpu.sync_copy(es_hbm, es_v)
        pltpu.sync_copy(ed_hbm, ed_v)
        pltpu.sync_copy(c_hbm.at[0], c_v)
        pltpu.sync_copy(zerosh_hbm.at[pl.ds(sid * _RPS, _RPS)],
                        acc_sh.at[pl.ds(sid * _RPS, _RPS)])
        if sep_den:
            pltpu.sync_copy(zerosd_hbm.at[pl.ds(sid * _RPS, _RPS)],
                            den_sh.at[pl.ds(sid * _RPS, _RPS)])

        _NSB = (_NCH - 1) // 4

        cbase = wid * _NCH

        def fire_idx(s, p):
            pltpu.async_copy(src_hbm.at[pl.ds(cbase + s * 4, 4)], sidxb[p],
                             isems[p])
            pltpu.async_copy(dst_hbm.at[pl.ds(cbase + s * 4, 4)], didxb[p],
                             isems[p])

        def wait_idx(p):
            pltpu.make_async_copy(src_hbm.at[pl.ds(0, 4)], sidxb[p],
                                  isems[p]).wait()
            pltpu.make_async_copy(dst_hbm.at[pl.ds(0, 4)], didxb[p],
                                  isems[p]).wait()

        fire_idx(0, 0)
        plsc.subcore_barrier()

        lane = lax.iota(jnp.int32, 16)
        col7 = jnp.full((16,), 7, jnp.int32)
        jcols = [jnp.full((16,), j, jnp.int32) for j in range(nj)]
        shift0 = c_v[...]

        def compute_chunk(p, k, b):
            buf = ctrs[b]

            def group_body(g, carry):
                off = g * 16
                s16 = sidxb[p][k, pl.ds(off, 16)]
                d16 = didxb[p][k, pl.ds(off, 16)]
                es = plsc.load_gather(es_v, [s16])
                ed = plsc.load_gather(ed_v, [d16])
                z = es + ed
                w = jnp.exp(jnp.maximum(z, 0.2 * z) - shift0)
                rows = lane + off
                if sep_den:
                    ctrd[b][pl.ds(off, 16)] = w
                else:
                    plsc.store_scatter(buf, [rows, col7], w)
                for j in range(nj):
                    hj = plsc.load_gather(htab_v, [s16, jcols[j]])
                    plsc.store_scatter(buf, [rows, jcols[j]], w * hj)
                return carry

            lax.fori_loop(0, _NG, group_body, 0)

        def fire(p, k, b):
            idx = didxb[p].at[k]
            pltpu.async_copy(ctrs[b], acc_sh.at[idx], sems[b], add=True)
            if sep_den:
                pltpu.async_copy(ctrd[b], den_sh.at[idx], sems[b], add=True)

        def drain(b):
            idx = didxb[0].at[0]
            pltpu.make_async_copy(ctrs[b], acc_sh.at[idx], sems[b]).wait()
            if sep_den:
                pltpu.make_async_copy(ctrd[b], den_sh.at[idx],
                                      sems[b]).wait()

        def sb_pair_body(ss, carry):
            for p in range(2):
                s = 2 * ss + p
                wait_idx(p)

                @pl.when(s < _NSB - 1)
                def _():
                    fire_idx(s + 1, 1 - p)

                for k in range(4):
                    b = k % 2

                    @pl.when(s * 4 + k >= 2)
                    def _():
                        drain(b)

                    compute_chunk(p, k, b)
                    fire(p, k, b)
            return carry

        lax.fori_loop(0, _NSB // 2, sb_pair_body, 0)
        drain(0)
        drain(1)
        pltpu.sync_copy(src_hbm.at[pl.ds(cbase + _NCH - 1, 1)],
                        sidxb[0].at[pl.ds(0, 1)])
        pltpu.sync_copy(dst_hbm.at[pl.ds(cbase + _NCH - 1, 1)],
                        didxb[0].at[pl.ds(0, 1)])
        compute_chunk(0, 0, 0)
        fire(0, 0, 0)
        drain(0)
        plsc.subcore_barrier()
        pltpu.sync_copy(acc_sh.at[pl.ds(sid * _RPS, _RPS)],
                        acc_out.at[cid, pl.ds(sid * _RPS, _RPS)])
        if sep_den:
            pltpu.sync_copy(den_sh.at[pl.ds(sid * _RPS, _RPS)],
                            den_out.at[cid, pl.ds(sid * _RPS, _RPS)])

    return _sc_edges


_sc_edges_l1 = _make_sc_edges(True)
_sc_edges_l2 = _make_sc_edges(False)



def kernel(x, edge_index, W1, a_src1, a_dst1, b1, W2, a_src2, a_dst2, b2):
    zeros_h = jnp.zeros((_NNP, 8), jnp.float32)
    zeros_d = jnp.zeros((_NNP,), jnp.float32)
    htab1, es1, ed1, c1, src3, dst3 = _prep1(
        x, edge_index.astype(jnp.int32), W1,
        a_src1.reshape(1, 8), a_dst1.reshape(1, 8))
    acch1, accd1 = _sc_edges_l1(src3, dst3, htab1, es1, ed1, c1,
                                zeros_h, zeros_d)
    htab2, es2, ed2, c2 = _mid(acch1, accd1, b1.reshape(1, 8), W2,
                               a_src2.reshape(1, 7), a_dst2.reshape(1, 7))
    acch2, = _sc_edges_l2(src3, dst3, htab2, es2, ed2, c2, zeros_h, zeros_d)
    return _final(acch2, b2.reshape(1, 7))

# --- scband reference (transcript-rebuilt; emitter-appended) ---
"""Pipeline reference for scband-net-25864293057294 (READ-ONLY COPY).

The authoritative reference and input builder live on the scoring server;
editing this copy changes nothing except your own understanding.
"""

import jax, jax.numpy as jnp
import numpy as np

N_NODES = 10000
N_EDGES = 320000
D_FEAT = 128
D_HID = 8
N_CLASSES = 7


def setup_inputs(seed: int = 0) -> dict:
    key = jax.random.key(seed)
    ks = jax.random.split(key, 12)
    x = jax.random.normal(ks[0], (N_NODES, D_FEAT), dtype=jnp.float32)
    edge_index = jax.random.randint(ks[1], (2, N_EDGES), 0, N_NODES, dtype=jnp.int64)
    W1 = jax.random.normal(ks[2], (D_FEAT, D_HID), dtype=jnp.float32) * (1.0 / np.sqrt(D_FEAT))
    a_src1 = jax.random.normal(ks[3], (D_HID,), dtype=jnp.float32) * 0.1
    a_dst1 = jax.random.normal(ks[4], (D_HID,), dtype=jnp.float32) * 0.1
    b1 = jnp.zeros((D_HID,), dtype=jnp.float32)
    W2 = jax.random.normal(ks[5], (D_HID, N_CLASSES), dtype=jnp.float32) * (1.0 / np.sqrt(D_HID))
    a_src2 = jax.random.normal(ks[6], (N_CLASSES,), dtype=jnp.float32) * 0.1
    a_dst2 = jax.random.normal(ks[7], (N_CLASSES,), dtype=jnp.float32) * 0.1
    b2 = jnp.zeros((N_CLASSES,), dtype=jnp.float32)
    return {"x": x, "edge_index": edge_index, "W1": W1, "a_src1": a_src1,
            "a_dst1": a_dst1, "b1": b1, "W2": W2, "a_src2": a_src2,
            "a_dst2": a_dst2, "b2": b2}


def _gat_layer(x, W, a_src, a_dst, b, src, dst, num_nodes):
    # h = x @ W   (single head)
    h = x @ W
    e_src = (h * a_src).sum(axis=-1)
    e_dst = (h * a_dst).sum(axis=-1)
    # per-edge attention logits (gather)
    e = jax.nn.leaky_relu(e_src[src] + e_dst[dst], negative_slope=0.2)
    # segment softmax over incoming edges of each dst node
    m = jax.ops.segment_max(e, dst, num_segments=num_nodes)
    m = jax.lax.stop_gradient(m)
    ex = jnp.exp(e - m[dst])
    denom = jax.ops.segment_sum(ex, dst, num_segments=num_nodes)
    alpha = ex / (denom[dst] + 1e-16)
    # weighted message aggregation (gather + scatter-add)
    out = jax.ops.segment_sum(alpha[:, None] * h[src], dst, num_segments=num_nodes)
    return out + b


def reference(x, edge_index, W1, a_src1, a_dst1, b1, W2, a_src2, a_dst2, b2):
    num_nodes = x.shape[0]
    # GATConv default: add self loops
    loops = jnp.arange(num_nodes, dtype=edge_index.dtype)
    src = jnp.concatenate([edge_index[0], loops])
    dst = jnp.concatenate([edge_index[1], loops])
    # eval mode: dropouts are identity
    h = _gat_layer(x, W1, a_src1, a_dst1, b1, src, dst, num_nodes)
    h = jax.nn.relu(h)
    out = _gat_layer(h, W2, a_src2, a_dst2, b2, src, dst, num_nodes)
    return jax.nn.log_softmax(out, axis=1)

if __name__ == "__main__":
    import jax
    _d = setup_inputs()
    print(jax.jit(kernel)(*tuple(_d.values())))

</pallas_src>

<mosaic_0001>
#map = affine_map<(d0, d1) -> (0, 0)>
#map1 = affine_map<(d0, d1) -> (0)>
#map2 = affine_map<(d0, d1) -> (0, 0, 0)>
module attributes {stable_mosaic.version = 14 : i64} {
  func.func @_sc_edges(%arg0: i32, %arg1: i32, %arg2: memref<2592x128xi32, #tpu.memory_space<hbm>>, %arg3: memref<2592x128xi32, #tpu.memory_space<hbm>>, %arg4: memref<10008x8xf32, #tpu.memory_space<hbm>>, %arg5: memref<10008xf32, #tpu.memory_space<hbm>>, %arg6: memref<10008xf32, #tpu.memory_space<hbm>>, %arg7: memref<1x16xf32, #tpu.memory_space<hbm>>, %arg8: memref<10240x8xf32, #tpu.memory_space<hbm>>, %arg9: memref<10240xf32, #tpu.memory_space<hbm>>, %arg10: memref<2x10240x8xf32, #tpu.memory_space<hbm>>, %arg11: memref<10240x8xf32, #tpu.memory_space<vmem_shared>>, %arg12: memref<10008x8xf32, #tpu.memory_space<vmem>>, %arg13: memref<10008xf32, #tpu.memory_space<vmem>>, %arg14: memref<10008xf32, #tpu.memory_space<vmem>>, %arg15: memref<16xf32, #tpu.memory_space<vmem>>, %arg16: memref<4x128xi32, #tpu.memory_space<vmem>>, %arg17: memref<4x128xi32, #tpu.memory_space<vmem>>, %arg18: memref<4x128xi32, #tpu.memory_space<vmem>>, %arg19: memref<4x128xi32, #tpu.memory_space<vmem>>, %arg20: memref<128x8xf32, #tpu.memory_space<vmem>>, %arg21: memref<128x8xf32, #tpu.memory_space<vmem>>, %arg22: memref<!tpu.dma_semaphore, #tpu.memory_space<semaphore_mem>>, %arg23: memref<!tpu.dma_semaphore, #tpu.memory_space<semaphore_mem>>, %arg24: memref<!tpu.dma_semaphore, #tpu.memory_space<semaphore_mem>>, %arg25: memref<!tpu.dma_semaphore, #tpu.memory_space<semaphore_mem>>) attributes {dimension_semantics = [#tpu.dimension_semantics<core_parallel>, #tpu.dimension_semantics<subcore_parallel>], iteration_bounds = array<i64: 2, 16>, scalar_prefetch = 0 : i64, scratch_operands = 15 : i64, tpu.core_type = #tpu.core_type<sc_vector_subcore>, window_params = [{transform_indices = #map}, {transform_indices = #map}, {transform_indices = #map}, {transform_indices = #map1}, {transform_indices = #map1}, {transform_indices = #map}, {transform_indices = #map}, {transform_indices = #map1}, {transform_indices = #map2}]} {
    %mul3A = arith.constant 16 : i32
    %mul3A_0 = arith.muli %arg0, %mul3A : i32
    %add3A = arith.addi %mul3A_0, %arg1 : i32
    "tpu.region"() ({
      %run_scoped3A_84 = tpu.sem_alloc : memref<!tpu.dma_semaphore, #tpu.memory_space<semaphore_mem>>
      tpu.enqueue_dma source(%arg4 : memref<10008x8xf32, #tpu.memory_space<hbm>>) target(%arg12 : memref<10008x8xf32, #tpu.memory_space<vmem>>) target_semaphore(%run_scoped3A_84 : memref<!tpu.dma_semaphore, #tpu.memory_space<semaphore_mem>>)
      tpu.wait_dma2 semaphore(%run_scoped3A_84 : memref<!tpu.dma_semaphore, #tpu.memory_space<semaphore_mem>>) src(%arg4 : memref<10008x8xf32, #tpu.memory_space<hbm>>) dst(%arg12 : memref<10008x8xf32, #tpu.memory_space<vmem>>)
      tpu.yield
    }) : () -> ()
    "tpu.region"() ({
      %run_scoped3A_84 = tpu.sem_alloc : memref<!tpu.dma_semaphore, #tpu.memory_space<semaphore_mem>>
      tpu.enqueue_dma source(%arg5 : memref<10008xf32, #tpu.memory_space<hbm>>) target(%arg13 : memref<10008xf32, #tpu.memory_space<vmem>>) target_semaphore(%run_scoped3A_84 : memref<!tpu.dma_semaphore, #tpu.memory_space<semaphore_mem>>)
      tpu.wait_dma2 semaphore(%run_scoped3A_84 : memref<!tpu.dma_semaphore, #tpu.memory_space<semaphore_mem>>) src(%arg5 : memref<10008xf32, #tpu.memory_space<hbm>>) dst(%arg13 : memref<10008xf32, #tpu.memory_space<vmem>>)
      tpu.yield
    }) : () -> ()
    "tpu.region"() ({
      %run_scoped3A_84 = tpu.sem_alloc : memref<!tpu.dma_semaphore, #tpu.memory_space<semaphore_mem>>
      tpu.enqueue_dma source(%arg6 : memref<10008xf32, #tpu.memory_space<hbm>>) target(%arg14 : memref<10008xf32, #tpu.memory_space<vmem>>) target_semaphore(%run_scoped3A_84 : memref<!tpu.dma_semaphore, #tpu.memory_space<semaphore_mem>>)
      tpu.wait_dma2 semaphore(%run_scoped3A_84 : memref<!tpu.dma_semaphore, #tpu.memory_space<semaphore_mem>>) src(%arg6 : memref<10008xf32, #tpu.memory_space<hbm>>) dst(%arg14 : memref<10008xf32, #tpu.memory_space<vmem>>)
      tpu.yield
    }) : () -> ()
    %run_scoped3A = arith.constant 0 : i32
    "tpu.region"() ({
      %run_scoped3A_84 = tpu.sem_alloc : memref<!tpu.dma_semaphore, #tpu.memory_space<semaphore_mem>>
      %dma_start3A_85 = arith.constant 0 : i32
      %dma_start3A_86 = tpu.memref_slice %arg7[%run_scoped3A, %dma_start3A_85] : memref<1x16xf32, #tpu.memory_space<hbm>> -> memref<1x16xf32, #tpu.memory_space<hbm>>
      %dma_start3A_87 = tpu.memref_squeeze %dma_start3A_86 : memref<1x16xf32, #tpu.memory_space<hbm>> -> memref<16xf32, #tpu.memory_space<hbm>>
      %dma_start3A_88 = arith.constant 0 : i32
      %dma_start3A_89 = tpu.memref_slice %arg7[%run_scoped3A, %dma_start3A_88] : memref<1x16xf32, #tpu.memory_space<hbm>> -> memref<1x16xf32, #tpu.memory_space<hbm>>
      %dma_start3A_90 = tpu.memref_squeeze %dma_start3A_89 : memref<1x16xf32, #tpu.memory_space<hbm>> -> memref<16xf32, #tpu.memory_space<hbm>>
      tpu.enqueue_dma source(%dma_start3A_90 : memref<16xf32, #tpu.memory_space<hbm>>) target(%arg15 : memref<16xf32, #tpu.memory_space<vmem>>) target_semaphore(%run_scoped3A_84 : memref<!tpu.dma_semaphore, #tpu.memory_space<semaphore_mem>>)
      %dma_wait3A_91 = arith.constant 0 : i32
      %dma_wait3A_92 = tpu.memref_slice %arg7[%run_scoped3A, %dma_wait3A_91] : memref<1x16xf32, #tpu.memory_space<hbm>> -> memref<1x16xf32, #tpu.memory_space<hbm>>
      %dma_wait3A_93 = tpu.memref_squeeze %dma_wait3A_92 : memref<1x16xf32, #tpu.memory_space<hbm>> -> memref<16xf32, #tpu.memory_space<hbm>>
      %dma_wait3A_94 = arith.constant 0 : i32
      %dma_wait3A_95 = tpu.memref_slice %arg7[%run_scoped3A, %dma_wait3A_94] : memref<1x16xf32, #tpu.memory_space<hbm>> -> memref<1x16xf32, #tpu.memory_space<hbm>>
      %dma_wait3A_96 = tpu.memref_squeeze %dma_wait3A_95 : memref<1x16xf32, #tpu.memory_space<hbm>> -> memref<16xf32, #tpu.memory_space<hbm>>
      tpu.wait_dma2 semaphore(%run_scoped3A_84 : memref<!tpu.dma_semaphore, #tpu.memory_space<semaphore_mem>>) src(%dma_wait3A_96 : memref<16xf32, #tpu.memory_space<hbm>>) dst(%arg15 : memref<16xf32, #tpu.memory_space<vmem>>)
      tpu.yield
    }) : () -> ()
    %mul3A_1 = arith.constant 640 : i32
    %mul3A_2 = arith.muli %arg1, %mul3A_1 : i32
    %mul3A_3 = arith.constant 640 : i32
    %mul3A_4 = arith.muli %arg1, %mul3A_3 : i32
    "tpu.region"() ({
      %run_scoped3A_84 = tpu.sem_alloc : memref<!tpu.dma_semaphore, #tpu.memory_space<semaphore_mem>>
      %dma_start3A_85 = arith.constant 0 : i32
      %dma_start3A_86 = tpu.memref_slice %arg11[%mul3A_4, %dma_start3A_85] : memref<10240x8xf32, #tpu.memory_space<vmem_shared>> -> memref<640x8xf32, #tpu.memory_space<vmem_shared>>
      %dma_start3A_87 = arith.constant 0 : i32
      %dma_start3A_88 = tpu.memref_slice %arg8[%mul3A_2, %dma_start3A_87] : memref<10240x8xf32, #tpu.memory_space<hbm>> -> memref<640x8xf32, #tpu.memory_space<hbm>>
      tpu.enqueue_dma source(%dma_start3A_88 : memref<640x8xf32, #tpu.memory_space<hbm>>) target(%dma_start3A_86 : memref<640x8xf32, #tpu.memory_space<vmem_shared>>) target_semaphore(%run_scoped3A_84 : memref<!tpu.dma_semaphore, #tpu.memory_space<semaphore_mem>>)
      %dma_wait3A_89 = arith.constant 0 : i32
      %dma_wait3A_90 = tpu.memref_slice %arg11[%mul3A_4, %dma_wait3A_89] : memref<10240x8xf32, #tpu.memory_space<vmem_shared>> -> memref<640x8xf32, #tpu.memory_space<vmem_shared>>
      %dma_wait3A_91 = arith.constant 0 : i32
      %dma_wait3A_92 = tpu.memref_slice %arg8[%mul3A_2, %dma_wait3A_91] : memref<10240x8xf32, #tpu.memory_space<hbm>> -> memref<640x8xf32, #tpu.memory_space<hbm>>
      tpu.wait_dma2 semaphore(%run_scoped3A_84 : memref<!tpu.dma_semaphore, #tpu.memory_space<semaphore_mem>>) src(%dma_wait3A_92 : memref<640x8xf32, #tpu.memory_space<hbm>>) dst(%dma_wait3A_90 : memref<640x8xf32, #tpu.memory_space<vmem_shared>>)
      tpu.yield
    }) : () -> ()
    %mul3A_5 = arith.constant 81 : i32
    %mul3A_6 = arith.muli %add3A, %mul3A_5 : i32
    %add3A_7 = arith.constant 0 : i32
    %add3A_8 = arith.addi %mul3A_6, %add3A_7 : i32
    %dma_start3A = arith.constant 0 : i32
    %dma_start3A_9 = tpu.memref_slice %arg2[%add3A_8, %dma_start3A] : memref<2592x128xi32, #tpu.memory_space<hbm>> -> memref<4x128xi32, #tpu.memory_space<hbm>>
    %dma_start3A_10 = arith.constant 0 : i32
    %dma_start3A_11 = tpu.memref_slice %arg2[%add3A_8, %dma_start3A_10] : memref<2592x128xi32, #tpu.memory_space<hbm>> -> memref<4x128xi32, #tpu.memory_space<hbm>>
    tpu.enqueue_dma source(%dma_start3A_11 : memref<4x128xi32, #tpu.memory_space<hbm>>) target(%arg16 : memref<4x128xi32, #tpu.memory_space<vmem>>) target_semaphore(%arg24 : memref<!tpu.dma_semaphore, #tpu.memory_space<semaphore_mem>>)
    %add3A_12 = arith.constant 0 : i32
    %add3A_13 = arith.addi %mul3A_6, %add3A_12 : i32
    %dma_start3A_14 = arith.constant 0 : i32
    %dma_start3A_15 = tpu.memref_slice %arg3[%add3A_13, %dma_start3A_14] : memref<2592x128xi32, #tpu.memory_space<hbm>> -> memref<4x128xi32, #tpu.memory_space<hbm>>
    %dma_start3A_16 = arith.constant 0 : i32
    %dma_start3A_17 = tpu.memref_slice %arg3[%add3A_13, %dma_start3A_16] : memref<2592x128xi32, #tpu.memory_space<hbm>> -> memref<4x128xi32, #tpu.memory_space<hbm>>
    tpu.enqueue_dma source(%dma_start3A_17 : memref<4x128xi32, #tpu.memory_space<hbm>>) target(%arg18 : memref<4x128xi32, #tpu.memory_space<vmem>>) target_semaphore(%arg24 : memref<!tpu.dma_semaphore, #tpu.memory_space<semaphore_mem>>)
    %barrier3A = arith.constant 0 : index
    tpu.barrier barrier_id(%barrier3A)
    %iota3A = tpu.iota {dimensions = array<i32: 0>} : vector<16xi32>
    %broadcast_in_dim3A = arith.constant 7 : i32
    %broadcast_in_dim3A_18 = vector.broadcast %broadcast_in_dim3A : i32 to vector<16xi32>
    %broadcast_in_dim3A_19 = arith.constant 0 : i32
    %broadcast_in_dim3A_20 = vector.broadcast %broadcast_in_dim3A_19 : i32 to vector<16xi32>
    %broadcast_in_dim3A_21 = arith.constant 1 : i32
    %broadcast_in_dim3A_22 = vector.broadcast %broadcast_in_dim3A_21 : i32 to vector<16xi32>
    %broadcast_in_dim3A_23 = arith.constant 2 : i32
    %broadcast_in_dim3A_24 = vector.broadcast %broadcast_in_dim3A_23 : i32 to vector<16xi32>
    %broadcast_in_dim3A_25 = arith.constant 3 : i32
    %broadcast_in_dim3A_26 = vector.broadcast %broadcast_in_dim3A_25 : i32 to vector<16xi32>
    %broadcast_in_dim3A_27 = arith.constant 4 : i32
    %broadcast_in_dim3A_28 = vector.broadcast %broadcast_in_dim3A_27 : i32 to vector<16xi32>
    %broadcast_in_dim3A_29 = arith.constant 5 : i32
    %broadcast_in_dim3A_30 = vector.broadcast %broadcast_in_dim3A_29 : i32 to vector<16xi32>
    %broadcast_in_dim3A_31 = arith.constant 6 : i32
    %broadcast_in_dim3A_32 = vector.broadcast %broadcast_in_dim3A_31 : i32 to vector<16xi32>
    %get3A = arith.constant 0 : index
    %get3A_33 = tpu.vector_load %arg15[%get3A] {strides = array<i32>} : memref<16xf32, #tpu.memory_space<vmem>>, vector<16xf32>,
    %scan3A = arith.constant 0 : i32
    %scan3A_34 = arith.constant 0 : i32
    %scan3A_35 = arith.constant 10 : i32
    %scan3A_36 = arith.addi %scan3A_34, %scan3A_35 : i32
    %scan3A_37 = arith.constant 1 : i32
    scf.for %scan3A_84 = %scan3A_34 to %scan3A_36 step %scan3A_37  : i32 {
      %mul3A_85 = arith.constant 2 : i32
      %mul3A_86 = arith.muli %mul3A_85, %scan3A_84 : i32
      %add3A_87 = arith.constant 0 : i32
      %add3A_88 = arith.addi %mul3A_86, %add3A_87 : i32
      %dma_wait3A_89 = arith.constant 0 : i32
      %dma_wait3A_90 = arith.constant 0 : i32
      %dma_wait3A_91 = tpu.memref_slice %arg2[%dma_wait3A_89, %dma_wait3A_90] : memref<2592x128xi32, #tpu.memory_space<hbm>> -> memref<4x128xi32, #tpu.memory_space<hbm>>
      %dma_wait3A_92 = arith.constant 0 : i32
      %dma_wait3A_93 = arith.constant 0 : i32
      %dma_wait3A_94 = tpu.memref_slice %arg2[%dma_wait3A_92, %dma_wait3A_93] : memref<2592x128xi32, #tpu.memory_space<hbm>> -> memref<4x128xi32, #tpu.memory_space<hbm>>
      tpu.wait_dma2 semaphore(%arg24 : memref<!tpu.dma_semaphore, #tpu.memory_space<semaphore_mem>>) src(%dma_wait3A_94 : memref<4x128xi32, #tpu.memory_space<hbm>>) dst(%arg16 : memref<4x128xi32, #tpu.memory_space<vmem>>)
      %dma_wait3A_95 = arith.constant 0 : i32
      %dma_wait3A_96 = arith.constant 0 : i32
      %dma_wait3A_97 = tpu.memref_slice %arg3[%dma_wait3A_95, %dma_wait3A_96] : memref<2592x128xi32, #tpu.memory_space<hbm>> -> memref<4x128xi32, #tpu.memory_space<hbm>>
      %dma_wait3A_98 = arith.constant 0 : i32
      %dma_wait3A_99 = arith.constant 0 : i32
      %dma_wait3A_100 = tpu.memref_slice %arg3[%dma_wait3A_98, %dma_wait3A_99] : memref<2592x128xi32, #tpu.memory_space<hbm>> -> memref<4x128xi32, #tpu.memory_space<hbm>>
      tpu.wait_dma2 semaphore(%arg24 : memref<!tpu.dma_semaphore, #tpu.memory_space<semaphore_mem>>) src(%dma_wait3A_100 : memref<4x128xi32, #tpu.memory_space<hbm>>) dst(%arg18 : memref<4x128xi32, #tpu.memory_space<vmem>>)
      %lt3A = arith.constant 19 : i32
      %lt3A_101 = arith.cmpi slt, %add3A_88, %lt3A : i32
      %convert_element_type3A = arith.extui %lt3A_101 : i1 to i32
      %cond3A = arith.constant 0 : i32
      %cond3A_102 = arith.cmpi ne, %convert_element_type3A, %cond3A : i32
      scf.if %cond3A_102 {
        %add3A_299 = arith.constant 1 : i32
        %add3A_300 = arith.addi %add3A_88, %add3A_299 : i32
        %mul3A_301 = arith.constant 4 : i32
        %mul3A_302 = arith.muli %add3A_300, %mul3A_301 : i32
        %add3A_303 = arith.addi %mul3A_6, %mul3A_302 : i32
        %dma_start3A_304 = arith.constant 0 : i32
        %dma_start3A_305 = tpu.memref_slice %arg2[%add3A_303, %dma_start3A_304] : memref<2592x128xi32, #tpu.memory_space<hbm>> -> memref<4x128xi32, #tpu.memory_space<hbm>>
        %dma_start3A_306 = arith.constant 0 : i32
        %dma_start3A_307 = tpu.memref_slice %arg2[%add3A_303, %dma_start3A_306] : memref<2592x128xi32, #tpu.memory_space<hbm>> -> memref<4x128xi32, #tpu.memory_space<hbm>>
        tpu.enqueue_dma source(%dma_start3A_307 : memref<4x128xi32, #tpu.memory_space<hbm>>) target(%arg17 : memref<4x128xi32, #tpu.memory_space<vmem>>) target_semaphore(%arg25 : memref<!tpu.dma_semaphore, #tpu.memory_space<semaphore_mem>>)
        %mul3A_308 = arith.constant 4 : i32
        %mul3A_309 = arith.muli %add3A_300, %mul3A_308 : i32
        %add3A_310 = arith.addi %mul3A_6, %mul3A_309 : i32
        %dma_start3A_311 = arith.constant 0 : i32
        %dma_start3A_312 = tpu.memref_slice %arg3[%add3A_310, %dma_start3A_311] : memref<2592x128xi32, #tpu.memory_space<hbm>> -> memref<4x128xi32, #tpu.memory_space<hbm>>
        %dma_start3A_313 = arith.constant 0 : i32
        %dma_start3A_314 = tpu.memref_slice %arg3[%add3A_310, %dma_start3A_313] : memref<2592x128xi32, #tpu.memory_space<hbm>> -> memref<4x128xi32, #tpu.memory_space<hbm>>
        tpu.enqueue_dma source(%dma_start3A_314 : memref<4x128xi32, #tpu.memory_space<hbm>>) target(%arg19 : memref<4x128xi32, #tpu.memory_space<vmem>>) target_semaphore(%arg25 : memref<!tpu.dma_semaphore, #tpu.memory_space<semaphore_mem>>)
      } else {
      }
      %mul3A_103 = arith.constant 4 : i32
      %mul3A_104 = arith.muli %add3A_88, %mul3A_103 : i32
      %add3A_105 = arith.constant 0 : i32
      %add3A_106 = arith.addi %mul3A_104, %add3A_105 : i32
      %ge3A = arith.constant 2 : i32
      %ge3A_107 = arith.cmpi sge, %add3A_106, %ge3A : i32
      %convert_element_type3A_108 = arith.extui %ge3A_107 : i1 to i32
      %cond3A_109 = arith.constant 0 : i32
      %cond3A_110 = arith.cmpi ne, %convert_element_type3A_108, %cond3A_109 : i32
      scf.if %cond3A_110 {
        %dma_wait3A_299 = arith.constant 0 : i32
        %dma_wait3A_300 = arith.constant 0 : i32
        %dma_wait3A_301 = tpu.memref_slice %arg18[%dma_wait3A_299, %dma_wait3A_300] : memref<4x128xi32, #tpu.memory_space<vmem>> -> memref<1x128xi32, #tpu.memory_space<vmem>>
        %dma_wait3A_302 = tpu.memref_squeeze %dma_wait3A_301 : memref<1x128xi32, #tpu.memory_space<vmem>> -> memref<128xi32, #tpu.memory_space<vmem>>
        %dma_wait3A_303 = arith.constant 0 : i32
        %dma_wait3A_304 = arith.constant 0 : i32
        %dma_wait3A_305 = tpu.memref_slice %arg11[%dma_wait3A_303, %dma_wait3A_304] : memref<10240x8xf32, #tpu.memory_space<vmem_shared>> -> memref<10240x8xf32, #tpu.memory_space<vmem_shared>>
        tpu.wait_indirect_dma semaphore(%arg22 : memref<!tpu.dma_semaphore, #tpu.memory_space<semaphore_mem>>) src(%arg20 : memref<128x8xf32, #tpu.memory_space<vmem>>) dst(%dma_wait3A_305 : memref<10240x8xf32, #tpu.memory_space<vmem_shared>>)
      } else {
      }
      %scan3A_111 = arith.constant 0 : i32
      %scan3A_112 = arith.constant 0 : i32
      %scan3A_113 = arith.constant 8 : i32
      %scan3A_114 = arith.addi %scan3A_112, %scan3A_113 : i32
      %scan3A_115 = arith.constant 1 : i32
      scf.for %scan3A_299 = %scan3A_112 to %scan3A_114 step %scan3A_115  : i32 {
        %mul3A_300 = arith.constant 16 : i32
        %mul3A_301 = arith.muli %scan3A_299, %mul3A_300 : i32
        %get3A_302 = arith.constant 0 : i32
        %get3A_303 = arith.index_cast %get3A_302 : i32 to index
        %get3A_304 = arith.index_cast %mul3A_301 : i32 to index
        %get3A_305 = tpu.vector_load %arg16[%get3A_303, %get3A_304] {strides = array<i32>} : memref<4x128xi32, #tpu.memory_space<vmem>>, vector<16xi32>,
        %get3A_306 = arith.constant 0 : i32
        %get3A_307 = arith.index_cast %get3A_306 : i32 to index
        %get3A_308 = arith.index_cast %mul3A_301 : i32 to index
        %get3A_309 = tpu.vector_load %arg18[%get3A_307, %get3A_308] {strides = array<i32>} : memref<4x128xi32, #tpu.memory_space<vmem>>, vector<16xi32>,
        %gather3A = tpu.vector_load_idx %arg13[%get3A_305] : memref<10008xf32, #tpu.memory_space<vmem>>[vector<16xi32>], vector<16xf32>,
        %gather3A_310 = tpu.vector_load_idx %arg14[%get3A_309] : memref<10008xf32, #tpu.memory_space<vmem>>[vector<16xi32>], vector<16xf32>,
        %add3A_311 = arith.addf %gather3A, %gather3A_310 : vector<16xf32>
        %mul3A_312 = arith.constant 2.000000e-01 : f32
        %mul3A_313 = vector.broadcast %mul3A_312 : f32 to vector<16xf32>
        %mul3A_314 = arith.mulf %mul3A_313, %add3A_311 : vector<16xf32>
        %max3A = arith.maximumf %add3A_311, %mul3A_314 : vector<16xf32>
        %sub3A_315 = arith.subf %max3A, %get3A_33 : vector<16xf32>
        %exp3A = math.exp %sub3A_315 : vector<16xf32>
        %add3A_316 = vector.broadcast %mul3A_301 : i32 to vector<16xi32>
        %add3A_317 = arith.addi %iota3A, %add3A_316 : vector<16xi32>
        tpu.vector_store_idx %arg20[%add3A_317, %broadcast_in_dim3A_18], %exp3A : memref<128x8xf32, #tpu.memory_space<vmem>>[vector<16xi32>, vector<16xi32>], vector<16xf32>,
        %gather3A_318 = tpu.vector_load_idx %arg12[%get3A_305, %broadcast_in_dim3A_20] : memref<10008x8xf32, #tpu.memory_space<vmem>>[vector<16xi32>, vector<16xi32>], vector<16xf32>,
        %mul3A_319 = arith.mulf %exp3A, %gather3A_318 : vector<16xf32>
        tpu.vector_store_idx %arg20[%add3A_317, %broadcast_in_dim3A_20], %mul3A_319 : memref<128x8xf32, #tpu.memory_space<vmem>>[vector<16xi32>, vector<16xi32>], vector<16xf32>,
        %gather3A_320 = tpu.vector_load_idx %arg12[%get3A_305, %broadcast_in_dim3A_22] : memref<10008x8xf32, #tpu.memory_space<vmem>>[vector<16xi32>, vector<16xi32>], vector<16xf32>,
        %mul3A_321 = arith.mulf %exp3A, %gather3A_320 : vector<16xf32>
        tpu.vector_store_idx %arg20[%add3A_317, %broadcast_in_dim3A_22], %mul3A_321 : memref<128x8xf32, #tpu.memory_space<vmem>>[vector<16xi32>, vector<16xi32>], vector<16xf32>,
        %gather3A_322 = tpu.vector_load_idx %arg12[%get3A_305, %broadcast_in_dim3A_24] : memref<10008x8xf32, #tpu.memory_space<vmem>>[vector<16xi32>, vector<16xi32>], vector<16xf32>,
        %mul3A_323 = arith.mulf %exp3A, %gather3A_322 : vector<16xf32>
        tpu.vector_store_idx %arg20[%add3A_317, %broadcast_in_dim3A_24], %mul3A_323 : memref<128x8xf32, #tpu.memory_space<vmem>>[vector<16xi32>, vector<16xi32>], vector<16xf32>,
        %gather3A_324 = tpu.vector_load_idx %arg12[%get3A_305, %broadcast_in_dim3A_26] : memref<10008x8xf32, #tpu.memory_space<vmem>>[vector<16xi32>, vector<16xi32>], vector<16xf32>,
        %mul3A_325 = arith.mulf %exp3A, %gather3A_324 : vector<16xf32>
        tpu.vector_store_idx %arg20[%add3A_317, %broadcast_in_dim3A_26], %mul3A_325 : memref<128x8xf32, #tpu.memory_space<vmem>>[vector<16xi32>, vector<16xi32>], vector<16xf32>,
        %gather3A_326 = tpu.vector_load_idx %arg12[%get3A_305, %broadcast_in_dim3A_28] : memref<10008x8xf32, #tpu.memory_space<vmem>>[vector<16xi32>, vector<16xi32>], vector<16xf32>,
        %mul3A_327 = arith.mulf %exp3A, %gather3A_326 : vector<16xf32>
        tpu.vector_store_idx %arg20[%add3A_317, %broadcast_in_dim3A_28], %mul3A_327 : memref<128x8xf32, #tpu.memory_space<vmem>>[vector<16xi32>, vector<16xi32>], vector<16xf32>,
        %gather3A_328 = tpu.vector_load_idx %arg12[%get3A_305, %broadcast_in_dim3A_30] : memref<10008x8xf32, #tpu.memory_space<vmem>>[vector<16xi32>, vector<16xi32>], vector<16xf32>,
        %mul3A_329 = arith.mulf %exp3A, %gather3A_328 : vector<16xf32>
        tpu.vector_store_idx %arg20[%add3A_317, %broadcast_in_dim3A_30], %mul3A_329 : memref<128x8xf32, #tpu.memory_space<vmem>>[vector<16xi32>, vector<16xi32>], vector<16xf32>,
        %gather3A_330 = tpu.vector_load_idx %arg12[%get3A_305, %broadcast_in_dim3A_32] : memref<10008x8xf32, #tpu.memory_space<vmem>>[vector<16xi32>, vector<16xi32>], vector<16xf32>,
        %mul3A_331 = arith.mulf %exp3A, %gather3A_330 : vector<16xf32>
        tpu.vector_store_idx %arg20[%add3A_317, %broadcast_in_dim3A_32], %mul3A_331 : memref<128x8xf32, #tpu.memory_space<vmem>>[vector<16xi32>, vector<16xi32>], vector<16xf32>,
      }
      %scan3A_116 = arith.constant 8 : i32
      %dma_start3A_117 = arith.constant 0 : i32
      %dma_start3A_118 = arith.constant 0 : i32
      %dma_start3A_119 = tpu.memref_slice %arg18[%dma_start3A_117, %dma_start3A_118] : memref<4x128xi32, #tpu.memory_space<vmem>> -> memref<1x128xi32, #tpu.memory_space<vmem>>
      %dma_start3A_120 = tpu.memref_squeeze %dma_start3A_119 : memref<1x128xi32, #tpu.memory_space<vmem>> -> memref<128xi32, #tpu.memory_space<vmem>>
      %dma_start3A_121 = arith.constant 0 : i32
      %dma_start3A_122 = arith.constant 0 : i32
      %dma_start3A_123 = tpu.memref_slice %arg11[%dma_start3A_121, %dma_start3A_122] : memref<10240x8xf32, #tpu.memory_space<vmem_shared>> -> memref<10240x8xf32, #tpu.memory_space<vmem_shared>>
      tpu.enqueue_indirect_dma source(%arg20 : memref<128x8xf32, #tpu.memory_space<vmem>>) target(%dma_start3A_123 : memref<10240x8xf32, #tpu.memory_space<vmem_shared>>) offsets(%dma_start3A_120 : memref<128xi32, #tpu.memory_space<vmem>>) semaphore(%arg22 : memref<!tpu.dma_semaphore, #tpu.memory_space<semaphore_mem>>) {add = true}
      %mul3A_124 = arith.constant 4 : i32
      %mul3A_125 = arith.muli %add3A_88, %mul3A_124 : i32
      %add3A_126 = arith.constant 1 : i32
      %add3A_127 = arith.addi %mul3A_125, %add3A_126 : i32
      %ge3A_128 = arith.constant 2 : i32
      %ge3A_129 = arith.cmpi sge, %add3A_127, %ge3A_128 : i32
      %convert_element_type3A_130 = arith.extui %ge3A_129 : i1 to i32
      %cond3A_131 = arith.constant 0 : i32
      %cond3A_132 = arith.cmpi ne, %convert_element_type3A_130, %cond3A_131 : i32
      scf.if %cond3A_132 {
        %dma_wait3A_299 = arith.constant 0 : i32
        %dma_wait3A_300 = arith.constant 0 : i32
        %dma_wait3A_301 = tpu.memref_slice %arg18[%dma_wait3A_299, %dma_wait3A_300] : memref<4x128xi32, #tpu.memory_space<vmem>> -> memref<1x128xi32, #tpu.memory_space<vmem>>
        %dma_wait3A_302 = tpu.memref_squeeze %dma_wait3A_301 : memref<1x128xi32, #tpu.memory_space<vmem>> -> memref<128xi32, #tpu.memory_space<vmem>>
        %dma_wait3A_303 = arith.constant 0 : i32
        %dma_wait3A_304 = arith.constant 0 : i32
        %dma_wait3A_305 = tpu.memref_slice %arg11[%dma_wait3A_303, %dma_wait3A_304] : memref<10240x8xf32, #tpu.memory_space<vmem_shared>> -> memref<10240x8xf32, #tpu.memory_space<vmem_shared>>
        tpu.wait_indirect_dma semaphore(%arg23 : memref<!tpu.dma_semaphore, #tpu.memory_space<semaphore_mem>>) src(%arg21 : memref<128x8xf32, #tpu.memory_space<vmem>>) dst(%dma_wait3A_305 : memref<10240x8xf32, #tpu.memory_space<vmem_shared>>)
      } else {
      }
      %scan3A_133 = arith.constant 0 : i32
      %scan3A_134 = arith.constant 0 : i32
      %scan3A_135 = arith.constant 8 : i32
      %scan3A_136 = arith.addi %scan3A_134, %scan3A_135 : i32
      %scan3A_137 = arith.constant 1 : i32
      scf.for %scan3A_299 = %scan3A_134 to %scan3A_136 step %scan3A_137  : i32 {
        %mul3A_300 = arith.constant 16 : i32
        %mul3A_301 = arith.muli %scan3A_299, %mul3A_300 : i32
        %get3A_302 = arith.constant 1 : i32
        %get3A_303 = arith.index_cast %get3A_302 : i32 to index
        %get3A_304 = arith.index_cast %mul3A_301 : i32 to index
        %get3A_305 = tpu.vector_load %arg16[%get3A_303, %get3A_304] {strides = array<i32>} : memref<4x128xi32, #tpu.memory_space<vmem>>, vector<16xi32>,
        %get3A_306 = arith.constant 1 : i32
        %get3A_307 = arith.index_cast %get3A_306 : i32 to index
        %get3A_308 = arith.index_cast %mul3A_301 : i32 to index
        %get3A_309 = tpu.vector_load %arg18[%get3A_307, %get3A_308] {strides = array<i32>} : memref<4x128xi32, #tpu.memory_space<vmem>>, vector<16xi32>,
        %gather3A = tpu.vector_load_idx %arg13[%get3A_305] : memref<10008xf32, #tpu.memory_space<vmem>>[vector<16xi32>], vector<16xf32>,
        %gather3A_310 = tpu.vector_load_idx %arg14[%get3A_309] : memref<10008xf32, #tpu.memory_space<vmem>>[vector<16xi32>], vector<16xf32>,
        %add3A_311 = arith.addf %gather3A, %gather3A_310 : vector<16xf32>
        %mul3A_312 = arith.constant 2.000000e-01 : f32
        %mul3A_313 = vector.broadcast %mul3A_312 : f32 to vector<16xf32>
        %mul3A_314 = arith.mulf %mul3A_313, %add3A_311 : vector<16xf32>
        %max3A = arith.maximumf %add3A_311, %mul3A_314 : vector<16xf32>
        %sub3A_315 = arith.subf %max3A, %get3A_33 : vector<16xf32>
        %exp3A = math.exp %sub3A_315 : vector<16xf32>
        %add3A_316 = vector.broadcast %mul3A_301 : i32 to vector<16xi32>
        %add3A_317 = arith.addi %iota3A, %add3A_316 : vector<16xi32>
        tpu.vector_store_idx %arg21[%add3A_317, %broadcast_in_dim3A_18], %exp3A : memref<128x8xf32, #tpu.memory_space<vmem>>[vector<16xi32>, vector<16xi32>], vector<16xf32>,
        %gather3A_318 = tpu.vector_load_idx %arg12[%get3A_305, %broadcast_in_dim3A_20] : memref<10008x8xf32, #tpu.memory_space<vmem>>[vector<16xi32>, vector<16xi32>], vector<16xf32>,
        %mul3A_319 = arith.mulf %exp3A, %gather3A_318 : vector<16xf32>
        tpu.vector_store_idx %arg21[%add3A_317, %broadcast_in_dim3A_20], %mul3A_319 : memref<128x8xf32, #tpu.memory_space<vmem>>[vector<16xi32>, vector<16xi32>], vector<16xf32>,
        %gather3A_320 = tpu.vector_load_idx %arg12[%get3A_305, %broadcast_in_dim3A_22] : memref<10008x8xf32, #tpu.memory_space<vmem>>[vector<16xi32>, vector<16xi32>], vector<16xf32>,
        %mul3A_321 = arith.mulf %exp3A, %gather3A_320 : vector<16xf32>
        tpu.vector_store_idx %arg21[%add3A_317, %broadcast_in_dim3A_22], %mul3A_321 : memref<128x8xf32, #tpu.memory_space<vmem>>[vector<16xi32>, vector<16xi32>], vector<16xf32>,
        %gather3A_322 = tpu.vector_load_idx %arg12[%get3A_305, %broadcast_in_dim3A_24] : memref<10008x8xf32, #tpu.memory_space<vmem>>[vector<16xi32>, vector<16xi32>], vector<16xf32>,
        %mul3A_323 = arith.mulf %exp3A, %gather3A_322 : vector<16xf32>
        tpu.vector_store_idx %arg21[%add3A_317, %broadcast_in_dim3A_24], %mul3A_323 : memref<128x8xf32, #tpu.memory_space<vmem>>[vector<16xi32>, vector<16xi32>], vector<16xf32>,
        %gather3A_324 = tpu.vector_load_idx %arg12[%get3A_305, %broadcast_in_dim3A_26] : memref<10008x8xf32, #tpu.memory_space<vmem>>[vector<16xi32>, vector<16xi32>], vector<16xf32>,
        %mul3A_325 = arith.mulf %exp3A, %gather3A_324 : vector<16xf32>
        tpu.vector_store_idx %arg21[%add3A_317, %broadcast_in_dim3A_26], %mul3A_325 : memref<128x8xf32, #tpu.memory_space<vmem>>[vector<16xi32>, vector<16xi32>], vector<16xf32>,
        %gather3A_326 = tpu.vector_load_idx %arg12[%get3A_305, %broadcast_in_dim3A_28] : memref<10008x8xf32, #tpu.memory_space<vmem>>[vector<16xi32>, vector<16xi32>], vector<16xf32>,
        %mul3A_327 = arith.mulf %exp3A, %gather3A_326 : vector<16xf32>
        tpu.vector_store_idx %arg21[%add3A_317, %broadcast_in_dim3A_28], %mul3A_327 : memref<128x8xf32, #tpu.memory_space<vmem>>[vector<16xi32>, vector<16xi32>], vector<16xf32>,
        %gather3A_328 = tpu.vector_load_idx %arg12[%get3A_305, %broadcast_in_dim3A_30] : memref<10008x8xf32, #tpu.memory_space<vmem>>[vector<16xi32>, vector<16xi32>], vector<16xf32>,
        %mul3A_329 = arith.mulf %exp3A, %gather3A_328 : vector<16xf32>
        tpu.vector_store_idx %arg21[%add3A_317, %broadcast_in_dim3A_30], %mul3A_329 : memref<128x8xf32, #tpu.memory_space<vmem>>[vector<16xi32>, vector<16xi32>], vector<16xf32>,
        %gather3A_330 = tpu.vector_load_idx %arg12[%get3A_305, %broadcast_in_dim3A_32] : memref<10008x8xf32, #tpu.memory_space<vmem>>[vector<16xi32>, vector<16xi32>], vector<16xf32>,
        %mul3A_331 = arith.mulf %exp3A, %gather3A_330 : vector<16xf32>
        tpu.vector_store_idx %arg21[%add3A_317, %broadcast_in_dim3A_32], %mul3A_331 : memref<128x8xf32, #tpu.memory_space<vmem>>[vector<16xi32>, vector<16xi32>], vector<16xf32>,
      }
      %scan3A_138 = arith.constant 8 : i32
      %dma_start3A_139 = arith.constant 1 : i32
      %dma_start3A_140 = arith.constant 0 : i32
      %dma_start3A_141 = tpu.memref_slice %arg18[%dma_start3A_139, %dma_start3A_140] : memref<4x128xi32, #tpu.memory_space<vmem>> -> memref<1x128xi32, #tpu.memory_space<vmem>>
      %dma_start3A_142 = tpu.memref_squeeze %dma_start3A_141 : memref<1x128xi32, #tpu.memory_space<vmem>> -> memref<128xi32, #tpu.memory_space<vmem>>
      %dma_start3A_143 = arith.constant 0 : i32
      %dma_start3A_144 = arith.constant 0 : i32
      %dma_start3A_145 = tpu.memref_slice %arg11[%dma_start3A_143, %dma_start3A_144] : memref<10240x8xf32, #tpu.memory_space<vmem_shared>> -> memref<10240x8xf32, #tpu.memory_space<vmem_shared>>
      tpu.enqueue_indirect_dma source(%arg21 : memref<128x8xf32, #tpu.memory_space<vmem>>) target(%dma_start3A_145 : memref<10240x8xf32, #tpu.memory_space<vmem_shared>>) offsets(%dma_start3A_142 : memref<128xi32, #tpu.memory_space<vmem>>) semaphore(%arg23 : memref<!tpu.dma_semaphore, #tpu.memory_space<semaphore_mem>>) {add = true}
      %mul3A_146 = arith.constant 4 : i32
      %mul3A_147 = arith.muli %add3A_88, %mul3A_146 : i32
      %add3A_148 = arith.constant 2 : i32
      %add3A_149 = arith.addi %mul3A_147, %add3A_148 : i32
      %ge3A_150 = arith.constant 2 : i32
      %ge3A_151 = arith.cmpi sge, %add3A_149, %ge3A_150 : i32
      %convert_element_type3A_152 = arith.extui %ge3A_151 : i1 to i32
      %cond3A_153 = arith.constant 0 : i32
      %cond3A_154 = arith.cmpi ne, %convert_element_type3A_152, %cond3A_153 : i32
      scf.if %cond3A_154 {
        %dma_wait3A_299 = arith.constant 0 : i32
        %dma_wait3A_300 = arith.constant 0 : i32
        %dma_wait3A_301 = tpu.memref_slice %arg18[%dma_wait3A_299, %dma_wait3A_300] : memref<4x128xi32, #tpu.memory_space<vmem>> -> memref<1x128xi32, #tpu.memory_space<vmem>>
        %dma_wait3A_302 = tpu.memref_squeeze %dma_wait3A_301 : memref<1x128xi32, #tpu.memory_space<vmem>> -> memref<128xi32, #tpu.memory_space<vmem>>
        %dma_wait3A_303 = arith.constant 0 : i32
        %dma_wait3A_304 = arith.constant 0 : i32
        %dma_wait3A_305 = tpu.memref_slice %arg11[%dma_wait3A_303, %dma_wait3A_304] : memref<10240x8xf32, #tpu.memory_space<vmem_shared>> -> memref<10240x8xf32, #tpu.memory_space<vmem_shared>>
        tpu.wait_indirect_dma semaphore(%arg22 : memref<!tpu.dma_semaphore, #tpu.memory_space<semaphore_mem>>) src(%arg20 : memref<128x8xf32, #tpu.memory_space<vmem>>) dst(%dma_wait3A_305 : memref<10240x8xf32, #tpu.memory_space<vmem_shared>>)
      } else {
      }
      %scan3A_155 = arith.constant 0 : i32
      %scan3A_156 = arith.constant 0 : i32
      %scan3A_157 = arith.constant 8 : i32
      %scan3A_158 = arith.addi %scan3A_156, %scan3A_157 : i32
      %scan3A_159 = arith.constant 1 : i32
      scf.for %scan3A_299 = %scan3A_156 to %scan3A_158 step %scan3A_159  : i32 {
        %mul3A_300 = arith.constant 16 : i32
        %mul3A_301 = arith.muli %scan3A_299, %mul3A_300 : i32
        %get3A_302 = arith.constant 2 : i32
        %get3A_303 = arith.index_cast %get3A_302 : i32 to index
        %get3A_304 = arith.index_cast %mul3A_301 : i32 to index
        %get3A_305 = tpu.vector_load %arg16[%get3A_303, %get3A_304] {strides = array<i32>} : memref<4x128xi32, #tpu.memory_space<vmem>>, vector<16xi32>,
        %get3A_306 = arith.constant 2 : i32
        %get3A_307 = arith.index_cast %get3A_306 : i32 to index
        %get3A_308 = arith.index_cast %mul3A_301 : i32 to index
        %get3A_309 = tpu.vector_load %arg18[%get3A_307, %get3A_308] {strides = array<i32>} : memref<4x128xi32, #tpu.memory_space<vmem>>, vector<16xi32>,
        %gather3A = tpu.vector_load_idx %arg13[%get3A_305] : memref<10008xf32, #tpu.memory_space<vmem>>[vector<16xi32>], vector<16xf32>,
        %gather3A_310 = tpu.vector_load_idx %arg14[%get3A_309] : memref<10008xf32, #tpu.memory_space<vmem>>[vector<16xi32>], vector<16xf32>,
        %add3A_311 = arith.addf %gather3A, %gather3A_310 : vector<16xf32>
        %mul3A_312 = arith.constant 2.000000e-01 : f32
        %mul3A_313 = vector.broadcast %mul3A_312 : f32 to vector<16xf32>
        %mul3A_314 = arith.mulf %mul3A_313, %add3A_311 : vector<16xf32>
        %max3A = arith.maximumf %add3A_311, %mul3A_314 : vector<16xf32>
        %sub3A_315 = arith.subf %max3A, %get3A_33 : vector<16xf32>
        %exp3A = math.exp %sub3A_315 : vector<16xf32>
        %add3A_316 = vector.broadcast %mul3A_301 : i32 to vector<16xi32>
        %add3A_317 = arith.addi %iota3A, %add3A_316 : vector<16xi32>
        tpu.vector_store_idx %arg20[%add3A_317, %broadcast_in_dim3A_18], %exp3A : memref<128x8xf32, #tpu.memory_space<vmem>>[vector<16xi32>, vector<16xi32>], vector<16xf32>,
        %gather3A_318 = tpu.vector_load_idx %arg12[%get3A_305, %broadcast_in_dim3A_20] : memref<10008x8xf32, #tpu.memory_space<vmem>>[vector<16xi32>, vector<16xi32>], vector<16xf32>,
        %mul3A_319 = arith.mulf %exp3A, %gather3A_318 : vector<16xf32>
        tpu.vector_store_idx %arg20[%add3A_317, %broadcast_in_dim3A_20], %mul3A_319 : memref<128x8xf32, #tpu.memory_space<vmem>>[vector<16xi32>, vector<16xi32>], vector<16xf32>,
        %gather3A_320 = tpu.vector_load_idx %arg12[%get3A_305, %broadcast_in_dim3A_22] : memref<10008x8xf32, #tpu.memory_space<vmem>>[vector<16xi32>, vector<16xi32>], vector<16xf32>,
        %mul3A_321 = arith.mulf %exp3A, %gather3A_320 : vector<16xf32>
        tpu.vector_store_idx %arg20[%add3A_317, %broadcast_in_dim3A_22], %mul3A_321 : memref<128x8xf32, #tpu.memory_space<vmem>>[vector<16xi32>, vector<16xi32>], vector<16xf32>,
        %gather3A_322 = tpu.vector_load_idx %arg12[%get3A_305, %broadcast_in_dim3A_24] : memref<10008x8xf32, #tpu.memory_space<vmem>>[vector<16xi32>, vector<16xi32>], vector<16xf32>,
        %mul3A_323 = arith.mulf %exp3A, %gather3A_322 : vector<16xf32>
        tpu.vector_store_idx %arg20[%add3A_317, %broadcast_in_dim3A_24], %mul3A_323 : memref<128x8xf32, #tpu.memory_space<vmem>>[vector<16xi32>, vector<16xi32>], vector<16xf32>,
        %gather3A_324 = tpu.vector_load_idx %arg12[%get3A_305, %broadcast_in_dim3A_26] : memref<10008x8xf32, #tpu.memory_space<vmem>>[vector<16xi32>, vector<16xi32>], vector<16xf32>,
        %mul3A_325 = arith.mulf %exp3A, %gather3A_324 : vector<16xf32>
        tpu.vector_store_idx %arg20[%add3A_317, %broadcast_in_dim3A_26], %mul3A_325 : memref<128x8xf32, #tpu.memory_space<vmem>>[vector<16xi32>, vector<16xi32>], vector<16xf32>,
        %gather3A_326 = tpu.vector_load_idx %arg12[%get3A_305, %broadcast_in_dim3A_28] : memref<10008x8xf32, #tpu.memory_space<vmem>>[vector<16xi32>, vector<16xi32>], vector<16xf32>,
        %mul3A_327 = arith.mulf %exp3A, %gather3A_326 : vector<16xf32>
        tpu.vector_store_idx %arg20[%add3A_317, %broadcast_in_dim3A_28], %mul3A_327 : memref<128x8xf32, #tpu.memory_space<vmem>>[vector<16xi32>, vector<16xi32>], vector<16xf32>,
        %gather3A_328 = tpu.vector_load_idx %arg12[%get3A_305, %broadcast_in_dim3A_30] : memref<10008x8xf32, #tpu.memory_space<vmem>>[vector<16xi32>, vector<16xi32>], vector<16xf32>,
        %mul3A_329 = arith.mulf %exp3A, %gather3A_328 : vector<16xf32>
        tpu.vector_store_idx %arg20[%add3A_317, %broadcast_in_dim3A_30], %mul3A_329 : memref<128x8xf32, #tpu.memory_space<vmem>>[vector<16xi32>, vector<16xi32>], vector<16xf32>,
        %gather3A_330 = tpu.vector_load_idx %arg12[%get3A_305, %broadcast_in_dim3A_32] : memref<10008x8xf32, #tpu.memory_space<vmem>>[vector<16xi32>, vector<16xi32>], vector<16xf32>,
        %mul3A_331 = arith.mulf %exp3A, %gather3A_330 : vector<16xf32>
        tpu.vector_store_idx %arg20[%add3A_317, %broadcast_in_dim3A_32], %mul3A_331 : memref<128x8xf32, #tpu.memory_space<vmem>>[vector<16xi32>, vector<16xi32>], vector<16xf32>,
      }
      %scan3A_160 = arith.constant 8 : i32
      %dma_start3A_161 = arith.constant 2 : i32
      %dma_start3A_162 = arith.constant 0 : i32
      %dma_start3A_163 = tpu.memref_slice %arg18[%dma_start3A_161, %dma_start3A_162] : memref<4x128xi32, #tpu.memory_space<vmem>> -> memref<1x128xi32, #tpu.memory_space<vmem>>
      %dma_start3A_164 = tpu.memref_squeeze %dma_start3A_163 : memref<1x128xi32, #tpu.memory_space<vmem>> -> memref<128xi32, #tpu.memory_space<vmem>>
      %dma_start3A_165 = arith.constant 0 : i32
      %dma_start3A_166 = arith.constant 0 : i32
      %dma_start3A_167 = tpu.memref_slice %arg11[%dma_start3A_165, %dma_start3A_166] : memref<10240x8xf32, #tpu.memory_space<vmem_shared>> -> memref<10240x8xf32, #tpu.memory_space<vmem_shared>>
      tpu.enqueue_indirect_dma source(%arg20 : memref<128x8xf32, #tpu.memory_space<vmem>>) target(%dma_start3A_167 : memref<10240x8xf32, #tpu.memory_space<vmem_shared>>) offsets(%dma_start3A_164 : memref<128xi32, #tpu.memory_space<vmem>>) semaphore(%arg22 : memref<!tpu.dma_semaphore, #tpu.memory_space<semaphore_mem>>) {add = true}
      %mul3A_168 = arith.constant 4 : i32
      %mul3A_169 = arith.muli %add3A_88, %mul3A_168 : i32
      %add3A_170 = arith.constant 3 : i32
      %add3A_171 = arith.addi %mul3A_169, %add3A_170 : i32
      %ge3A_172 = arith.constant 2 : i32
      %ge3A_173 = arith.cmpi sge, %add3A_171, %ge3A_172 : i32
      %convert_element_type3A_174 = arith.extui %ge3A_173 : i1 to i32
      %cond3A_175 = arith.constant 0 : i32
      %cond3A_176 = arith.cmpi ne, %convert_element_type3A_174, %cond3A_175 : i32
      scf.if %cond3A_176 {
        %dma_wait3A_299 = arith.constant 0 : i32
        %dma_wait3A_300 = arith.constant 0 : i32
        %dma_wait3A_301 = tpu.memref_slice %arg18[%dma_wait3A_299, %dma_wait3A_300] : memref<4x128xi32, #tpu.memory_space<vmem>> -> memref<1x128xi32, #tpu.memory_space<vmem>>
        %dma_wait3A_302 = tpu.memref_squeeze %dma_wait3A_301 : memref<1x128xi32, #tpu.memory_space<vmem>> -> memref<128xi32, #tpu.memory_space<vmem>>
        %dma_wait3A_303 = arith.constant 0 : i32
        %dma_wait3A_304 = arith.constant 0 : i32
        %dma_wait3A_305 = tpu.memref_slice %arg11[%dma_wait3A_303, %dma_wait3A_304] : memref<10240x8xf32, #tpu.memory_space<vmem_shared>> -> memref<10240x8xf32, #tpu.memory_space<vmem_shared>>
        tpu.wait_indirect_dma semaphore(%arg23 : memref<!tpu.dma_semaphore, #tpu.memory_space<semaphore_mem>>) src(%arg21 : memref<128x8xf32, #tpu.memory_space<vmem>>) dst(%dma_wait3A_305 : memref<10240x8xf32, #tpu.memory_space<vmem_shared>>)
      } else {
      }
      %scan3A_177 = arith.constant 0 : i32
      %scan3A_178 = arith.constant 0 : i32
      %scan3A_179 = arith.constant 8 : i32
      %scan3A_180 = arith.addi %scan3A_178, %scan3A_179 : i32
      %scan3A_181 = arith.constant 1 : i32
      scf.for %scan3A_299 = %scan3A_178 to %scan3A_180 step %scan3A_181  : i32 {
        %mul3A_300 = arith.constant 16 : i32
        %mul3A_301 = arith.muli %scan3A_299, %mul3A_300 : i32
        %get3A_302 = arith.constant 3 : i32
        %get3A_303 = arith.index_cast %get3A_302 : i32 to index
        %get3A_304 = arith.index_cast %mul3A_301 : i32 to index
        %get3A_305 = tpu.vector_load %arg16[%get3A_303, %get3A_304] {strides = array<i32>} : memref<4x128xi32, #tpu.memory_space<vmem>>, vector<16xi32>,
        %get3A_306 = arith.constant 3 : i32
        %get3A_307 = arith.index_cast %get3A_306 : i32 to index
        %get3A_308 = arith.index_cast %mul3A_301 : i32 to index
        %get3A_309 = tpu.vector_load %arg18[%get3A_307, %get3A_308] {strides = array<i32>} : memref<4x128xi32, #tpu.memory_space<vmem>>, vector<16xi32>,
        %gather3A = tpu.vector_load_idx %arg13[%get3A_305] : memref<10008xf32, #tpu.memory_space<vmem>>[vector<16xi32>], vector<16xf32>,
        %gather3A_310 = tpu.vector_load_idx %arg14[%get3A_309] : memref<10008xf32, #tpu.memory_space<vmem>>[vector<16xi32>], vector<16xf32>,
        %add3A_311 = arith.addf %gather3A, %gather3A_310 : vector<16xf32>
        %mul3A_312 = arith.constant 2.000000e-01 : f32
        %mul3A_313 = vector.broadcast %mul3A_312 : f32 to vector<16xf32>
        %mul3A_314 = arith.mulf %mul3A_313, %add3A_311 : vector<16xf32>
        %max3A = arith.maximumf %add3A_311, %mul3A_314 : vector<16xf32>
        %sub3A_315 = arith.subf %max3A, %get3A_33 : vector<16xf32>
        %exp3A = math.exp %sub3A_315 : vector<16xf32>
        %add3A_316 = vector.broadcast %mul3A_301 : i32 to vector<16xi32>
        %add3A_317 = arith.addi %iota3A, %add3A_316 : vector<16xi32>
        tpu.vector_store_idx %arg21[%add3A_317, %broadcast_in_dim3A_18], %exp3A : memref<128x8xf32, #tpu.memory_space<vmem>>[vector<16xi32>, vector<16xi32>], vector<16xf32>,
        %gather3A_318 = tpu.vector_load_idx %arg12[%get3A_305, %broadcast_in_dim3A_20] : memref<10008x8xf32, #tpu.memory_space<vmem>>[vector<16xi32>, vector<16xi32>], vector<16xf32>,
        %mul3A_319 = arith.mulf %exp3A, %gather3A_318 : vector<16xf32>
        tpu.vector_store_idx %arg21[%add3A_317, %broadcast_in_dim3A_20], %mul3A_319 : memref<128x8xf32, #tpu.memory_space<vmem>>[vector<16xi32>, vector<16xi32>], vector<16xf32>,
        %gather3A_320 = tpu.vector_load_idx %arg12[%get3A_305, %broadcast_in_dim3A_22] : memref<10008x8xf32, #tpu.memory_space<vmem>>[vector<16xi32>, vector<16xi32>], vector<16xf32>,
        %mul3A_321 = arith.mulf %exp3A, %gather3A_320 : vector<16xf32>
        tpu.vector_store_idx %arg21[%add3A_317, %broadcast_in_dim3A_22], %mul3A_321 : memref<128x8xf32, #tpu.memory_space<vmem>>[vector<16xi32>, vector<16xi32>], vector<16xf32>,
        %gather3A_322 = tpu.vector_load_idx %arg12[%get3A_305, %broadcast_in_dim3A_24] : memref<10008x8xf32, #tpu.memory_space<vmem>>[vector<16xi32>, vector<16xi32>], vector<16xf32>,
        %mul3A_323 = arith.mulf %exp3A, %gather3A_322 : vector<16xf32>
        tpu.vector_store_idx %arg21[%add3A_317, %broadcast_in_dim3A_24], %mul3A_323 : memref<128x8xf32, #tpu.memory_space<vmem>>[vector<16xi32>, vector<16xi32>], vector<16xf32>,
        %gather3A_324 = tpu.vector_load_idx %arg12[%get3A_305, %broadcast_in_dim3A_26] : memref<10008x8xf32, #tpu.memory_space<vmem>>[vector<16xi32>, vector<16xi32>], vector<16xf32>,
        %mul3A_325 = arith.mulf %exp3A, %gather3A_324 : vector<16xf32>
        tpu.vector_store_idx %arg21[%add3A_317, %broadcast_in_dim3A_26], %mul3A_325 : memref<128x8xf32, #tpu.memory_space<vmem>>[vector<16xi32>, vector<16xi32>], vector<16xf32>,
        %gather3A_326 = tpu.vector_load_idx %arg12[%get3A_305, %broadcast_in_dim3A_28] : memref<10008x8xf32, #tpu.memory_space<vmem>>[vector<16xi32>, vector<16xi32>], vector<16xf32>,
        %mul3A_327 = arith.mulf %exp3A, %gather3A_326 : vector<16xf32>
        tpu.vector_store_idx %arg21[%add3A_317, %broadcast_in_dim3A_28], %mul3A_327 : memref<128x8xf32, #tpu.memory_space<vmem>>[vector<16xi32>, vector<16xi32>], vector<16xf32>,
        %gather3A_328 = tpu.vector_load_idx %arg12[%get3A_305, %broadcast_in_dim3A_30] : memref<10008x8xf32, #tpu.memory_space<vmem>>[vector<16xi32>, vector<16xi32>], vector<16xf32>,
        %mul3A_329 = arith.mulf %exp3A, %gather3A_328 : vector<16xf32>
        tpu.vector_store_idx %arg21[%add3A_317, %broadcast_in_dim3A_30], %mul3A_329 : memref<128x8xf32, #tpu.memory_space<vmem>>[vector<16xi32>, vector<16xi32>], vector<16xf32>,
        %gather3A_330 = tpu.vector_load_idx %arg12[%get3A_305, %broadcast_in_dim3A_32] : memref<10008x8xf32, #tpu.memory_space<vmem>>[vector<16xi32>, vector<16xi32>], vector<16xf32>,
        %mul3A_331 = arith.mulf %exp3A, %gather3A_330 : vector<16xf32>
        tpu.vector_store_idx %arg21[%add3A_317, %broadcast_in_dim3A_32], %mul3A_331 : memref<128x8xf32, #tpu.memory_space<vmem>>[vector<16xi32>, vector<16xi32>], vector<16xf32>,
      }
      %scan3A_182 = arith.constant 8 : i32
      %dma_start3A_183 = arith.constant 3 : i32
      %dma_start3A_184 = arith.constant 0 : i32
      %dma_start3A_185 = tpu.memref_slice %arg18[%dma_start3A_183, %dma_start3A_184] : memref<4x128xi32, #tpu.memory_space<vmem>> -> memref<1x128xi32, #tpu.memory_space<vmem>>
      %dma_start3A_186 = tpu.memref_squeeze %dma_start3A_185 : memref<1x128xi32, #tpu.memory_space<vmem>> -> memref<128xi32, #tpu.memory_space<vmem>>
      %dma_start3A_187 = arith.constant 0 : i32
      %dma_start3A_188 = arith.constant 0 : i32
      %dma_start3A_189 = tpu.memref_slice %arg11[%dma_start3A_187, %dma_start3A_188] : memref<10240x8xf32, #tpu.memory_space<vmem_shared>> -> memref<10240x8xf32, #tpu.memory_space<vmem_shared>>
      tpu.enqueue_indirect_dma source(%arg21 : memref<128x8xf32, #tpu.memory_space<vmem>>) target(%dma_start3A_189 : memref<10240x8xf32, #tpu.memory_space<vmem_shared>>) offsets(%dma_start3A_186 : memref<128xi32, #tpu.memory_space<vmem>>) semaphore(%arg23 : memref<!tpu.dma_semaphore, #tpu.memory_space<semaphore_mem>>) {add = true}
      %mul3A_190 = arith.constant 2 : i32
      %mul3A_191 = arith.muli %mul3A_190, %scan3A_84 : i32
      %add3A_192 = arith.constant 1 : i32
      %add3A_193 = arith.addi %mul3A_191, %add3A_192 : i32
      %dma_wait3A_194 = arith.constant 0 : i32
      %dma_wait3A_195 = arith.constant 0 : i32
      %dma_wait3A_196 = tpu.memref_slice %arg2[%dma_wait3A_194, %dma_wait3A_195] : memref<2592x128xi32, #tpu.memory_space<hbm>> -> memref<4x128xi32, #tpu.memory_space<hbm>>
      %dma_wait3A_197 = arith.constant 0 : i32
      %dma_wait3A_198 = arith.constant 0 : i32
      %dma_wait3A_199 = tpu.memref_slice %arg2[%dma_wait3A_197, %dma_wait3A_198] : memref<2592x128xi32, #tpu.memory_space<hbm>> -> memref<4x128xi32, #tpu.memory_space<hbm>>
      tpu.wait_dma2 semaphore(%arg25 : memref<!tpu.dma_semaphore, #tpu.memory_space<semaphore_mem>>) src(%dma_wait3A_199 : memref<4x128xi32, #tpu.memory_space<hbm>>) dst(%arg17 : memref<4x128xi32, #tpu.memory_space<vmem>>)
      %dma_wait3A_200 = arith.constant 0 : i32
      %dma_wait3A_201 = arith.constant 0 : i32
      %dma_wait3A_202 = tpu.memref_slice %arg3[%dma_wait3A_200, %dma_wait3A_201] : memref<2592x128xi32, #tpu.memory_space<hbm>> -> memref<4x128xi32, #tpu.memory_space<hbm>>
      %dma_wait3A_203 = arith.constant 0 : i32
      %dma_wait3A_204 = arith.constant 0 : i32
      %dma_wait3A_205 = tpu.memref_slice %arg3[%dma_wait3A_203, %dma_wait3A_204] : memref<2592x128xi32, #tpu.memory_space<hbm>> -> memref<4x128xi32, #tpu.memory_space<hbm>>
      tpu.wait_dma2 semaphore(%arg25 : memref<!tpu.dma_semaphore, #tpu.memory_space<semaphore_mem>>) src(%dma_wait3A_205 : memref<4x128xi32, #tpu.memory_space<hbm>>) dst(%arg19 : memref<4x128xi32, #tpu.memory_space<vmem>>)
      %lt3A_206 = arith.constant 19 : i32
      %lt3A_207 = arith.cmpi slt, %add3A_193, %lt3A_206 : i32
      %convert_element_type3A_208 = arith.extui %lt3A_207 : i1 to i32
      %cond3A_209 = arith.constant 0 : i32
      %cond3A_210 = arith.cmpi ne, %convert_element_type3A_208, %cond3A_209 : i32
      scf.if %cond3A_210 {
        %add3A_299 = arith.constant 1 : i32
        %add3A_300 = arith.addi %add3A_193, %add3A_299 : i32
        %mul3A_301 = arith.constant 4 : i32
        %mul3A_302 = arith.muli %add3A_300, %mul3A_301 : i32
        %add3A_303 = arith.addi %mul3A_6, %mul3A_302 : i32
        %dma_start3A_304 = arith.constant 0 : i32
        %dma_start3A_305 = tpu.memref_slice %arg2[%add3A_303, %dma_start3A_304] : memref<2592x128xi32, #tpu.memory_space<hbm>> -> memref<4x128xi32, #tpu.memory_space<hbm>>
        %dma_start3A_306 = arith.constant 0 : i32
        %dma_start3A_307 = tpu.memref_slice %arg2[%add3A_303, %dma_start3A_306] : memref<2592x128xi32, #tpu.memory_space<hbm>> -> memref<4x128xi32, #tpu.memory_space<hbm>>
        tpu.enqueue_dma source(%dma_start3A_307 : memref<4x128xi32, #tpu.memory_space<hbm>>) target(%arg16 : memref<4x128xi32, #tpu.memory_space<vmem>>) target_semaphore(%arg24 : memref<!tpu.dma_semaphore, #tpu.memory_space<semaphore_mem>>)
        %mul3A_308 = arith.constant 4 : i32
        %mul3A_309 = arith.muli %add3A_300, %mul3A_308 : i32
        %add3A_310 = arith.addi %mul3A_6, %mul3A_309 : i32
        %dma_start3A_311 = arith.constant 0 : i32
        %dma_start3A_312 = tpu.memref_slice %arg3[%add3A_310, %dma_start3A_311] : memref<2592x128xi32, #tpu.memory_space<hbm>> -> memref<4x128xi32, #tpu.memory_space<hbm>>
        %dma_start3A_313 = arith.constant 0 : i32
        %dma_start3A_314 = tpu.memref_slice %arg3[%add3A_310, %dma_start3A_313] : memref<2592x128xi32, #tpu.memory_space<hbm>> -> memref<4x128xi32, #tpu.memory_space<hbm>>
        tpu.enqueue_dma source(%dma_start3A_314 : memref<4x128xi32, #tpu.memory_space<hbm>>) target(%arg18 : memref<4x128xi32, #tpu.memory_space<vmem>>) target_semaphore(%arg24 : memref<!tpu.dma_semaphore, #tpu.memory_space<semaphore_mem>>)
      } else {
      }
      %mul3A_211 = arith.constant 4 : i32
      %mul3A_212 = arith.muli %add3A_193, %mul3A_211 : i32
      %add3A_213 = arith.constant 0 : i32
      %add3A_214 = arith.addi %mul3A_212, %add3A_213 : i32
      %ge3A_215 = arith.constant 2 : i32
      %ge3A_216 = arith.cmpi sge, %add3A_214, %ge3A_215 : i32
      %convert_element_type3A_217 = arith.extui %ge3A_216 : i1 to i32
      %cond3A_218 = arith.constant 0 : i32
      %cond3A_219 = arith.cmpi ne, %convert_element_type3A_217, %cond3A_218 : i32
      scf.if %cond3A_219 {
        %dma_wait3A_299 = arith.constant 0 : i32
        %dma_wait3A_300 = arith.constant 0 : i32
        %dma_wait3A_301 = tpu.memref_slice %arg18[%dma_wait3A_299, %dma_wait3A_300] : memref<4x128xi32, #tpu.memory_space<vmem>> -> memref<1x128xi32, #tpu.memory_space<vmem>>
        %dma_wait3A_302 = tpu.memref_squeeze %dma_wait3A_301 : memref<1x128xi32, #tpu.memory_space<vmem>> -> memref<128xi32, #tpu.memory_space<vmem>>
        %dma_wait3A_303 = arith.constant 0 : i32
        %dma_wait3A_304 = arith.constant 0 : i32
        %dma_wait3A_305 = tpu.memref_slice %arg11[%dma_wait3A_303, %dma_wait3A_304] : memref<10240x8xf32, #tpu.memory_space<vmem_shared>> -> memref<10240x8xf32, #tpu.memory_space<vmem_shared>>
        tpu.wait_indirect_dma semaphore(%arg22 : memref<!tpu.dma_semaphore, #tpu.memory_space<semaphore_mem>>) src(%arg20 : memref<128x8xf32, #tpu.memory_space<vmem>>) dst(%dma_wait3A_305 : memref<10240x8xf32, #tpu.memory_space<vmem_shared>>)
      } else {
      }
      %scan3A_220 = arith.constant 0 : i32
      %scan3A_221 = arith.constant 0 : i32
      %scan3A_222 = arith.constant 8 : i32
      %scan3A_223 = arith.addi %scan3A_221, %scan3A_222 : i32
      %scan3A_224 = arith.constant 1 : i32
      scf.for %scan3A_299 = %scan3A_221 to %scan3A_223 step %scan3A_224  : i32 {
        %mul3A_300 = arith.constant 16 : i32
        %mul3A_301 = arith.muli %scan3A_299, %mul3A_300 : i32
        %get3A_302 = arith.constant 0 : i32
        %get3A_303 = arith.index_cast %get3A_302 : i32 to index
        %get3A_304 = arith.index_cast %mul3A_301 : i32 to index
        %get3A_305 = tpu.vector_load %arg17[%get3A_303, %get3A_304] {strides = array<i32>} : memref<4x128xi32, #tpu.memory_space<vmem>>, vector<16xi32>,
        %get3A_306 = arith.constant 0 : i32
        %get3A_307 = arith.index_cast %get3A_306 : i32 to index
        %get3A_308 = arith.index_cast %mul3A_301 : i32 to index
        %get3A_309 = tpu.vector_load %arg19[%get3A_307, %get3A_308] {strides = array<i32>} : memref<4x128xi32, #tpu.memory_space<vmem>>, vector<16xi32>,
        %gather3A = tpu.vector_load_idx %arg13[%get3A_305] : memref<10008xf32, #tpu.memory_space<vmem>>[vector<16xi32>], vector<16xf32>,
        %gather3A_310 = tpu.vector_load_idx %arg14[%get3A_309] : memref<10008xf32, #tpu.memory_space<vmem>>[vector<16xi32>], vector<16xf32>,
        %add3A_311 = arith.addf %gather3A, %gather3A_310 : vector<16xf32>
        %mul3A_312 = arith.constant 2.000000e-01 : f32
        %mul3A_313 = vector.broadcast %mul3A_312 : f32 to vector<16xf32>
        %mul3A_314 = arith.mulf %mul3A_313, %add3A_311 : vector<16xf32>
        %max3A = arith.maximumf %add3A_311, %mul3A_314 : vector<16xf32>
        %sub3A_315 = arith.subf %max3A, %get3A_33 : vector<16xf32>
        %exp3A = math.exp %sub3A_315 : vector<16xf32>
        %add3A_316 = vector.broadcast %mul3A_301 : i32 to vector<16xi32>
        %add3A_317 = arith.addi %iota3A, %add3A_316 : vector<16xi32>
        tpu.vector_store_idx %arg20[%add3A_317, %broadcast_in_dim3A_18], %exp3A : memref<128x8xf32, #tpu.memory_space<vmem>>[vector<16xi32>, vector<16xi32>], vector<16xf32>,
        %gather3A_318 = tpu.vector_load_idx %arg12[%get3A_305, %broadcast_in_dim3A_20] : memref<10008x8xf32, #tpu.memory_space<vmem>>[vector<16xi32>, vector<16xi32>], vector<16xf32>,
        %mul3A_319 = arith.mulf %exp3A, %gather3A_318 : vector<16xf32>
        tpu.vector_store_idx %arg20[%add3A_317, %broadcast_in_dim3A_20], %mul3A_319 : memref<128x8xf32, #tpu.memory_space<vmem>>[vector<16xi32>, vector<16xi32>], vector<16xf32>,
        %gather3A_320 = tpu.vector_load_idx %arg12[%get3A_305, %broadcast_in_dim3A_22] : memref<10008x8xf32, #tpu.memory_space<vmem>>[vector<16xi32>, vector<16xi32>], vector<16xf32>,
        %mul3A_321 = arith.mulf %exp3A, %gather3A_320 : vector<16xf32>
        tpu.vector_store_idx %arg20[%add3A_317, %broadcast_in_dim3A_22], %mul3A_321 : memref<128x8xf32, #tpu.memory_space<vmem>>[vector<16xi32>, vector<16xi32>], vector<16xf32>,
        %gather3A_322 = tpu.vector_load_idx %arg12[%get3A_305, %broadcast_in_dim3A_24] : memref<10008x8xf32, #tpu.memory_space<vmem>>[vector<16xi32>, vector<16xi32>], vector<16xf32>,
        %mul3A_323 = arith.mulf %exp3A, %gather3A_322 : vector<16xf32>
        tpu.vector_store_idx %arg20[%add3A_317, %broadcast_in_dim3A_24], %mul3A_323 : memref<128x8xf32, #tpu.memory_space<vmem>>[vector<16xi32>, vector<16xi32>], vector<16xf32>,
        %gather3A_324 = tpu.vector_load_idx %arg12[%get3A_305, %broadcast_in_dim3A_26] : memref<10008x8xf32, #tpu.memory_space<vmem>>[vector<16xi32>, vector<16xi32>], vector<16xf32>,
        %mul3A_325 = arith.mulf %exp3A, %gather3A_324 : vector<16xf32>
        tpu.vector_store_idx %arg20[%add3A_317, %broadcast_in_dim3A_26], %mul3A_325 : memref<128x8xf32, #tpu.memory_space<vmem>>[vector<16xi32>, vector<16xi32>], vector<16xf32>,
        %gather3A_326 = tpu.vector_load_idx %arg12[%get3A_305, %broadcast_in_dim3A_28] : memref<10008x8xf32, #tpu.memory_space<vmem>>[vector<16xi32>, vector<16xi32>], vector<16xf32>,
        %mul3A_327 = arith.mulf %exp3A, %gather3A_326 : vector<16xf32>
        tpu.vector_store_idx %arg20[%add3A_317, %broadcast_in_dim3A_28], %mul3A_327 : memref<128x8xf32, #tpu.memory_space<vmem>>[vector<16xi32>, vector<16xi32>], vector<16xf32>,
        %gather3A_328 = tpu.vector_load_idx %arg12[%get3A_305, %broadcast_in_dim3A_30] : memref<10008x8xf32, #tpu.memory_space<vmem>>[vector<16xi32>, vector<16xi32>], vector<16xf32>,
        %mul3A_329 = arith.mulf %exp3A, %gather3A_328 : vector<16xf32>
        tpu.vector_store_idx %arg20[%add3A_317, %broadcast_in_dim3A_30], %mul3A_329 : memref<128x8xf32, #tpu.memory_space<vmem>>[vector<16xi32>, vector<16xi32>], vector<16xf32>,
        %gather3A_330 = tpu.vector_load_idx %arg12[%get3A_305, %broadcast_in_dim3A_32] : memref<10008x8xf32, #tpu.memory_space<vmem>>[vector<16xi32>, vector<16xi32>], vector<16xf32>,
        %mul3A_331 = arith.mulf %exp3A, %gather3A_330 : vector<16xf32>
        tpu.vector_store_idx %arg20[%add3A_317, %broadcast_in_dim3A_32], %mul3A_331 : memref<128x8xf32, #tpu.memory_space<vmem>>[vector<16xi32>, vector<16xi32>], vector<16xf32>,
      }
      %scan3A_225 = arith.constant 8 : i32
      %dma_start3A_226 = arith.constant 0 : i32
      %dma_start3A_227 = arith.constant 0 : i32
      %dma_start3A_228 = tpu.memref_slice %arg19[%dma_start3A_226, %dma_start3A_227] : memref<4x128xi32, #tpu.memory_space<vmem>> -> memref<1x128xi32, #tpu.memory_space<vmem>>
      %dma_start3A_229 = tpu.memref_squeeze %dma_start3A_228 : memref<1x128xi32, #tpu.memory_space<vmem>> -> memref<128xi32, #tpu.memory_space<vmem>>
      %dma_start3A_230 = arith.constant 0 : i32
      %dma_start3A_231 = arith.constant 0 : i32
      %dma_start3A_232 = tpu.memref_slice %arg11[%dma_start3A_230, %dma_start3A_231] : memref<10240x8xf32, #tpu.memory_space<vmem_shared>> -> memref<10240x8xf32, #tpu.memory_space<vmem_shared>>
      tpu.enqueue_indirect_dma source(%arg20 : memref<128x8xf32, #tpu.memory_space<vmem>>) target(%dma_start3A_232 : memref<10240x8xf32, #tpu.memory_space<vmem_shared>>) offsets(%dma_start3A_229 : memref<128xi32, #tpu.memory_space<vmem>>) semaphore(%arg22 : memref<!tpu.dma_semaphore, #tpu.memory_space<semaphore_mem>>) {add = true}
      %mul3A_233 = arith.constant 4 : i32
      %mul3A_234 = arith.muli %add3A_193, %mul3A_233 : i32
      %add3A_235 = arith.constant 1 : i32
      %add3A_236 = arith.addi %mul3A_234, %add3A_235 : i32
      %ge3A_237 = arith.constant 2 : i32
      %ge3A_238 = arith.cmpi sge, %add3A_236, %ge3A_237 : i32
      %convert_element_type3A_239 = arith.extui %ge3A_238 : i1 to i32
      %cond3A_240 = arith.constant 0 : i32
      %cond3A_241 = arith.cmpi ne, %convert_element_type3A_239, %cond3A_240 : i32
      scf.if %cond3A_241 {
        %dma_wait3A_299 = arith.constant 0 : i32
        %dma_wait3A_300 = arith.constant 0 : i32
        %dma_wait3A_301 = tpu.memref_slice %arg18[%dma_wait3A_299, %dma_wait3A_300] : memref<4x128xi32, #tpu.memory_space<vmem>> -> memref<1x128xi32, #tpu.memory_space<vmem>>
        %dma_wait3A_302 = tpu.memref_squeeze %dma_wait3A_301 : memref<1x128xi32, #tpu.memory_space<vmem>> -> memref<128xi32, #tpu.memory_space<vmem>>
        %dma_wait3A_303 = arith.constant 0 : i32
        %dma_wait3A_304 = arith.constant 0 : i32
        %dma_wait3A_305 = tpu.memref_slice %arg11[%dma_wait3A_303, %dma_wait3A_304] : memref<10240x8xf32, #tpu.memory_space<vmem_shared>> -> memref<10240x8xf32, #tpu.memory_space<vmem_shared>>
        tpu.wait_indirect_dma semaphore(%arg23 : memref<!tpu.dma_semaphore, #tpu.memory_space<semaphore_mem>>) src(%arg21 : memref<128x8xf32, #tpu.memory_space<vmem>>) dst(%dma_wait3A_305 : memref<10240x8xf32, #tpu.memory_space<vmem_shared>>)
      } else {
      }
      %scan3A_242 = arith.constant 0 : i32
      %scan3A_243 = arith.constant 0 : i32
      %scan3A_244 = arith.constant 8 : i32
      %scan3A_245 = arith.addi %scan3A_243, %scan3A_244 : i32
      %scan3A_246 = arith.constant 1 : i32
      scf.for %scan3A_299 = %scan3A_243 to %scan3A_245 step %scan3A_246  : i32 {
        %mul3A_300 = arith.constant 16 : i32
        %mul3A_301 = arith.muli %scan3A_299, %mul3A_300 : i32
        %get3A_302 = arith.constant 1 : i32
        %get3A_303 = arith.index_cast %get3A_302 : i32 to index
        %get3A_304 = arith.index_cast %mul3A_301 : i32 to index
        %get3A_305 = tpu.vector_load %arg17[%get3A_303, %get3A_304] {strides = array<i32>} : memref<4x128xi32, #tpu.memory_space<vmem>>, vector<16xi32>,
        %get3A_306 = arith.constant 1 : i32
        %get3A_307 = arith.index_cast %get3A_306 : i32 to index
        %get3A_308 = arith.index_cast %mul3A_301 : i32 to index
        %get3A_309 = tpu.vector_load %arg19[%get3A_307, %get3A_308] {strides = array<i32>} : memref<4x128xi32, #tpu.memory_space<vmem>>, vector<16xi32>,
        %gather3A = tpu.vector_load_idx %arg13[%get3A_305] : memref<10008xf32, #tpu.memory_space<vmem>>[vector<16xi32>], vector<16xf32>,
        %gather3A_310 = tpu.vector_load_idx %arg14[%get3A_309] : memref<10008xf32, #tpu.memory_space<vmem>>[vector<16xi32>], vector<16xf32>,
        %add3A_311 = arith.addf %gather3A, %gather3A_310 : vector<16xf32>
        %mul3A_312 = arith.constant 2.000000e-01 : f32
        %mul3A_313 = vector.broadcast %mul3A_312 : f32 to vector<16xf32>
        %mul3A_314 = arith.mulf %mul3A_313, %add3A_311 : vector<16xf32>
        %max3A = arith.maximumf %add3A_311, %mul3A_314 : vector<16xf32>
        %sub3A_315 = arith.subf %max3A, %get3A_33 : vector<16xf32>
        %exp3A = math.exp %sub3A_315 : vector<16xf32>
        %add3A_316 = vector.broadcast %mul3A_301 : i32 to vector<16xi32>
        %add3A_317 = arith.addi %iota3A, %add3A_316 : vector<16xi32>
        tpu.vector_store_idx %arg21[%add3A_317, %broadcast_in_dim3A_18], %exp3A : memref<128x8xf32, #tpu.memory_space<vmem>>[vector<16xi32>, vector<16xi32>], vector<16xf32>,
        %gather3A_318 = tpu.vector_load_idx %arg12[%get3A_305, %broadcast_in_dim3A_20] : memref<10008x8xf32, #tpu.memory_space<vmem>>[vector<16xi32>, vector<16xi32>], vector<16xf32>,
        %mul3A_319 = arith.mulf %exp3A, %gather3A_318 : vector<16xf32>
        tpu.vector_store_idx %arg21[%add3A_317, %broadcast_in_dim3A_20], %mul3A_319 : memref<128x8xf32, #tpu.memory_space<vmem>>[vector<16xi32>, vector<16xi32>], vector<16xf32>,
        %gather3A_320 = tpu.vector_load_idx %arg12[%get3A_305, %broadcast_in_dim3A_22] : memref<10008x8xf32, #tpu.memory_space<vmem>>[vector<16xi32>, vector<16xi32>], vector<16xf32>,
        %mul3A_321 = arith.mulf %exp3A, %gather3A_320 : vector<16xf32>
        tpu.vector_store_idx %arg21[%add3A_317, %broadcast_in_dim3A_22], %mul3A_321 : memref<128x8xf32, #tpu.memory_space<vmem>>[vector<16xi32>, vector<16xi32>], vector<16xf32>,
        %gather3A_322 = tpu.vector_load_idx %arg12[%get3A_305, %broadcast_in_dim3A_24] : memref<10008x8xf32, #tpu.memory_space<vmem>>[vector<16xi32>, vector<16xi32>], vector<16xf32>,
        %mul3A_323 = arith.mulf %exp3A, %gather3A_322 : vector<16xf32>
        tpu.vector_store_idx %arg21[%add3A_317, %broadcast_in_dim3A_24], %mul3A_323 : memref<128x8xf32, #tpu.memory_space<vmem>>[vector<16xi32>, vector<16xi32>], vector<16xf32>,
        %gather3A_324 = tpu.vector_load_idx %arg12[%get3A_305, %broadcast_in_dim3A_26] : memref<10008x8xf32, #tpu.memory_space<vmem>>[vector<16xi32>, vector<16xi32>], vector<16xf32>,
        %mul3A_325 = arith.mulf %exp3A, %gather3A_324 : vector<16xf32>
        tpu.vector_store_idx %arg21[%add3A_317, %broadcast_in_dim3A_26], %mul3A_325 : memref<128x8xf32, #tpu.memory_space<vmem>>[vector<16xi32>, vector<16xi32>], vector<16xf32>,
        %gather3A_326 = tpu.vector_load_idx %arg12[%get3A_305, %broadcast_in_dim3A_28] : memref<10008x8xf32, #tpu.memory_space<vmem>>[vector<16xi32>, vector<16xi32>], vector<16xf32>,
        %mul3A_327 = arith.mulf %exp3A, %gather3A_326 : vector<16xf32>
        tpu.vector_store_idx %arg21[%add3A_317, %broadcast_in_dim3A_28], %mul3A_327 : memref<128x8xf32, #tpu.memory_space<vmem>>[vector<16xi32>, vector<16xi32>], vector<16xf32>,
        %gather3A_328 = tpu.vector_load_idx %arg12[%get3A_305, %broadcast_in_dim3A_30] : memref<10008x8xf32, #tpu.memory_space<vmem>>[vector<16xi32>, vector<16xi32>], vector<16xf32>,
        %mul3A_329 = arith.mulf %exp3A, %gather3A_328 : vector<16xf32>
        tpu.vector_store_idx %arg21[%add3A_317, %broadcast_in_dim3A_30], %mul3A_329 : memref<128x8xf32, #tpu.memory_space<vmem>>[vector<16xi32>, vector<16xi32>], vector<16xf32>,
        %gather3A_330 = tpu.vector_load_idx %arg12[%get3A_305, %broadcast_in_dim3A_32] : memref<10008x8xf32, #tpu.memory_space<vmem>>[vector<16xi32>, vector<16xi32>], vector<16xf32>,
        %mul3A_331 = arith.mulf %exp3A, %gather3A_330 : vector<16xf32>
        tpu.vector_store_idx %arg21[%add3A_317, %broadcast_in_dim3A_32], %mul3A_331 : memref<128x8xf32, #tpu.memory_space<vmem>>[vector<16xi32>, vector<16xi32>], vector<16xf32>,
      }
      %scan3A_247 = arith.constant 8 : i32
      %dma_start3A_248 = arith.constant 1 : i32
      %dma_start3A_249 = arith.constant 0 : i32
      %dma_start3A_250 = tpu.memref_slice %arg19[%dma_start3A_248, %dma_start3A_249] : memref<4x128xi32, #tpu.memory_space<vmem>> -> memref<1x128xi32, #tpu.memory_space<vmem>>
      %dma_start3A_251 = tpu.memref_squeeze %dma_start3A_250 : memref<1x128xi32, #tpu.memory_space<vmem>> -> memref<128xi32, #tpu.memory_space<vmem>>
      %dma_start3A_252 = arith.constant 0 : i32
      %dma_start3A_253 = arith.constant 0 : i32
      %dma_start3A_254 = tpu.memref_slice %arg11[%dma_start3A_252, %dma_start3A_253] : memref<10240x8xf32, #tpu.memory_space<vmem_shared>> -> memref<10240x8xf32, #tpu.memory_space<vmem_shared>>
      tpu.enqueue_indirect_dma source(%arg21 : memref<128x8xf32, #tpu.memory_space<vmem>>) target(%dma_start3A_254 : memref<10240x8xf32, #tpu.memory_space<vmem_shared>>) offsets(%dma_start3A_251 : memref<128xi32, #tpu.memory_space<vmem>>) semaphore(%arg23 : memref<!tpu.dma_semaphore, #tpu.memory_space<semaphore_mem>>) {add = true}
      %mul3A_255 = arith.constant 4 : i32
      %mul3A_256 = arith.muli %add3A_193, %mul3A_255 : i32
      %add3A_257 = arith.constant 2 : i32
      %add3A_258 = arith.addi %mul3A_256, %add3A_257 : i32
      %ge3A_259 = arith.constant 2 : i32
      %ge3A_260 = arith.cmpi sge, %add3A_258, %ge3A_259 : i32
      %convert_element_type3A_261 = arith.extui %ge3A_260 : i1 to i32
      %cond3A_262 = arith.constant 0 : i32
      %cond3A_263 = arith.cmpi ne, %convert_element_type3A_261, %cond3A_262 : i32
      scf.if %cond3A_263 {
        %dma_wait3A_299 = arith.constant 0 : i32
        %dma_wait3A_300 = arith.constant 0 : i32
        %dma_wait3A_301 = tpu.memref_slice %arg18[%dma_wait3A_299, %dma_wait3A_300] : memref<4x128xi32, #tpu.memory_space<vmem>> -> memref<1x128xi32, #tpu.memory_space<vmem>>
        %dma_wait3A_302 = tpu.memref_squeeze %dma_wait3A_301 : memref<1x128xi32, #tpu.memory_space<vmem>> -> memref<128xi32, #tpu.memory_space<vmem>>
        %dma_wait3A_303 = arith.constant 0 : i32
        %dma_wait3A_304 = arith.constant 0 : i32
        %dma_wait3A_305 = tpu.memref_slice %arg11[%dma_wait3A_303, %dma_wait3A_304] : memref<10240x8xf32, #tpu.memory_space<vmem_shared>> -> memref<10240x8xf32, #tpu.memory_space<vmem_shared>>
        tpu.wait_indirect_dma semaphore(%arg22 : memref<!tpu.dma_semaphore, #tpu.memory_space<semaphore_mem>>) src(%arg20 : memref<128x8xf32, #tpu.memory_space<vmem>>) dst(%dma_wait3A_305 : memref<10240x8xf32, #tpu.memory_space<vmem_shared>>)
      } else {
      }
      %scan3A_264 = arith.constant 0 : i32
      %scan3A_265 = arith.constant 0 : i32
      %scan3A_266 = arith.constant 8 : i32
      %scan3A_267 = arith.addi %scan3A_265, %scan3A_266 : i32
      %scan3A_268 = arith.constant 1 : i32
      scf.for %scan3A_299 = %scan3A_265 to %scan3A_267 step %scan3A_268  : i32 {
        %mul3A_300 = arith.constant 16 : i32
        %mul3A_301 = arith.muli %scan3A_299, %mul3A_300 : i32
        %get3A_302 = arith.constant 2 : i32
        %get3A_303 = arith.index_cast %get3A_302 : i32 to index
        %get3A_304 = arith.index_cast %mul3A_301 : i32 to index
        %get3A_305 = tpu.vector_load %arg17[%get3A_303, %get3A_304] {strides = array<i32>} : memref<4x128xi32, #tpu.memory_space<vmem>>, vector<16xi32>,
        %get3A_306 = arith.constant 2 : i32
        %get3A_307 = arith.index_cast %get3A_306 : i32 to index
        %get3A_308 = arith.index_cast %mul3A_301 : i32 to index
        %get3A_309 = tpu.vector_load %arg19[%get3A_307, %get3A_308] {strides = array<i32>} : memref<4x128xi32, #tpu.memory_space<vmem>>, vector<16xi32>,
        %gather3A = tpu.vector_load_idx %arg13[%get3A_305] : memref<10008xf32, #tpu.memory_space<vmem>>[vector<16xi32>], vector<16xf32>,
        %gather3A_310 = tpu.vector_load_idx %arg14[%get3A_309] : memref<10008xf32, #tpu.memory_space<vmem>>[vector<16xi32>], vector<16xf32>,
        %add3A_311 = arith.addf %gather3A, %gather3A_310 : vector<16xf32>
        %mul3A_312 = arith.constant 2.000000e-01 : f32
        %mul3A_313 = vector.broadcast %mul3A_312 : f32 to vector<16xf32>
        %mul3A_314 = arith.mulf %mul3A_313, %add3A_311 : vector<16xf32>
        %max3A = arith.maximumf %add3A_311, %mul3A_314 : vector<16xf32>
        %sub3A_315 = arith.subf %max3A, %get3A_33 : vector<16xf32>
        %exp3A = math.exp %sub3A_315 : vector<16xf32>
        %add3A_316 = vector.broadcast %mul3A_301 : i32 to vector<16xi32>
        %add3A_317 = arith.addi %iota3A, %add3A_316 : vector<16xi32>
        tpu.vector_store_idx %arg20[%add3A_317, %broadcast_in_dim3A_18], %exp3A : memref<128x8xf32, #tpu.memory_space<vmem>>[vector<16xi32>, vector<16xi32>], vector<16xf32>,
        %gather3A_318 = tpu.vector_load_idx %arg12[%get3A_305, %broadcast_in_dim3A_20] : memref<10008x8xf32, #tpu.memory_space<vmem>>[vector<16xi32>, vector<16xi32>], vector<16xf32>,
        %mul3A_319 = arith.mulf %exp3A, %gather3A_318 : vector<16xf32>
        tpu.vector_store_idx %arg20[%add3A_317, %broadcast_in_dim3A_20], %mul3A_319 : memref<128x8xf32, #tpu.memory_space<vmem>>[vector<16xi32>, vector<16xi32>], vector<16xf32>,
        %gather3A_320 = tpu.vector_load_idx %arg12[%get3A_305, %broadcast_in_dim3A_22] : memref<10008x8xf32, #tpu.memory_space<vmem>>[vector<16xi32>, vector<16xi32>], vector<16xf32>,
        %mul3A_321 = arith.mulf %exp3A, %gather3A_320 : vector<16xf32>
        tpu.vector_store_idx %arg20[%add3A_317, %broadcast_in_dim3A_22], %mul3A_321 : memref<128x8xf32, #tpu.memory_space<vmem>>[vector<16xi32>, vector<16xi32>], vector<16xf32>,
        %gather3A_322 = tpu.vector_load_idx %arg12[%get3A_305, %broadcast_in_dim3A_24] : memref<10008x8xf32, #tpu.memory_space<vmem>>[vector<16xi32>, vector<16xi32>], vector<16xf32>,
        %mul3A_323 = arith.mulf %exp3A, %gather3A_322 : vector<16xf32>
        tpu.vector_store_idx %arg20[%add3A_317, %broadcast_in_dim3A_24], %mul3A_323 : memref<128x8xf32, #tpu.memory_space<vmem>>[vector<16xi32>, vector<16xi32>], vector<16xf32>,
        %gather3A_324 = tpu.vector_load_idx %arg12[%get3A_305, %broadcast_in_dim3A_26] : memref<10008x8xf32, #tpu.memory_space<vmem>>[vector<16xi32>, vector<16xi32>], vector<16xf32>,
        %mul3A_325 = arith.mulf %exp3A, %gather3A_324 : vector<16xf32>
        tpu.vector_store_idx %arg20[%add3A_317, %broadcast_in_dim3A_26], %mul3A_325 : memref<128x8xf32, #tpu.memory_space<vmem>>[vector<16xi32>, vector<16xi32>], vector<16xf32>,
        %gather3A_326 = tpu.vector_load_idx %arg12[%get3A_305, %broadcast_in_dim3A_28] : memref<10008x8xf32, #tpu.memory_space<vmem>>[vector<16xi32>, vector<16xi32>], vector<16xf32>,
        %mul3A_327 = arith.mulf %exp3A, %gather3A_326 : vector<16xf32>
        tpu.vector_store_idx %arg20[%add3A_317, %broadcast_in_dim3A_28], %mul3A_327 : memref<128x8xf32, #tpu.memory_space<vmem>>[vector<16xi32>, vector<16xi32>], vector<16xf32>,
        %gather3A_328 = tpu.vector_load_idx %arg12[%get3A_305, %broadcast_in_dim3A_30] : memref<10008x8xf32, #tpu.memory_space<vmem>>[vector<16xi32>, vector<16xi32>], vector<16xf32>,
        %mul3A_329 = arith.mulf %exp3A, %gather3A_328 : vector<16xf32>
        tpu.vector_store_idx %arg20[%add3A_317, %broadcast_in_dim3A_30], %mul3A_329 : memref<128x8xf32, #tpu.memory_space<vmem>>[vector<16xi32>, vector<16xi32>], vector<16xf32>,
        %gather3A_330 = tpu.vector_load_idx %arg12[%get3A_305, %broadcast_in_dim3A_32] : memref<10008x8xf32, #tpu.memory_space<vmem>>[vector<16xi32>, vector<16xi32>], vector<16xf32>,
        %mul3A_331 = arith.mulf %exp3A, %gather3A_330 : vector<16xf32>
        tpu.vector_store_idx %arg20[%add3A_317, %broadcast_in_dim3A_32], %mul3A_331 : memref<128x8xf32, #tpu.memory_space<vmem>>[vector<16xi32>, vector<16xi32>], vector<16xf32>,
      }
      %scan3A_269 = arith.constant 8 : i32
      %dma_start3A_270 = arith.constant 2 : i32
      %dma_start3A_271 = arith.constant 0 : i32
      %dma_start3A_272 = tpu.memref_slice %arg19[%dma_start3A_270, %dma_start3A_271] : memref<4x128xi32, #tpu.memory_space<vmem>> -> memref<1x128xi32, #tpu.memory_space<vmem>>
      %dma_start3A_273 = tpu.memref_squeeze %dma_start3A_272 : memref<1x128xi32, #tpu.memory_space<vmem>> -> memref<128xi32, #tpu.memory_space<vmem>>
      %dma_start3A_274 = arith.constant 0 : i32
      %dma_start3A_275 = arith.constant 0 : i32
      %dma_start3A_276 = tpu.memref_slice %arg11[%dma_start3A_274, %dma_start3A_275] : memref<10240x8xf32, #tpu.memory_space<vmem_shared>> -> memref<10240x8xf32, #tpu.memory_space<vmem_shared>>
      tpu.enqueue_indirect_dma source(%arg20 : memref<128x8xf32, #tpu.memory_space<vmem>>) target(%dma_start3A_276 : memref<10240x8xf32, #tpu.memory_space<vmem_shared>>) offsets(%dma_start3A_273 : memref<128xi32, #tpu.memory_space<vmem>>) semaphore(%arg22 : memref<!tpu.dma_semaphore, #tpu.memory_space<semaphore_mem>>) {add = true}
      %mul3A_277 = arith.constant 4 : i32
      %mul3A_278 = arith.muli %add3A_193, %mul3A_277 : i32
      %add3A_279 = arith.constant 3 : i32
      %add3A_280 = arith.addi %mul3A_278, %add3A_279 : i32
      %ge3A_281 = arith.constant 2 : i32
      %ge3A_282 = arith.cmpi sge, %add3A_280, %ge3A_281 : i32
      %convert_element_type3A_283 = arith.extui %ge3A_282 : i1 to i32
      %cond3A_284 = arith.constant 0 : i32
      %cond3A_285 = arith.cmpi ne, %convert_element_type3A_283, %cond3A_284 : i32
      scf.if %cond3A_285 {
        %dma_wait3A_299 = arith.constant 0 : i32
        %dma_wait3A_300 = arith.constant 0 : i32
        %dma_wait3A_301 = tpu.memref_slice %arg18[%dma_wait3A_299, %dma_wait3A_300] : memref<4x128xi32, #tpu.memory_space<vmem>> -> memref<1x128xi32, #tpu.memory_space<vmem>>
        %dma_wait3A_302 = tpu.memref_squeeze %dma_wait3A_301 : memref<1x128xi32, #tpu.memory_space<vmem>> -> memref<128xi32, #tpu.memory_space<vmem>>
        %dma_wait3A_303 = arith.constant 0 : i32
        %dma_wait3A_304 = arith.constant 0 : i32
        %dma_wait3A_305 = tpu.memref_slice %arg11[%dma_wait3A_303, %dma_wait3A_304] : memref<10240x8xf32, #tpu.memory_space<vmem_shared>> -> memref<10240x8xf32, #tpu.memory_space<vmem_shared>>
        tpu.wait_indirect_dma semaphore(%arg23 : memref<!tpu.dma_semaphore, #tpu.memory_space<semaphore_mem>>) src(%arg21 : memref<128x8xf32, #tpu.memory_space<vmem>>) dst(%dma_wait3A_305 : memref<10240x8xf32, #tpu.memory_space<vmem_shared>>)
      } else {
      }
      %scan3A_286 = arith.constant 0 : i32
      %scan3A_287 = arith.constant 0 : i32
      %scan3A_288 = arith.constant 8 : i32
      %scan3A_289 = arith.addi %scan3A_287, %scan3A_288 : i32
      %scan3A_290 = arith.constant 1 : i32
      scf.for %scan3A_299 = %scan3A_287 to %scan3A_289 step %scan3A_290  : i32 {
        %mul3A_300 = arith.constant 16 : i32
        %mul3A_301 = arith.muli %scan3A_299, %mul3A_300 : i32
        %get3A_302 = arith.constant 3 : i32
        %get3A_303 = arith.index_cast %get3A_302 : i32 to index
        %get3A_304 = arith.index_cast %mul3A_301 : i32 to index
        %get3A_305 = tpu.vector_load %arg17[%get3A_303, %get3A_304] {strides = array<i32>} : memref<4x128xi32, #tpu.memory_space<vmem>>, vector<16xi32>,
        %get3A_306 = arith.constant 3 : i32
        %get3A_307 = arith.index_cast %get3A_306 : i32 to index
        %get3A_308 = arith.index_cast %mul3A_301 : i32 to index
        %get3A_309 = tpu.vector_load %arg19[%get3A_307, %get3A_308] {strides = array<i32>} : memref<4x128xi32, #tpu.memory_space<vmem>>, vector<16xi32>,
        %gather3A = tpu.vector_load_idx %arg13[%get3A_305] : memref<10008xf32, #tpu.memory_space<vmem>>[vector<16xi32>], vector<16xf32>,
        %gather3A_310 = tpu.vector_load_idx %arg14[%get3A_309] : memref<10008xf32, #tpu.memory_space<vmem>>[vector<16xi32>], vector<16xf32>,
        %add3A_311 = arith.addf %gather3A, %gather3A_310 : vector<16xf32>
        %mul3A_312 = arith.constant 2.000000e-01 : f32
        %mul3A_313 = vector.broadcast %mul3A_312 : f32 to vector<16xf32>
        %mul3A_314 = arith.mulf %mul3A_313, %add3A_311 : vector<16xf32>
        %max3A = arith.maximumf %add3A_311, %mul3A_314 : vector<16xf32>
        %sub3A_315 = arith.subf %max3A, %get3A_33 : vector<16xf32>
        %exp3A = math.exp %sub3A_315 : vector<16xf32>
        %add3A_316 = vector.broadcast %mul3A_301 : i32 to vector<16xi32>
        %add3A_317 = arith.addi %iota3A, %add3A_316 : vector<16xi32>
        tpu.vector_store_idx %arg21[%add3A_317, %broadcast_in_dim3A_18], %exp3A : memref<128x8xf32, #tpu.memory_space<vmem>>[vector<16xi32>, vector<16xi32>], vector<16xf32>,
        %gather3A_318 = tpu.vector_load_idx %arg12[%get3A_305, %broadcast_in_dim3A_20] : memref<10008x8xf32, #tpu.memory_space<vmem>>[vector<16xi32>, vector<16xi32>], vector<16xf32>,
        %mul3A_319 = arith.mulf %exp3A, %gather3A_318 : vector<16xf32>
        tpu.vector_store_idx %arg21[%add3A_317, %broadcast_in_dim3A_20], %mul3A_319 : memref<128x8xf32, #tpu.memory_space<vmem>>[vector<16xi32>, vector<16xi32>], vector<16xf32>,
        %gather3A_320 = tpu.vector_load_idx %arg12[%get3A_305, %broadcast_in_dim3A_22] : memref<10008x8xf32, #tpu.memory_space<vmem>>[vector<16xi32>, vector<16xi32>], vector<16xf32>,
        %mul3A_321 = arith.mulf %exp3A, %gather3A_320 : vector<16xf32>
        tpu.vector_store_idx %arg21[%add3A_317, %broadcast_in_dim3A_22], %mul3A_321 : memref<128x8xf32, #tpu.memory_space<vmem>>[vector<16xi32>, vector<16xi32>], vector<16xf32>,
        %gather3A_322 = tpu.vector_load_idx %arg12[%get3A_305, %broadcast_in_dim3A_24] : memref<10008x8xf32, #tpu.memory_space<vmem>>[vector<16xi32>, vector<16xi32>], vector<16xf32>,
        %mul3A_323 = arith.mulf %exp3A, %gather3A_322 : vector<16xf32>
        tpu.vector_store_idx %arg21[%add3A_317, %broadcast_in_dim3A_24], %mul3A_323 : memref<128x8xf32, #tpu.memory_space<vmem>>[vector<16xi32>, vector<16xi32>], vector<16xf32>,
        %gather3A_324 = tpu.vector_load_idx %arg12[%get3A_305, %broadcast_in_dim3A_26] : memref<10008x8xf32, #tpu.memory_space<vmem>>[vector<16xi32>, vector<16xi32>], vector<16xf32>,
        %mul3A_325 = arith.mulf %exp3A, %gather3A_324 : vector<16xf32>
        tpu.vector_store_idx %arg21[%add3A_317, %broadcast_in_dim3A_26], %mul3A_325 : memref<128x8xf32, #tpu.memory_space<vmem>>[vector<16xi32>, vector<16xi32>], vector<16xf32>,
        %gather3A_326 = tpu.vector_load_idx %arg12[%get3A_305, %broadcast_in_dim3A_28] : memref<10008x8xf32, #tpu.memory_space<vmem>>[vector<16xi32>, vector<16xi32>], vector<16xf32>,
        %mul3A_327 = arith.mulf %exp3A, %gather3A_326 : vector<16xf32>
        tpu.vector_store_idx %arg21[%add3A_317, %broadcast_in_dim3A_28], %mul3A_327 : memref<128x8xf32, #tpu.memory_space<vmem>>[vector<16xi32>, vector<16xi32>], vector<16xf32>,
        %gather3A_328 = tpu.vector_load_idx %arg12[%get3A_305, %broadcast_in_dim3A_30] : memref<10008x8xf32, #tpu.memory_space<vmem>>[vector<16xi32>, vector<16xi32>], vector<16xf32>,
        %mul3A_329 = arith.mulf %exp3A, %gather3A_328 : vector<16xf32>
        tpu.vector_store_idx %arg21[%add3A_317, %broadcast_in_dim3A_30], %mul3A_329 : memref<128x8xf32, #tpu.memory_space<vmem>>[vector<16xi32>, vector<16xi32>], vector<16xf32>,
        %gather3A_330 = tpu.vector_load_idx %arg12[%get3A_305, %broadcast_in_dim3A_32] : memref<10008x8xf32, #tpu.memory_space<vmem>>[vector<16xi32>, vector<16xi32>], vector<16xf32>,
        %mul3A_331 = arith.mulf %exp3A, %gather3A_330 : vector<16xf32>
        tpu.vector_store_idx %arg21[%add3A_317, %broadcast_in_dim3A_32], %mul3A_331 : memref<128x8xf32, #tpu.memory_space<vmem>>[vector<16xi32>, vector<16xi32>], vector<16xf32>,
      }
      %scan3A_291 = arith.constant 8 : i32
      %dma_start3A_292 = arith.constant 3 : i32
      %dma_start3A_293 = arith.constant 0 : i32
      %dma_start3A_294 = tpu.memref_slice %arg19[%dma_start3A_292, %dma_start3A_293] : memref<4x128xi32, #tpu.memory_space<vmem>> -> memref<1x128xi32, #tpu.memory_space<vmem>>
      %dma_start3A_295 = tpu.memref_squeeze %dma_start3A_294 : memref<1x128xi32, #tpu.memory_space<vmem>> -> memref<128xi32, #tpu.memory_space<vmem>>
      %dma_start3A_296 = arith.constant 0 : i32
      %dma_start3A_297 = arith.constant 0 : i32
      %dma_start3A_298 = tpu.memref_slice %arg11[%dma_start3A_296, %dma_start3A_297] : memref<10240x8xf32, #tpu.memory_space<vmem_shared>> -> memref<10240x8xf32, #tpu.memory_space<vmem_shared>>
      tpu.enqueue_indirect_dma source(%arg21 : memref<128x8xf32, #tpu.memory_space<vmem>>) target(%dma_start3A_298 : memref<10240x8xf32, #tpu.memory_space<vmem_shared>>) offsets(%dma_start3A_295 : memref<128xi32, #tpu.memory_space<vmem>>) semaphore(%arg23 : memref<!tpu.dma_semaphore, #tpu.memory_space<semaphore_mem>>) {add = true}
    }
    %scan3A_38 = arith.constant 10 : i32
    %dma_wait3A = arith.constant 0 : i32
    %dma_wait3A_39 = arith.constant 0 : i32
    %dma_wait3A_40 = tpu.memref_slice %arg18[%dma_wait3A, %dma_wait3A_39] : memref<4x128xi32, #tpu.memory_space<vmem>> -> memref<1x128xi32, #tpu.memory_space<vmem>>
    %dma_wait3A_41 = tpu.memref_squeeze %dma_wait3A_40 : memref<1x128xi32, #tpu.memory_space<vmem>> -> memref<128xi32, #tpu.memory_space<vmem>>
    %dma_wait3A_42 = arith.constant 0 : i32
    %dma_wait3A_43 = arith.constant 0 : i32
    %dma_wait3A_44 = tpu.memref_slice %arg11[%dma_wait3A_42, %dma_wait3A_43] : memref<10240x8xf32, #tpu.memory_space<vmem_shared>> -> memref<10240x8xf32, #tpu.memory_space<vmem_shared>>
    tpu.wait_indirect_dma semaphore(%arg22 : memref<!tpu.dma_semaphore, #tpu.memory_space<semaphore_mem>>) src(%arg20 : memref<128x8xf32, #tpu.memory_space<vmem>>) dst(%dma_wait3A_44 : memref<10240x8xf32, #tpu.memory_space<vmem_shared>>)
    %dma_wait3A_45 = arith.constant 0 : i32
    %dma_wait3A_46 = arith.constant 0 : i32
    %dma_wait3A_47 = tpu.memref_slice %arg18[%dma_wait3A_45, %dma_wait3A_46] : memref<4x128xi32, #tpu.memory_space<vmem>> -> memref<1x128xi32, #tpu.memory_space<vmem>>
    %dma_wait3A_48 = tpu.memref_squeeze %dma_wait3A_47 : memref<1x128xi32, #tpu.memory_space<vmem>> -> memref<128xi32, #tpu.memory_space<vmem>>
    %dma_wait3A_49 = arith.constant 0 : i32
    %dma_wait3A_50 = arith.constant 0 : i32
    %dma_wait3A_51 = tpu.memref_slice %arg11[%dma_wait3A_49, %dma_wait3A_50] : memref<10240x8xf32, #tpu.memory_space<vmem_shared>> -> memref<10240x8xf32, #tpu.memory_space<vmem_shared>>
    tpu.wait_indirect_dma semaphore(%arg23 : memref<!tpu.dma_semaphore, #tpu.memory_space<semaphore_mem>>) src(%arg21 : memref<128x8xf32, #tpu.memory_space<vmem>>) dst(%dma_wait3A_51 : memref<10240x8xf32, #tpu.memory_space<vmem_shared>>)
    %add3A_52 = arith.constant 81 : i32
    %add3A_53 = arith.addi %mul3A_6, %add3A_52 : i32
    %sub3A = arith.constant 1 : i32
    %sub3A_54 = arith.subi %add3A_53, %sub3A : i32
    "tpu.region"() ({
      %run_scoped3A_84 = tpu.sem_alloc : memref<!tpu.dma_semaphore, #tpu.memory_space<semaphore_mem>>
      %dma_start3A_85 = arith.constant 0 : i32
      %dma_start3A_86 = arith.constant 0 : i32
      %dma_start3A_87 = tpu.memref_slice %arg16[%dma_start3A_85, %dma_start3A_86] : memref<4x128xi32, #tpu.memory_space<vmem>> -> memref<1x128xi32, #tpu.memory_space<vmem>>
      %dma_start3A_88 = arith.constant 0 : i32
      %dma_start3A_89 = tpu.memref_slice %arg2[%sub3A_54, %dma_start3A_88] : memref<2592x128xi32, #tpu.memory_space<hbm>> -> memref<1x128xi32, #tpu.memory_space<hbm>>
      %dma_start3A_90 = arith.constant 0 : i32
      %dma_start3A_91 = arith.constant 0 : i32
      %dma_start3A_92 = tpu.memref_slice %arg16[%dma_start3A_90, %dma_start3A_91] : memref<4x128xi32, #tpu.memory_space<vmem>> -> memref<1x128xi32, #tpu.memory_space<vmem>>
      %dma_start3A_93 = arith.constant 0 : i32
      %dma_start3A_94 = tpu.memref_slice %arg2[%sub3A_54, %dma_start3A_93] : memref<2592x128xi32, #tpu.memory_space<hbm>> -> memref<1x128xi32, #tpu.memory_space<hbm>>
      tpu.enqueue_dma source(%dma_start3A_94 : memref<1x128xi32, #tpu.memory_space<hbm>>) target(%dma_start3A_92 : memref<1x128xi32, #tpu.memory_space<vmem>>) target_semaphore(%run_scoped3A_84 : memref<!tpu.dma_semaphore, #tpu.memory_space<semaphore_mem>>)
      %dma_wait3A_95 = arith.constant 0 : i32
      %dma_wait3A_96 = arith.constant 0 : i32
      %dma_wait3A_97 = tpu.memref_slice %arg16[%dma_wait3A_95, %dma_wait3A_96] : memref<4x128xi32, #tpu.memory_space<vmem>> -> memref<1x128xi32, #tpu.memory_space<vmem>>
      %dma_wait3A_98 = arith.constant 0 : i32
      %dma_wait3A_99 = tpu.memref_slice %arg2[%sub3A_54, %dma_wait3A_98] : memref<2592x128xi32, #tpu.memory_space<hbm>> -> memref<1x128xi32, #tpu.memory_space<hbm>>
      %dma_wait3A_100 = arith.constant 0 : i32
      %dma_wait3A_101 = arith.constant 0 : i32
      %dma_wait3A_102 = tpu.memref_slice %arg16[%dma_wait3A_100, %dma_wait3A_101] : memref<4x128xi32, #tpu.memory_space<vmem>> -> memref<1x128xi32, #tpu.memory_space<vmem>>
      %dma_wait3A_103 = arith.constant 0 : i32
      %dma_wait3A_104 = tpu.memref_slice %arg2[%sub3A_54, %dma_wait3A_103] : memref<2592x128xi32, #tpu.memory_space<hbm>> -> memref<1x128xi32, #tpu.memory_space<hbm>>
      tpu.wait_dma2 semaphore(%run_scoped3A_84 : memref<!tpu.dma_semaphore, #tpu.memory_space<semaphore_mem>>) src(%dma_wait3A_104 : memref<1x128xi32, #tpu.memory_space<hbm>>) dst(%dma_wait3A_102 : memref<1x128xi32, #tpu.memory_space<vmem>>)
      tpu.yield
    }) : () -> ()
    %add3A_55 = arith.constant 81 : i32
    %add3A_56 = arith.addi %mul3A_6, %add3A_55 : i32
    %sub3A_57 = arith.constant 1 : i32
    %sub3A_58 = arith.subi %add3A_56, %sub3A_57 : i32
    "tpu.region"() ({
      %run_scoped3A_84 = tpu.sem_alloc : memref<!tpu.dma_semaphore, #tpu.memory_space<semaphore_mem>>
      %dma_start3A_85 = arith.constant 0 : i32
      %dma_start3A_86 = arith.constant 0 : i32
      %dma_start3A_87 = tpu.memref_slice %arg18[%dma_start3A_85, %dma_start3A_86] : memref<4x128xi32, #tpu.memory_space<vmem>> -> memref<1x128xi32, #tpu.memory_space<vmem>>
      %dma_start3A_88 = arith.constant 0 : i32
      %dma_start3A_89 = tpu.memref_slice %arg3[%sub3A_58, %dma_start3A_88] : memref<2592x128xi32, #tpu.memory_space<hbm>> -> memref<1x128xi32, #tpu.memory_space<hbm>>
      %dma_start3A_90 = arith.constant 0 : i32
      %dma_start3A_91 = arith.constant 0 : i32
      %dma_start3A_92 = tpu.memref_slice %arg18[%dma_start3A_90, %dma_start3A_91] : memref<4x128xi32, #tpu.memory_space<vmem>> -> memref<1x128xi32, #tpu.memory_space<vmem>>
      %dma_start3A_93 = arith.constant 0 : i32
      %dma_start3A_94 = tpu.memref_slice %arg3[%sub3A_58, %dma_start3A_93] : memref<2592x128xi32, #tpu.memory_space<hbm>> -> memref<1x128xi32, #tpu.memory_space<hbm>>
      tpu.enqueue_dma source(%dma_start3A_94 : memref<1x128xi32, #tpu.memory_space<hbm>>) target(%dma_start3A_92 : memref<1x128xi32, #tpu.memory_space<vmem>>) target_semaphore(%run_scoped3A_84 : memref<!tpu.dma_semaphore, #tpu.memory_space<semaphore_mem>>)
      %dma_wait3A_95 = arith.constant 0 : i32
      %dma_wait3A_96 = arith.constant 0 : i32
      %dma_wait3A_97 = tpu.memref_slice %arg18[%dma_wait3A_95, %dma_wait3A_96] : memref<4x128xi32, #tpu.memory_space<vmem>> -> memref<1x128xi32, #tpu.memory_space<vmem>>
      %dma_wait3A_98 = arith.constant 0 : i32
      %dma_wait3A_99 = tpu.memref_slice %arg3[%sub3A_58, %dma_wait3A_98] : memref<2592x128xi32, #tpu.memory_space<hbm>> -> memref<1x128xi32, #tpu.memory_space<hbm>>
      %dma_wait3A_100 = arith.constant 0 : i32
      %dma_wait3A_101 = arith.constant 0 : i32
      %dma_wait3A_102 = tpu.memref_slice %arg18[%dma_wait3A_100, %dma_wait3A_101] : memref<4x128xi32, #tpu.memory_space<vmem>> -> memref<1x128xi32, #tpu.memory_space<vmem>>
      %dma_wait3A_103 = arith.constant 0 : i32
      %dma_wait3A_104 = tpu.memref_slice %arg3[%sub3A_58, %dma_wait3A_103] : memref<2592x128xi32, #tpu.memory_space<hbm>> -> memref<1x128xi32, #tpu.memory_space<hbm>>
      tpu.wait_dma2 semaphore(%run_scoped3A_84 : memref<!tpu.dma_semaphore, #tpu.memory_space<semaphore_mem>>) src(%dma_wait3A_104 : memref<1x128xi32, #tpu.memory_space<hbm>>) dst(%dma_wait3A_102 : memref<1x128xi32, #tpu.memory_space<vmem>>)
      tpu.yield
    }) : () -> ()
    %scan3A_59 = arith.constant 0 : i32
    %scan3A_60 = arith.constant 0 : i32
    %scan3A_61 = arith.constant 8 : i32
    %scan3A_62 = arith.addi %scan3A_60, %scan3A_61 : i32
    %scan3A_63 = arith.constant 1 : i32
    scf.for %scan3A_84 = %scan3A_60 to %scan3A_62 step %scan3A_63  : i32 {
      %mul3A_85 = arith.constant 16 : i32
      %mul3A_86 = arith.muli %scan3A_84, %mul3A_85 : i32
      %get3A_87 = arith.constant 0 : i32
      %get3A_88 = arith.index_cast %get3A_87 : i32 to index
      %get3A_89 = arith.index_cast %mul3A_86 : i32 to index
      %get3A_90 = tpu.vector_load %arg16[%get3A_88, %get3A_89] {strides = array<i32>} : memref<4x128xi32, #tpu.memory_space<vmem>>, vector<16xi32>,
      %get3A_91 = arith.constant 0 : i32
      %get3A_92 = arith.index_cast %get3A_91 : i32 to index
      %get3A_93 = arith.index_cast %mul3A_86 : i32 to index
      %get3A_94 = tpu.vector_load %arg18[%get3A_92, %get3A_93] {strides = array<i32>} : memref<4x128xi32, #tpu.memory_space<vmem>>, vector<16xi32>,
      %gather3A = tpu.vector_load_idx %arg13[%get3A_90] : memref<10008xf32, #tpu.memory_space<vmem>>[vector<16xi32>], vector<16xf32>,
      %gather3A_95 = tpu.vector_load_idx %arg14[%get3A_94] : memref<10008xf32, #tpu.memory_space<vmem>>[vector<16xi32>], vector<16xf32>,
      %add3A_96 = arith.addf %gather3A, %gather3A_95 : vector<16xf32>
      %mul3A_97 = arith.constant 2.000000e-01 : f32
      %mul3A_98 = vector.broadcast %mul3A_97 : f32 to vector<16xf32>
      %mul3A_99 = arith.mulf %mul3A_98, %add3A_96 : vector<16xf32>
      %max3A = arith.maximumf %add3A_96, %mul3A_99 : vector<16xf32>
      %sub3A_100 = arith.subf %max3A, %get3A_33 : vector<16xf32>
      %exp3A = math.exp %sub3A_100 : vector<16xf32>
      %add3A_101 = vector.broadcast %mul3A_86 : i32 to vector<16xi32>
      %add3A_102 = arith.addi %iota3A, %add3A_101 : vector<16xi32>
      tpu.vector_store_idx %arg20[%add3A_102, %broadcast_in_dim3A_18], %exp3A : memref<128x8xf32, #tpu.memory_space<vmem>>[vector<16xi32>, vector<16xi32>], vector<16xf32>,
      %gather3A_103 = tpu.vector_load_idx %arg12[%get3A_90, %broadcast_in_dim3A_20] : memref<10008x8xf32, #tpu.memory_space<vmem>>[vector<16xi32>, vector<16xi32>], vector<16xf32>,
      %mul3A_104 = arith.mulf %exp3A, %gather3A_103 : vector<16xf32>
      tpu.vector_store_idx %arg20[%add3A_102, %broadcast_in_dim3A_20], %mul3A_104 : memref<128x8xf32, #tpu.memory_space<vmem>>[vector<16xi32>, vector<16xi32>], vector<16xf32>,
      %gather3A_105 = tpu.vector_load_idx %arg12[%get3A_90, %broadcast_in_dim3A_22] : memref<10008x8xf32, #tpu.memory_space<vmem>>[vector<16xi32>, vector<16xi32>], vector<16xf32>,
      %mul3A_106 = arith.mulf %exp3A, %gather3A_105 : vector<16xf32>
      tpu.vector_store_idx %arg20[%add3A_102, %broadcast_in_dim3A_22], %mul3A_106 : memref<128x8xf32, #tpu.memory_space<vmem>>[vector<16xi32>, vector<16xi32>], vector<16xf32>,
      %gather3A_107 = tpu.vector_load_idx %arg12[%get3A_90, %broadcast_in_dim3A_24] : memref<10008x8xf32, #tpu.memory_space<vmem>>[vector<16xi32>, vector<16xi32>], vector<16xf32>,
      %mul3A_108 = arith.mulf %exp3A, %gather3A_107 : vector<16xf32>
      tpu.vector_store_idx %arg20[%add3A_102, %broadcast_in_dim3A_24], %mul3A_108 : memref<128x8xf32, #tpu.memory_space<vmem>>[vector<16xi32>, vector<16xi32>], vector<16xf32>,
      %gather3A_109 = tpu.vector_load_idx %arg12[%get3A_90, %broadcast_in_dim3A_26] : memref<10008x8xf32, #tpu.memory_space<vmem>>[vector<16xi32>, vector<16xi32>], vector<16xf32>,
      %mul3A_110 = arith.mulf %exp3A, %gather3A_109 : vector<16xf32>
      tpu.vector_store_idx %arg20[%add3A_102, %broadcast_in_dim3A_26], %mul3A_110 : memref<128x8xf32, #tpu.memory_space<vmem>>[vector<16xi32>, vector<16xi32>], vector<16xf32>,
      %gather3A_111 = tpu.vector_load_idx %arg12[%get3A_90, %broadcast_in_dim3A_28] : memref<10008x8xf32, #tpu.memory_space<vmem>>[vector<16xi32>, vector<16xi32>], vector<16xf32>,
      %mul3A_112 = arith.mulf %exp3A, %gather3A_111 : vector<16xf32>
      tpu.vector_store_idx %arg20[%add3A_102, %broadcast_in_dim3A_28], %mul3A_112 : memref<128x8xf32, #tpu.memory_space<vmem>>[vector<16xi32>, vector<16xi32>], vector<16xf32>,
      %gather3A_113 = tpu.vector_load_idx %arg12[%get3A_90, %broadcast_in_dim3A_30] : memref<10008x8xf32, #tpu.memory_space<vmem>>[vector<16xi32>, vector<16xi32>], vector<16xf32>,
      %mul3A_114 = arith.mulf %exp3A, %gather3A_113 : vector<16xf32>
      tpu.vector_store_idx %arg20[%add3A_102, %broadcast_in_dim3A_30], %mul3A_114 : memref<128x8xf32, #tpu.memory_space<vmem>>[vector<16xi32>, vector<16xi32>], vector<16xf32>,
      %gather3A_115 = tpu.vector_load_idx %arg12[%get3A_90, %broadcast_in_dim3A_32] : memref<10008x8xf32, #tpu.memory_space<vmem>>[vector<16xi32>, vector<16xi32>], vector<16xf32>,
      %mul3A_116 = arith.mulf %exp3A, %gather3A_115 : vector<16xf32>
      tpu.vector_store_idx %arg20[%add3A_102, %broadcast_in_dim3A_32], %mul3A_116 : memref<128x8xf32, #tpu.memory_space<vmem>>[vector<16xi32>, vector<16xi32>], vector<16xf32>,
    }
    %scan3A_64 = arith.constant 8 : i32
    %dma_start3A_65 = arith.constant 0 : i32
    %dma_start3A_66 = arith.constant 0 : i32
    %dma_start3A_67 = tpu.memref_slice %arg18[%dma_start3A_65, %dma_start3A_66] : memref<4x128xi32, #tpu.memory_space<vmem>> -> memref<1x128xi32, #tpu.memory_space<vmem>>
    %dma_start3A_68 = tpu.memref_squeeze %dma_start3A_67 : memref<1x128xi32, #tpu.memory_space<vmem>> -> memref<128xi32, #tpu.memory_space<vmem>>
    %dma_start3A_69 = arith.constant 0 : i32
    %dma_start3A_70 = arith.constant 0 : i32
    %dma_start3A_71 = tpu.memref_slice %arg11[%dma_start3A_69, %dma_start3A_70] : memref<10240x8xf32, #tpu.memory_space<vmem_shared>> -> memref<10240x8xf32, #tpu.memory_space<vmem_shared>>
    tpu.enqueue_indirect_dma source(%arg20 : memref<128x8xf32, #tpu.memory_space<vmem>>) target(%dma_start3A_71 : memref<10240x8xf32, #tpu.memory_space<vmem_shared>>) offsets(%dma_start3A_68 : memref<128xi32, #tpu.memory_space<vmem>>) semaphore(%arg22 : memref<!tpu.dma_semaphore, #tpu.memory_space<semaphore_mem>>) {add = true}
    %dma_wait3A_72 = arith.constant 0 : i32
    %dma_wait3A_73 = arith.constant 0 : i32
    %dma_wait3A_74 = tpu.memref_slice %arg18[%dma_wait3A_72, %dma_wait3A_73] : memref<4x128xi32, #tpu.memory_space<vmem>> -> memref<1x128xi32, #tpu.memory_space<vmem>>
    %dma_wait3A_75 = tpu.memref_squeeze %dma_wait3A_74 : memref<1x128xi32, #tpu.memory_space<vmem>> -> memref<128xi32, #tpu.memory_space<vmem>>
    %dma_wait3A_76 = arith.constant 0 : i32
    %dma_wait3A_77 = arith.constant 0 : i32
    %dma_wait3A_78 = tpu.memref_slice %arg11[%dma_wait3A_76, %dma_wait3A_77] : memref<10240x8xf32, #tpu.memory_space<vmem_shared>> -> memref<10240x8xf32, #tpu.memory_space<vmem_shared>>
    tpu.wait_indirect_dma semaphore(%arg22 : memref<!tpu.dma_semaphore, #tpu.memory_space<semaphore_mem>>) src(%arg20 : memref<128x8xf32, #tpu.memory_space<vmem>>) dst(%dma_wait3A_78 : memref<10240x8xf32, #tpu.memory_space<vmem_shared>>)
    %barrier3A_79 = arith.constant 0 : index
    tpu.barrier barrier_id(%barrier3A_79)
    %mul3A_80 = arith.constant 640 : i32
    %mul3A_81 = arith.muli %arg1, %mul3A_80 : i32
    %mul3A_82 = arith.constant 640 : i32
    %mul3A_83 = arith.muli %arg1, %mul3A_82 : i32
    "tpu.region"() ({
      %run_scoped3A_84 = tpu.sem_alloc : memref<!tpu.dma_semaphore, #tpu.memory_space<semaphore_mem>>
      %dma_start3A_85 = arith.constant 0 : i32
      %dma_start3A_86 = tpu.memref_slice %arg10[%arg0, %mul3A_83, %dma_start3A_85] : memref<2x10240x8xf32, #tpu.memory_space<hbm>> -> memref<1x640x8xf32, #tpu.memory_space<hbm>>
      %dma_start3A_87 = tpu.memref_squeeze %dma_start3A_86 : memref<1x640x8xf32, #tpu.memory_space<hbm>> -> memref<640x8xf32, #tpu.memory_space<hbm>>
      %dma_start3A_88 = arith.constant 0 : i32
      %dma_start3A_89 = tpu.memref_slice %arg11[%mul3A_81, %dma_start3A_88] : memref<10240x8xf32, #tpu.memory_space<vmem_shared>> -> memref<640x8xf32, #tpu.memory_space<vmem_shared>>
      tpu.enqueue_dma source(%dma_start3A_89 : memref<640x8xf32, #tpu.memory_space<vmem_shared>>) target(%dma_start3A_87 : memref<640x8xf32, #tpu.memory_space<hbm>>) target_semaphore(%run_scoped3A_84 : memref<!tpu.dma_semaphore, #tpu.memory_space<semaphore_mem>>)
      %dma_wait3A_90 = arith.constant 0 : i32
      %dma_wait3A_91 = tpu.memref_slice %arg10[%arg0, %mul3A_83, %dma_wait3A_90] : memref<2x10240x8xf32, #tpu.memory_space<hbm>> -> memref<1x640x8xf32, #tpu.memory_space<hbm>>
      %dma_wait3A_92 = tpu.memref_squeeze %dma_wait3A_91 : memref<1x640x8xf32, #tpu.memory_space<hbm>> -> memref<640x8xf32, #tpu.memory_space<hbm>>
      %dma_wait3A_93 = arith.constant 0 : i32
      %dma_wait3A_94 = tpu.memref_slice %arg11[%mul3A_81, %dma_wait3A_93] : memref<10240x8xf32, #tpu.memory_space<vmem_shared>> -> memref<640x8xf32, #tpu.memory_space<vmem_shared>>
      tpu.wait_dma2 semaphore(%run_scoped3A_84 : memref<!tpu.dma_semaphore, #tpu.memory_space<semaphore_mem>>) src(%dma_wait3A_94 : memref<640x8xf32, #tpu.memory_space<vmem_shared>>) dst(%dma_wait3A_92 : memref<640x8xf32, #tpu.memory_space<hbm>>)
      tpu.yield
    }) : () -> ()
    return
  }
}

#map = affine_map<(d0, d1) -> (0, 0)>
#map1 = affine_map<(d0, d1) -> (0)>
#map2 = affine_map<(d0, d1) -> (0, 0, 0)>
module attributes {stable_mosaic.version = 14 : i64} {
  func.func @_sc_edges(%arg0: i32, %arg1: i32, %arg2: memref<2592x128xi32, #tpu.memory_space<hbm>>, %arg3: memref<2592x128xi32, #tpu.memory_space<hbm>>, %arg4: memref<10008x8xf32, #tpu.memory_space<hbm>>, %arg5: memref<10008xf32, #tpu.memory_space<hbm>>, %arg6: memref<10008xf32, #tpu.memory_space<hbm>>, %arg7: memref<1x16xf32, #tpu.memory_space<hbm>>, %arg8: memref<10240x8xf32, #tpu.memory_space<hbm>>, %arg9: memref<10240xf32, #tpu.memory_space<hbm>>, %arg10: memref<2x10240x8xf32, #tpu.memory_space<hbm>>, %arg11: memref<2x10240xf32, #tpu.memory_space<hbm>>, %arg12: memref<10240x8xf32, #tpu.memory_space<vmem_shared>>, %arg13: memref<10008x8xf32, #tpu.memory_space<vmem>>, %arg14: memref<10008xf32, #tpu.memory_space<vmem>>, %arg15: memref<10008xf32, #tpu.memory_space<vmem>>, %arg16: memref<16xf32, #tpu.memory_space<vmem>>, %arg17: memref<4x128xi32, #tpu.memory_space<vmem>>, %arg18: memref<4x128xi32, #tpu.memory_space<vmem>>, %arg19: memref<4x128xi32, #tpu.memory_space<vmem>>, %arg20: memref<4x128xi32, #tpu.memory_space<vmem>>, %arg21: memref<128x8xf32, #tpu.memory_space<vmem>>, %arg22: memref<128x8xf32, #tpu.memory_space<vmem>>, %arg23: memref<!tpu.dma_semaphore, #tpu.memory_space<semaphore_mem>>, %arg24: memref<!tpu.dma_semaphore, #tpu.memory_space<semaphore_mem>>, %arg25: memref<!tpu.dma_semaphore, #tpu.memory_space<semaphore_mem>>, %arg26: memref<!tpu.dma_semaphore, #tpu.memory_space<semaphore_mem>>, %arg27: memref<10240xf32, #tpu.memory_space<vmem_shared>>, %arg28: memref<128xf32, #tpu.memory_space<vmem>>, %arg29: memref<128xf32, #tpu.memory_space<vmem>>) attributes {dimension_semantics = [#tpu.dimension_semantics<core_parallel>, #tpu.dimension_semantics<subcore_parallel>], iteration_bounds = array<i64: 2, 16>, scalar_prefetch = 0 : i64, scratch_operands = 18 : i64, tpu.core_type = #tpu.core_type<sc_vector_subcore>, window_params = [{transform_indices = #map}, {transform_indices = #map}, {transform_indices = #map}, {transform_indices = #map1}, {transform_indices = #map1}, {transform_indices = #map}, {transform_indices = #map}, {transform_indices = #map1}, {transform_indices = #map2}, {transform_indices = #map}]} {
    %mul3A = arith.constant 16 : i32
    %mul3A_0 = arith.muli %arg0, %mul3A : i32
    %add3A = arith.addi %mul3A_0, %arg1 : i32
    "tpu.region"() ({
      %run_scoped3A_118 = tpu.sem_alloc : memref<!tpu.dma_semaphore, #tpu.memory_space<semaphore_mem>>
      tpu.enqueue_dma source(%arg4 : memref<10008x8xf32, #tpu.memory_space<hbm>>) target(%arg13 : memref<10008x8xf32, #tpu.memory_space<vmem>>) target_semaphore(%run_scoped3A_118 : memref<!tpu.dma_semaphore, #tpu.memory_space<semaphore_mem>>)
      tpu.wait_dma2 semaphore(%run_scoped3A_118 : memref<!tpu.dma_semaphore, #tpu.memory_space<semaphore_mem>>) src(%arg4 : memref<10008x8xf32, #tpu.memory_space<hbm>>) dst(%arg13 : memref<10008x8xf32, #tpu.memory_space<vmem>>)
      tpu.yield
    }) : () -> ()
    "tpu.region"() ({
      %run_scoped3A_118 = tpu.sem_alloc : memref<!tpu.dma_semaphore, #tpu.memory_space<semaphore_mem>>
      tpu.enqueue_dma source(%arg5 : memref<10008xf32, #tpu.memory_space<hbm>>) target(%arg14 : memref<10008xf32, #tpu.memory_space<vmem>>) target_semaphore(%run_scoped3A_118 : memref<!tpu.dma_semaphore, #tpu.memory_space<semaphore_mem>>)
      tpu.wait_dma2 semaphore(%run_scoped3A_118 : memref<!tpu.dma_semaphore, #tpu.memory_space<semaphore_mem>>) src(%arg5 : memref<10008xf32, #tpu.memory_space<hbm>>) dst(%arg14 : memref<10008xf32, #tpu.memory_space<vmem>>)
      tpu.yield
    }) : () -> ()
    "tpu.region"() ({
      %run_scoped3A_118 = tpu.sem_alloc : memref<!tpu.dma_semaphore, #tpu.memory_space<semaphore_mem>>
      tpu.enqueue_dma source(%arg6 : memref<10008xf32, #tpu.memory_space<hbm>>) target(%arg15 : memref<10008xf32, #tpu.memory_space<vmem>>) target_semaphore(%run_scoped3A_118 : memref<!tpu.dma_semaphore, #tpu.memory_space<semaphore_mem>>)
      tpu.wait_dma2 semaphore(%run_scoped3A_118 : memref<!tpu.dma_semaphore, #tpu.memory_space<semaphore_mem>>) src(%arg6 : memref<10008xf32, #tpu.memory_space<hbm>>) dst(%arg15 : memref<10008xf32, #tpu.memory_space<vmem>>)
      tpu.yield
    }) : () -> ()
    %run_scoped3A = arith.constant 0 : i32
    "tpu.region"() ({
      %run_scoped3A_118 = tpu.sem_alloc : memref<!tpu.dma_semaphore, #tpu.memory_space<semaphore_mem>>
      %dma_start3A_119 = arith.constant 0 : i32
      %dma_start3A_120 = tpu.memref_slice %arg7[%run_scoped3A, %dma_start3A_119] : memref<1x16xf32, #tpu.memory_space<hbm>> -> memref<1x16xf32, #tpu.memory_space<hbm>>
      %dma_start3A_121 = tpu.memref_squeeze %dma_start3A_120 : memref<1x16xf32, #tpu.memory_space<hbm>> -> memref<16xf32, #tpu.memory_space<hbm>>
      %dma_start3A_122 = arith.constant 0 : i32
      %dma_start3A_123 = tpu.memref_slice %arg7[%run_scoped3A, %dma_start3A_122] : memref<1x16xf32, #tpu.memory_space<hbm>> -> memref<1x16xf32, #tpu.memory_space<hbm>>
      %dma_start3A_124 = tpu.memref_squeeze %dma_start3A_123 : memref<1x16xf32, #tpu.memory_space<hbm>> -> memref<16xf32, #tpu.memory_space<hbm>>
      tpu.enqueue_dma source(%dma_start3A_124 : memref<16xf32, #tpu.memory_space<hbm>>) target(%arg16 : memref<16xf32, #tpu.memory_space<vmem>>) target_semaphore(%run_scoped3A_118 : memref<!tpu.dma_semaphore, #tpu.memory_space<semaphore_mem>>)
      %dma_wait3A_125 = arith.constant 0 : i32
      %dma_wait3A_126 = tpu.memref_slice %arg7[%run_scoped3A, %dma_wait3A_125] : memref<1x16xf32, #tpu.memory_space<hbm>> -> memref<1x16xf32, #tpu.memory_space<hbm>>
      %dma_wait3A_127 = tpu.memref_squeeze %dma_wait3A_126 : memref<1x16xf32, #tpu.memory_space<hbm>> -> memref<16xf32, #tpu.memory_space<hbm>>
      %dma_wait3A_128 = arith.constant 0 : i32
      %dma_wait3A_129 = tpu.memref_slice %arg7[%run_scoped3A, %dma_wait3A_128] : memref<1x16xf32, #tpu.memory_space<hbm>> -> memref<1x16xf32, #tpu.memory_space<hbm>>
      %dma_wait3A_130 = tpu.memref_squeeze %dma_wait3A_129 : memref<1x16xf32, #tpu.memory_space<hbm>> -> memref<16xf32, #tpu.memory_space<hbm>>
      tpu.wait_dma2 semaphore(%run_scoped3A_118 : memref<!tpu.dma_semaphore, #tpu.memory_space<semaphore_mem>>) src(%dma_wait3A_130 : memref<16xf32, #tpu.memory_space<hbm>>) dst(%arg16 : memref<16xf32, #tpu.memory_space<vmem>>)
      tpu.yield
    }) : () -> ()
    %mul3A_1 = arith.constant 640 : i32
    %mul3A_2 = arith.muli %arg1, %mul3A_1 : i32
    %mul3A_3 = arith.constant 640 : i32
    %mul3A_4 = arith.muli %arg1, %mul3A_3 : i32
    "tpu.region"() ({
      %run_scoped3A_118 = tpu.sem_alloc : memref<!tpu.dma_semaphore, #tpu.memory_space<semaphore_mem>>
      %dma_start3A_119 = arith.constant 0 : i32
      %dma_start3A_120 = tpu.memref_slice %arg12[%mul3A_4, %dma_start3A_119] : memref<10240x8xf32, #tpu.memory_space<vmem_shared>> -> memref<640x8xf32, #tpu.memory_space<vmem_shared>>
      %dma_start3A_121 = arith.constant 0 : i32
      %dma_start3A_122 = tpu.memref_slice %arg8[%mul3A_2, %dma_start3A_121] : memref<10240x8xf32, #tpu.memory_space<hbm>> -> memref<640x8xf32, #tpu.memory_space<hbm>>
      tpu.enqueue_dma source(%dma_start3A_122 : memref<640x8xf32, #tpu.memory_space<hbm>>) target(%dma_start3A_120 : memref<640x8xf32, #tpu.memory_space<vmem_shared>>) target_semaphore(%run_scoped3A_118 : memref<!tpu.dma_semaphore, #tpu.memory_space<semaphore_mem>>)
      %dma_wait3A_123 = arith.constant 0 : i32
      %dma_wait3A_124 = tpu.memref_slice %arg12[%mul3A_4, %dma_wait3A_123] : memref<10240x8xf32, #tpu.memory_space<vmem_shared>> -> memref<640x8xf32, #tpu.memory_space<vmem_shared>>
      %dma_wait3A_125 = arith.constant 0 : i32
      %dma_wait3A_126 = tpu.memref_slice %arg8[%mul3A_2, %dma_wait3A_125] : memref<10240x8xf32, #tpu.memory_space<hbm>> -> memref<640x8xf32, #tpu.memory_space<hbm>>
      tpu.wait_dma2 semaphore(%run_scoped3A_118 : memref<!tpu.dma_semaphore, #tpu.memory_space<semaphore_mem>>) src(%dma_wait3A_126 : memref<640x8xf32, #tpu.memory_space<hbm>>) dst(%dma_wait3A_124 : memref<640x8xf32, #tpu.memory_space<vmem_shared>>)
      tpu.yield
    }) : () -> ()
    %mul3A_5 = arith.constant 640 : i32
    %mul3A_6 = arith.muli %arg1, %mul3A_5 : i32
    %mul3A_7 = arith.constant 640 : i32
    %mul3A_8 = arith.muli %arg1, %mul3A_7 : i32
    "tpu.region"() ({
      %run_scoped3A_118 = tpu.sem_alloc : memref<!tpu.dma_semaphore, #tpu.memory_space<semaphore_mem>>
      %dma_start3A_119 = tpu.memref_slice %arg27[%mul3A_8] : memref<10240xf32, #tpu.memory_space<vmem_shared>> -> memref<640xf32, #tpu.memory_space<vmem_shared>>
      %dma_start3A_120 = tpu.memref_slice %arg9[%mul3A_6] : memref<10240xf32, #tpu.memory_space<hbm>> -> memref<640xf32, #tpu.memory_space<hbm>>
      tpu.enqueue_dma source(%dma_start3A_120 : memref<640xf32, #tpu.memory_space<hbm>>) target(%dma_start3A_119 : memref<640xf32, #tpu.memory_space<vmem_shared>>) target_semaphore(%run_scoped3A_118 : memref<!tpu.dma_semaphore, #tpu.memory_space<semaphore_mem>>)
      %dma_wait3A_121 = tpu.memref_slice %arg27[%mul3A_8] : memref<10240xf32, #tpu.memory_space<vmem_shared>> -> memref<640xf32, #tpu.memory_space<vmem_shared>>
      %dma_wait3A_122 = tpu.memref_slice %arg9[%mul3A_6] : memref<10240xf32, #tpu.memory_space<hbm>> -> memref<640xf32, #tpu.memory_space<hbm>>
      tpu.wait_dma2 semaphore(%run_scoped3A_118 : memref<!tpu.dma_semaphore, #tpu.memory_space<semaphore_mem>>) src(%dma_wait3A_122 : memref<640xf32, #tpu.memory_space<hbm>>) dst(%dma_wait3A_121 : memref<640xf32, #tpu.memory_space<vmem_shared>>)
      tpu.yield
    }) : () -> ()
    %mul3A_9 = arith.constant 81 : i32
    %mul3A_10 = arith.muli %add3A, %mul3A_9 : i32
    %add3A_11 = arith.constant 0 : i32
    %add3A_12 = arith.addi %mul3A_10, %add3A_11 : i32
    %dma_start3A = arith.constant 0 : i32
    %dma_start3A_13 = tpu.memref_slice %arg2[%add3A_12, %dma_start3A] : memref<2592x128xi32, #tpu.memory_space<hbm>> -> memref<4x128xi32, #tpu.memory_space<hbm>>
    %dma_start3A_14 = arith.constant 0 : i32
    %dma_start3A_15 = tpu.memref_slice %arg2[%add3A_12, %dma_start3A_14] : memref<2592x128xi32, #tpu.memory_space<hbm>> -> memref<4x128xi32, #tpu.memory_space<hbm>>
    tpu.enqueue_dma source(%dma_start3A_15 : memref<4x128xi32, #tpu.memory_space<hbm>>) target(%arg17 : memref<4x128xi32, #tpu.memory_space<vmem>>) target_semaphore(%arg25 : memref<!tpu.dma_semaphore, #tpu.memory_space<semaphore_mem>>)
    %add3A_16 = arith.constant 0 : i32
    %add3A_17 = arith.addi %mul3A_10, %add3A_16 : i32
    %dma_start3A_18 = arith.constant 0 : i32
    %dma_start3A_19 = tpu.memref_slice %arg3[%add3A_17, %dma_start3A_18] : memref<2592x128xi32, #tpu.memory_space<hbm>> -> memref<4x128xi32, #tpu.memory_space<hbm>>
    %dma_start3A_20 = arith.constant 0 : i32
    %dma_start3A_21 = tpu.memref_slice %arg3[%add3A_17, %dma_start3A_20] : memref<2592x128xi32, #tpu.memory_space<hbm>> -> memref<4x128xi32, #tpu.memory_space<hbm>>
    tpu.enqueue_dma source(%dma_start3A_21 : memref<4x128xi32, #tpu.memory_space<hbm>>) target(%arg19 : memref<4x128xi32, #tpu.memory_space<vmem>>) target_semaphore(%arg25 : memref<!tpu.dma_semaphore, #tpu.memory_space<semaphore_mem>>)
    %barrier3A = arith.constant 0 : index
    tpu.barrier barrier_id(%barrier3A)
    %iota3A = tpu.iota {dimensions = array<i32: 0>} : vector<16xi32>
    %broadcast_in_dim3A = arith.constant 7 : i32
    %broadcast_in_dim3A_22 = vector.broadcast %broadcast_in_dim3A : i32 to vector<16xi32>
    %broadcast_in_dim3A_23 = arith.constant 0 : i32
    %broadcast_in_dim3A_24 = vector.broadcast %broadcast_in_dim3A_23 : i32 to vector<16xi32>
    %broadcast_in_dim3A_25 = arith.constant 1 : i32
    %broadcast_in_dim3A_26 = vector.broadcast %broadcast_in_dim3A_25 : i32 to vector<16xi32>
    %broadcast_in_dim3A_27 = arith.constant 2 : i32
    %broadcast_in_dim3A_28 = vector.broadcast %broadcast_in_dim3A_27 : i32 to vector<16xi32>
    %broadcast_in_dim3A_29 = arith.constant 3 : i32
    %broadcast_in_dim3A_30 = vector.broadcast %broadcast_in_dim3A_29 : i32 to vector<16xi32>
    %broadcast_in_dim3A_31 = arith.constant 4 : i32
    %broadcast_in_dim3A_32 = vector.broadcast %broadcast_in_dim3A_31 : i32 to vector<16xi32>
    %broadcast_in_dim3A_33 = arith.constant 5 : i32
    %broadcast_in_dim3A_34 = vector.broadcast %broadcast_in_dim3A_33 : i32 to vector<16xi32>
    %broadcast_in_dim3A_35 = arith.constant 6 : i32
    %broadcast_in_dim3A_36 = vector.broadcast %broadcast_in_dim3A_35 : i32 to vector<16xi32>
    %broadcast_in_dim3A_37 = arith.constant 7 : i32
    %broadcast_in_dim3A_38 = vector.broadcast %broadcast_in_dim3A_37 : i32 to vector<16xi32>
    %get3A = arith.constant 0 : index
    %get3A_39 = tpu.vector_load %arg16[%get3A] {strides = array<i32>} : memref<16xf32, #tpu.memory_space<vmem>>, vector<16xf32>,
    %scan3A = arith.constant 0 : i32
    %scan3A_40 = arith.constant 0 : i32
    %scan3A_41 = arith.constant 10 : i32
    %scan3A_42 = arith.addi %scan3A_40, %scan3A_41 : i32
    %scan3A_43 = arith.constant 1 : i32
    scf.for %scan3A_118 = %scan3A_40 to %scan3A_42 step %scan3A_43  : i32 {
      %mul3A_119 = arith.constant 2 : i32
      %mul3A_120 = arith.muli %mul3A_119, %scan3A_118 : i32
      %add3A_121 = arith.constant 0 : i32
      %add3A_122 = arith.addi %mul3A_120, %add3A_121 : i32
      %dma_wait3A_123 = arith.constant 0 : i32
      %dma_wait3A_124 = arith.constant 0 : i32
      %dma_wait3A_125 = tpu.memref_slice %arg2[%dma_wait3A_123, %dma_wait3A_124] : memref<2592x128xi32, #tpu.memory_space<hbm>> -> memref<4x128xi32, #tpu.memory_space<hbm>>
      %dma_wait3A_126 = arith.constant 0 : i32
      %dma_wait3A_127 = arith.constant 0 : i32
      %dma_wait3A_128 = tpu.memref_slice %arg2[%dma_wait3A_126, %dma_wait3A_127] : memref<2592x128xi32, #tpu.memory_space<hbm>> -> memref<4x128xi32, #tpu.memory_space<hbm>>
      tpu.wait_dma2 semaphore(%arg25 : memref<!tpu.dma_semaphore, #tpu.memory_space<semaphore_mem>>) src(%dma_wait3A_128 : memref<4x128xi32, #tpu.memory_space<hbm>>) dst(%arg17 : memref<4x128xi32, #tpu.memory_space<vmem>>)
      %dma_wait3A_129 = arith.constant 0 : i32
      %dma_wait3A_130 = arith.constant 0 : i32
      %dma_wait3A_131 = tpu.memref_slice %arg3[%dma_wait3A_129, %dma_wait3A_130] : memref<2592x128xi32, #tpu.memory_space<hbm>> -> memref<4x128xi32, #tpu.memory_space<hbm>>
      %dma_wait3A_132 = arith.constant 0 : i32
      %dma_wait3A_133 = arith.constant 0 : i32
      %dma_wait3A_134 = tpu.memref_slice %arg3[%dma_wait3A_132, %dma_wait3A_133] : memref<2592x128xi32, #tpu.memory_space<hbm>> -> memref<4x128xi32, #tpu.memory_space<hbm>>
      tpu.wait_dma2 semaphore(%arg25 : memref<!tpu.dma_semaphore, #tpu.memory_space<semaphore_mem>>) src(%dma_wait3A_134 : memref<4x128xi32, #tpu.memory_space<hbm>>) dst(%arg19 : memref<4x128xi32, #tpu.memory_space<vmem>>)
      %lt3A = arith.constant 19 : i32
      %lt3A_135 = arith.cmpi slt, %add3A_122, %lt3A : i32
      %convert_element_type3A = arith.extui %lt3A_135 : i1 to i32
      %cond3A = arith.constant 0 : i32
      %cond3A_136 = arith.cmpi ne, %convert_element_type3A, %cond3A : i32
      scf.if %cond3A_136 {
        %add3A_381 = arith.constant 1 : i32
        %add3A_382 = arith.addi %add3A_122, %add3A_381 : i32
        %mul3A_383 = arith.constant 4 : i32
        %mul3A_384 = arith.muli %add3A_382, %mul3A_383 : i32
        %add3A_385 = arith.addi %mul3A_10, %mul3A_384 : i32
        %dma_start3A_386 = arith.constant 0 : i32
        %dma_start3A_387 = tpu.memref_slice %arg2[%add3A_385, %dma_start3A_386] : memref<2592x128xi32, #tpu.memory_space<hbm>> -> memref<4x128xi32, #tpu.memory_space<hbm>>
        %dma_start3A_388 = arith.constant 0 : i32
        %dma_start3A_389 = tpu.memref_slice %arg2[%add3A_385, %dma_start3A_388] : memref<2592x128xi32, #tpu.memory_space<hbm>> -> memref<4x128xi32, #tpu.memory_space<hbm>>
        tpu.enqueue_dma source(%dma_start3A_389 : memref<4x128xi32, #tpu.memory_space<hbm>>) target(%arg18 : memref<4x128xi32, #tpu.memory_space<vmem>>) target_semaphore(%arg26 : memref<!tpu.dma_semaphore, #tpu.memory_space<semaphore_mem>>)
        %mul3A_390 = arith.constant 4 : i32
        %mul3A_391 = arith.muli %add3A_382, %mul3A_390 : i32
        %add3A_392 = arith.addi %mul3A_10, %mul3A_391 : i32
        %dma_start3A_393 = arith.constant 0 : i32
        %dma_start3A_394 = tpu.memref_slice %arg3[%add3A_392, %dma_start3A_393] : memref<2592x128xi32, #tpu.memory_space<hbm>> -> memref<4x128xi32, #tpu.memory_space<hbm>>
        %dma_start3A_395 = arith.constant 0 : i32
        %dma_start3A_396 = tpu.memref_slice %arg3[%add3A_392, %dma_start3A_395] : memref<2592x128xi32, #tpu.memory_space<hbm>> -> memref<4x128xi32, #tpu.memory_space<hbm>>
        tpu.enqueue_dma source(%dma_start3A_396 : memref<4x128xi32, #tpu.memory_space<hbm>>) target(%arg20 : memref<4x128xi32, #tpu.memory_space<vmem>>) target_semaphore(%arg26 : memref<!tpu.dma_semaphore, #tpu.memory_space<semaphore_mem>>)
      } else {
      }
      %mul3A_137 = arith.constant 4 : i32
      %mul3A_138 = arith.muli %add3A_122, %mul3A_137 : i32
      %add3A_139 = arith.constant 0 : i32
      %add3A_140 = arith.addi %mul3A_138, %add3A_139 : i32
      %ge3A = arith.constant 2 : i32
      %ge3A_141 = arith.cmpi sge, %add3A_140, %ge3A : i32
      %convert_element_type3A_142 = arith.extui %ge3A_141 : i1 to i32
      %cond3A_143 = arith.constant 0 : i32
      %cond3A_144 = arith.cmpi ne, %convert_element_type3A_142, %cond3A_143 : i32
      scf.if %cond3A_144 {
        %dma_wait3A_381 = arith.constant 0 : i32
        %dma_wait3A_382 = arith.constant 0 : i32
        %dma_wait3A_383 = tpu.memref_slice %arg19[%dma_wait3A_381, %dma_wait3A_382] : memref<4x128xi32, #tpu.memory_space<vmem>> -> memref<1x128xi32, #tpu.memory_space<vmem>>
        %dma_wait3A_384 = tpu.memref_squeeze %dma_wait3A_383 : memref<1x128xi32, #tpu.memory_space<vmem>> -> memref<128xi32, #tpu.memory_space<vmem>>
        %dma_wait3A_385 = arith.constant 0 : i32
        %dma_wait3A_386 = arith.constant 0 : i32
        %dma_wait3A_387 = tpu.memref_slice %arg12[%dma_wait3A_385, %dma_wait3A_386] : memref<10240x8xf32, #tpu.memory_space<vmem_shared>> -> memref<10240x8xf32, #tpu.memory_space<vmem_shared>>
        tpu.wait_indirect_dma semaphore(%arg23 : memref<!tpu.dma_semaphore, #tpu.memory_space<semaphore_mem>>) src(%arg21 : memref<128x8xf32, #tpu.memory_space<vmem>>) dst(%dma_wait3A_387 : memref<10240x8xf32, #tpu.memory_space<vmem_shared>>)
        %dma_wait3A_388 = arith.constant 0 : i32
        %dma_wait3A_389 = arith.constant 0 : i32
        %dma_wait3A_390 = tpu.memref_slice %arg19[%dma_wait3A_388, %dma_wait3A_389] : memref<4x128xi32, #tpu.memory_space<vmem>> -> memref<1x128xi32, #tpu.memory_space<vmem>>
        %dma_wait3A_391 = tpu.memref_squeeze %dma_wait3A_390 : memref<1x128xi32, #tpu.memory_space<vmem>> -> memref<128xi32, #tpu.memory_space<vmem>>
        %dma_wait3A_392 = arith.constant 0 : i32
        %dma_wait3A_393 = tpu.memref_slice %arg27[%dma_wait3A_392] : memref<10240xf32, #tpu.memory_space<vmem_shared>> -> memref<10240xf32, #tpu.memory_space<vmem_shared>>
        tpu.wait_indirect_dma semaphore(%arg23 : memref<!tpu.dma_semaphore, #tpu.memory_space<semaphore_mem>>) src(%arg28 : memref<128xf32, #tpu.memory_space<vmem>>) dst(%dma_wait3A_393 : memref<10240xf32, #tpu.memory_space<vmem_shared>>)
      } else {
      }
      %scan3A_145 = arith.constant 0 : i32
      %scan3A_146 = arith.constant 0 : i32
      %scan3A_147 = arith.constant 8 : i32
      %scan3A_148 = arith.addi %scan3A_146, %scan3A_147 : i32
      %scan3A_149 = arith.constant 1 : i32
      scf.for %scan3A_381 = %scan3A_146 to %scan3A_148 step %scan3A_149  : i32 {
        %mul3A_382 = arith.constant 16 : i32
        %mul3A_383 = arith.muli %scan3A_381, %mul3A_382 : i32
        %get3A_384 = arith.constant 0 : i32
        %get3A_385 = arith.index_cast %get3A_384 : i32 to index
        %get3A_386 = arith.index_cast %mul3A_383 : i32 to index
        %get3A_387 = tpu.vector_load %arg17[%get3A_385, %get3A_386] {strides = array<i32>} : memref<4x128xi32, #tpu.memory_space<vmem>>, vector<16xi32>,
        %get3A_388 = arith.constant 0 : i32
        %get3A_389 = arith.index_cast %get3A_388 : i32 to index
        %get3A_390 = arith.index_cast %mul3A_383 : i32 to index
        %get3A_391 = tpu.vector_load %arg19[%get3A_389, %get3A_390] {strides = array<i32>} : memref<4x128xi32, #tpu.memory_space<vmem>>, vector<16xi32>,
        %gather3A = tpu.vector_load_idx %arg14[%get3A_387] : memref<10008xf32, #tpu.memory_space<vmem>>[vector<16xi32>], vector<16xf32>,
        %gather3A_392 = tpu.vector_load_idx %arg15[%get3A_391] : memref<10008xf32, #tpu.memory_space<vmem>>[vector<16xi32>], vector<16xf32>,
        %add3A_393 = arith.addf %gather3A, %gather3A_392 : vector<16xf32>
        %mul3A_394 = arith.constant 2.000000e-01 : f32
        %mul3A_395 = vector.broadcast %mul3A_394 : f32 to vector<16xf32>
        %mul3A_396 = arith.mulf %mul3A_395, %add3A_393 : vector<16xf32>
        %max3A = arith.maximumf %add3A_393, %mul3A_396 : vector<16xf32>
        %sub3A_397 = arith.subf %max3A, %get3A_39 : vector<16xf32>
        %exp3A = math.exp %sub3A_397 : vector<16xf32>
        %add3A_398 = vector.broadcast %mul3A_383 : i32 to vector<16xi32>
        %add3A_399 = arith.addi %iota3A, %add3A_398 : vector<16xi32>
        %swap3A = arith.index_cast %mul3A_383 : i32 to index
        %swap3A_400 = tpu.vector_load %arg28[%swap3A] {strides = array<i32>} : memref<128xf32, #tpu.memory_space<vmem>>, vector<16xf32>,
        tpu.vector_store %arg28[%swap3A], %exp3A {strides = array<i32>} : memref<128xf32, #tpu.memory_space<vmem>>, vector<16xf32>,
        %gather3A_401 = tpu.vector_load_idx %arg13[%get3A_387, %broadcast_in_dim3A_24] : memref<10008x8xf32, #tpu.memory_space<vmem>>[vector<16xi32>, vector<16xi32>], vector<16xf32>,
        %mul3A_402 = arith.mulf %exp3A, %gather3A_401 : vector<16xf32>
        tpu.vector_store_idx %arg21[%add3A_399, %broadcast_in_dim3A_24], %mul3A_402 : memref<128x8xf32, #tpu.memory_space<vmem>>[vector<16xi32>, vector<16xi32>], vector<16xf32>,
        %gather3A_403 = tpu.vector_load_idx %arg13[%get3A_387, %broadcast_in_dim3A_26] : memref<10008x8xf32, #tpu.memory_space<vmem>>[vector<16xi32>, vector<16xi32>], vector<16xf32>,
        %mul3A_404 = arith.mulf %exp3A, %gather3A_403 : vector<16xf32>
        tpu.vector_store_idx %arg21[%add3A_399, %broadcast_in_dim3A_26], %mul3A_404 : memref<128x8xf32, #tpu.memory_space<vmem>>[vector<16xi32>, vector<16xi32>], vector<16xf32>,
        %gather3A_405 = tpu.vector_load_idx %arg13[%get3A_387, %broadcast_in_dim3A_28] : memref<10008x8xf32, #tpu.memory_space<vmem>>[vector<16xi32>, vector<16xi32>], vector<16xf32>,
        %mul3A_406 = arith.mulf %exp3A, %gather3A_405 : vector<16xf32>
        tpu.vector_store_idx %arg21[%add3A_399, %broadcast_in_dim3A_28], %mul3A_406 : memref<128x8xf32, #tpu.memory_space<vmem>>[vector<16xi32>, vector<16xi32>], vector<16xf32>,
        %gather3A_407 = tpu.vector_load_idx %arg13[%get3A_387, %broadcast_in_dim3A_30] : memref<10008x8xf32, #tpu.memory_space<vmem>>[vector<16xi32>, vector<16xi32>], vector<16xf32>,
        %mul3A_408 = arith.mulf %exp3A, %gather3A_407 : vector<16xf32>
        tpu.vector_store_idx %arg21[%add3A_399, %broadcast_in_dim3A_30], %mul3A_408 : memref<128x8xf32, #tpu.memory_space<vmem>>[vector<16xi32>, vector<16xi32>], vector<16xf32>,
        %gather3A_409 = tpu.vector_load_idx %arg13[%get3A_387, %broadcast_in_dim3A_32] : memref<10008x8xf32, #tpu.memory_space<vmem>>[vector<16xi32>, vector<16xi32>], vector<16xf32>,
        %mul3A_410 = arith.mulf %exp3A, %gather3A_409 : vector<16xf32>
        tpu.vector_store_idx %arg21[%add3A_399, %broadcast_in_dim3A_32], %mul3A_410 : memref<128x8xf32, #tpu.memory_space<vmem>>[vector<16xi32>, vector<16xi32>], vector<16xf32>,
        %gather3A_411 = tpu.vector_load_idx %arg13[%get3A_387, %broadcast_in_dim3A_34] : memref<10008x8xf32, #tpu.memory_space<vmem>>[vector<16xi32>, vector<16xi32>], vector<16xf32>,
        %mul3A_412 = arith.mulf %exp3A, %gather3A_411 : vector<16xf32>
        tpu.vector_store_idx %arg21[%add3A_399, %broadcast_in_dim3A_34], %mul3A_412 : memref<128x8xf32, #tpu.memory_space<vmem>>[vector<16xi32>, vector<16xi32>], vector<16xf32>,
        %gather3A_413 = tpu.vector_load_idx %arg13[%get3A_387, %broadcast_in_dim3A_36] : memref<10008x8xf32, #tpu.memory_space<vmem>>[vector<16xi32>, vector<16xi32>], vector<16xf32>,
        %mul3A_414 = arith.mulf %exp3A, %gather3A_413 : vector<16xf32>
        tpu.vector_store_idx %arg21[%add3A_399, %broadcast_in_dim3A_36], %mul3A_414 : memref<128x8xf32, #tpu.memory_space<vmem>>[vector<16xi32>, vector<16xi32>], vector<16xf32>,
        %gather3A_415 = tpu.vector_load_idx %arg13[%get3A_387, %broadcast_in_dim3A_38] : memref<10008x8xf32, #tpu.memory_space<vmem>>[vector<16xi32>, vector<16xi32>], vector<16xf32>,
        %mul3A_416 = arith.mulf %exp3A, %gather3A_415 : vector<16xf32>
        tpu.vector_store_idx %arg21[%add3A_399, %broadcast_in_dim3A_38], %mul3A_416 : memref<128x8xf32, #tpu.memory_space<vmem>>[vector<16xi32>, vector<16xi32>], vector<16xf32>,
      }
      %scan3A_150 = arith.constant 8 : i32
      %dma_start3A_151 = arith.constant 0 : i32
      %dma_start3A_152 = arith.constant 0 : i32
      %dma_start3A_153 = tpu.memref_slice %arg19[%dma_start3A_151, %dma_start3A_152] : memref<4x128xi32, #tpu.memory_space<vmem>> -> memref<1x128xi32, #tpu.memory_space<vmem>>
      %dma_start3A_154 = tpu.memref_squeeze %dma_start3A_153 : memref<1x128xi32, #tpu.memory_space<vmem>> -> memref<128xi32, #tpu.memory_space<vmem>>
      %dma_start3A_155 = arith.constant 0 : i32
      %dma_start3A_156 = arith.constant 0 : i32
      %dma_start3A_157 = tpu.memref_slice %arg12[%dma_start3A_155, %dma_start3A_156] : memref<10240x8xf32, #tpu.memory_space<vmem_shared>> -> memref<10240x8xf32, #tpu.memory_space<vmem_shared>>
      tpu.enqueue_indirect_dma source(%arg21 : memref<128x8xf32, #tpu.memory_space<vmem>>) target(%dma_start3A_157 : memref<10240x8xf32, #tpu.memory_space<vmem_shared>>) offsets(%dma_start3A_154 : memref<128xi32, #tpu.memory_space<vmem>>) semaphore(%arg23 : memref<!tpu.dma_semaphore, #tpu.memory_space<semaphore_mem>>) {add = true}
      %dma_start3A_158 = arith.constant 0 : i32
      %dma_start3A_159 = arith.constant 0 : i32
      %dma_start3A_160 = tpu.memref_slice %arg19[%dma_start3A_158, %dma_start3A_159] : memref<4x128xi32, #tpu.memory_space<vmem>> -> memref<1x128xi32, #tpu.memory_space<vmem>>
      %dma_start3A_161 = tpu.memref_squeeze %dma_start3A_160 : memref<1x128xi32, #tpu.memory_space<vmem>> -> memref<128xi32, #tpu.memory_space<vmem>>
      %dma_start3A_162 = arith.constant 0 : i32
      %dma_start3A_163 = tpu.memref_slice %arg27[%dma_start3A_162] : memref<10240xf32, #tpu.memory_space<vmem_shared>> -> memref<10240xf32, #tpu.memory_space<vmem_shared>>
      tpu.enqueue_indirect_dma source(%arg28 : memref<128xf32, #tpu.memory_space<vmem>>) target(%dma_start3A_163 : memref<10240xf32, #tpu.memory_space<vmem_shared>>) offsets(%dma_start3A_161 : memref<128xi32, #tpu.memory_space<vmem>>) semaphore(%arg23 : memref<!tpu.dma_semaphore, #tpu.memory_space<semaphore_mem>>) {add = true}
      %mul3A_164 = arith.constant 4 : i32
      %mul3A_165 = arith.muli %add3A_122, %mul3A_164 : i32
      %add3A_166 = arith.constant 1 : i32
      %add3A_167 = arith.addi %mul3A_165, %add3A_166 : i32
      %ge3A_168 = arith.constant 2 : i32
      %ge3A_169 = arith.cmpi sge, %add3A_167, %ge3A_168 : i32
      %convert_element_type3A_170 = arith.extui %ge3A_169 : i1 to i32
      %cond3A_171 = arith.constant 0 : i32
      %cond3A_172 = arith.cmpi ne, %convert_element_type3A_170, %cond3A_171 : i32
      scf.if %cond3A_172 {
        %dma_wait3A_381 = arith.constant 0 : i32
        %dma_wait3A_382 = arith.constant 0 : i32
        %dma_wait3A_383 = tpu.memref_slice %arg19[%dma_wait3A_381, %dma_wait3A_382] : memref<4x128xi32, #tpu.memory_space<vmem>> -> memref<1x128xi32, #tpu.memory_space<vmem>>
        %dma_wait3A_384 = tpu.memref_squeeze %dma_wait3A_383 : memref<1x128xi32, #tpu.memory_space<vmem>> -> memref<128xi32, #tpu.memory_space<vmem>>
        %dma_wait3A_385 = arith.constant 0 : i32
        %dma_wait3A_386 = arith.constant 0 : i32
        %dma_wait3A_387 = tpu.memref_slice %arg12[%dma_wait3A_385, %dma_wait3A_386] : memref<10240x8xf32, #tpu.memory_space<vmem_shared>> -> memref<10240x8xf32, #tpu.memory_space<vmem_shared>>
        tpu.wait_indirect_dma semaphore(%arg24 : memref<!tpu.dma_semaphore, #tpu.memory_space<semaphore_mem>>) src(%arg22 : memref<128x8xf32, #tpu.memory_space<vmem>>) dst(%dma_wait3A_387 : memref<10240x8xf32, #tpu.memory_space<vmem_shared>>)
        %dma_wait3A_388 = arith.constant 0 : i32
        %dma_wait3A_389 = arith.constant 0 : i32
        %dma_wait3A_390 = tpu.memref_slice %arg19[%dma_wait3A_388, %dma_wait3A_389] : memref<4x128xi32, #tpu.memory_space<vmem>> -> memref<1x128xi32, #tpu.memory_space<vmem>>
        %dma_wait3A_391 = tpu.memref_squeeze %dma_wait3A_390 : memref<1x128xi32, #tpu.memory_space<vmem>> -> memref<128xi32, #tpu.memory_space<vmem>>
        %dma_wait3A_392 = arith.constant 0 : i32
        %dma_wait3A_393 = tpu.memref_slice %arg27[%dma_wait3A_392] : memref<10240xf32, #tpu.memory_space<vmem_shared>> -> memref<10240xf32, #tpu.memory_space<vmem_shared>>
        tpu.wait_indirect_dma semaphore(%arg24 : memref<!tpu.dma_semaphore, #tpu.memory_space<semaphore_mem>>) src(%arg29 : memref<128xf32, #tpu.memory_space<vmem>>) dst(%dma_wait3A_393 : memref<10240xf32, #tpu.memory_space<vmem_shared>>)
      } else {
      }
      %scan3A_173 = arith.constant 0 : i32
      %scan3A_174 = arith.constant 0 : i32
      %scan3A_175 = arith.constant 8 : i32
      %scan3A_176 = arith.addi %scan3A_174, %scan3A_175 : i32
      %scan3A_177 = arith.constant 1 : i32
      scf.for %scan3A_381 = %scan3A_174 to %scan3A_176 step %scan3A_177  : i32 {
        %mul3A_382 = arith.constant 16 : i32
        %mul3A_383 = arith.muli %scan3A_381, %mul3A_382 : i32
        %get3A_384 = arith.constant 1 : i32
        %get3A_385 = arith.index_cast %get3A_384 : i32 to index
        %get3A_386 = arith.index_cast %mul3A_383 : i32 to index
        %get3A_387 = tpu.vector_load %arg17[%get3A_385, %get3A_386] {strides = array<i32>} : memref<4x128xi32, #tpu.memory_space<vmem>>, vector<16xi32>,
        %get3A_388 = arith.constant 1 : i32
        %get3A_389 = arith.index_cast %get3A_388 : i32 to index
        %get3A_390 = arith.index_cast %mul3A_383 : i32 to index
        %get3A_391 = tpu.vector_load %arg19[%get3A_389, %get3A_390] {strides = array<i32>} : memref<4x128xi32, #tpu.memory_space<vmem>>, vector<16xi32>,
        %gather3A = tpu.vector_load_idx %arg14[%get3A_387] : memref<10008xf32, #tpu.memory_space<vmem>>[vector<16xi32>], vector<16xf32>,
        %gather3A_392 = tpu.vector_load_idx %arg15[%get3A_391] : memref<10008xf32, #tpu.memory_space<vmem>>[vector<16xi32>], vector<16xf32>,
        %add3A_393 = arith.addf %gather3A, %gather3A_392 : vector<16xf32>
        %mul3A_394 = arith.constant 2.000000e-01 : f32
        %mul3A_395 = vector.broadcast %mul3A_394 : f32 to vector<16xf32>
        %mul3A_396 = arith.mulf %mul3A_395, %add3A_393 : vector<16xf32>
        %max3A = arith.maximumf %add3A_393, %mul3A_396 : vector<16xf32>
        %sub3A_397 = arith.subf %max3A, %get3A_39 : vector<16xf32>
        %exp3A = math.exp %sub3A_397 : vector<16xf32>
        %add3A_398 = vector.broadcast %mul3A_383 : i32 to vector<16xi32>
        %add3A_399 = arith.addi %iota3A, %add3A_398 : vector<16xi32>
        %swap3A = arith.index_cast %mul3A_383 : i32 to index
        %swap3A_400 = tpu.vector_load %arg29[%swap3A] {strides = array<i32>} : memref<128xf32, #tpu.memory_space<vmem>>, vector<16xf32>,
        tpu.vector_store %arg29[%swap3A], %exp3A {strides = array<i32>} : memref<128xf32, #tpu.memory_space<vmem>>, vector<16xf32>,
        %gather3A_401 = tpu.vector_load_idx %arg13[%get3A_387, %broadcast_in_dim3A_24] : memref<10008x8xf32, #tpu.memory_space<vmem>>[vector<16xi32>, vector<16xi32>], vector<16xf32>,
        %mul3A_402 = arith.mulf %exp3A, %gather3A_401 : vector<16xf32>
        tpu.vector_store_idx %arg22[%add3A_399, %broadcast_in_dim3A_24], %mul3A_402 : memref<128x8xf32, #tpu.memory_space<vmem>>[vector<16xi32>, vector<16xi32>], vector<16xf32>,
        %gather3A_403 = tpu.vector_load_idx %arg13[%get3A_387, %broadcast_in_dim3A_26] : memref<10008x8xf32, #tpu.memory_space<vmem>>[vector<16xi32>, vector<16xi32>], vector<16xf32>,
        %mul3A_404 = arith.mulf %exp3A, %gather3A_403 : vector<16xf32>
        tpu.vector_store_idx %arg22[%add3A_399, %broadcast_in_dim3A_26], %mul3A_404 : memref<128x8xf32, #tpu.memory_space<vmem>>[vector<16xi32>, vector<16xi32>], vector<16xf32>,
        %gather3A_405 = tpu.vector_load_idx %arg13[%get3A_387, %broadcast_in_dim3A_28] : memref<10008x8xf32, #tpu.memory_space<vmem>>[vector<16xi32>, vector<16xi32>], vector<16xf32>,
        %mul3A_406 = arith.mulf %exp3A, %gather3A_405 : vector<16xf32>
        tpu.vector_store_idx %arg22[%add3A_399, %broadcast_in_dim3A_28], %mul3A_406 : memref<128x8xf32, #tpu.memory_space<vmem>>[vector<16xi32>, vector<16xi32>], vector<16xf32>,
        %gather3A_407 = tpu.vector_load_idx %arg13[%get3A_387, %broadcast_in_dim3A_30] : memref<10008x8xf32, #tpu.memory_space<vmem>>[vector<16xi32>, vector<16xi32>], vector<16xf32>,
        %mul3A_408 = arith.mulf %exp3A, %gather3A_407 : vector<16xf32>
        tpu.vector_store_idx %arg22[%add3A_399, %broadcast_in_dim3A_30], %mul3A_408 : memref<128x8xf32, #tpu.memory_space<vmem>>[vector<16xi32>, vector<16xi32>], vector<16xf32>,
        %gather3A_409 = tpu.vector_load_idx %arg13[%get3A_387, %broadcast_in_dim3A_32] : memref<10008x8xf32, #tpu.memory_space<vmem>>[vector<16xi32>, vector<16xi32>], vector<16xf32>,
        %mul3A_410 = arith.mulf %exp3A, %gather3A_409 : vector<16xf32>
        tpu.vector_store_idx %arg22[%add3A_399, %broadcast_in_dim3A_32], %mul3A_410 : memref<128x8xf32, #tpu.memory_space<vmem>>[vector<16xi32>, vector<16xi32>], vector<16xf32>,
        %gather3A_411 = tpu.vector_load_idx %arg13[%get3A_387, %broadcast_in_dim3A_34] : memref<10008x8xf32, #tpu.memory_space<vmem>>[vector<16xi32>, vector<16xi32>], vector<16xf32>,
        %mul3A_412 = arith.mulf %exp3A, %gather3A_411 : vector<16xf32>
        tpu.vector_store_idx %arg22[%add3A_399, %broadcast_in_dim3A_34], %mul3A_412 : memref<128x8xf32, #tpu.memory_space<vmem>>[vector<16xi32>, vector<16xi32>], vector<16xf32>,
        %gather3A_413 = tpu.vector_load_idx %arg13[%get3A_387, %broadcast_in_dim3A_36] : memref<10008x8xf32, #tpu.memory_space<vmem>>[vector<16xi32>, vector<16xi32>], vector<16xf32>,
        %mul3A_414 = arith.mulf %exp3A, %gather3A_413 : vector<16xf32>
        tpu.vector_store_idx %arg22[%add3A_399, %broadcast_in_dim3A_36], %mul3A_414 : memref<128x8xf32, #tpu.memory_space<vmem>>[vector<16xi32>, vector<16xi32>], vector<16xf32>,
        %gather3A_415 = tpu.vector_load_idx %arg13[%get3A_387, %broadcast_in_dim3A_38] : memref<10008x8xf32, #tpu.memory_space<vmem>>[vector<16xi32>, vector<16xi32>], vector<16xf32>,
        %mul3A_416 = arith.mulf %exp3A, %gather3A_415 : vector<16xf32>
        tpu.vector_store_idx %arg22[%add3A_399, %broadcast_in_dim3A_38], %mul3A_416 : memref<128x8xf32, #tpu.memory_space<vmem>>[vector<16xi32>, vector<16xi32>], vector<16xf32>,
      }
      %scan3A_178 = arith.constant 8 : i32
      %dma_start3A_179 = arith.constant 1 : i32
      %dma_start3A_180 = arith.constant 0 : i32
      %dma_start3A_181 = tpu.memref_slice %arg19[%dma_start3A_179, %dma_start3A_180] : memref<4x128xi32, #tpu.memory_space<vmem>> -> memref<1x128xi32, #tpu.memory_space<vmem>>
      %dma_start3A_182 = tpu.memref_squeeze %dma_start3A_181 : memref<1x128xi32, #tpu.memory_space<vmem>> -> memref<128xi32, #tpu.memory_space<vmem>>
      %dma_start3A_183 = arith.constant 0 : i32
      %dma_start3A_184 = arith.constant 0 : i32
      %dma_start3A_185 = tpu.memref_slice %arg12[%dma_start3A_183, %dma_start3A_184] : memref<10240x8xf32, #tpu.memory_space<vmem_shared>> -> memref<10240x8xf32, #tpu.memory_space<vmem_shared>>
      tpu.enqueue_indirect_dma source(%arg22 : memref<128x8xf32, #tpu.memory_space<vmem>>) target(%dma_start3A_185 : memref<10240x8xf32, #tpu.memory_space<vmem_shared>>) offsets(%dma_start3A_182 : memref<128xi32, #tpu.memory_space<vmem>>) semaphore(%arg24 : memref<!tpu.dma_semaphore, #tpu.memory_space<semaphore_mem>>) {add = true}
      %dma_start3A_186 = arith.constant 1 : i32
      %dma_start3A_187 = arith.constant 0 : i32
      %dma_start3A_188 = tpu.memref_slice %arg19[%dma_start3A_186, %dma_start3A_187] : memref<4x128xi32, #tpu.memory_space<vmem>> -> memref<1x128xi32, #tpu.memory_space<vmem>>
      %dma_start3A_189 = tpu.memref_squeeze %dma_start3A_188 : memref<1x128xi32, #tpu.memory_space<vmem>> -> memref<128xi32, #tpu.memory_space<vmem>>
      %dma_start3A_190 = arith.constant 0 : i32
      %dma_start3A_191 = tpu.memref_slice %arg27[%dma_start3A_190] : memref<10240xf32, #tpu.memory_space<vmem_shared>> -> memref<10240xf32, #tpu.memory_space<vmem_shared>>
      tpu.enqueue_indirect_dma source(%arg29 : memref<128xf32, #tpu.memory_space<vmem>>) target(%dma_start3A_191 : memref<10240xf32, #tpu.memory_space<vmem_shared>>) offsets(%dma_start3A_189 : memref<128xi32, #tpu.memory_space<vmem>>) semaphore(%arg24 : memref<!tpu.dma_semaphore, #tpu.memory_space<semaphore_mem>>) {add = true}
      %mul3A_192 = arith.constant 4 : i32
      %mul3A_193 = arith.muli %add3A_122, %mul3A_192 : i32
      %add3A_194 = arith.constant 2 : i32
      %add3A_195 = arith.addi %mul3A_193, %add3A_194 : i32
      %ge3A_196 = arith.constant 2 : i32
      %ge3A_197 = arith.cmpi sge, %add3A_195, %ge3A_196 : i32
      %convert_element_type3A_198 = arith.extui %ge3A_197 : i1 to i32
      %cond3A_199 = arith.constant 0 : i32
      %cond3A_200 = arith.cmpi ne, %convert_element_type3A_198, %cond3A_199 : i32
      scf.if %cond3A_200 {
        %dma_wait3A_381 = arith.constant 0 : i32
        %dma_wait3A_382 = arith.constant 0 : i32
        %dma_wait3A_383 = tpu.memref_slice %arg19[%dma_wait3A_381, %dma_wait3A_382] : memref<4x128xi32, #tpu.memory_space<vmem>> -> memref<1x128xi32, #tpu.memory_space<vmem>>
        %dma_wait3A_384 = tpu.memref_squeeze %dma_wait3A_383 : memref<1x128xi32, #tpu.memory_space<vmem>> -> memref<128xi32, #tpu.memory_space<vmem>>
        %dma_wait3A_385 = arith.constant 0 : i32
        %dma_wait3A_386 = arith.constant 0 : i32
        %dma_wait3A_387 = tpu.memref_slice %arg12[%dma_wait3A_385, %dma_wait3A_386] : memref<10240x8xf32, #tpu.memory_space<vmem_shared>> -> memref<10240x8xf32, #tpu.memory_space<vmem_shared>>
        tpu.wait_indirect_dma semaphore(%arg23 : memref<!tpu.dma_semaphore, #tpu.memory_space<semaphore_mem>>) src(%arg21 : memref<128x8xf32, #tpu.memory_space<vmem>>) dst(%dma_wait3A_387 : memref<10240x8xf32, #tpu.memory_space<vmem_shared>>)
        %dma_wait3A_388 = arith.constant 0 : i32
        %dma_wait3A_389 = arith.constant 0 : i32
        %dma_wait3A_390 = tpu.memref_slice %arg19[%dma_wait3A_388, %dma_wait3A_389] : memref<4x128xi32, #tpu.memory_space<vmem>> -> memref<1x128xi32, #tpu.memory_space<vmem>>
        %dma_wait3A_391 = tpu.memref_squeeze %dma_wait3A_390 : memref<1x128xi32, #tpu.memory_space<vmem>> -> memref<128xi32, #tpu.memory_space<vmem>>
        %dma_wait3A_392 = arith.constant 0 : i32
        %dma_wait3A_393 = tpu.memref_slice %arg27[%dma_wait3A_392] : memref<10240xf32, #tpu.memory_space<vmem_shared>> -> memref<10240xf32, #tpu.memory_space<vmem_shared>>
        tpu.wait_indirect_dma semaphore(%arg23 : memref<!tpu.dma_semaphore, #tpu.memory_space<semaphore_mem>>) src(%arg28 : memref<128xf32, #tpu.memory_space<vmem>>) dst(%dma_wait3A_393 : memref<10240xf32, #tpu.memory_space<vmem_shared>>)
      } else {
      }
      %scan3A_201 = arith.constant 0 : i32
      %scan3A_202 = arith.constant 0 : i32
      %scan3A_203 = arith.constant 8 : i32
      %scan3A_204 = arith.addi %scan3A_202, %scan3A_203 : i32
      %scan3A_205 = arith.constant 1 : i32
      scf.for %scan3A_381 = %scan3A_202 to %scan3A_204 step %scan3A_205  : i32 {
        %mul3A_382 = arith.constant 16 : i32
        %mul3A_383 = arith.muli %scan3A_381, %mul3A_382 : i32
        %get3A_384 = arith.constant 2 : i32
        %get3A_385 = arith.index_cast %get3A_384 : i32 to index
        %get3A_386 = arith.index_cast %mul3A_383 : i32 to index
        %get3A_387 = tpu.vector_load %arg17[%get3A_385, %get3A_386] {strides = array<i32>} : memref<4x128xi32, #tpu.memory_space<vmem>>, vector<16xi32>,
        %get3A_388 = arith.constant 2 : i32
        %get3A_389 = arith.index_cast %get3A_388 : i32 to index
        %get3A_390 = arith.index_cast %mul3A_383 : i32 to index
        %get3A_391 = tpu.vector_load %arg19[%get3A_389, %get3A_390] {strides = array<i32>} : memref<4x128xi32, #tpu.memory_space<vmem>>, vector<16xi32>,
        %gather3A = tpu.vector_load_idx %arg14[%get3A_387] : memref<10008xf32, #tpu.memory_space<vmem>>[vector<16xi32>], vector<16xf32>,
        %gather3A_392 = tpu.vector_load_idx %arg15[%get3A_391] : memref<10008xf32, #tpu.memory_space<vmem>>[vector<16xi32>], vector<16xf32>,
        %add3A_393 = arith.addf %gather3A, %gather3A_392 : vector<16xf32>
        %mul3A_394 = arith.constant 2.000000e-01 : f32
        %mul3A_395 = vector.broadcast %mul3A_394 : f32 to vector<16xf32>
        %mul3A_396 = arith.mulf %mul3A_395, %add3A_393 : vector<16xf32>
        %max3A = arith.maximumf %add3A_393, %mul3A_396 : vector<16xf32>
        %sub3A_397 = arith.subf %max3A, %get3A_39 : vector<16xf32>
        %exp3A = math.exp %sub3A_397 : vector<16xf32>
        %add3A_398 = vector.broadcast %mul3A_383 : i32 to vector<16xi32>
        %add3A_399 = arith.addi %iota3A, %add3A_398 : vector<16xi32>
        %swap3A = arith.index_cast %mul3A_383 : i32 to index
        %swap3A_400 = tpu.vector_load %arg28[%swap3A] {strides = array<i32>} : memref<128xf32, #tpu.memory_space<vmem>>, vector<16xf32>,
        tpu.vector_store %arg28[%swap3A], %exp3A {strides = array<i32>} : memref<128xf32, #tpu.memory_space<vmem>>, vector<16xf32>,
        %gather3A_401 = tpu.vector_load_idx %arg13[%get3A_387, %broadcast_in_dim3A_24] : memref<10008x8xf32, #tpu.memory_space<vmem>>[vector<16xi32>, vector<16xi32>], vector<16xf32>,
        %mul3A_402 = arith.mulf %exp3A, %gather3A_401 : vector<16xf32>
        tpu.vector_store_idx %arg21[%add3A_399, %broadcast_in_dim3A_24], %mul3A_402 : memref<128x8xf32, #tpu.memory_space<vmem>>[vector<16xi32>, vector<16xi32>], vector<16xf32>,
        %gather3A_403 = tpu.vector_load_idx %arg13[%get3A_387, %broadcast_in_dim3A_26] : memref<10008x8xf32, #tpu.memory_space<vmem>>[vector<16xi32>, vector<16xi32>], vector<16xf32>,
        %mul3A_404 = arith.mulf %exp3A, %gather3A_403 : vector<16xf32>
        tpu.vector_store_idx %arg21[%add3A_399, %broadcast_in_dim3A_26], %mul3A_404 : memref<128x8xf32, #tpu.memory_space<vmem>>[vector<16xi32>, vector<16xi32>], vector<16xf32>,
        %gather3A_405 = tpu.vector_load_idx %arg13[%get3A_387, %broadcast_in_dim3A_28] : memref<10008x8xf32, #tpu.memory_space<vmem>>[vector<16xi32>, vector<16xi32>], vector<16xf32>,
        %mul3A_406 = arith.mulf %exp3A, %gather3A_405 : vector<16xf32>
        tpu.vector_store_idx %arg21[%add3A_399, %broadcast_in_dim3A_28], %mul3A_406 : memref<128x8xf32, #tpu.memory_space<vmem>>[vector<16xi32>, vector<16xi32>], vector<16xf32>,
        %gather3A_407 = tpu.vector_load_idx %arg13[%get3A_387, %broadcast_in_dim3A_30] : memref<10008x8xf32, #tpu.memory_space<vmem>>[vector<16xi32>, vector<16xi32>], vector<16xf32>,
        %mul3A_408 = arith.mulf %exp3A, %gather3A_407 : vector<16xf32>
        tpu.vector_store_idx %arg21[%add3A_399, %broadcast_in_dim3A_30], %mul3A_408 : memref<128x8xf32, #tpu.memory_space<vmem>>[vector<16xi32>, vector<16xi32>], vector<16xf32>,
        %gather3A_409 = tpu.vector_load_idx %arg13[%get3A_387, %broadcast_in_dim3A_32] : memref<10008x8xf32, #tpu.memory_space<vmem>>[vector<16xi32>, vector<16xi32>], vector<16xf32>,
        %mul3A_410 = arith.mulf %exp3A, %gather3A_409 : vector<16xf32>
        tpu.vector_store_idx %arg21[%add3A_399, %broadcast_in_dim3A_32], %mul3A_410 : memref<128x8xf32, #tpu.memory_space<vmem>>[vector<16xi32>, vector<16xi32>], vector<16xf32>,
        %gather3A_411 = tpu.vector_load_idx %arg13[%get3A_387, %broadcast_in_dim3A_34] : memref<10008x8xf32, #tpu.memory_space<vmem>>[vector<16xi32>, vector<16xi32>], vector<16xf32>,
        %mul3A_412 = arith.mulf %exp3A, %gather3A_411 : vector<16xf32>
        tpu.vector_store_idx %arg21[%add3A_399, %broadcast_in_dim3A_34], %mul3A_412 : memref<128x8xf32, #tpu.memory_space<vmem>>[vector<16xi32>, vector<16xi32>], vector<16xf32>,
        %gather3A_413 = tpu.vector_load_idx %arg13[%get3A_387, %broadcast_in_dim3A_36] : memref<10008x8xf32, #tpu.memory_space<vmem>>[vector<16xi32>, vector<16xi32>], vector<16xf32>,
        %mul3A_414 = arith.mulf %exp3A, %gather3A_413 : vector<16xf32>
        tpu.vector_store_idx %arg21[%add3A_399, %broadcast_in_dim3A_36], %mul3A_414 : memref<128x8xf32, #tpu.memory_space<vmem>>[vector<16xi32>, vector<16xi32>], vector<16xf32>,
        %gather3A_415 = tpu.vector_load_idx %arg13[%get3A_387, %broadcast_in_dim3A_38] : memref<10008x8xf32, #tpu.memory_space<vmem>>[vector<16xi32>, vector<16xi32>], vector<16xf32>,
        %mul3A_416 = arith.mulf %exp3A, %gather3A_415 : vector<16xf32>
        tpu.vector_store_idx %arg21[%add3A_399, %broadcast_in_dim3A_38], %mul3A_416 : memref<128x8xf32, #tpu.memory_space<vmem>>[vector<16xi32>, vector<16xi32>], vector<16xf32>,
      }
      %scan3A_206 = arith.constant 8 : i32
      %dma_start3A_207 = arith.constant 2 : i32
      %dma_start3A_208 = arith.constant 0 : i32
      %dma_start3A_209 = tpu.memref_slice %arg19[%dma_start3A_207, %dma_start3A_208] : memref<4x128xi32, #tpu.memory_space<vmem>> -> memref<1x128xi32, #tpu.memory_space<vmem>>
      %dma_start3A_210 = tpu.memref_squeeze %dma_start3A_209 : memref<1x128xi32, #tpu.memory_space<vmem>> -> memref<128xi32, #tpu.memory_space<vmem>>
      %dma_start3A_211 = arith.constant 0 : i32
      %dma_start3A_212 = arith.constant 0 : i32
      %dma_start3A_213 = tpu.memref_slice %arg12[%dma_start3A_211, %dma_start3A_212] : memref<10240x8xf32, #tpu.memory_space<vmem_shared>> -> memref<10240x8xf32, #tpu.memory_space<vmem_shared>>
      tpu.enqueue_indirect_dma source(%arg21 : memref<128x8xf32, #tpu.memory_space<vmem>>) target(%dma_start3A_213 : memref<10240x8xf32, #tpu.memory_space<vmem_shared>>) offsets(%dma_start3A_210 : memref<128xi32, #tpu.memory_space<vmem>>) semaphore(%arg23 : memref<!tpu.dma_semaphore, #tpu.memory_space<semaphore_mem>>) {add = true}
      %dma_start3A_214 = arith.constant 2 : i32
      %dma_start3A_215 = arith.constant 0 : i32
      %dma_start3A_216 = tpu.memref_slice %arg19[%dma_start3A_214, %dma_start3A_215] : memref<4x128xi32, #tpu.memory_space<vmem>> -> memref<1x128xi32, #tpu.memory_space<vmem>>
      %dma_start3A_217 = tpu.memref_squeeze %dma_start3A_216 : memref<1x128xi32, #tpu.memory_space<vmem>> -> memref<128xi32, #tpu.memory_space<vmem>>
      %dma_start3A_218 = arith.constant 0 : i32
      %dma_start3A_219 = tpu.memref_slice %arg27[%dma_start3A_218] : memref<10240xf32, #tpu.memory_space<vmem_shared>> -> memref<10240xf32, #tpu.memory_space<vmem_shared>>
      tpu.enqueue_indirect_dma source(%arg28 : memref<128xf32, #tpu.memory_space<vmem>>) target(%dma_start3A_219 : memref<10240xf32, #tpu.memory_space<vmem_shared>>) offsets(%dma_start3A_217 : memref<128xi32, #tpu.memory_space<vmem>>) semaphore(%arg23 : memref<!tpu.dma_semaphore, #tpu.memory_space<semaphore_mem>>) {add = true}
      %mul3A_220 = arith.constant 4 : i32
      %mul3A_221 = arith.muli %add3A_122, %mul3A_220 : i32
      %add3A_222 = arith.constant 3 : i32
      %add3A_223 = arith.addi %mul3A_221, %add3A_222 : i32
      %ge3A_224 = arith.constant 2 : i32
      %ge3A_225 = arith.cmpi sge, %add3A_223, %ge3A_224 : i32
      %convert_element_type3A_226 = arith.extui %ge3A_225 : i1 to i32
      %cond3A_227 = arith.constant 0 : i32
      %cond3A_228 = arith.cmpi ne, %convert_element_type3A_226, %cond3A_227 : i32
      scf.if %cond3A_228 {
        %dma_wait3A_381 = arith.constant 0 : i32
        %dma_wait3A_382 = arith.constant 0 : i32
        %dma_wait3A_383 = tpu.memref_slice %arg19[%dma_wait3A_381, %dma_wait3A_382] : memref<4x128xi32, #tpu.memory_space<vmem>> -> memref<1x128xi32, #tpu.memory_space<vmem>>
        %dma_wait3A_384 = tpu.memref_squeeze %dma_wait3A_383 : memref<1x128xi32, #tpu.memory_space<vmem>> -> memref<128xi32, #tpu.memory_space<vmem>>
        %dma_wait3A_385 = arith.constant 0 : i32
        %dma_wait3A_386 = arith.constant 0 : i32
        %dma_wait3A_387 = tpu.memref_slice %arg12[%dma_wait3A_385, %dma_wait3A_386] : memref<10240x8xf32, #tpu.memory_space<vmem_shared>> -> memref<10240x8xf32, #tpu.memory_space<vmem_shared>>
        tpu.wait_indirect_dma semaphore(%arg24 : memref<!tpu.dma_semaphore, #tpu.memory_space<semaphore_mem>>) src(%arg22 : memref<128x8xf32, #tpu.memory_space<vmem>>) dst(%dma_wait3A_387 : memref<10240x8xf32, #tpu.memory_space<vmem_shared>>)
        %dma_wait3A_388 = arith.constant 0 : i32
        %dma_wait3A_389 = arith.constant 0 : i32
        %dma_wait3A_390 = tpu.memref_slice %arg19[%dma_wait3A_388, %dma_wait3A_389] : memref<4x128xi32, #tpu.memory_space<vmem>> -> memref<1x128xi32, #tpu.memory_space<vmem>>
        %dma_wait3A_391 = tpu.memref_squeeze %dma_wait3A_390 : memref<1x128xi32, #tpu.memory_space<vmem>> -> memref<128xi32, #tpu.memory_space<vmem>>
        %dma_wait3A_392 = arith.constant 0 : i32
        %dma_wait3A_393 = tpu.memref_slice %arg27[%dma_wait3A_392] : memref<10240xf32, #tpu.memory_space<vmem_shared>> -> memref<10240xf32, #tpu.memory_space<vmem_shared>>
        tpu.wait_indirect_dma semaphore(%arg24 : memref<!tpu.dma_semaphore, #tpu.memory_space<semaphore_mem>>) src(%arg29 : memref<128xf32, #tpu.memory_space<vmem>>) dst(%dma_wait3A_393 : memref<10240xf32, #tpu.memory_space<vmem_shared>>)
      } else {
      }
      %scan3A_229 = arith.constant 0 : i32
      %scan3A_230 = arith.constant 0 : i32
      %scan3A_231 = arith.constant 8 : i32
      %scan3A_232 = arith.addi %scan3A_230, %scan3A_231 : i32
      %scan3A_233 = arith.constant 1 : i32
      scf.for %scan3A_381 = %scan3A_230 to %scan3A_232 step %scan3A_233  : i32 {
        %mul3A_382 = arith.constant 16 : i32
        %mul3A_383 = arith.muli %scan3A_381, %mul3A_382 : i32
        %get3A_384 = arith.constant 3 : i32
        %get3A_385 = arith.index_cast %get3A_384 : i32 to index
        %get3A_386 = arith.index_cast %mul3A_383 : i32 to index
        %get3A_387 = tpu.vector_load %arg17[%get3A_385, %get3A_386] {strides = array<i32>} : memref<4x128xi32, #tpu.memory_space<vmem>>, vector<16xi32>,
        %get3A_388 = arith.constant 3 : i32
        %get3A_389 = arith.index_cast %get3A_388 : i32 to index
        %get3A_390 = arith.index_cast %mul3A_383 : i32 to index
        %get3A_391 = tpu.vector_load %arg19[%get3A_389, %get3A_390] {strides = array<i32>} : memref<4x128xi32, #tpu.memory_space<vmem>>, vector<16xi32>,
        %gather3A = tpu.vector_load_idx %arg14[%get3A_387] : memref<10008xf32, #tpu.memory_space<vmem>>[vector<16xi32>], vector<16xf32>,
        %gather3A_392 = tpu.vector_load_idx %arg15[%get3A_391] : memref<10008xf32, #tpu.memory_space<vmem>>[vector<16xi32>], vector<16xf32>,
        %add3A_393 = arith.addf %gather3A, %gather3A_392 : vector<16xf32>
        %mul3A_394 = arith.constant 2.000000e-01 : f32
        %mul3A_395 = vector.broadcast %mul3A_394 : f32 to vector<16xf32>
        %mul3A_396 = arith.mulf %mul3A_395, %add3A_393 : vector<16xf32>
        %max3A = arith.maximumf %add3A_393, %mul3A_396 : vector<16xf32>
        %sub3A_397 = arith.subf %max3A, %get3A_39 : vector<16xf32>
        %exp3A = math.exp %sub3A_397 : vector<16xf32>
        %add3A_398 = vector.broadcast %mul3A_383 : i32 to vector<16xi32>
        %add3A_399 = arith.addi %iota3A, %add3A_398 : vector<16xi32>
        %swap3A = arith.index_cast %mul3A_383 : i32 to index
        %swap3A_400 = tpu.vector_load %arg29[%swap3A] {strides = array<i32>} : memref<128xf32, #tpu.memory_space<vmem>>, vector<16xf32>,
        tpu.vector_store %arg29[%swap3A], %exp3A {strides = array<i32>} : memref<128xf32, #tpu.memory_space<vmem>>, vector<16xf32>,
        %gather3A_401 = tpu.vector_load_idx %arg13[%get3A_387, %broadcast_in_dim3A_24] : memref<10008x8xf32, #tpu.memory_space<vmem>>[vector<16xi32>, vector<16xi32>], vector<16xf32>,
        %mul3A_402 = arith.mulf %exp3A, %gather3A_401 : vector<16xf32>
        tpu.vector_store_idx %arg22[%add3A_399, %broadcast_in_dim3A_24], %mul3A_402 : memref<128x8xf32, #tpu.memory_space<vmem>>[vector<16xi32>, vector<16xi32>], vector<16xf32>,
        %gather3A_403 = tpu.vector_load_idx %arg13[%get3A_387, %broadcast_in_dim3A_26] : memref<10008x8xf32, #tpu.memory_space<vmem>>[vector<16xi32>, vector<16xi32>], vector<16xf32>,
        %mul3A_404 = arith.mulf %exp3A, %gather3A_403 : vector<16xf32>
        tpu.vector_store_idx %arg22[%add3A_399, %broadcast_in_dim3A_26], %mul3A_404 : memref<128x8xf32, #tpu.memory_space<vmem>>[vector<16xi32>, vector<16xi32>], vector<16xf32>,
        %gather3A_405 = tpu.vector_load_idx %arg13[%get3A_387, %broadcast_in_dim3A_28] : memref<10008x8xf32, #tpu.memory_space<vmem>>[vector<16xi32>, vector<16xi32>], vector<16xf32>,
        %mul3A_406 = arith.mulf %exp3A, %gather3A_405 : vector<16xf32>
        tpu.vector_store_idx %arg22[%add3A_399, %broadcast_in_dim3A_28], %mul3A_406 : memref<128x8xf32, #tpu.memory_space<vmem>>[vector<16xi32>, vector<16xi32>], vector<16xf32>,
        %gather3A_407 = tpu.vector_load_idx %arg13[%get3A_387, %broadcast_in_dim3A_30] : memref<10008x8xf32, #tpu.memory_space<vmem>>[vector<16xi32>, vector<16xi32>], vector<16xf32>,
        %mul3A_408 = arith.mulf %exp3A, %gather3A_407 : vector<16xf32>
        tpu.vector_store_idx %arg22[%add3A_399, %broadcast_in_dim3A_30], %mul3A_408 : memref<128x8xf32, #tpu.memory_space<vmem>>[vector<16xi32>, vector<16xi32>], vector<16xf32>,
        %gather3A_409 = tpu.vector_load_idx %arg13[%get3A_387, %broadcast_in_dim3A_32] : memref<10008x8xf32, #tpu.memory_space<vmem>>[vector<16xi32>, vector<16xi32>], vector<16xf32>,
        %mul3A_410 = arith.mulf %exp3A, %gather3A_409 : vector<16xf32>
        tpu.vector_store_idx %arg22[%add3A_399, %broadcast_in_dim3A_32], %mul3A_410 : memref<128x8xf32, #tpu.memory_space<vmem>>[vector<16xi32>, vector<16xi32>], vector<16xf32>,
        %gather3A_411 = tpu.vector_load_idx %arg13[%get3A_387, %broadcast_in_dim3A_34] : memref<10008x8xf32, #tpu.memory_space<vmem>>[vector<16xi32>, vector<16xi32>], vector<16xf32>,
        %mul3A_412 = arith.mulf %exp3A, %gather3A_411 : vector<16xf32>
        tpu.vector_store_idx %arg22[%add3A_399, %broadcast_in_dim3A_34], %mul3A_412 : memref<128x8xf32, #tpu.memory_space<vmem>>[vector<16xi32>, vector<16xi32>], vector<16xf32>,
        %gather3A_413 = tpu.vector_load_idx %arg13[%get3A_387, %broadcast_in_dim3A_36] : memref<10008x8xf32, #tpu.memory_space<vmem>>[vector<16xi32>, vector<16xi32>], vector<16xf32>,
        %mul3A_414 = arith.mulf %exp3A, %gather3A_413 : vector<16xf32>
        tpu.vector_store_idx %arg22[%add3A_399, %broadcast_in_dim3A_36], %mul3A_414 : memref<128x8xf32, #tpu.memory_space<vmem>>[vector<16xi32>, vector<16xi32>], vector<16xf32>,
        %gather3A_415 = tpu.vector_load_idx %arg13[%get3A_387, %broadcast_in_dim3A_38] : memref<10008x8xf32, #tpu.memory_space<vmem>>[vector<16xi32>, vector<16xi32>], vector<16xf32>,
        %mul3A_416 = arith.mulf %exp3A, %gather3A_415 : vector<16xf32>
        tpu.vector_store_idx %arg22[%add3A_399, %broadcast_in_dim3A_38], %mul3A_416 : memref<128x8xf32, #tpu.memory_space<vmem>>[vector<16xi32>, vector<16xi32>], vector<16xf32>,
      }
      %scan3A_234 = arith.constant 8 : i32
      %dma_start3A_235 = arith.constant 3 : i32
      %dma_start3A_236 = arith.constant 0 : i32
      %dma_start3A_237 = tpu.memref_slice %arg19[%dma_start3A_235, %dma_start3A_236] : memref<4x128xi32, #tpu.memory_space<vmem>> -> memref<1x128xi32, #tpu.memory_space<vmem>>
      %dma_start3A_238 = tpu.memref_squeeze %dma_start3A_237 : memref<1x128xi32, #tpu.memory_space<vmem>> -> memref<128xi32, #tpu.memory_space<vmem>>
      %dma_start3A_239 = arith.constant 0 : i32
      %dma_start3A_240 = arith.constant 0 : i32
      %dma_start3A_241 = tpu.memref_slice %arg12[%dma_start3A_239, %dma_start3A_240] : memref<10240x8xf32, #tpu.memory_space<vmem_shared>> -> memref<10240x8xf32, #tpu.memory_space<vmem_shared>>
      tpu.enqueue_indirect_dma source(%arg22 : memref<128x8xf32, #tpu.memory_space<vmem>>) target(%dma_start3A_241 : memref<10240x8xf32, #tpu.memory_space<vmem_shared>>) offsets(%dma_start3A_238 : memref<128xi32, #tpu.memory_space<vmem>>) semaphore(%arg24 : memref<!tpu.dma_semaphore, #tpu.memory_space<semaphore_mem>>) {add = true}
      %dma_start3A_242 = arith.constant 3 : i32
      %dma_start3A_243 = arith.constant 0 : i32
      %dma_start3A_244 = tpu.memref_slice %arg19[%dma_start3A_242, %dma_start3A_243] : memref<4x128xi32, #tpu.memory_space<vmem>> -> memref<1x128xi32, #tpu.memory_space<vmem>>
      %dma_start3A_245 = tpu.memref_squeeze %dma_start3A_244 : memref<1x128xi32, #tpu.memory_space<vmem>> -> memref<128xi32, #tpu.memory_space<vmem>>
      %dma_start3A_246 = arith.constant 0 : i32
      %dma_start3A_247 = tpu.memref_slice %arg27[%dma_start3A_246] : memref<10240xf32, #tpu.memory_space<vmem_shared>> -> memref<10240xf32, #tpu.memory_space<vmem_shared>>
      tpu.enqueue_indirect_dma source(%arg29 : memref<128xf32, #tpu.memory_space<vmem>>) target(%dma_start3A_247 : memref<10240xf32, #tpu.memory_space<vmem_shared>>) offsets(%dma_start3A_245 : memref<128xi32, #tpu.memory_space<vmem>>) semaphore(%arg24 : memref<!tpu.dma_semaphore, #tpu.memory_space<semaphore_mem>>) {add = true}
      %mul3A_248 = arith.constant 2 : i32
      %mul3A_249 = arith.muli %mul3A_248, %scan3A_118 : i32
      %add3A_250 = arith.constant 1 : i32
      %add3A_251 = arith.addi %mul3A_249, %add3A_250 : i32
      %dma_wait3A_252 = arith.constant 0 : i32
      %dma_wait3A_253 = arith.constant 0 : i32
      %dma_wait3A_254 = tpu.memref_slice %arg2[%dma_wait3A_252, %dma_wait3A_253] : memref<2592x128xi32, #tpu.memory_space<hbm>> -> memref<4x128xi32, #tpu.memory_space<hbm>>
      %dma_wait3A_255 = arith.constant 0 : i32
      %dma_wait3A_256 = arith.constant 0 : i32
      %dma_wait3A_257 = tpu.memref_slice %arg2[%dma_wait3A_255, %dma_wait3A_256] : memref<2592x128xi32, #tpu.memory_space<hbm>> -> memref<4x128xi32, #tpu.memory_space<hbm>>
      tpu.wait_dma2 semaphore(%arg26 : memref<!tpu.dma_semaphore, #tpu.memory_space<semaphore_mem>>) src(%dma_wait3A_257 : memref<4x128xi32, #tpu.memory_space<hbm>>) dst(%arg18 : memref<4x128xi32, #tpu.memory_space<vmem>>)
      %dma_wait3A_258 = arith.constant 0 : i32
      %dma_wait3A_259 = arith.constant 0 : i32
      %dma_wait3A_260 = tpu.memref_slice %arg3[%dma_wait3A_258, %dma_wait3A_259] : memref<2592x128xi32, #tpu.memory_space<hbm>> -> memref<4x128xi32, #tpu.memory_space<hbm>>
      %dma_wait3A_261 = arith.constant 0 : i32
      %dma_wait3A_262 = arith.constant 0 : i32
      %dma_wait3A_263 = tpu.memref_slice %arg3[%dma_wait3A_261, %dma_wait3A_262] : memref<2592x128xi32, #tpu.memory_space<hbm>> -> memref<4x128xi32, #tpu.memory_space<hbm>>
      tpu.wait_dma2 semaphore(%arg26 : memref<!tpu.dma_semaphore, #tpu.memory_space<semaphore_mem>>) src(%dma_wait3A_263 : memref<4x128xi32, #tpu.memory_space<hbm>>) dst(%arg20 : memref<4x128xi32, #tpu.memory_space<vmem>>)
      %lt3A_264 = arith.constant 19 : i32
      %lt3A_265 = arith.cmpi slt, %add3A_251, %lt3A_264 : i32
      %convert_element_type3A_266 = arith.extui %lt3A_265 : i1 to i32
      %cond3A_267 = arith.constant 0 : i32
      %cond3A_268 = arith.cmpi ne, %convert_element_type3A_266, %cond3A_267 : i32
      scf.if %cond3A_268 {
        %add3A_381 = arith.constant 1 : i32
        %add3A_382 = arith.addi %add3A_251, %add3A_381 : i32
        %mul3A_383 = arith.constant 4 : i32
        %mul3A_384 = arith.muli %add3A_382, %mul3A_383 : i32
        %add3A_385 = arith.addi %mul3A_10, %mul3A_384 : i32
        %dma_start3A_386 = arith.constant 0 : i32
        %dma_start3A_387 = tpu.memref_slice %arg2[%add3A_385, %dma_start3A_386] : memref<2592x128xi32, #tpu.memory_space<hbm>> -> memref<4x128xi32, #tpu.memory_space<hbm>>
        %dma_start3A_388 = arith.constant 0 : i32
        %dma_start3A_389 = tpu.memref_slice %arg2[%add3A_385, %dma_start3A_388] : memref<2592x128xi32, #tpu.memory_space<hbm>> -> memref<4x128xi32, #tpu.memory_space<hbm>>
        tpu.enqueue_dma source(%dma_start3A_389 : memref<4x128xi32, #tpu.memory_space<hbm>>) target(%arg17 : memref<4x128xi32, #tpu.memory_space<vmem>>) target_semaphore(%arg25 : memref<!tpu.dma_semaphore, #tpu.memory_space<semaphore_mem>>)
        %mul3A_390 = arith.constant 4 : i32
        %mul3A_391 = arith.muli %add3A_382, %mul3A_390 : i32
        %add3A_392 = arith.addi %mul3A_10, %mul3A_391 : i32
        %dma_start3A_393 = arith.constant 0 : i32
        %dma_start3A_394 = tpu.memref_slice %arg3[%add3A_392, %dma_start3A_393] : memref<2592x128xi32, #tpu.memory_space<hbm>> -> memref<4x128xi32, #tpu.memory_space<hbm>>
        %dma_start3A_395 = arith.constant 0 : i32
        %dma_start3A_396 = tpu.memref_slice %arg3[%add3A_392, %dma_start3A_395] : memref<2592x128xi32, #tpu.memory_space<hbm>> -> memref<4x128xi32, #tpu.memory_space<hbm>>
        tpu.enqueue_dma source(%dma_start3A_396 : memref<4x128xi32, #tpu.memory_space<hbm>>) target(%arg19 : memref<4x128xi32, #tpu.memory_space<vmem>>) target_semaphore(%arg25 : memref<!tpu.dma_semaphore, #tpu.memory_space<semaphore_mem>>)
      } else {
      }
      %mul3A_269 = arith.constant 4 : i32
      %mul3A_270 = arith.muli %add3A_251, %mul3A_269 : i32
      %add3A_271 = arith.constant 0 : i32
      %add3A_272 = arith.addi %mul3A_270, %add3A_271 : i32
      %ge3A_273 = arith.constant 2 : i32
      %ge3A_274 = arith.cmpi sge, %add3A_272, %ge3A_273 : i32
      %convert_element_type3A_275 = arith.extui %ge3A_274 : i1 to i32
      %cond3A_276 = arith.constant 0 : i32
      %cond3A_277 = arith.cmpi ne, %convert_element_type3A_275, %cond3A_276 : i32
      scf.if %cond3A_277 {
        %dma_wait3A_381 = arith.constant 0 : i32
        %dma_wait3A_382 = arith.constant 0 : i32
        %dma_wait3A_383 = tpu.memref_slice %arg19[%dma_wait3A_381, %dma_wait3A_382] : memref<4x128xi32, #tpu.memory_space<vmem>> -> memref<1x128xi32, #tpu.memory_space<vmem>>
        %dma_wait3A_384 = tpu.memref_squeeze %dma_wait3A_383 : memref<1x128xi32, #tpu.memory_space<vmem>> -> memref<128xi32, #tpu.memory_space<vmem>>
        %dma_wait3A_385 = arith.constant 0 : i32
        %dma_wait3A_386 = arith.constant 0 : i32
        %dma_wait3A_387 = tpu.memref_slice %arg12[%dma_wait3A_385, %dma_wait3A_386] : memref<10240x8xf32, #tpu.memory_space<vmem_shared>> -> memref<10240x8xf32, #tpu.memory_space<vmem_shared>>
        tpu.wait_indirect_dma semaphore(%arg23 : memref<!tpu.dma_semaphore, #tpu.memory_space<semaphore_mem>>) src(%arg21 : memref<128x8xf32, #tpu.memory_space<vmem>>) dst(%dma_wait3A_387 : memref<10240x8xf32, #tpu.memory_space<vmem_shared>>)
        %dma_wait3A_388 = arith.constant 0 : i32
        %dma_wait3A_389 = arith.constant 0 : i32
        %dma_wait3A_390 = tpu.memref_slice %arg19[%dma_wait3A_388, %dma_wait3A_389] : memref<4x128xi32, #tpu.memory_space<vmem>> -> memref<1x128xi32, #tpu.memory_space<vmem>>
        %dma_wait3A_391 = tpu.memref_squeeze %dma_wait3A_390 : memref<1x128xi32, #tpu.memory_space<vmem>> -> memref<128xi32, #tpu.memory_space<vmem>>
        %dma_wait3A_392 = arith.constant 0 : i32
        %dma_wait3A_393 = tpu.memref_slice %arg27[%dma_wait3A_392] : memref<10240xf32, #tpu.memory_space<vmem_shared>> -> memref<10240xf32, #tpu.memory_space<vmem_shared>>
        tpu.wait_indirect_dma semaphore(%arg23 : memref<!tpu.dma_semaphore, #tpu.memory_space<semaphore_mem>>) src(%arg28 : memref<128xf32, #tpu.memory_space<vmem>>) dst(%dma_wait3A_393 : memref<10240xf32, #tpu.memory_space<vmem_shared>>)
      } else {
      }
      %scan3A_278 = arith.constant 0 : i32
      %scan3A_279 = arith.constant 0 : i32
      %scan3A_280 = arith.constant 8 : i32
      %scan3A_281 = arith.addi %scan3A_279, %scan3A_280 : i32
      %scan3A_282 = arith.constant 1 : i32
      scf.for %scan3A_381 = %scan3A_279 to %scan3A_281 step %scan3A_282  : i32 {
        %mul3A_382 = arith.constant 16 : i32
        %mul3A_383 = arith.muli %scan3A_381, %mul3A_382 : i32
        %get3A_384 = arith.constant 0 : i32
        %get3A_385 = arith.index_cast %get3A_384 : i32 to index
        %get3A_386 = arith.index_cast %mul3A_383 : i32 to index
        %get3A_387 = tpu.vector_load %arg18[%get3A_385, %get3A_386] {strides = array<i32>} : memref<4x128xi32, #tpu.memory_space<vmem>>, vector<16xi32>,
        %get3A_388 = arith.constant 0 : i32
        %get3A_389 = arith.index_cast %get3A_388 : i32 to index
        %get3A_390 = arith.index_cast %mul3A_383 : i32 to index
        %get3A_391 = tpu.vector_load %arg20[%get3A_389, %get3A_390] {strides = array<i32>} : memref<4x128xi32, #tpu.memory_space<vmem>>, vector<16xi32>,
        %gather3A = tpu.vector_load_idx %arg14[%get3A_387] : memref<10008xf32, #tpu.memory_space<vmem>>[vector<16xi32>], vector<16xf32>,
        %gather3A_392 = tpu.vector_load_idx %arg15[%get3A_391] : memref<10008xf32, #tpu.memory_space<vmem>>[vector<16xi32>], vector<16xf32>,
        %add3A_393 = arith.addf %gather3A, %gather3A_392 : vector<16xf32>
        %mul3A_394 = arith.constant 2.000000e-01 : f32
        %mul3A_395 = vector.broadcast %mul3A_394 : f32 to vector<16xf32>
        %mul3A_396 = arith.mulf %mul3A_395, %add3A_393 : vector<16xf32>
        %max3A = arith.maximumf %add3A_393, %mul3A_396 : vector<16xf32>
        %sub3A_397 = arith.subf %max3A, %get3A_39 : vector<16xf32>
        %exp3A = math.exp %sub3A_397 : vector<16xf32>
        %add3A_398 = vector.broadcast %mul3A_383 : i32 to vector<16xi32>
        %add3A_399 = arith.addi %iota3A, %add3A_398 : vector<16xi32>
        %swap3A = arith.index_cast %mul3A_383 : i32 to index
        %swap3A_400 = tpu.vector_load %arg28[%swap3A] {strides = array<i32>} : memref<128xf32, #tpu.memory_space<vmem>>, vector<16xf32>,
        tpu.vector_store %arg28[%swap3A], %exp3A {strides = array<i32>} : memref<128xf32, #tpu.memory_space<vmem>>, vector<16xf32>,
        %gather3A_401 = tpu.vector_load_idx %arg13[%get3A_387, %broadcast_in_dim3A_24] : memref<10008x8xf32, #tpu.memory_space<vmem>>[vector<16xi32>, vector<16xi32>], vector<16xf32>,
        %mul3A_402 = arith.mulf %exp3A, %gather3A_401 : vector<16xf32>
        tpu.vector_store_idx %arg21[%add3A_399, %broadcast_in_dim3A_24], %mul3A_402 : memref<128x8xf32, #tpu.memory_space<vmem>>[vector<16xi32>, vector<16xi32>], vector<16xf32>,
        %gather3A_403 = tpu.vector_load_idx %arg13[%get3A_387, %broadcast_in_dim3A_26] : memref<10008x8xf32, #tpu.memory_space<vmem>>[vector<16xi32>, vector<16xi32>], vector<16xf32>,
        %mul3A_404 = arith.mulf %exp3A, %gather3A_403 : vector<16xf32>
        tpu.vector_store_idx %arg21[%add3A_399, %broadcast_in_dim3A_26], %mul3A_404 : memref<128x8xf32, #tpu.memory_space<vmem>>[vector<16xi32>, vector<16xi32>], vector<16xf32>,
        %gather3A_405 = tpu.vector_load_idx %arg13[%get3A_387, %broadcast_in_dim3A_28] : memref<10008x8xf32, #tpu.memory_space<vmem>>[vector<16xi32>, vector<16xi32>], vector<16xf32>,
        %mul3A_406 = arith.mulf %exp3A, %gather3A_405 : vector<16xf32>
        tpu.vector_store_idx %arg21[%add3A_399, %broadcast_in_dim3A_28], %mul3A_406 : memref<128x8xf32, #tpu.memory_space<vmem>>[vector<16xi32>, vector<16xi32>], vector<16xf32>,
        %gather3A_407 = tpu.vector_load_idx %arg13[%get3A_387, %broadcast_in_dim3A_30] : memref<10008x8xf32, #tpu.memory_space<vmem>>[vector<16xi32>, vector<16xi32>], vector<16xf32>,
        %mul3A_408 = arith.mulf %exp3A, %gather3A_407 : vector<16xf32>
        tpu.vector_store_idx %arg21[%add3A_399, %broadcast_in_dim3A_30], %mul3A_408 : memref<128x8xf32, #tpu.memory_space<vmem>>[vector<16xi32>, vector<16xi32>], vector<16xf32>,
        %gather3A_409 = tpu.vector_load_idx %arg13[%get3A_387, %broadcast_in_dim3A_32] : memref<10008x8xf32, #tpu.memory_space<vmem>>[vector<16xi32>, vector<16xi32>], vector<16xf32>,
        %mul3A_410 = arith.mulf %exp3A, %gather3A_409 : vector<16xf32>
        tpu.vector_store_idx %arg21[%add3A_399, %broadcast_in_dim3A_32], %mul3A_410 : memref<128x8xf32, #tpu.memory_space<vmem>>[vector<16xi32>, vector<16xi32>], vector<16xf32>,
        %gather3A_411 = tpu.vector_load_idx %arg13[%get3A_387, %broadcast_in_dim3A_34] : memref<10008x8xf32, #tpu.memory_space<vmem>>[vector<16xi32>, vector<16xi32>], vector<16xf32>,
        %mul3A_412 = arith.mulf %exp3A, %gather3A_411 : vector<16xf32>
        tpu.vector_store_idx %arg21[%add3A_399, %broadcast_in_dim3A_34], %mul3A_412 : memref<128x8xf32, #tpu.memory_space<vmem>>[vector<16xi32>, vector<16xi32>], vector<16xf32>,
        %gather3A_413 = tpu.vector_load_idx %arg13[%get3A_387, %broadcast_in_dim3A_36] : memref<10008x8xf32, #tpu.memory_space<vmem>>[vector<16xi32>, vector<16xi32>], vector<16xf32>,
        %mul3A_414 = arith.mulf %exp3A, %gather3A_413 : vector<16xf32>
        tpu.vector_store_idx %arg21[%add3A_399, %broadcast_in_dim3A_36], %mul3A_414 : memref<128x8xf32, #tpu.memory_space<vmem>>[vector<16xi32>, vector<16xi32>], vector<16xf32>,
        %gather3A_415 = tpu.vector_load_idx %arg13[%get3A_387, %broadcast_in_dim3A_38] : memref<10008x8xf32, #tpu.memory_space<vmem>>[vector<16xi32>, vector<16xi32>], vector<16xf32>,
        %mul3A_416 = arith.mulf %exp3A, %gather3A_415 : vector<16xf32>
        tpu.vector_store_idx %arg21[%add3A_399, %broadcast_in_dim3A_38], %mul3A_416 : memref<128x8xf32, #tpu.memory_space<vmem>>[vector<16xi32>, vector<16xi32>], vector<16xf32>,
      }
      %scan3A_283 = arith.constant 8 : i32
      %dma_start3A_284 = arith.constant 0 : i32
      %dma_start3A_285 = arith.constant 0 : i32
      %dma_start3A_286 = tpu.memref_slice %arg20[%dma_start3A_284, %dma_start3A_285] : memref<4x128xi32, #tpu.memory_space<vmem>> -> memref<1x128xi32, #tpu.memory_space<vmem>>
      %dma_start3A_287 = tpu.memref_squeeze %dma_start3A_286 : memref<1x128xi32, #tpu.memory_space<vmem>> -> memref<128xi32, #tpu.memory_space<vmem>>
      %dma_start3A_288 = arith.constant 0 : i32
      %dma_start3A_289 = arith.constant 0 : i32
      %dma_start3A_290 = tpu.memref_slice %arg12[%dma_start3A_288, %dma_start3A_289] : memref<10240x8xf32, #tpu.memory_space<vmem_shared>> -> memref<10240x8xf32, #tpu.memory_space<vmem_shared>>
      tpu.enqueue_indirect_dma source(%arg21 : memref<128x8xf32, #tpu.memory_space<vmem>>) target(%dma_start3A_290 : memref<10240x8xf32, #tpu.memory_space<vmem_shared>>) offsets(%dma_start3A_287 : memref<128xi32, #tpu.memory_space<vmem>>) semaphore(%arg23 : memref<!tpu.dma_semaphore, #tpu.memory_space<semaphore_mem>>) {add = true}
      %dma_start3A_291 = arith.constant 0 : i32
      %dma_start3A_292 = arith.constant 0 : i32
      %dma_start3A_293 = tpu.memref_slice %arg20[%dma_start3A_291, %dma_start3A_292] : memref<4x128xi32, #tpu.memory_space<vmem>> -> memref<1x128xi32, #tpu.memory_space<vmem>>
      %dma_start3A_294 = tpu.memref_squeeze %dma_start3A_293 : memref<1x128xi32, #tpu.memory_space<vmem>> -> memref<128xi32, #tpu.memory_space<vmem>>
      %dma_start3A_295 = arith.constant 0 : i32
      %dma_start3A_296 = tpu.memref_slice %arg27[%dma_start3A_295] : memref<10240xf32, #tpu.memory_space<vmem_shared>> -> memref<10240xf32, #tpu.memory_space<vmem_shared>>
      tpu.enqueue_indirect_dma source(%arg28 : memref<128xf32, #tpu.memory_space<vmem>>) target(%dma_start3A_296 : memref<10240xf32, #tpu.memory_space<vmem_shared>>) offsets(%dma_start3A_294 : memref<128xi32, #tpu.memory_space<vmem>>) semaphore(%arg23 : memref<!tpu.dma_semaphore, #tpu.memory_space<semaphore_mem>>) {add = true}
      %mul3A_297 = arith.constant 4 : i32
      %mul3A_298 = arith.muli %add3A_251, %mul3A_297 : i32
      %add3A_299 = arith.constant 1 : i32
      %add3A_300 = arith.addi %mul3A_298, %add3A_299 : i32
      %ge3A_301 = arith.constant 2 : i32
      %ge3A_302 = arith.cmpi sge, %add3A_300, %ge3A_301 : i32
      %convert_element_type3A_303 = arith.extui %ge3A_302 : i1 to i32
      %cond3A_304 = arith.constant 0 : i32
      %cond3A_305 = arith.cmpi ne, %convert_element_type3A_303, %cond3A_304 : i32
      scf.if %cond3A_305 {
        %dma_wait3A_381 = arith.constant 0 : i32
        %dma_wait3A_382 = arith.constant 0 : i32
        %dma_wait3A_383 = tpu.memref_slice %arg19[%dma_wait3A_381, %dma_wait3A_382] : memref<4x128xi32, #tpu.memory_space<vmem>> -> memref<1x128xi32, #tpu.memory_space<vmem>>
        %dma_wait3A_384 = tpu.memref_squeeze %dma_wait3A_383 : memref<1x128xi32, #tpu.memory_space<vmem>> -> memref<128xi32, #tpu.memory_space<vmem>>
        %dma_wait3A_385 = arith.constant 0 : i32
        %dma_wait3A_386 = arith.constant 0 : i32
        %dma_wait3A_387 = tpu.memref_slice %arg12[%dma_wait3A_385, %dma_wait3A_386] : memref<10240x8xf32, #tpu.memory_space<vmem_shared>> -> memref<10240x8xf32, #tpu.memory_space<vmem_shared>>
        tpu.wait_indirect_dma semaphore(%arg24 : memref<!tpu.dma_semaphore, #tpu.memory_space<semaphore_mem>>) src(%arg22 : memref<128x8xf32, #tpu.memory_space<vmem>>) dst(%dma_wait3A_387 : memref<10240x8xf32, #tpu.memory_space<vmem_shared>>)
        %dma_wait3A_388 = arith.constant 0 : i32
        %dma_wait3A_389 = arith.constant 0 : i32
        %dma_wait3A_390 = tpu.memref_slice %arg19[%dma_wait3A_388, %dma_wait3A_389] : memref<4x128xi32, #tpu.memory_space<vmem>> -> memref<1x128xi32, #tpu.memory_space<vmem>>
        %dma_wait3A_391 = tpu.memref_squeeze %dma_wait3A_390 : memref<1x128xi32, #tpu.memory_space<vmem>> -> memref<128xi32, #tpu.memory_space<vmem>>
        %dma_wait3A_392 = arith.constant 0 : i32
        %dma_wait3A_393 = tpu.memref_slice %arg27[%dma_wait3A_392] : memref<10240xf32, #tpu.memory_space<vmem_shared>> -> memref<10240xf32, #tpu.memory_space<vmem_shared>>
        tpu.wait_indirect_dma semaphore(%arg24 : memref<!tpu.dma_semaphore, #tpu.memory_space<semaphore_mem>>) src(%arg29 : memref<128xf32, #tpu.memory_space<vmem>>) dst(%dma_wait3A_393 : memref<10240xf32, #tpu.memory_space<vmem_shared>>)
      } else {
      }
      %scan3A_306 = arith.constant 0 : i32
      %scan3A_307 = arith.constant 0 : i32
      %scan3A_308 = arith.constant 8 : i32
      %scan3A_309 = arith.addi %scan3A_307, %scan3A_308 : i32
      %scan3A_310 = arith.constant 1 : i32
      scf.for %scan3A_381 = %scan3A_307 to %scan3A_309 step %scan3A_310  : i32 {
        %mul3A_382 = arith.constant 16 : i32
        %mul3A_383 = arith.muli %scan3A_381, %mul3A_382 : i32
        %get3A_384 = arith.constant 1 : i32
        %get3A_385 = arith.index_cast %get3A_384 : i32 to index
        %get3A_386 = arith.index_cast %mul3A_383 : i32 to index
        %get3A_387 = tpu.vector_load %arg18[%get3A_385, %get3A_386] {strides = array<i32>} : memref<4x128xi32, #tpu.memory_space<vmem>>, vector<16xi32>,
        %get3A_388 = arith.constant 1 : i32
        %get3A_389 = arith.index_cast %get3A_388 : i32 to index
        %get3A_390 = arith.index_cast %mul3A_383 : i32 to index
        %get3A_391 = tpu.vector_load %arg20[%get3A_389, %get3A_390] {strides = array<i32>} : memref<4x128xi32, #tpu.memory_space<vmem>>, vector<16xi32>,
        %gather3A = tpu.vector_load_idx %arg14[%get3A_387] : memref<10008xf32, #tpu.memory_space<vmem>>[vector<16xi32>], vector<16xf32>,
        %gather3A_392 = tpu.vector_load_idx %arg15[%get3A_391] : memref<10008xf32, #tpu.memory_space<vmem>>[vector<16xi32>], vector<16xf32>,
        %add3A_393 = arith.addf %gather3A, %gather3A_392 : vector<16xf32>
        %mul3A_394 = arith.constant 2.000000e-01 : f32
        %mul3A_395 = vector.broadcast %mul3A_394 : f32 to vector<16xf32>
        %mul3A_396 = arith.mulf %mul3A_395, %add3A_393 : vector<16xf32>
        %max3A = arith.maximumf %add3A_393, %mul3A_396 : vector<16xf32>
        %sub3A_397 = arith.subf %max3A, %get3A_39 : vector<16xf32>
        %exp3A = math.exp %sub3A_397 : vector<16xf32>
        %add3A_398 = vector.broadcast %mul3A_383 : i32 to vector<16xi32>
        %add3A_399 = arith.addi %iota3A, %add3A_398 : vector<16xi32>
        %swap3A = arith.index_cast %mul3A_383 : i32 to index
        %swap3A_400 = tpu.vector_load %arg29[%swap3A] {strides = array<i32>} : memref<128xf32, #tpu.memory_space<vmem>>, vector<16xf32>,
        tpu.vector_store %arg29[%swap3A], %exp3A {strides = array<i32>} : memref<128xf32, #tpu.memory_space<vmem>>, vector<16xf32>,
        %gather3A_401 = tpu.vector_load_idx %arg13[%get3A_387, %broadcast_in_dim3A_24] : memref<10008x8xf32, #tpu.memory_space<vmem>>[vector<16xi32>, vector<16xi32>], vector<16xf32>,
        %mul3A_402 = arith.mulf %exp3A, %gather3A_401 : vector<16xf32>
        tpu.vector_store_idx %arg22[%add3A_399, %broadcast_in_dim3A_24], %mul3A_402 : memref<128x8xf32, #tpu.memory_space<vmem>>[vector<16xi32>, vector<16xi32>], vector<16xf32>,
        %gather3A_403 = tpu.vector_load_idx %arg13[%get3A_387, %broadcast_in_dim3A_26] : memref<10008x8xf32, #tpu.memory_space<vmem>>[vector<16xi32>, vector<16xi32>], vector<16xf32>,
        %mul3A_404 = arith.mulf %exp3A, %gather3A_403 : vector<16xf32>
        tpu.vector_store_idx %arg22[%add3A_399, %broadcast_in_dim3A_26], %mul3A_404 : memref<128x8xf32, #tpu.memory_space<vmem>>[vector<16xi32>, vector<16xi32>], vector<16xf32>,
        %gather3A_405 = tpu.vector_load_idx %arg13[%get3A_387, %broadcast_in_dim3A_28] : memref<10008x8xf32, #tpu.memory_space<vmem>>[vector<16xi32>, vector<16xi32>], vector<16xf32>,
        %mul3A_406 = arith.mulf %exp3A, %gather3A_405 : vector<16xf32>
        tpu.vector_store_idx %arg22[%add3A_399, %broadcast_in_dim3A_28], %mul3A_406 : memref<128x8xf32, #tpu.memory_space<vmem>>[vector<16xi32>, vector<16xi32>], vector<16xf32>,
        %gather3A_407 = tpu.vector_load_idx %arg13[%get3A_387, %broadcast_in_dim3A_30] : memref<10008x8xf32, #tpu.memory_space<vmem>>[vector<16xi32>, vector<16xi32>], vector<16xf32>,
        %mul3A_408 = arith.mulf %exp3A, %gather3A_407 : vector<16xf32>
        tpu.vector_store_idx %arg22[%add3A_399, %broadcast_in_dim3A_30], %mul3A_408 : memref<128x8xf32, #tpu.memory_space<vmem>>[vector<16xi32>, vector<16xi32>], vector<16xf32>,
        %gather3A_409 = tpu.vector_load_idx %arg13[%get3A_387, %broadcast_in_dim3A_32] : memref<10008x8xf32, #tpu.memory_space<vmem>>[vector<16xi32>, vector<16xi32>], vector<16xf32>,
        %mul3A_410 = arith.mulf %exp3A, %gather3A_409 : vector<16xf32>
        tpu.vector_store_idx %arg22[%add3A_399, %broadcast_in_dim3A_32], %mul3A_410 : memref<128x8xf32, #tpu.memory_space<vmem>>[vector<16xi32>, vector<16xi32>], vector<16xf32>,
        %gather3A_411 = tpu.vector_load_idx %arg13[%get3A_387, %broadcast_in_dim3A_34] : memref<10008x8xf32, #tpu.memory_space<vmem>>[vector<16xi32>, vector<16xi32>], vector<16xf32>,
        %mul3A_412 = arith.mulf %exp3A, %gather3A_411 : vector<16xf32>
        tpu.vector_store_idx %arg22[%add3A_399, %broadcast_in_dim3A_34], %mul3A_412 : memref<128x8xf32, #tpu.memory_space<vmem>>[vector<16xi32>, vector<16xi32>], vector<16xf32>,
        %gather3A_413 = tpu.vector_load_idx %arg13[%get3A_387, %broadcast_in_dim3A_36] : memref<10008x8xf32, #tpu.memory_space<vmem>>[vector<16xi32>, vector<16xi32>], vector<16xf32>,
        %mul3A_414 = arith.mulf %exp3A, %gather3A_413 : vector<16xf32>
        tpu.vector_store_idx %arg22[%add3A_399, %broadcast_in_dim3A_36], %mul3A_414 : memref<128x8xf32, #tpu.memory_space<vmem>>[vector<16xi32>, vector<16xi32>], vector<16xf32>,
        %gather3A_415 = tpu.vector_load_idx %arg13[%get3A_387, %broadcast_in_dim3A_38] : memref<10008x8xf32, #tpu.memory_space<vmem>>[vector<16xi32>, vector<16xi32>], vector<16xf32>,
        %mul3A_416 = arith.mulf %exp3A, %gather3A_415 : vector<16xf32>
        tpu.vector_store_idx %arg22[%add3A_399, %broadcast_in_dim3A_38], %mul3A_416 : memref<128x8xf32, #tpu.memory_space<vmem>>[vector<16xi32>, vector<16xi32>], vector<16xf32>,
      }
      %scan3A_311 = arith.constant 8 : i32
      %dma_start3A_312 = arith.constant 1 : i32
      %dma_start3A_313 = arith.constant 0 : i32
      %dma_start3A_314 = tpu.memref_slice %arg20[%dma_start3A_312, %dma_start3A_313] : memref<4x128xi32, #tpu.memory_space<vmem>> -> memref<1x128xi32, #tpu.memory_space<vmem>>
      %dma_start3A_315 = tpu.memref_squeeze %dma_start3A_314 : memref<1x128xi32, #tpu.memory_space<vmem>> -> memref<128xi32, #tpu.memory_space<vmem>>
      %dma_start3A_316 = arith.constant 0 : i32
      %dma_start3A_317 = arith.constant 0 : i32
      %dma_start3A_318 = tpu.memref_slice %arg12[%dma_start3A_316, %dma_start3A_317] : memref<10240x8xf32, #tpu.memory_space<vmem_shared>> -> memref<10240x8xf32, #tpu.memory_space<vmem_shared>>
      tpu.enqueue_indirect_dma source(%arg22 : memref<128x8xf32, #tpu.memory_space<vmem>>) target(%dma_start3A_318 : memref<10240x8xf32, #tpu.memory_space<vmem_shared>>) offsets(%dma_start3A_315 : memref<128xi32, #tpu.memory_space<vmem>>) semaphore(%arg24 : memref<!tpu.dma_semaphore, #tpu.memory_space<semaphore_mem>>) {add = true}
      %dma_start3A_319 = arith.constant 1 : i32
      %dma_start3A_320 = arith.constant 0 : i32
      %dma_start3A_321 = tpu.memref_slice %arg20[%dma_start3A_319, %dma_start3A_320] : memref<4x128xi32, #tpu.memory_space<vmem>> -> memref<1x128xi32, #tpu.memory_space<vmem>>
      %dma_start3A_322 = tpu.memref_squeeze %dma_start3A_321 : memref<1x128xi32, #tpu.memory_space<vmem>> -> memref<128xi32, #tpu.memory_space<vmem>>
      %dma_start3A_323 = arith.constant 0 : i32
      %dma_start3A_324 = tpu.memref_slice %arg27[%dma_start3A_323] : memref<10240xf32, #tpu.memory_space<vmem_shared>> -> memref<10240xf32, #tpu.memory_space<vmem_shared>>
      tpu.enqueue_indirect_dma source(%arg29 : memref<128xf32, #tpu.memory_space<vmem>>) target(%dma_start3A_324 : memref<10240xf32, #tpu.memory_space<vmem_shared>>) offsets(%dma_start3A_322 : memref<128xi32, #tpu.memory_space<vmem>>) semaphore(%arg24 : memref<!tpu.dma_semaphore, #tpu.memory_space<semaphore_mem>>) {add = true}
      %mul3A_325 = arith.constant 4 : i32
      %mul3A_326 = arith.muli %add3A_251, %mul3A_325 : i32
      %add3A_327 = arith.constant 2 : i32
      %add3A_328 = arith.addi %mul3A_326, %add3A_327 : i32
      %ge3A_329 = arith.constant 2 : i32
      %ge3A_330 = arith.cmpi sge, %add3A_328, %ge3A_329 : i32
      %convert_element_type3A_331 = arith.extui %ge3A_330 : i1 to i32
      %cond3A_332 = arith.constant 0 : i32
      %cond3A_333 = arith.cmpi ne, %convert_element_type3A_331, %cond3A_332 : i32
      scf.if %cond3A_333 {
        %dma_wait3A_381 = arith.constant 0 : i32
        %dma_wait3A_382 = arith.constant 0 : i32
        %dma_wait3A_383 = tpu.memref_slice %arg19[%dma_wait3A_381, %dma_wait3A_382] : memref<4x128xi32, #tpu.memory_space<vmem>> -> memref<1x128xi32, #tpu.memory_space<vmem>>
        %dma_wait3A_384 = tpu.memref_squeeze %dma_wait3A_383 : memref<1x128xi32, #tpu.memory_space<vmem>> -> memref<128xi32, #tpu.memory_space<vmem>>
        %dma_wait3A_385 = arith.constant 0 : i32
        %dma_wait3A_386 = arith.constant 0 : i32
        %dma_wait3A_387 = tpu.memref_slice %arg12[%dma_wait3A_385, %dma_wait3A_386] : memref<10240x8xf32, #tpu.memory_space<vmem_shared>> -> memref<10240x8xf32, #tpu.memory_space<vmem_shared>>
        tpu.wait_indirect_dma semaphore(%arg23 : memref<!tpu.dma_semaphore, #tpu.memory_space<semaphore_mem>>) src(%arg21 : memref<128x8xf32, #tpu.memory_space<vmem>>) dst(%dma_wait3A_387 : memref<10240x8xf32, #tpu.memory_space<vmem_shared>>)
        %dma_wait3A_388 = arith.constant 0 : i32
        %dma_wait3A_389 = arith.constant 0 : i32
        %dma_wait3A_390 = tpu.memref_slice %arg19[%dma_wait3A_388, %dma_wait3A_389] : memref<4x128xi32, #tpu.memory_space<vmem>> -> memref<1x128xi32, #tpu.memory_space<vmem>>
        %dma_wait3A_391 = tpu.memref_squeeze %dma_wait3A_390 : memref<1x128xi32, #tpu.memory_space<vmem>> -> memref<128xi32, #tpu.memory_space<vmem>>
        %dma_wait3A_392 = arith.constant 0 : i32
        %dma_wait3A_393 = tpu.memref_slice %arg27[%dma_wait3A_392] : memref<10240xf32, #tpu.memory_space<vmem_shared>> -> memref<10240xf32, #tpu.memory_space<vmem_shared>>
        tpu.wait_indirect_dma semaphore(%arg23 : memref<!tpu.dma_semaphore, #tpu.memory_space<semaphore_mem>>) src(%arg28 : memref<128xf32, #tpu.memory_space<vmem>>) dst(%dma_wait3A_393 : memref<10240xf32, #tpu.memory_space<vmem_shared>>)
      } else {
      }
      %scan3A_334 = arith.constant 0 : i32
      %scan3A_335 = arith.constant 0 : i32
      %scan3A_336 = arith.constant 8 : i32
      %scan3A_337 = arith.addi %scan3A_335, %scan3A_336 : i32
      %scan3A_338 = arith.constant 1 : i32
      scf.for %scan3A_381 = %scan3A_335 to %scan3A_337 step %scan3A_338  : i32 {
        %mul3A_382 = arith.constant 16 : i32
        %mul3A_383 = arith.muli %scan3A_381, %mul3A_382 : i32
        %get3A_384 = arith.constant 2 : i32
        %get3A_385 = arith.index_cast %get3A_384 : i32 to index
        %get3A_386 = arith.index_cast %mul3A_383 : i32 to index
        %get3A_387 = tpu.vector_load %arg18[%get3A_385, %get3A_386] {strides = array<i32>} : memref<4x128xi32, #tpu.memory_space<vmem>>, vector<16xi32>,
        %get3A_388 = arith.constant 2 : i32
        %get3A_389 = arith.index_cast %get3A_388 : i32 to index
        %get3A_390 = arith.index_cast %mul3A_383 : i32 to index
        %get3A_391 = tpu.vector_load %arg20[%get3A_389, %get3A_390] {strides = array<i32>} : memref<4x128xi32, #tpu.memory_space<vmem>>, vector<16xi32>,
        %gather3A = tpu.vector_load_idx %arg14[%get3A_387] : memref<10008xf32, #tpu.memory_space<vmem>>[vector<16xi32>], vector<16xf32>,
        %gather3A_392 = tpu.vector_load_idx %arg15[%get3A_391] : memref<10008xf32, #tpu.memory_space<vmem>>[vector<16xi32>], vector<16xf32>,
        %add3A_393 = arith.addf %gather3A, %gather3A_392 : vector<16xf32>
        %mul3A_394 = arith.constant 2.000000e-01 : f32
        %mul3A_395 = vector.broadcast %mul3A_394 : f32 to vector<16xf32>
        %mul3A_396 = arith.mulf %mul3A_395, %add3A_393 : vector<16xf32>
        %max3A = arith.maximumf %add3A_393, %mul3A_396 : vector<16xf32>
        %sub3A_397 = arith.subf %max3A, %get3A_39 : vector<16xf32>
        %exp3A = math.exp %sub3A_397 : vector<16xf32>
        %add3A_398 = vector.broadcast %mul3A_383 : i32 to vector<16xi32>
        %add3A_399 = arith.addi %iota3A, %add3A_398 : vector<16xi32>
        %swap3A = arith.index_cast %mul3A_383 : i32 to index
        %swap3A_400 = tpu.vector_load %arg28[%swap3A] {strides = array<i32>} : memref<128xf32, #tpu.memory_space<vmem>>, vector<16xf32>,
        tpu.vector_store %arg28[%swap3A], %exp3A {strides = array<i32>} : memref<128xf32, #tpu.memory_space<vmem>>, vector<16xf32>,
        %gather3A_401 = tpu.vector_load_idx %arg13[%get3A_387, %broadcast_in_dim3A_24] : memref<10008x8xf32, #tpu.memory_space<vmem>>[vector<16xi32>, vector<16xi32>], vector<16xf32>,
        %mul3A_402 = arith.mulf %exp3A, %gather3A_401 : vector<16xf32>
        tpu.vector_store_idx %arg21[%add3A_399, %broadcast_in_dim3A_24], %mul3A_402 : memref<128x8xf32, #tpu.memory_space<vmem>>[vector<16xi32>, vector<16xi32>], vector<16xf32>,
        %gather3A_403 = tpu.vector_load_idx %arg13[%get3A_387, %broadcast_in_dim3A_26] : memref<10008x8xf32, #tpu.memory_space<vmem>>[vector<16xi32>, vector<16xi32>], vector<16xf32>,
        %mul3A_404 = arith.mulf %exp3A, %gather3A_403 : vector<16xf32>
        tpu.vector_store_idx %arg21[%add3A_399, %broadcast_in_dim3A_26], %mul3A_404 : memref<128x8xf32, #tpu.memory_space<vmem>>[vector<16xi32>, vector<16xi32>], vector<16xf32>,
        %gather3A_405 = tpu.vector_load_idx %arg13[%get3A_387, %broadcast_in_dim3A_28] : memref<10008x8xf32, #tpu.memory_space<vmem>>[vector<16xi32>, vector<16xi32>], vector<16xf32>,
        %mul3A_406 = arith.mulf %exp3A, %gather3A_405 : vector<16xf32>
        tpu.vector_store_idx %arg21[%add3A_399, %broadcast_in_dim3A_28], %mul3A_406 : memref<128x8xf32, #tpu.memory_space<vmem>>[vector<16xi32>, vector<16xi32>], vector<16xf32>,
        %gather3A_407 = tpu.vector_load_idx %arg13[%get3A_387, %broadcast_in_dim3A_30] : memref<10008x8xf32, #tpu.memory_space<vmem>>[vector<16xi32>, vector<16xi32>], vector<16xf32>,
        %mul3A_408 = arith.mulf %exp3A, %gather3A_407 : vector<16xf32>
        tpu.vector_store_idx %arg21[%add3A_399, %broadcast_in_dim3A_30], %mul3A_408 : memref<128x8xf32, #tpu.memory_space<vmem>>[vector<16xi32>, vector<16xi32>], vector<16xf32>,
        %gather3A_409 = tpu.vector_load_idx %arg13[%get3A_387, %broadcast_in_dim3A_32] : memref<10008x8xf32, #tpu.memory_space<vmem>>[vector<16xi32>, vector<16xi32>], vector<16xf32>,
        %mul3A_410 = arith.mulf %exp3A, %gather3A_409 : vector<16xf32>
        tpu.vector_store_idx %arg21[%add3A_399, %broadcast_in_dim3A_32], %mul3A_410 : memref<128x8xf32, #tpu.memory_space<vmem>>[vector<16xi32>, vector<16xi32>], vector<16xf32>,
        %gather3A_411 = tpu.vector_load_idx %arg13[%get3A_387, %broadcast_in_dim3A_34] : memref<10008x8xf32, #tpu.memory_space<vmem>>[vector<16xi32>, vector<16xi32>], vector<16xf32>,
        %mul3A_412 = arith.mulf %exp3A, %gather3A_411 : vector<16xf32>
        tpu.vector_store_idx %arg21[%add3A_399, %broadcast_in_dim3A_34], %mul3A_412 : memref<128x8xf32, #tpu.memory_space<vmem>>[vector<16xi32>, vector<16xi32>], vector<16xf32>,
        %gather3A_413 = tpu.vector_load_idx %arg13[%get3A_387, %broadcast_in_dim3A_36] : memref<10008x8xf32, #tpu.memory_space<vmem>>[vector<16xi32>, vector<16xi32>], vector<16xf32>,
        %mul3A_414 = arith.mulf %exp3A, %gather3A_413 : vector<16xf32>
        tpu.vector_store_idx %arg21[%add3A_399, %broadcast_in_dim3A_36], %mul3A_414 : memref<128x8xf32, #tpu.memory_space<vmem>>[vector<16xi32>, vector<16xi32>], vector<16xf32>,
        %gather3A_415 = tpu.vector_load_idx %arg13[%get3A_387, %broadcast_in_dim3A_38] : memref<10008x8xf32, #tpu.memory_space<vmem>>[vector<16xi32>, vector<16xi32>], vector<16xf32>,
        %mul3A_416 = arith.mulf %exp3A, %gather3A_415 : vector<16xf32>
        tpu.vector_store_idx %arg21[%add3A_399, %broadcast_in_dim3A_38], %mul3A_416 : memref<128x8xf32, #tpu.memory_space<vmem>>[vector<16xi32>, vector<16xi32>], vector<16xf32>,
      }
      %scan3A_339 = arith.constant 8 : i32
      %dma_start3A_340 = arith.constant 2 : i32
      %dma_start3A_341 = arith.constant 0 : i32
      %dma_start3A_342 = tpu.memref_slice %arg20[%dma_start3A_340, %dma_start3A_341] : memref<4x128xi32, #tpu.memory_space<vmem>> -> memref<1x128xi32, #tpu.memory_space<vmem>>
      %dma_start3A_343 = tpu.memref_squeeze %dma_start3A_342 : memref<1x128xi32, #tpu.memory_space<vmem>> -> memref<128xi32, #tpu.memory_space<vmem>>
      %dma_start3A_344 = arith.constant 0 : i32
      %dma_start3A_345 = arith.constant 0 : i32
      %dma_start3A_346 = tpu.memref_slice %arg12[%dma_start3A_344, %dma_start3A_345] : memref<10240x8xf32, #tpu.memory_space<vmem_shared>> -> memref<10240x8xf32, #tpu.memory_space<vmem_shared>>
      tpu.enqueue_indirect_dma source(%arg21 : memref<128x8xf32, #tpu.memory_space<vmem>>) target(%dma_start3A_346 : memref<10240x8xf32, #tpu.memory_space<vmem_shared>>) offsets(%dma_start3A_343 : memref<128xi32, #tpu.memory_space<vmem>>) semaphore(%arg23 : memref<!tpu.dma_semaphore, #tpu.memory_space<semaphore_mem>>) {add = true}
      %dma_start3A_347 = arith.constant 2 : i32
      %dma_start3A_348 = arith.constant 0 : i32
      %dma_start3A_349 = tpu.memref_slice %arg20[%dma_start3A_347, %dma_start3A_348] : memref<4x128xi32, #tpu.memory_space<vmem>> -> memref<1x128xi32, #tpu.memory_space<vmem>>
      %dma_start3A_350 = tpu.memref_squeeze %dma_start3A_349 : memref<1x128xi32, #tpu.memory_space<vmem>> -> memref<128xi32, #tpu.memory_space<vmem>>
      %dma_start3A_351 = arith.constant 0 : i32
      %dma_start3A_352 = tpu.memref_slice %arg27[%dma_start3A_351] : memref<10240xf32, #tpu.memory_space<vmem_shared>> -> memref<10240xf32, #tpu.memory_space<vmem_shared>>
      tpu.enqueue_indirect_dma source(%arg28 : memref<128xf32, #tpu.memory_space<vmem>>) target(%dma_start3A_352 : memref<10240xf32, #tpu.memory_space<vmem_shared>>) offsets(%dma_start3A_350 : memref<128xi32, #tpu.memory_space<vmem>>) semaphore(%arg23 : memref<!tpu.dma_semaphore, #tpu.memory_space<semaphore_mem>>) {add = true}
      %mul3A_353 = arith.constant 4 : i32
      %mul3A_354 = arith.muli %add3A_251, %mul3A_353 : i32
      %add3A_355 = arith.constant 3 : i32
      %add3A_356 = arith.addi %mul3A_354, %add3A_355 : i32
      %ge3A_357 = arith.constant 2 : i32
      %ge3A_358 = arith.cmpi sge, %add3A_356, %ge3A_357 : i32
      %convert_element_type3A_359 = arith.extui %ge3A_358 : i1 to i32
      %cond3A_360 = arith.constant 0 : i32
      %cond3A_361 = arith.cmpi ne, %convert_element_type3A_359, %cond3A_360 : i32
      scf.if %cond3A_361 {
        %dma_wait3A_381 = arith.constant 0 : i32
        %dma_wait3A_382 = arith.constant 0 : i32
        %dma_wait3A_383 = tpu.memref_slice %arg19[%dma_wait3A_381, %dma_wait3A_382] : memref<4x128xi32, #tpu.memory_space<vmem>> -> memref<1x128xi32, #tpu.memory_space<vmem>>
        %dma_wait3A_384 = tpu.memref_squeeze %dma_wait3A_383 : memref<1x128xi32, #tpu.memory_space<vmem>> -> memref<128xi32, #tpu.memory_space<vmem>>
        %dma_wait3A_385 = arith.constant 0 : i32
        %dma_wait3A_386 = arith.constant 0 : i32
        %dma_wait3A_387 = tpu.memref_slice %arg12[%dma_wait3A_385, %dma_wait3A_386] : memref<10240x8xf32, #tpu.memory_space<vmem_shared>> -> memref<10240x8xf32, #tpu.memory_space<vmem_shared>>
        tpu.wait_indirect_dma semaphore(%arg24 : memref<!tpu.dma_semaphore, #tpu.memory_space<semaphore_mem>>) src(%arg22 : memref<128x8xf32, #tpu.memory_space<vmem>>) dst(%dma_wait3A_387 : memref<10240x8xf32, #tpu.memory_space<vmem_shared>>)
        %dma_wait3A_388 = arith.constant 0 : i32
        %dma_wait3A_389 = arith.constant 0 : i32
        %dma_wait3A_390 = tpu.memref_slice %arg19[%dma_wait3A_388, %dma_wait3A_389] : memref<4x128xi32, #tpu.memory_space<vmem>> -> memref<1x128xi32, #tpu.memory_space<vmem>>
        %dma_wait3A_391 = tpu.memref_squeeze %dma_wait3A_390 : memref<1x128xi32, #tpu.memory_space<vmem>> -> memref<128xi32, #tpu.memory_space<vmem>>
        %dma_wait3A_392 = arith.constant 0 : i32
        %dma_wait3A_393 = tpu.memref_slice %arg27[%dma_wait3A_392] : memref<10240xf32, #tpu.memory_space<vmem_shared>> -> memref<10240xf32, #tpu.memory_space<vmem_shared>>
        tpu.wait_indirect_dma semaphore(%arg24 : memref<!tpu.dma_semaphore, #tpu.memory_space<semaphore_mem>>) src(%arg29 : memref<128xf32, #tpu.memory_space<vmem>>) dst(%dma_wait3A_393 : memref<10240xf32, #tpu.memory_space<vmem_shared>>)
      } else {
      }
      %scan3A_362 = arith.constant 0 : i32
      %scan3A_363 = arith.constant 0 : i32
      %scan3A_364 = arith.constant 8 : i32
      %scan3A_365 = arith.addi %scan3A_363, %scan3A_364 : i32
      %scan3A_366 = arith.constant 1 : i32
      scf.for %scan3A_381 = %scan3A_363 to %scan3A_365 step %scan3A_366  : i32 {
        %mul3A_382 = arith.constant 16 : i32
        %mul3A_383 = arith.muli %scan3A_381, %mul3A_382 : i32
        %get3A_384 = arith.constant 3 : i32
        %get3A_385 = arith.index_cast %get3A_384 : i32 to index
        %get3A_386 = arith.index_cast %mul3A_383 : i32 to index
        %get3A_387 = tpu.vector_load %arg18[%get3A_385, %get3A_386] {strides = array<i32>} : memref<4x128xi32, #tpu.memory_space<vmem>>, vector<16xi32>,
        %get3A_388 = arith.constant 3 : i32
        %get3A_389 = arith.index_cast %get3A_388 : i32 to index
        %get3A_390 = arith.index_cast %mul3A_383 : i32 to index
        %get3A_391 = tpu.vector_load %arg20[%get3A_389, %get3A_390] {strides = array<i32>} : memref<4x128xi32, #tpu.memory_space<vmem>>, vector<16xi32>,
        %gather3A = tpu.vector_load_idx %arg14[%get3A_387] : memref<10008xf32, #tpu.memory_space<vmem>>[vector<16xi32>], vector<16xf32>,
        %gather3A_392 = tpu.vector_load_idx %arg15[%get3A_391] : memref<10008xf32, #tpu.memory_space<vmem>>[vector<16xi32>], vector<16xf32>,
        %add3A_393 = arith.addf %gather3A, %gather3A_392 : vector<16xf32>
        %mul3A_394 = arith.constant 2.000000e-01 : f32
        %mul3A_395 = vector.broadcast %mul3A_394 : f32 to vector<16xf32>
        %mul3A_396 = arith.mulf %mul3A_395, %add3A_393 : vector<16xf32>
        %max3A = arith.maximumf %add3A_393, %mul3A_396 : vector<16xf32>
        %sub3A_397 = arith.subf %max3A, %get3A_39 : vector<16xf32>
        %exp3A = math.exp %sub3A_397 : vector<16xf32>
        %add3A_398 = vector.broadcast %mul3A_383 : i32 to vector<16xi32>
        %add3A_399 = arith.addi %iota3A, %add3A_398 : vector<16xi32>
        %swap3A = arith.index_cast %mul3A_383 : i32 to index
        %swap3A_400 = tpu.vector_load %arg29[%swap3A] {strides = array<i32>} : memref<128xf32, #tpu.memory_space<vmem>>, vector<16xf32>,
        tpu.vector_store %arg29[%swap3A], %exp3A {strides = array<i32>} : memref<128xf32, #tpu.memory_space<vmem>>, vector<16xf32>,
        %gather3A_401 = tpu.vector_load_idx %arg13[%get3A_387, %broadcast_in_dim3A_24] : memref<10008x8xf32, #tpu.memory_space<vmem>>[vector<16xi32>, vector<16xi32>], vector<16xf32>,
        %mul3A_402 = arith.mulf %exp3A, %gather3A_401 : vector<16xf32>
        tpu.vector_store_idx %arg22[%add3A_399, %broadcast_in_dim3A_24], %mul3A_402 : memref<128x8xf32, #tpu.memory_space<vmem>>[vector<16xi32>, vector<16xi32>], vector<16xf32>,
        %gather3A_403 = tpu.vector_load_idx %arg13[%get3A_387, %broadcast_in_dim3A_26] : memref<10008x8xf32, #tpu.memory_space<vmem>>[vector<16xi32>, vector<16xi32>], vector<16xf32>,
        %mul3A_404 = arith.mulf %exp3A, %gather3A_403 : vector<16xf32>
        tpu.vector_store_idx %arg22[%add3A_399, %broadcast_in_dim3A_26], %mul3A_404 : memref<128x8xf32, #tpu.memory_space<vmem>>[vector<16xi32>, vector<16xi32>], vector<16xf32>,
        %gather3A_405 = tpu.vector_load_idx %arg13[%get3A_387, %broadcast_in_dim3A_28] : memref<10008x8xf32, #tpu.memory_space<vmem>>[vector<16xi32>, vector<16xi32>], vector<16xf32>,
        %mul3A_406 = arith.mulf %exp3A, %gather3A_405 : vector<16xf32>
        tpu.vector_store_idx %arg22[%add3A_399, %broadcast_in_dim3A_28], %mul3A_406 : memref<128x8xf32, #tpu.memory_space<vmem>>[vector<16xi32>, vector<16xi32>], vector<16xf32>,
        %gather3A_407 = tpu.vector_load_idx %arg13[%get3A_387, %broadcast_in_dim3A_30] : memref<10008x8xf32, #tpu.memory_space<vmem>>[vector<16xi32>, vector<16xi32>], vector<16xf32>,
        %mul3A_408 = arith.mulf %exp3A, %gather3A_407 : vector<16xf32>
        tpu.vector_store_idx %arg22[%add3A_399, %broadcast_in_dim3A_30], %mul3A_408 : memref<128x8xf32, #tpu.memory_space<vmem>>[vector<16xi32>, vector<16xi32>], vector<16xf32>,
        %gather3A_409 = tpu.vector_load_idx %arg13[%get3A_387, %broadcast_in_dim3A_32] : memref<10008x8xf32, #tpu.memory_space<vmem>>[vector<16xi32>, vector<16xi32>], vector<16xf32>,
        %mul3A_410 = arith.mulf %exp3A, %gather3A_409 : vector<16xf32>
        tpu.vector_store_idx %arg22[%add3A_399, %broadcast_in_dim3A_32], %mul3A_410 : memref<128x8xf32, #tpu.memory_space<vmem>>[vector<16xi32>, vector<16xi32>], vector<16xf32>,
        %gather3A_411 = tpu.vector_load_idx %arg13[%get3A_387, %broadcast_in_dim3A_34] : memref<10008x8xf32, #tpu.memory_space<vmem>>[vector<16xi32>, vector<16xi32>], vector<16xf32>,
        %mul3A_412 = arith.mulf %exp3A, %gather3A_411 : vector<16xf32>
        tpu.vector_store_idx %arg22[%add3A_399, %broadcast_in_dim3A_34], %mul3A_412 : memref<128x8xf32, #tpu.memory_space<vmem>>[vector<16xi32>, vector<16xi32>], vector<16xf32>,
        %gather3A_413 = tpu.vector_load_idx %arg13[%get3A_387, %broadcast_in_dim3A_36] : memref<10008x8xf32, #tpu.memory_space<vmem>>[vector<16xi32>, vector<16xi32>], vector<16xf32>,
        %mul3A_414 = arith.mulf %exp3A, %gather3A_413 : vector<16xf32>
        tpu.vector_store_idx %arg22[%add3A_399, %broadcast_in_dim3A_36], %mul3A_414 : memref<128x8xf32, #tpu.memory_space<vmem>>[vector<16xi32>, vector<16xi32>], vector<16xf32>,
        %gather3A_415 = tpu.vector_load_idx %arg13[%get3A_387, %broadcast_in_dim3A_38] : memref<10008x8xf32, #tpu.memory_space<vmem>>[vector<16xi32>, vector<16xi32>], vector<16xf32>,
        %mul3A_416 = arith.mulf %exp3A, %gather3A_415 : vector<16xf32>
        tpu.vector_store_idx %arg22[%add3A_399, %broadcast_in_dim3A_38], %mul3A_416 : memref<128x8xf32, #tpu.memory_space<vmem>>[vector<16xi32>, vector<16xi32>], vector<16xf32>,
      }
      %scan3A_367 = arith.constant 8 : i32
      %dma_start3A_368 = arith.constant 3 : i32
      %dma_start3A_369 = arith.constant 0 : i32
      %dma_start3A_370 = tpu.memref_slice %arg20[%dma_start3A_368, %dma_start3A_369] : memref<4x128xi32, #tpu.memory_space<vmem>> -> memref<1x128xi32, #tpu.memory_space<vmem>>
      %dma_start3A_371 = tpu.memref_squeeze %dma_start3A_370 : memref<1x128xi32, #tpu.memory_space<vmem>> -> memref<128xi32, #tpu.memory_space<vmem>>
      %dma_start3A_372 = arith.constant 0 : i32
      %dma_start3A_373 = arith.constant 0 : i32
      %dma_start3A_374 = tpu.memref_slice %arg12[%dma_start3A_372, %dma_start3A_373] : memref<10240x8xf32, #tpu.memory_space<vmem_shared>> -> memref<10240x8xf32, #tpu.memory_space<vmem_shared>>
      tpu.enqueue_indirect_dma source(%arg22 : memref<128x8xf32, #tpu.memory_space<vmem>>) target(%dma_start3A_374 : memref<10240x8xf32, #tpu.memory_space<vmem_shared>>) offsets(%dma_start3A_371 : memref<128xi32, #tpu.memory_space<vmem>>) semaphore(%arg24 : memref<!tpu.dma_semaphore, #tpu.memory_space<semaphore_mem>>) {add = true}
      %dma_start3A_375 = arith.constant 3 : i32
      %dma_start3A_376 = arith.constant 0 : i32
      %dma_start3A_377 = tpu.memref_slice %arg20[%dma_start3A_375, %dma_start3A_376] : memref<4x128xi32, #tpu.memory_space<vmem>> -> memref<1x128xi32, #tpu.memory_space<vmem>>
      %dma_start3A_378 = tpu.memref_squeeze %dma_start3A_377 : memref<1x128xi32, #tpu.memory_space<vmem>> -> memref<128xi32, #tpu.memory_space<vmem>>
      %dma_start3A_379 = arith.constant 0 : i32
      %dma_start3A_380 = tpu.memref_slice %arg27[%dma_start3A_379] : memref<10240xf32, #tpu.memory_space<vmem_shared>> -> memref<10240xf32, #tpu.memory_space<vmem_shared>>
      tpu.enqueue_indirect_dma source(%arg29 : memref<128xf32, #tpu.memory_space<vmem>>) target(%dma_start3A_380 : memref<10240xf32, #tpu.memory_space<vmem_shared>>) offsets(%dma_start3A_378 : memref<128xi32, #tpu.memory_space<vmem>>) semaphore(%arg24 : memref<!tpu.dma_semaphore, #tpu.memory_space<semaphore_mem>>) {add = true}
    }
    %scan3A_44 = arith.constant 10 : i32
    %dma_wait3A = arith.constant 0 : i32
    %dma_wait3A_45 = arith.constant 0 : i32
    %dma_wait3A_46 = tpu.memref_slice %arg19[%dma_wait3A, %dma_wait3A_45] : memref<4x128xi32, #tpu.memory_space<vmem>> -> memref<1x128xi32, #tpu.memory_space<vmem>>
    %dma_wait3A_47 = tpu.memref_squeeze %dma_wait3A_46 : memref<1x128xi32, #tpu.memory_space<vmem>> -> memref<128xi32, #tpu.memory_space<vmem>>
    %dma_wait3A_48 = arith.constant 0 : i32
    %dma_wait3A_49 = arith.constant 0 : i32
    %dma_wait3A_50 = tpu.memref_slice %arg12[%dma_wait3A_48, %dma_wait3A_49] : memref<10240x8xf32, #tpu.memory_space<vmem_shared>> -> memref<10240x8xf32, #tpu.memory_space<vmem_shared>>
    tpu.wait_indirect_dma semaphore(%arg23 : memref<!tpu.dma_semaphore, #tpu.memory_space<semaphore_mem>>) src(%arg21 : memref<128x8xf32, #tpu.memory_space<vmem>>) dst(%dma_wait3A_50 : memref<10240x8xf32, #tpu.memory_space<vmem_shared>>)
    %dma_wait3A_51 = arith.constant 0 : i32
    %dma_wait3A_52 = arith.constant 0 : i32
    %dma_wait3A_53 = tpu.memref_slice %arg19[%dma_wait3A_51, %dma_wait3A_52] : memref<4x128xi32, #tpu.memory_space<vmem>> -> memref<1x128xi32, #tpu.memory_space<vmem>>
    %dma_wait3A_54 = tpu.memref_squeeze %dma_wait3A_53 : memref<1x128xi32, #tpu.memory_space<vmem>> -> memref<128xi32, #tpu.memory_space<vmem>>
    %dma_wait3A_55 = arith.constant 0 : i32
    %dma_wait3A_56 = tpu.memref_slice %arg27[%dma_wait3A_55] : memref<10240xf32, #tpu.memory_space<vmem_shared>> -> memref<10240xf32, #tpu.memory_space<vmem_shared>>
    tpu.wait_indirect_dma semaphore(%arg23 : memref<!tpu.dma_semaphore, #tpu.memory_space<semaphore_mem>>) src(%arg28 : memref<128xf32, #tpu.memory_space<vmem>>) dst(%dma_wait3A_56 : memref<10240xf32, #tpu.memory_space<vmem_shared>>)
    %dma_wait3A_57 = arith.constant 0 : i32
    %dma_wait3A_58 = arith.constant 0 : i32
    %dma_wait3A_59 = tpu.memref_slice %arg19[%dma_wait3A_57, %dma_wait3A_58] : memref<4x128xi32, #tpu.memory_space<vmem>> -> memref<1x128xi32, #tpu.memory_space<vmem>>
    %dma_wait3A_60 = tpu.memref_squeeze %dma_wait3A_59 : memref<1x128xi32, #tpu.memory_space<vmem>> -> memref<128xi32, #tpu.memory_space<vmem>>
    %dma_wait3A_61 = arith.constant 0 : i32
    %dma_wait3A_62 = arith.constant 0 : i32
    %dma_wait3A_63 = tpu.memref_slice %arg12[%dma_wait3A_61, %dma_wait3A_62] : memref<10240x8xf32, #tpu.memory_space<vmem_shared>> -> memref<10240x8xf32, #tpu.memory_space<vmem_shared>>
    tpu.wait_indirect_dma semaphore(%arg24 : memref<!tpu.dma_semaphore, #tpu.memory_space<semaphore_mem>>) src(%arg22 : memref<128x8xf32, #tpu.memory_space<vmem>>) dst(%dma_wait3A_63 : memref<10240x8xf32, #tpu.memory_space<vmem_shared>>)
    %dma_wait3A_64 = arith.constant 0 : i32
    %dma_wait3A_65 = arith.constant 0 : i32
    %dma_wait3A_66 = tpu.memref_slice %arg19[%dma_wait3A_64, %dma_wait3A_65] : memref<4x128xi32, #tpu.memory_space<vmem>> -> memref<1x128xi32, #tpu.memory_space<vmem>>
    %dma_wait3A_67 = tpu.memref_squeeze %dma_wait3A_66 : memref<1x128xi32, #tpu.memory_space<vmem>> -> memref<128xi32, #tpu.memory_space<vmem>>
    %dma_wait3A_68 = arith.constant 0 : i32
    %dma_wait3A_69 = tpu.memref_slice %arg27[%dma_wait3A_68] : memref<10240xf32, #tpu.memory_space<vmem_shared>> -> memref<10240xf32, #tpu.memory_space<vmem_shared>>
    tpu.wait_indirect_dma semaphore(%arg24 : memref<!tpu.dma_semaphore, #tpu.memory_space<semaphore_mem>>) src(%arg29 : memref<128xf32, #tpu.memory_space<vmem>>) dst(%dma_wait3A_69 : memref<10240xf32, #tpu.memory_space<vmem_shared>>)
    %add3A_70 = arith.constant 81 : i32
    %add3A_71 = arith.addi %mul3A_10, %add3A_70 : i32
    %sub3A = arith.constant 1 : i32
    %sub3A_72 = arith.subi %add3A_71, %sub3A : i32
    "tpu.region"() ({
      %run_scoped3A_118 = tpu.sem_alloc : memref<!tpu.dma_semaphore, #tpu.memory_space<semaphore_mem>>
      %dma_start3A_119 = arith.constant 0 : i32
      %dma_start3A_120 = arith.constant 0 : i32
      %dma_start3A_121 = tpu.memref_slice %arg17[%dma_start3A_119, %dma_start3A_120] : memref<4x128xi32, #tpu.memory_space<vmem>> -> memref<1x128xi32, #tpu.memory_space<vmem>>
      %dma_start3A_122 = arith.constant 0 : i32
      %dma_start3A_123 = tpu.memref_slice %arg2[%sub3A_72, %dma_start3A_122] : memref<2592x128xi32, #tpu.memory_space<hbm>> -> memref<1x128xi32, #tpu.memory_space<hbm>>
      %dma_start3A_124 = arith.constant 0 : i32
      %dma_start3A_125 = arith.constant 0 : i32
      %dma_start3A_126 = tpu.memref_slice %arg17[%dma_start3A_124, %dma_start3A_125] : memref<4x128xi32, #tpu.memory_space<vmem>> -> memref<1x128xi32, #tpu.memory_space<vmem>>
      %dma_start3A_127 = arith.constant 0 : i32
      %dma_start3A_128 = tpu.memref_slice %arg2[%sub3A_72, %dma_start3A_127] : memref<2592x128xi32, #tpu.memory_space<hbm>> -> memref<1x128xi32, #tpu.memory_space<hbm>>
      tpu.enqueue_dma source(%dma_start3A_128 : memref<1x128xi32, #tpu.memory_space<hbm>>) target(%dma_start3A_126 : memref<1x128xi32, #tpu.memory_space<vmem>>) target_semaphore(%run_scoped3A_118 : memref<!tpu.dma_semaphore, #tpu.memory_space<semaphore_mem>>)
      %dma_wait3A_129 = arith.constant 0 : i32
      %dma_wait3A_130 = arith.constant 0 : i32
      %dma_wait3A_131 = tpu.memref_slice %arg17[%dma_wait3A_129, %dma_wait3A_130] : memref<4x128xi32, #tpu.memory_space<vmem>> -> memref<1x128xi32, #tpu.memory_space<vmem>>
      %dma_wait3A_132 = arith.constant 0 : i32
      %dma_wait3A_133 = tpu.memref_slice %arg2[%sub3A_72, %dma_wait3A_132] : memref<2592x128xi32, #tpu.memory_space<hbm>> -> memref<1x128xi32, #tpu.memory_space<hbm>>
      %dma_wait3A_134 = arith.constant 0 : i32
      %dma_wait3A_135 = arith.constant 0 : i32
      %dma_wait3A_136 = tpu.memref_slice %arg17[%dma_wait3A_134, %dma_wait3A_135] : memref<4x128xi32, #tpu.memory_space<vmem>> -> memref<1x128xi32, #tpu.memory_space<vmem>>
      %dma_wait3A_137 = arith.constant 0 : i32
      %dma_wait3A_138 = tpu.memref_slice %arg2[%sub3A_72, %dma_wait3A_137] : memref<2592x128xi32, #tpu.memory_space<hbm>> -> memref<1x128xi32, #tpu.memory_space<hbm>>
      tpu.wait_dma2 semaphore(%run_scoped3A_118 : memref<!tpu.dma_semaphore, #tpu.memory_space<semaphore_mem>>) src(%dma_wait3A_138 : memref<1x128xi32, #tpu.memory_space<hbm>>) dst(%dma_wait3A_136 : memref<1x128xi32, #tpu.memory_space<vmem>>)
      tpu.yield
    }) : () -> ()
    %add3A_73 = arith.constant 81 : i32
    %add3A_74 = arith.addi %mul3A_10, %add3A_73 : i32
    %sub3A_75 = arith.constant 1 : i32
    %sub3A_76 = arith.subi %add3A_74, %sub3A_75 : i32
    "tpu.region"() ({
      %run_scoped3A_118 = tpu.sem_alloc : memref<!tpu.dma_semaphore, #tpu.memory_space<semaphore_mem>>
      %dma_start3A_119 = arith.constant 0 : i32
      %dma_start3A_120 = arith.constant 0 : i32
      %dma_start3A_121 = tpu.memref_slice %arg19[%dma_start3A_119, %dma_start3A_120] : memref<4x128xi32, #tpu.memory_space<vmem>> -> memref<1x128xi32, #tpu.memory_space<vmem>>
      %dma_start3A_122 = arith.constant 0 : i32
      %dma_start3A_123 = tpu.memref_slice %arg3[%sub3A_76, %dma_start3A_122] : memref<2592x128xi32, #tpu.memory_space<hbm>> -> memref<1x128xi32, #tpu.memory_space<hbm>>
      %dma_start3A_124 = arith.constant 0 : i32
      %dma_start3A_125 = arith.constant 0 : i32
      %dma_start3A_126 = tpu.memref_slice %arg19[%dma_start3A_124, %dma_start3A_125] : memref<4x128xi32, #tpu.memory_space<vmem>> -> memref<1x128xi32, #tpu.memory_space<vmem>>
      %dma_start3A_127 = arith.constant 0 : i32
      %dma_start3A_128 = tpu.memref_slice %arg3[%sub3A_76, %dma_start3A_127] : memref<2592x128xi32, #tpu.memory_space<hbm>> -> memref<1x128xi32, #tpu.memory_space<hbm>>
      tpu.enqueue_dma source(%dma_start3A_128 : memref<1x128xi32, #tpu.memory_space<hbm>>) target(%dma_start3A_126 : memref<1x128xi32, #tpu.memory_space<vmem>>) target_semaphore(%run_scoped3A_118 : memref<!tpu.dma_semaphore, #tpu.memory_space<semaphore_mem>>)
      %dma_wait3A_129 = arith.constant 0 : i32
      %dma_wait3A_130 = arith.constant 0 : i32
      %dma_wait3A_131 = tpu.memref_slice %arg19[%dma_wait3A_129, %dma_wait3A_130] : memref<4x128xi32, #tpu.memory_space<vmem>> -> memref<1x128xi32, #tpu.memory_space<vmem>>
      %dma_wait3A_132 = arith.constant 0 : i32
      %dma_wait3A_133 = tpu.memref_slice %arg3[%sub3A_76, %dma_wait3A_132] : memref<2592x128xi32, #tpu.memory_space<hbm>> -> memref<1x128xi32, #tpu.memory_space<hbm>>
      %dma_wait3A_134 = arith.constant 0 : i32
      %dma_wait3A_135 = arith.constant 0 : i32
      %dma_wait3A_136 = tpu.memref_slice %arg19[%dma_wait3A_134, %dma_wait3A_135] : memref<4x128xi32, #tpu.memory_space<vmem>> -> memref<1x128xi32, #tpu.memory_space<vmem>>
      %dma_wait3A_137 = arith.constant 0 : i32
      %dma_wait3A_138 = tpu.memref_slice %arg3[%sub3A_76, %dma_wait3A_137] : memref<2592x128xi32, #tpu.memory_space<hbm>> -> memref<1x128xi32, #tpu.memory_space<hbm>>
      tpu.wait_dma2 semaphore(%run_scoped3A_118 : memref<!tpu.dma_semaphore, #tpu.memory_space<semaphore_mem>>) src(%dma_wait3A_138 : memref<1x128xi32, #tpu.memory_space<hbm>>) dst(%dma_wait3A_136 : memref<1x128xi32, #tpu.memory_space<vmem>>)
      tpu.yield
    }) : () -> ()
    %scan3A_77 = arith.constant 0 : i32
    %scan3A_78 = arith.constant 0 : i32
    %scan3A_79 = arith.constant 8 : i32
    %scan3A_80 = arith.addi %scan3A_78, %scan3A_79 : i32
    %scan3A_81 = arith.constant 1 : i32
    scf.for %scan3A_118 = %scan3A_78 to %scan3A_80 step %scan3A_81  : i32 {
      %mul3A_119 = arith.constant 16 : i32
      %mul3A_120 = arith.muli %scan3A_118, %mul3A_119 : i32
      %get3A_121 = arith.constant 0 : i32
      %get3A_122 = arith.index_cast %get3A_121 : i32 to index
      %get3A_123 = arith.index_cast %mul3A_120 : i32 to index
      %get3A_124 = tpu.vector_load %arg17[%get3A_122, %get3A_123] {strides = array<i32>} : memref<4x128xi32, #tpu.memory_space<vmem>>, vector<16xi32>,
      %get3A_125 = arith.constant 0 : i32
      %get3A_126 = arith.index_cast %get3A_125 : i32 to index
      %get3A_127 = arith.index_cast %mul3A_120 : i32 to index
      %get3A_128 = tpu.vector_load %arg19[%get3A_126, %get3A_127] {strides = array<i32>} : memref<4x128xi32, #tpu.memory_space<vmem>>, vector<16xi32>,
      %gather3A = tpu.vector_load_idx %arg14[%get3A_124] : memref<10008xf32, #tpu.memory_space<vmem>>[vector<16xi32>], vector<16xf32>,
      %gather3A_129 = tpu.vector_load_idx %arg15[%get3A_128] : memref<10008xf32, #tpu.memory_space<vmem>>[vector<16xi32>], vector<16xf32>,
      %add3A_130 = arith.addf %gather3A, %gather3A_129 : vector<16xf32>
      %mul3A_131 = arith.constant 2.000000e-01 : f32
      %mul3A_132 = vector.broadcast %mul3A_131 : f32 to vector<16xf32>
      %mul3A_133 = arith.mulf %mul3A_132, %add3A_130 : vector<16xf32>
      %max3A = arith.maximumf %add3A_130, %mul3A_133 : vector<16xf32>
      %sub3A_134 = arith.subf %max3A, %get3A_39 : vector<16xf32>
      %exp3A = math.exp %sub3A_134 : vector<16xf32>
      %add3A_135 = vector.broadcast %mul3A_120 : i32 to vector<16xi32>
      %add3A_136 = arith.addi %iota3A, %add3A_135 : vector<16xi32>
      %swap3A = arith.index_cast %mul3A_120 : i32 to index
      %swap3A_137 = tpu.vector_load %arg28[%swap3A] {strides = array<i32>} : memref<128xf32, #tpu.memory_space<vmem>>, vector<16xf32>,
      tpu.vector_store %arg28[%swap3A], %exp3A {strides = array<i32>} : memref<128xf32, #tpu.memory_space<vmem>>, vector<16xf32>,
      %gather3A_138 = tpu.vector_load_idx %arg13[%get3A_124, %broadcast_in_dim3A_24] : memref<10008x8xf32, #tpu.memory_space<vmem>>[vector<16xi32>, vector<16xi32>], vector<16xf32>,
      %mul3A_139 = arith.mulf %exp3A, %gather3A_138 : vector<16xf32>
      tpu.vector_store_idx %arg21[%add3A_136, %broadcast_in_dim3A_24], %mul3A_139 : memref<128x8xf32, #tpu.memory_space<vmem>>[vector<16xi32>, vector<16xi32>], vector<16xf32>,
      %gather3A_140 = tpu.vector_load_idx %arg13[%get3A_124, %broadcast_in_dim3A_26] : memref<10008x8xf32, #tpu.memory_space<vmem>>[vector<16xi32>, vector<16xi32>], vector<16xf32>,
      %mul3A_141 = arith.mulf %exp3A, %gather3A_140 : vector<16xf32>
      tpu.vector_store_idx %arg21[%add3A_136, %broadcast_in_dim3A_26], %mul3A_141 : memref<128x8xf32, #tpu.memory_space<vmem>>[vector<16xi32>, vector<16xi32>], vector<16xf32>,
      %gather3A_142 = tpu.vector_load_idx %arg13[%get3A_124, %broadcast_in_dim3A_28] : memref<10008x8xf32, #tpu.memory_space<vmem>>[vector<16xi32>, vector<16xi32>], vector<16xf32>,
      %mul3A_143 = arith.mulf %exp3A, %gather3A_142 : vector<16xf32>
      tpu.vector_store_idx %arg21[%add3A_136, %broadcast_in_dim3A_28], %mul3A_143 : memref<128x8xf32, #tpu.memory_space<vmem>>[vector<16xi32>, vector<16xi32>], vector<16xf32>,
      %gather3A_144 = tpu.vector_load_idx %arg13[%get3A_124, %broadcast_in_dim3A_30] : memref<10008x8xf32, #tpu.memory_space<vmem>>[vector<16xi32>, vector<16xi32>], vector<16xf32>,
      %mul3A_145 = arith.mulf %exp3A, %gather3A_144 : vector<16xf32>
      tpu.vector_store_idx %arg21[%add3A_136, %broadcast_in_dim3A_30], %mul3A_145 : memref<128x8xf32, #tpu.memory_space<vmem>>[vector<16xi32>, vector<16xi32>], vector<16xf32>,
      %gather3A_146 = tpu.vector_load_idx %arg13[%get3A_124, %broadcast_in_dim3A_32] : memref<10008x8xf32, #tpu.memory_space<vmem>>[vector<16xi32>, vector<16xi32>], vector<16xf32>,
      %mul3A_147 = arith.mulf %exp3A, %gather3A_146 : vector<16xf32>
      tpu.vector_store_idx %arg21[%add3A_136, %broadcast_in_dim3A_32], %mul3A_147 : memref<128x8xf32, #tpu.memory_space<vmem>>[vector<16xi32>, vector<16xi32>], vector<16xf32>,
      %gather3A_148 = tpu.vector_load_idx %arg13[%get3A_124, %broadcast_in_dim3A_34] : memref<10008x8xf32, #tpu.memory_space<vmem>>[vector<16xi32>, vector<16xi32>], vector<16xf32>,
      %mul3A_149 = arith.mulf %exp3A, %gather3A_148 : vector<16xf32>
      tpu.vector_store_idx %arg21[%add3A_136, %broadcast_in_dim3A_34], %mul3A_149 : memref<128x8xf32, #tpu.memory_space<vmem>>[vector<16xi32>, vector<16xi32>], vector<16xf32>,
      %gather3A_150 = tpu.vector_load_idx %arg13[%get3A_124, %broadcast_in_dim3A_36] : memref<10008x8xf32, #tpu.memory_space<vmem>>[vector<16xi32>, vector<16xi32>], vector<16xf32>,
      %mul3A_151 = arith.mulf %exp3A, %gather3A_150 : vector<16xf32>
      tpu.vector_store_idx %arg21[%add3A_136, %broadcast_in_dim3A_36], %mul3A_151 : memref<128x8xf32, #tpu.memory_space<vmem>>[vector<16xi32>, vector<16xi32>], vector<16xf32>,
      %gather3A_152 = tpu.vector_load_idx %arg13[%get3A_124, %broadcast_in_dim3A_38] : memref<10008x8xf32, #tpu.memory_space<vmem>>[vector<16xi32>, vector<16xi32>], vector<16xf32>,
      %mul3A_153 = arith.mulf %exp3A, %gather3A_152 : vector<16xf32>
      tpu.vector_store_idx %arg21[%add3A_136, %broadcast_in_dim3A_38], %mul3A_153 : memref<128x8xf32, #tpu.memory_space<vmem>>[vector<16xi32>, vector<16xi32>], vector<16xf32>,
    }
    %scan3A_82 = arith.constant 8 : i32
    %dma_start3A_83 = arith.constant 0 : i32
    %dma_start3A_84 = arith.constant 0 : i32
    %dma_start3A_85 = tpu.memref_slice %arg19[%dma_start3A_83, %dma_start3A_84] : memref<4x128xi32, #tpu.memory_space<vmem>> -> memref<1x128xi32, #tpu.memory_space<vmem>>
    %dma_start3A_86 = tpu.memref_squeeze %dma_start3A_85 : memref<1x128xi32, #tpu.memory_space<vmem>> -> memref<128xi32, #tpu.memory_space<vmem>>
    %dma_start3A_87 = arith.constant 0 : i32
    %dma_start3A_88 = arith.constant 0 : i32
    %dma_start3A_89 = tpu.memref_slice %arg12[%dma_start3A_87, %dma_start3A_88] : memref<10240x8xf32, #tpu.memory_space<vmem_shared>> -> memref<10240x8xf32, #tpu.memory_space<vmem_shared>>
    tpu.enqueue_indirect_dma source(%arg21 : memref<128x8xf32, #tpu.memory_space<vmem>>) target(%dma_start3A_89 : memref<10240x8xf32, #tpu.memory_space<vmem_shared>>) offsets(%dma_start3A_86 : memref<128xi32, #tpu.memory_space<vmem>>) semaphore(%arg23 : memref<!tpu.dma_semaphore, #tpu.memory_space<semaphore_mem>>) {add = true}
    %dma_start3A_90 = arith.constant 0 : i32
    %dma_start3A_91 = arith.constant 0 : i32
    %dma_start3A_92 = tpu.memref_slice %arg19[%dma_start3A_90, %dma_start3A_91] : memref<4x128xi32, #tpu.memory_space<vmem>> -> memref<1x128xi32, #tpu.memory_space<vmem>>
    %dma_start3A_93 = tpu.memref_squeeze %dma_start3A_92 : memref<1x128xi32, #tpu.memory_space<vmem>> -> memref<128xi32, #tpu.memory_space<vmem>>
    %dma_start3A_94 = arith.constant 0 : i32
    %dma_start3A_95 = tpu.memref_slice %arg27[%dma_start3A_94] : memref<10240xf32, #tpu.memory_space<vmem_shared>> -> memref<10240xf32, #tpu.memory_space<vmem_shared>>
    tpu.enqueue_indirect_dma source(%arg28 : memref<128xf32, #tpu.memory_space<vmem>>) target(%dma_start3A_95 : memref<10240xf32, #tpu.memory_space<vmem_shared>>) offsets(%dma_start3A_93 : memref<128xi32, #tpu.memory_space<vmem>>) semaphore(%arg23 : memref<!tpu.dma_semaphore, #tpu.memory_space<semaphore_mem>>) {add = true}
    %dma_wait3A_96 = arith.constant 0 : i32
    %dma_wait3A_97 = arith.constant 0 : i32
    %dma_wait3A_98 = tpu.memref_slice %arg19[%dma_wait3A_96, %dma_wait3A_97] : memref<4x128xi32, #tpu.memory_space<vmem>> -> memref<1x128xi32, #tpu.memory_space<vmem>>
    %dma_wait3A_99 = tpu.memref_squeeze %dma_wait3A_98 : memref<1x128xi32, #tpu.memory_space<vmem>> -> memref<128xi32, #tpu.memory_space<vmem>>
    %dma_wait3A_100 = arith.constant 0 : i32
    %dma_wait3A_101 = arith.constant 0 : i32
    %dma_wait3A_102 = tpu.memref_slice %arg12[%dma_wait3A_100, %dma_wait3A_101] : memref<10240x8xf32, #tpu.memory_space<vmem_shared>> -> memref<10240x8xf32, #tpu.memory_space<vmem_shared>>
    tpu.wait_indirect_dma semaphore(%arg23 : memref<!tpu.dma_semaphore, #tpu.memory_space<semaphore_mem>>) src(%arg21 : memref<128x8xf32, #tpu.memory_space<vmem>>) dst(%dma_wait3A_102 : memref<10240x8xf32, #tpu.memory_space<vmem_shared>>)
    %dma_wait3A_103 = arith.constant 0 : i32
    %dma_wait3A_104 = arith.constant 0 : i32
    %dma_wait3A_105 = tpu.memref_slice %arg19[%dma_wait3A_103, %dma_wait3A_104] : memref<4x128xi32, #tpu.memory_space<vmem>> -> memref<1x128xi32, #tpu.memory_space<vmem>>
    %dma_wait3A_106 = tpu.memref_squeeze %dma_wait3A_105 : memref<1x128xi32, #tpu.memory_space<vmem>> -> memref<128xi32, #tpu.memory_space<vmem>>
    %dma_wait3A_107 = arith.constant 0 : i32
    %dma_wait3A_108 = tpu.memref_slice %arg27[%dma_wait3A_107] : memref<10240xf32, #tpu.memory_space<vmem_shared>> -> memref<10240xf32, #tpu.memory_space<vmem_shared>>
    tpu.wait_indirect_dma semaphore(%arg23 : memref<!tpu.dma_semaphore, #tpu.memory_space<semaphore_mem>>) src(%arg28 : memref<128xf32, #tpu.memory_space<vmem>>) dst(%dma_wait3A_108 : memref<10240xf32, #tpu.memory_space<vmem_shared>>)
    %barrier3A_109 = arith.constant 0 : index
    tpu.barrier barrier_id(%barrier3A_109)
    %mul3A_110 = arith.constant 640 : i32
    %mul3A_111 = arith.muli %arg1, %mul3A_110 : i32
    %mul3A_112 = arith.constant 640 : i32
    %mul3A_113 = arith.muli %arg1, %mul3A_112 : i32
    "tpu.region"() ({
      %run_scoped3A_118 = tpu.sem_alloc : memref<!tpu.dma_semaphore, #tpu.memory_space<semaphore_mem>>
      %dma_start3A_119 = arith.constant 0 : i32
      %dma_start3A_120 = tpu.memref_slice %arg10[%arg0, %mul3A_113, %dma_start3A_119] : memref<2x10240x8xf32, #tpu.memory_space<hbm>> -> memref<1x640x8xf32, #tpu.memory_space<hbm>>
      %dma_start3A_121 = tpu.memref_squeeze %dma_start3A_120 : memref<1x640x8xf32, #tpu.memory_space<hbm>> -> memref<640x8xf32, #tpu.memory_space<hbm>>
      %dma_start3A_122 = arith.constant 0 : i32
      %dma_start3A_123 = tpu.memref_slice %arg12[%mul3A_111, %dma_start3A_122] : memref<10240x8xf32, #tpu.memory_space<vmem_shared>> -> memref<640x8xf32, #tpu.memory_space<vmem_shared>>
      tpu.enqueue_dma source(%dma_start3A_123 : memref<640x8xf32, #tpu.memory_space<vmem_shared>>) target(%dma_start3A_121 : memref<640x8xf32, #tpu.memory_space<hbm>>) target_semaphore(%run_scoped3A_118 : memref<!tpu.dma_semaphore, #tpu.memory_space<semaphore_mem>>)
      %dma_wait3A_124 = arith.constant 0 : i32
      %dma_wait3A_125 = tpu.memref_slice %arg10[%arg0, %mul3A_113, %dma_wait3A_124] : memref<2x10240x8xf32, #tpu.memory_space<hbm>> -> memref<1x640x8xf32, #tpu.memory_space<hbm>>
      %dma_wait3A_126 = tpu.memref_squeeze %dma_wait3A_125 : memref<1x640x8xf32, #tpu.memory_space<hbm>> -> memref<640x8xf32, #tpu.memory_space<hbm>>
      %dma_wait3A_127 = arith.constant 0 : i32
      %dma_wait3A_128 = tpu.memref_slice %arg12[%mul3A_111, %dma_wait3A_127] : memref<10240x8xf32, #tpu.memory_space<vmem_shared>> -> memref<640x8xf32, #tpu.memory_space<vmem_shared>>
      tpu.wait_dma2 semaphore(%run_scoped3A_118 : memref<!tpu.dma_semaphore, #tpu.memory_space<semaphore_mem>>) src(%dma_wait3A_128 : memref<640x8xf32, #tpu.memory_space<vmem_shared>>) dst(%dma_wait3A_126 : memref<640x8xf32, #tpu.memory_space<hbm>>)
      tpu.yield
    }) : () -> ()
    %mul3A_114 = arith.constant 640 : i32
    %mul3A_115 = arith.muli %arg1, %mul3A_114 : i32
    %mul3A_116 = arith.constant 640 : i32
    %mul3A_117 = arith.muli %arg1, %mul3A_116 : i32
    "tpu.region"() ({
      %run_scoped3A_118 = tpu.sem_alloc : memref<!tpu.dma_semaphore, #tpu.memory_space<semaphore_mem>>
      %dma_start3A_119 = tpu.memref_slice %arg11[%arg0, %mul3A_117] : memref<2x10240xf32, #tpu.memory_space<hbm>> -> memref<1x640xf32, #tpu.memory_space<hbm>>
      %dma_start3A_120 = tpu.memref_squeeze %dma_start3A_119 : memref<1x640xf32, #tpu.memory_space<hbm>> -> memref<640xf32, #tpu.memory_space<hbm>>
      %dma_start3A_121 = tpu.memref_slice %arg27[%mul3A_115] : memref<10240xf32, #tpu.memory_space<vmem_shared>> -> memref<640xf32, #tpu.memory_space<vmem_shared>>
      tpu.enqueue_dma source(%dma_start3A_121 : memref<640xf32, #tpu.memory_space<vmem_shared>>) target(%dma_start3A_120 : memref<640xf32, #tpu.memory_space<hbm>>) target_semaphore(%run_scoped3A_118 : memref<!tpu.dma_semaphore, #tpu.memory_space<semaphore_mem>>)
      %dma_wait3A_122 = tpu.memref_slice %arg11[%arg0, %mul3A_117] : memref<2x10240xf32, #tpu.memory_space<hbm>> -> memref<1x640xf32, #tpu.memory_space<hbm>>
      %dma_wait3A_123 = tpu.memref_squeeze %dma_wait3A_122 : memref<1x640xf32, #tpu.memory_space<hbm>> -> memref<640xf32, #tpu.memory_space<hbm>>
      %dma_wait3A_124 = tpu.memref_slice %arg27[%mul3A_115] : memref<10240xf32, #tpu.memory_space<vmem_shared>> -> memref<640xf32, #tpu.memory_space<vmem_shared>>
      tpu.wait_dma2 semaphore(%run_scoped3A_118 : memref<!tpu.dma_semaphore, #tpu.memory_space<semaphore_mem>>) src(%dma_wait3A_124 : memref<640xf32, #tpu.memory_space<vmem_shared>>) dst(%dma_wait3A_123 : memref<640xf32, #tpu.memory_space<hbm>>)
      tpu.yield
    }) : () -> ()
    return
  }
}

module attributes {stable_mosaic.version = 14 : i64} {
  func.func @_prep1_body(%arg0: memref<10000x128xf32, #tpu.memory_space<vmem>>, %arg1: memref<2x320000xi32, #tpu.memory_space<vmem>>, %arg2: memref<128x8xf32, #tpu.memory_space<vmem>>, %arg3: memref<1x8xf32, #tpu.memory_space<vmem>>, %arg4: memref<1x8xf32, #tpu.memory_space<vmem>>, %arg5: memref<10008x8xf32, #tpu.memory_space<vmem>>, %arg6: memref<10008xf32, #tpu.memory_space<vmem>>, %arg7: memref<10008xf32, #tpu.memory_space<vmem>>, %arg8: memref<1x16xf32, #tpu.memory_space<vmem>>, %arg9: memref<2592x128xi32, #tpu.memory_space<vmem>>, %arg10: memref<2592x128xi32, #tpu.memory_space<vmem>>) attributes {dimension_semantics = [], scalar_prefetch = 0 : i64, scratch_operands = 0 : i64, tpu.core_type = #tpu.core_type<tc>} {
    %get3A = arith.constant 0 : index
    %get3A_0 = arith.constant 0 : index
    %get3A_1 = vector.load %arg0[%get3A, %get3A_0] : memref<10000x128xf32, #tpu.memory_space<vmem>>, vector<10000x128xf32>
    %get3A_2 = arith.constant 0 : index
    %get3A_3 = arith.constant 0 : index
    %get3A_4 = vector.load %arg2[%get3A_2, %get3A_3] : memref<128x8xf32, #tpu.memory_space<vmem>>, vector<128x8xf32>
    %dot_general3A = arith.constant dense<0.000000e+00> : vector<10000x8xf32>
    %dot_general3A_5 = tpu.matmul %get3A_1, %get3A_4, %dot_general3A {dimension_numbers = #tpu.dot_dimension_numbers<[1], [0], [0], [1], [0, 0, 1, 1], [], []>, transpose_lhs_hint = false} : vector<10000x128xf32>, vector<128x8xf32>, vector<10000x8xf32> -> vector<10000x8xf32>
    %broadcast_in_dim3A = arith.constant 0.000000e+00 : f32
    %broadcast_in_dim3A_6 = vector.broadcast %broadcast_in_dim3A : f32 to vector<8x8xf32>
    %concatenate3A = tpu.concatenate %dot_general3A_5, %broadcast_in_dim3A_6 in 0 : vector<10000x8xf32>, vector<8x8xf32> -> vector<10008x8xf32>
    %swap3A = arith.constant 0 : index
    %swap3A_7 = arith.constant 0 : index
    %swap3A_8 = vector.load %arg5[%swap3A, %swap3A_7] : memref<10008x8xf32, #tpu.memory_space<vmem>>, vector<10008x8xf32>
    tpu.vector_store %arg5[%swap3A, %swap3A_7], %concatenate3A {strides = array<i32>} : memref<10008x8xf32, #tpu.memory_space<vmem>>, vector<10008x8xf32>,
    %get3A_9 = arith.constant 0 : index
    %get3A_10 = arith.constant 0 : index
    %get3A_11 = vector.load %arg3[%get3A_9, %get3A_10] : memref<1x8xf32, #tpu.memory_space<vmem>>, vector<1x8xf32>
    %get3A_12 = arith.constant 0 : index
    %get3A_13 = arith.constant 0 : index
    %get3A_14 = vector.load %arg4[%get3A_12, %get3A_13] : memref<1x8xf32, #tpu.memory_space<vmem>>, vector<1x8xf32>
    %mul3A = vector.broadcast %get3A_11 : vector<1x8xf32> to vector<10000x8xf32>
    %mul3A_15 = arith.mulf %dot_general3A_5, %mul3A : vector<10000x8xf32>
    %reduce_sum3A = arith.constant dense<0.000000e+00> : vector<10000xf32>
    %reduce_sum3A_16 = vector.multi_reduction <add>, %mul3A_15, %reduce_sum3A [1] : vector<10000x8xf32> to vector<10000xf32>
    %mul3A_17 = vector.broadcast %get3A_14 : vector<1x8xf32> to vector<10000x8xf32>
    %mul3A_18 = arith.mulf %dot_general3A_5, %mul3A_17 : vector<10000x8xf32>
    %reduce_sum3A_19 = arith.constant dense<0.000000e+00> : vector<10000xf32>
    %reduce_sum3A_20 = vector.multi_reduction <add>, %mul3A_18, %reduce_sum3A_19 [1] : vector<10000x8xf32> to vector<10000xf32>
    %reduce_max3A = vector.shape_cast %reduce_sum3A_16 : vector<10000xf32> to vector<1x10000xf32>
    %reduce_max3A_21 = arith.constant dense<0xFF800000> : vector<1xf32>
    %reduce_max3A_22 = vector.multi_reduction <maximumf>, %reduce_max3A, %reduce_max3A_21 [1] : vector<1x10000xf32> to vector<1xf32>
    %reduce_max3A_23 = vector.shape_cast %reduce_max3A_22 : vector<1xf32> to vector<1x1xf32>
    %reduce_max3A_24 = vector.extract %reduce_max3A_23[0, 0] : f32 from vector<1x1xf32>
    %reduce_max3A_25 = vector.shape_cast %reduce_sum3A_20 : vector<10000xf32> to vector<1x10000xf32>
    %reduce_max3A_26 = arith.constant dense<0xFF800000> : vector<1xf32>
    %reduce_max3A_27 = vector.multi_reduction <maximumf>, %reduce_max3A_25, %reduce_max3A_26 [1] : vector<1x10000xf32> to vector<1xf32>
    %reduce_max3A_28 = vector.shape_cast %reduce_max3A_27 : vector<1xf32> to vector<1x1xf32>
    %reduce_max3A_29 = vector.extract %reduce_max3A_28[0, 0] : f32 from vector<1x1xf32>
    %add3A = arith.addf %reduce_max3A_24, %reduce_max3A_29 : f32
    %ge3A = arith.constant 0.000000e+00 : f32
    %ge3A_30 = arith.cmpf oge, %add3A, %ge3A : f32
    %mul3A_31 = arith.constant 2.000000e-01 : f32
    %mul3A_32 = arith.mulf %mul3A_31, %add3A : f32
    %select_n3A = arith.select %ge3A_30, %add3A, %mul3A_32 : f32
    %broadcast_in_dim3A_33 = arith.constant 0.000000e+00 : f32
    %broadcast_in_dim3A_34 = vector.broadcast %broadcast_in_dim3A_33 : f32 to vector<8xf32>
    %concatenate3A_35 = tpu.concatenate %reduce_sum3A_16, %broadcast_in_dim3A_34 in 0 : vector<10000xf32>, vector<8xf32> -> vector<10008xf32>
    %concatenate3A_36 = tpu.concatenate %reduce_sum3A_20, %broadcast_in_dim3A_34 in 0 : vector<10000xf32>, vector<8xf32> -> vector<10008xf32>
    %broadcast_in_dim3A_37 = vector.broadcast %select_n3A : f32 to vector<1x16xf32>
    %swap3A_38 = arith.constant 0 : index
    %swap3A_39 = vector.load %arg6[%swap3A_38] : memref<10008xf32, #tpu.memory_space<vmem>>, vector<10008xf32>
    tpu.vector_store %arg6[%swap3A_38], %concatenate3A_35 {strides = array<i32>} : memref<10008xf32, #tpu.memory_space<vmem>>, vector<10008xf32>,
    %swap3A_40 = arith.constant 0 : index
    %swap3A_41 = vector.load %arg7[%swap3A_40] : memref<10008xf32, #tpu.memory_space<vmem>>, vector<10008xf32>
    tpu.vector_store %arg7[%swap3A_40], %concatenate3A_36 {strides = array<i32>} : memref<10008xf32, #tpu.memory_space<vmem>>, vector<10008xf32>,
    %swap3A_42 = arith.constant 0 : index
    %swap3A_43 = arith.constant 0 : index
    %swap3A_44 = vector.load %arg8[%swap3A_42, %swap3A_43] : memref<1x16xf32, #tpu.memory_space<vmem>>, vector<1x16xf32>
    tpu.vector_store %arg8[%swap3A_42, %swap3A_43], %broadcast_in_dim3A_37 {strides = array<i32>} : memref<1x16xf32, #tpu.memory_space<vmem>>, vector<1x16xf32>,
    %iota3A = tpu.iota {dimensions = array<i32: 1>} : vector<1x10000xi32>
    %iota3A_45 = vector.shape_cast %iota3A : vector<1x10000xi32> to vector<10000xi32>
    %broadcast_in_dim3A_46 = arith.constant 10000 : i32
    %broadcast_in_dim3A_47 = vector.broadcast %broadcast_in_dim3A_46 : i32 to vector<1776xi32>
    %get3A_48 = arith.constant 0 : index
    %get3A_49 = arith.constant 0 : index
    %get3A_50 = vector.load %arg1[%get3A_48, %get3A_49] : memref<2x320000xi32, #tpu.memory_space<vmem>>, vector<1x320000xi32>
    %get3A_51 = vector.shape_cast %get3A_50 : vector<1x320000xi32> to vector<320000xi32>
    %concatenate3A_52 = tpu.concatenate %get3A_51, %iota3A_45, %broadcast_in_dim3A_47 in 0 : vector<320000xi32>, vector<10000xi32>, vector<1776xi32> -> vector<331776xi32>
    %reshape3A = vector.shape_cast %concatenate3A_52 : vector<331776xi32> to vector<2592x128xi32>
    %swap3A_53 = arith.constant 0 : index
    %swap3A_54 = arith.constant 0 : index
    %swap3A_55 = vector.load %arg9[%swap3A_53, %swap3A_54] : memref<2592x128xi32, #tpu.memory_space<vmem>>, vector<2592x128xi32>
    tpu.vector_store %arg9[%swap3A_53, %swap3A_54], %reshape3A {strides = array<i32>} : memref<2592x128xi32, #tpu.memory_space<vmem>>, vector<2592x128xi32>,
    %get3A_56 = arith.constant 1 : index
    %get3A_57 = arith.constant 0 : index
    %get3A_58 = vector.load %arg1[%get3A_56, %get3A_57] : memref<2x320000xi32, #tpu.memory_space<vmem>>, vector<1x320000xi32>
    %get3A_59 = vector.shape_cast %get3A_58 : vector<1x320000xi32> to vector<320000xi32>
    %concatenate3A_60 = tpu.concatenate %get3A_59, %iota3A_45, %broadcast_in_dim3A_47 in 0 : vector<320000xi32>, vector<10000xi32>, vector<1776xi32> -> vector<331776xi32>
    %reshape3A_61 = vector.shape_cast %concatenate3A_60 : vector<331776xi32> to vector<2592x128xi32>
    %swap3A_62 = arith.constant 0 : index
    %swap3A_63 = arith.constant 0 : index
    %swap3A_64 = vector.load %arg10[%swap3A_62, %swap3A_63] : memref<2592x128xi32, #tpu.memory_space<vmem>>, vector<2592x128xi32>
    tpu.vector_store %arg10[%swap3A_62, %swap3A_63], %reshape3A_61 {strides = array<i32>} : memref<2592x128xi32, #tpu.memory_space<vmem>>, vector<2592x128xi32>,
    return
  }
}

module attributes {stable_mosaic.version = 14 : i64} {
  func.func @_mid_body(%arg0: memref<2x10240x8xf32, #tpu.memory_space<vmem>>, %arg1: memref<2x10240xf32, #tpu.memory_space<vmem>>, %arg2: memref<1x8xf32, #tpu.memory_space<vmem>>, %arg3: memref<8x7xf32, #tpu.memory_space<vmem>>, %arg4: memref<1x7xf32, #tpu.memory_space<vmem>>, %arg5: memref<1x7xf32, #tpu.memory_space<vmem>>, %arg6: memref<10008x8xf32, #tpu.memory_space<vmem>>, %arg7: memref<10008xf32, #tpu.memory_space<vmem>>, %arg8: memref<10008xf32, #tpu.memory_space<vmem>>, %arg9: memref<1x16xf32, #tpu.memory_space<vmem>>) attributes {dimension_semantics = [], scalar_prefetch = 0 : i64, scratch_operands = 0 : i64, tpu.core_type = #tpu.core_type<tc>} {
    %get3A = arith.constant 0 : index
    %get3A_0 = arith.constant 0 : index
    %get3A_1 = arith.constant 0 : index
    %get3A_2 = vector.load %arg0[%get3A, %get3A_0, %get3A_1] : memref<2x10240x8xf32, #tpu.memory_space<vmem>>, vector<1x10000x8xf32>
    %get3A_3 = vector.shape_cast %get3A_2 : vector<1x10000x8xf32> to vector<10000x8xf32>
    %get3A_4 = arith.constant 1 : index
    %get3A_5 = arith.constant 0 : index
    %get3A_6 = arith.constant 0 : index
    %get3A_7 = vector.load %arg0[%get3A_4, %get3A_5, %get3A_6] : memref<2x10240x8xf32, #tpu.memory_space<vmem>>, vector<1x10000x8xf32>
    %get3A_8 = vector.shape_cast %get3A_7 : vector<1x10000x8xf32> to vector<10000x8xf32>
    %add3A = arith.addf %get3A_3, %get3A_8 : vector<10000x8xf32>
    %get3A_9 = arith.constant 0 : index
    %get3A_10 = arith.constant 0 : index
    %get3A_11 = vector.load %arg1[%get3A_9, %get3A_10] : memref<2x10240xf32, #tpu.memory_space<vmem>>, vector<1x10000xf32>
    %get3A_12 = vector.shape_cast %get3A_11 : vector<1x10000xf32> to vector<10000xf32>
    %get3A_13 = arith.constant 1 : index
    %get3A_14 = arith.constant 0 : index
    %get3A_15 = vector.load %arg1[%get3A_13, %get3A_14] : memref<2x10240xf32, #tpu.memory_space<vmem>>, vector<1x10000xf32>
    %get3A_16 = vector.shape_cast %get3A_15 : vector<1x10000xf32> to vector<10000xf32>
    %add3A_17 = arith.addf %get3A_12, %get3A_16 : vector<10000xf32>
    %broadcast_in_dim3A = vector.shape_cast %add3A_17 : vector<10000xf32> to vector<10000x1xf32>
    %div3A = vector.broadcast %broadcast_in_dim3A : vector<10000x1xf32> to vector<10000x8xf32>
    %div3A_18 = arith.divf %add3A, %div3A : vector<10000x8xf32>
    %get3A_19 = arith.constant 0 : index
    %get3A_20 = arith.constant 0 : index
    %get3A_21 = vector.load %arg2[%get3A_19, %get3A_20] : memref<1x8xf32, #tpu.memory_space<vmem>>, vector<1x8xf32>
    %add3A_22 = vector.broadcast %get3A_21 : vector<1x8xf32> to vector<10000x8xf32>
    %add3A_23 = arith.addf %div3A_18, %add3A_22 : vector<10000x8xf32>
    %max3A = arith.constant 0.000000e+00 : f32
    %max3A_24 = vector.broadcast %max3A : f32 to vector<10000x8xf32>
    %max3A_25 = arith.maximumf %add3A_23, %max3A_24 : vector<10000x8xf32>
    %get3A_26 = arith.constant 0 : index
    %get3A_27 = arith.constant 0 : index
    %get3A_28 = vector.load %arg3[%get3A_26, %get3A_27] : memref<8x7xf32, #tpu.memory_space<vmem>>, vector<8x7xf32>
    %dot_general3A = arith.constant dense<0.000000e+00> : vector<10000x7xf32>
    %dot_general3A_29 = tpu.matmul %max3A_25, %get3A_28, %dot_general3A {dimension_numbers = #tpu.dot_dimension_numbers<[1], [0], [0], [1], [0, 0, 1, 1], [], []>, transpose_lhs_hint = false} : vector<10000x8xf32>, vector<8x7xf32>, vector<10000x7xf32> -> vector<10000x7xf32>
    %broadcast_in_dim3A_30 = arith.constant 0.000000e+00 : f32
    %broadcast_in_dim3A_31 = vector.broadcast %broadcast_in_dim3A_30 : f32 to vector<10000x1xf32>
    %concatenate3A = tpu.concatenate %dot_general3A_29, %broadcast_in_dim3A_31 in 1 : vector<10000x7xf32>, vector<10000x1xf32> -> vector<10000x8xf32>
    %broadcast_in_dim3A_32 = arith.constant 0.000000e+00 : f32
    %broadcast_in_dim3A_33 = vector.broadcast %broadcast_in_dim3A_32 : f32 to vector<8x8xf32>
    %concatenate3A_34 = tpu.concatenate %concatenate3A, %broadcast_in_dim3A_33 in 0 : vector<10000x8xf32>, vector<8x8xf32> -> vector<10008x8xf32>
    %swap3A = arith.constant 0 : index
    %swap3A_35 = arith.constant 0 : index
    %swap3A_36 = vector.load %arg6[%swap3A, %swap3A_35] : memref<10008x8xf32, #tpu.memory_space<vmem>>, vector<10008x8xf32>
    tpu.vector_store %arg6[%swap3A, %swap3A_35], %concatenate3A_34 {strides = array<i32>} : memref<10008x8xf32, #tpu.memory_space<vmem>>, vector<10008x8xf32>,
    %get3A_37 = arith.constant 0 : index
    %get3A_38 = arith.constant 0 : index
    %get3A_39 = vector.load %arg4[%get3A_37, %get3A_38] : memref<1x7xf32, #tpu.memory_space<vmem>>, vector<1x7xf32>
    %get3A_40 = arith.constant 0 : index
    %get3A_41 = arith.constant 0 : index
    %get3A_42 = vector.load %arg5[%get3A_40, %get3A_41] : memref<1x7xf32, #tpu.memory_space<vmem>>, vector<1x7xf32>
    %mul3A = vector.broadcast %get3A_39 : vector<1x7xf32> to vector<10000x7xf32>
    %mul3A_43 = arith.mulf %dot_general3A_29, %mul3A : vector<10000x7xf32>
    %reduce_sum3A = arith.constant dense<0.000000e+00> : vector<10000xf32>
    %reduce_sum3A_44 = vector.multi_reduction <add>, %mul3A_43, %reduce_sum3A [1] : vector<10000x7xf32> to vector<10000xf32>
    %mul3A_45 = vector.broadcast %get3A_42 : vector<1x7xf32> to vector<10000x7xf32>
    %mul3A_46 = arith.mulf %dot_general3A_29, %mul3A_45 : vector<10000x7xf32>
    %reduce_sum3A_47 = arith.constant dense<0.000000e+00> : vector<10000xf32>
    %reduce_sum3A_48 = vector.multi_reduction <add>, %mul3A_46, %reduce_sum3A_47 [1] : vector<10000x7xf32> to vector<10000xf32>
    %reduce_max3A = vector.shape_cast %reduce_sum3A_44 : vector<10000xf32> to vector<1x10000xf32>
    %reduce_max3A_49 = arith.constant dense<0xFF800000> : vector<1xf32>
    %reduce_max3A_50 = vector.multi_reduction <maximumf>, %reduce_max3A, %reduce_max3A_49 [1] : vector<1x10000xf32> to vector<1xf32>
    %reduce_max3A_51 = vector.shape_cast %reduce_max3A_50 : vector<1xf32> to vector<1x1xf32>
    %reduce_max3A_52 = vector.extract %reduce_max3A_51[0, 0] : f32 from vector<1x1xf32>
    %reduce_max3A_53 = vector.shape_cast %reduce_sum3A_48 : vector<10000xf32> to vector<1x10000xf32>
    %reduce_max3A_54 = arith.constant dense<0xFF800000> : vector<1xf32>
    %reduce_max3A_55 = vector.multi_reduction <maximumf>, %reduce_max3A_53, %reduce_max3A_54 [1] : vector<1x10000xf32> to vector<1xf32>
    %reduce_max3A_56 = vector.shape_cast %reduce_max3A_55 : vector<1xf32> to vector<1x1xf32>
    %reduce_max3A_57 = vector.extract %reduce_max3A_56[0, 0] : f32 from vector<1x1xf32>
    %add3A_58 = arith.addf %reduce_max3A_52, %reduce_max3A_57 : f32
    %ge3A = arith.constant 0.000000e+00 : f32
    %ge3A_59 = arith.cmpf oge, %add3A_58, %ge3A : f32
    %mul3A_60 = arith.constant 2.000000e-01 : f32
    %mul3A_61 = arith.mulf %mul3A_60, %add3A_58 : f32
    %select_n3A = arith.select %ge3A_59, %add3A_58, %mul3A_61 : f32
    %broadcast_in_dim3A_62 = arith.constant 0.000000e+00 : f32
    %broadcast_in_dim3A_63 = vector.broadcast %broadcast_in_dim3A_62 : f32 to vector<8xf32>
    %concatenate3A_64 = tpu.concatenate %reduce_sum3A_44, %broadcast_in_dim3A_63 in 0 : vector<10000xf32>, vector<8xf32> -> vector<10008xf32>
    %concatenate3A_65 = tpu.concatenate %reduce_sum3A_48, %broadcast_in_dim3A_63 in 0 : vector<10000xf32>, vector<8xf32> -> vector<10008xf32>
    %broadcast_in_dim3A_66 = vector.broadcast %select_n3A : f32 to vector<1x16xf32>
    %swap3A_67 = arith.constant 0 : index
    %swap3A_68 = vector.load %arg7[%swap3A_67] : memref<10008xf32, #tpu.memory_space<vmem>>, vector<10008xf32>
    tpu.vector_store %arg7[%swap3A_67], %concatenate3A_64 {strides = array<i32>} : memref<10008xf32, #tpu.memory_space<vmem>>, vector<10008xf32>,
    %swap3A_69 = arith.constant 0 : index
    %swap3A_70 = vector.load %arg8[%swap3A_69] : memref<10008xf32, #tpu.memory_space<vmem>>, vector<10008xf32>
    tpu.vector_store %arg8[%swap3A_69], %concatenate3A_65 {strides = array<i32>} : memref<10008xf32, #tpu.memory_space<vmem>>, vector<10008xf32>,
    %swap3A_71 = arith.constant 0 : index
    %swap3A_72 = arith.constant 0 : index
    %swap3A_73 = vector.load %arg9[%swap3A_71, %swap3A_72] : memref<1x16xf32, #tpu.memory_space<vmem>>, vector<1x16xf32>
    tpu.vector_store %arg9[%swap3A_71, %swap3A_72], %broadcast_in_dim3A_66 {strides = array<i32>} : memref<1x16xf32, #tpu.memory_space<vmem>>, vector<1x16xf32>,
    return
  }
}

module attributes {stable_mosaic.version = 14 : i64} {
  func.func @_final_body(%arg0: memref<2x10240x8xf32, #tpu.memory_space<vmem>>, %arg1: memref<1x7xf32, #tpu.memory_space<vmem>>, %arg2: memref<10000x7xf32, #tpu.memory_space<vmem>>) attributes {dimension_semantics = [], scalar_prefetch = 0 : i64, scratch_operands = 0 : i64, tpu.core_type = #tpu.core_type<tc>} {
    %get3A = arith.constant 0 : index
    %get3A_0 = arith.constant 0 : index
    %get3A_1 = arith.constant 0 : index
    %get3A_2 = vector.load %arg0[%get3A, %get3A_0, %get3A_1] : memref<2x10240x8xf32, #tpu.memory_space<vmem>>, vector<1x10000x7xf32>
    %get3A_3 = vector.shape_cast %get3A_2 : vector<1x10000x7xf32> to vector<10000x7xf32>
    %get3A_4 = arith.constant 1 : index
    %get3A_5 = arith.constant 0 : index
    %get3A_6 = arith.constant 0 : index
    %get3A_7 = vector.load %arg0[%get3A_4, %get3A_5, %get3A_6] : memref<2x10240x8xf32, #tpu.memory_space<vmem>>, vector<1x10000x7xf32>
    %get3A_8 = vector.shape_cast %get3A_7 : vector<1x10000x7xf32> to vector<10000x7xf32>
    %add3A = arith.addf %get3A_3, %get3A_8 : vector<10000x7xf32>
    %get3A_9 = arith.constant 0 : index
    %get3A_10 = arith.constant 0 : index
    %get3A_11 = arith.constant 7 : index
    %get3A_12 = vector.load %arg0[%get3A_9, %get3A_10, %get3A_11] : memref<2x10240x8xf32, #tpu.memory_space<vmem>>, vector<1x10000x1xf32>
    %get3A_13 = vector.shape_cast %get3A_12 : vector<1x10000x1xf32> to vector<10000xf32>
    %get3A_14 = arith.constant 1 : index
    %get3A_15 = arith.constant 0 : index
    %get3A_16 = arith.constant 7 : index
    %get3A_17 = vector.load %arg0[%get3A_14, %get3A_15, %get3A_16] : memref<2x10240x8xf32, #tpu.memory_space<vmem>>, vector<1x10000x1xf32>
    %get3A_18 = vector.shape_cast %get3A_17 : vector<1x10000x1xf32> to vector<10000xf32>
    %add3A_19 = arith.addf %get3A_13, %get3A_18 : vector<10000xf32>
    %broadcast_in_dim3A = vector.shape_cast %add3A_19 : vector<10000xf32> to vector<10000x1xf32>
    %div3A = vector.broadcast %broadcast_in_dim3A : vector<10000x1xf32> to vector<10000x7xf32>
    %div3A_20 = arith.divf %add3A, %div3A : vector<10000x7xf32>
    %get3A_21 = arith.constant 0 : index
    %get3A_22 = arith.constant 0 : index
    %get3A_23 = vector.load %arg1[%get3A_21, %get3A_22] : memref<1x7xf32, #tpu.memory_space<vmem>>, vector<1x7xf32>
    %add3A_24 = vector.broadcast %get3A_23 : vector<1x7xf32> to vector<10000x7xf32>
    %add3A_25 = arith.addf %div3A_20, %add3A_24 : vector<10000x7xf32>
    %reduce_max3A = arith.constant dense<0xFF800000> : vector<10000xf32>
    %reduce_max3A_26 = vector.multi_reduction <maximumf>, %add3A_25, %reduce_max3A [1] : vector<10000x7xf32> to vector<10000xf32>
    %broadcast_in_dim3A_27 = vector.shape_cast %reduce_max3A_26 : vector<10000xf32> to vector<10000x1xf32>
    %sub3A = vector.broadcast %broadcast_in_dim3A_27 : vector<10000x1xf32> to vector<10000x7xf32>
    %sub3A_28 = arith.subf %add3A_25, %sub3A : vector<10000x7xf32>
    %exp3A = math.exp %sub3A_28 : vector<10000x7xf32>
    %reduce_sum3A = arith.constant dense<0.000000e+00> : vector<10000xf32>
    %reduce_sum3A_29 = vector.multi_reduction <add>, %exp3A, %reduce_sum3A [1] : vector<10000x7xf32> to vector<10000xf32>
    %broadcast_in_dim3A_30 = vector.shape_cast %reduce_sum3A_29 : vector<10000xf32> to vector<10000x1xf32>
    %log3A = math.log %broadcast_in_dim3A_30 : vector<10000x1xf32>
    %add3A_31 = arith.addf %broadcast_in_dim3A_27, %log3A : vector<10000x1xf32>
    %sub3A_32 = vector.broadcast %add3A_31 : vector<10000x1xf32> to vector<10000x7xf32>
    %sub3A_33 = arith.subf %add3A_25, %sub3A_32 : vector<10000x7xf32>
    %swap3A = arith.constant 0 : index
    %swap3A_34 = arith.constant 0 : index
    %swap3A_35 = vector.load %arg2[%swap3A, %swap3A_34] : memref<10000x7xf32, #tpu.memory_space<vmem>>, vector<10000x7xf32>
    tpu.vector_store %arg2[%swap3A, %swap3A_34], %sub3A_33 {strides = array<i32>} : memref<10000x7xf32, #tpu.memory_space<vmem>>, vector<10000x7xf32>,
    return
  }
}

</mosaic_0001>

<sc_bundles>
// kernel: kernel.10.cloned.1.call-start
scs
__scs_entry_jumppad:
0x0: {  	(pc) =	sbr.rel $0x88, $3  }
0x1: {  	(tag) =	ssettag $0x0;
	lr =	simm.s32 $0x1  }
0x2: {  	[smem:$0x3F97] =	sst lr;
	_ =	strace $0xD0000000  }
0x3: {  	_ = 	snop  }
0x4: {  	_ = 	snop  }
0x5: {  	_ = 	snop  }
0x6: {  	_ = 	snop  }
0x7: {  	_ = 	snop  }
__scs_overlays_trampoline_lowered:
0x8: {  	[smem:$0x3FA6] =	sst s0  }
0x9: {  	[smem:$0x3FA7] =	sst s1  }
0xa: {  	[smem:$0x3FA8] =	sst s2  }
0xb: {  	[smem:$0x3FA9] =	sst s3  }
0xc: {  	[smem:$0x3FAA] =	sst s4  }
0xd: {  	[smem:$0x3FAB] =	sst s5  }
0xe: {  	[smem:$0x3FAC] =	sst s6  }
0xf: {  	[smem:$0x3FAD] =	sst s7  }
0x10: {  	[smem:$0x3FAE] =	sst s8  }
0x11: {  	[smem:$0x3FAF] =	sst s9;
	s0 =	simm.s32 @!p0 $0x0  }
0x12: {  	s1 =	sld [smem:$0x3F95];
	s0 =	simm.s32 @p0 $0x1  }
0x13: {  	[smem:$0x3FB0] =	sst s0;
	s0 =	simm.s32 @!p1 $0x0  }
0x14: {  	s2 =	sld [smem:$0x3F94];
	s0 =	simm.s32 @p1 $0x1  }
0x15: {  	[smem:$0x3FB1] =	sst s0;
	s0 =	simm.s32 @!p2 $0x0  }
0x16: {  	s3 =	sld [smem:$0x3FDB];
	s0 =	simm.s32 @p2 $0x1  }
0x17: {  	s4 =	simm.s32 $0x1BF5;
	[smem:$0x3FB3] =	sst s0  }
0x18: {  	s0 =	sld [smem:$0x3F96];
	_ =	swait.ge [sflag:s4], $0x0  }
0x19: {  	s7 =	sld [smem:$0x3F97]  }
0x1a: {  	s8 =	sadd.s32 $0xFFFFE003, lr  }
0x1b: {  	s9 =	sadd.s32 $0xFFFFFEF7, lr;
	s5 =	simm.s32 $0xFFFFFFFF;
	p2 =	slt.u32 s8, $0xFFFFF086  }
0x1c: {  	p1 =	slt.u32 s9, $0xF7A;
	s5 =	simm.s32 @!p2 $0x0  }
0x1d: {  	s5 =	simm.s32 @p1 $0x1;
	p0 =	seq.s32 s7, s2  }
0x1e: {  	s7 =	smul.u32 @!p0 $0xF7A, s2;
	p2 =	seq.s32 @!p0 s5, $0x0  }
0x1f: {  	s9 =	smul.u32 $0xF7A, s1;
	s8 =	simm.s32 @!p0 $0x1BF5;
	p2 =	por !p2, p0  }
0x20: {  	[sflag:s8] =	ssyncset.s32 @!p0 $0xFFFFF086;
	s6 =	sadd.s32 @!p0 s3, s7;
	s7 =	simm.s32 @!p0 $0x108  }
0x21: {  	s3 =	sadd.s32 s3, s9;
	s6 =	sadd.s32 @!p0 $0x88, s6;
	s7 =	simm.s32 @p2 $0x1082  }
0x22: {  	[simem:s7], [sflag:s8] =	dma.local @!p0 [hbm:s6], $0xF7A  }
0x23: {  	s9 =	sor.u32 $0xD0000000, s2;
	s6 =	simm.s32 $0x108;
	_ =	swait.ge @!p0 [sflag:s8], $0x0  }
0x24: {  	s3 =	sadd.s32 $0x88, s3;
	s6 =	simm.s32 @!p1 $0x1082;
	[sflag:s4] =	ssyncset.s32 $0xFFFFF086  }
0x25: {  	[simem:s6], [sflag:s4] =	dma.local [hbm:s3], $0xF7A  }
0x26: {  	[smem:$0x3F97] =	sst s1;
	(tag) =	ssettag s2;
	_ =	strace s9  }
0x27: {  	s1 =	sld [smem:$0x3FA7]  }
0x28: {  	s2 =	sld [smem:$0x3FA8]  }
0x29: {  	s4 =	sld [smem:$0x3FAA]  }
0x2a: {  	p0 =	seq.s32 s5, $0x0;
	s5 =	sld [smem:$0x3FAB]  }
0x2b: {  	s6 =	sld [smem:$0x3FAC]  }
0x2c: {  	s7 =	sld [smem:$0x3FAD]  }
0x2d: {  	s3 =	simm.s32 $0x108;
	s8 =	sld [smem:$0x3FAE]  }
0x2e: {  	s3 =	simm.s32 @!p0 $0x1082;
	s9 =	sld [smem:$0x3FAF]  }
0x2f: {  	lr =	sadd.s32 s0, s3;
	s0 =	sld [smem:$0x3FA6]  }
0x30: {  	s3 =	sld [smem:$0x3FA9]  }
0x31: {  	[smem:$0x3FB2] =	sst s10  }
0x32: {  	s10 =	sld [smem:$0x3FB0];
	_ =	sdelay $0x3  }
0x33: {  	p0 =	seq.s32 s10, $0x1;
	s10 =	sld [smem:$0x3FB2];
	_ =	sdelay $0x3  }
0x34: {  	[smem:$0x3FB2] =	sst s10  }
0x35: {  	s10 =	sld [smem:$0x3FB1];
	_ =	sdelay $0x3  }
0x36: {  	p1 =	seq.s32 s10, $0x1;
	s10 =	sld [smem:$0x3FB2];
	_ =	sdelay $0x3  }
0x37: {  	[smem:$0x3FB2] =	sst s10  }
0x38: {  	s10 =	sld [smem:$0x3FB3]  }
0x39: {  	_ = 	snop;
	(pc) =	sbr.ind lr, $3  }
0x3a: {  	_ = 	snop  }
0x3b: {  	_ = 	snop  }
0x3c: {  	p2 =	seq.s32 s10, $0x1;
	s10 =	sld [smem:$0x3FB2]  }
0x3d: {  	_ =	shalt  }
0x3e: {  	_ =	shalt  }
0x3f: {  	_ =	shalt  }
0x40: {  	_ =	shalt  }
0x41: {  	_ =	shalt  }
0x42: {  	_ =	shalt  }
0x43: {  	_ =	shalt  }
0x44: {  	_ =	shalt  }
0x45: {  	_ =	shalt  }
0x46: {  	_ =	shalt  }
0x47: {  	_ =	shalt  }
0x48: {  	_ =	shalt  }
0x49: {  	_ =	shalt  }
0x4a: {  	_ =	shalt  }
0x4b: {  	_ =	shalt  }
0x4c: {  	_ =	shalt  }
0x4d: {  	_ =	shalt  }
0x4e: {  	_ =	shalt  }
0x4f: {  	_ =	shalt  }
0x50: {  	_ =	shalt  }
0x51: {  	_ =	shalt  }
0x52: {  	_ =	shalt  }
0x53: {  	_ =	shalt  }
0x54: {  	_ =	shalt  }
0x55: {  	_ =	shalt  }
0x56: {  	_ =	shalt  }
0x57: {  	_ =	shalt  }
0x58: {  	_ =	shalt  }
0x59: {  	_ =	shalt  }
0x5a: {  	_ =	shalt  }
0x5b: {  	_ =	shalt  }
0x5c: {  	_ =	shalt  }
0x5d: {  	_ =	shalt  }
0x5e: {  	_ =	shalt  }
0x5f: {  	_ =	shalt  }
0x60: {  	_ =	shalt  }
0x61: {  	_ =	shalt  }
0x62: {  	_ =	shalt  }
0x63: {  	_ =	shalt  }
0x64: {  	_ =	shalt  }
0x65: {  	_ =	shalt  }
0x66: {  	_ =	shalt  }
0x67: {  	_ =	shalt  }
0x68: {  	_ =	shalt  }
0x69: {  	_ =	shalt  }
0x6a: {  	_ =	shalt  }
0x6b: {  	_ =	shalt  }
0x6c: {  	_ =	shalt  }
0x6d: {  	_ =	shalt  }
0x6e: {  	_ =	shalt  }
0x6f: {  	_ =	shalt  }
0x70: {  	_ =	shalt  }
0x71: {  	_ =	shalt  }
0x72: {  	_ =	shalt  }
0x73: {  	_ =	shalt  }
0x74: {  	_ =	shalt  }
0x75: {  	_ =	shalt  }
0x76: {  	_ =	shalt  }
0x77: {  	_ =	shalt  }
0x78: {  	_ =	shalt  }
0x79: {  	_ =	shalt  }
0x7a: {  	_ =	shalt  }
0x7b: {  	_ =	shalt  }
0x7c: {  	_ =	shalt  }
0x7d: {  	_ =	shalt  }
0x7e: {  	_ =	shalt  }
0x7f: {  	_ =	shalt  }
0x80: {  	_ =	shalt  }
0x81: {  	_ =	shalt  }
0x82: {  	_ =	shalt  }
0x83: {  	_ =	shalt  }
0x84: {  	_ =	shalt  }
0x85: {  	_ =	shalt  }
0x86: {  	_ =	shalt  }
0x87: {  	_ =	shalt  }
.Lfunc_end0:
.L_simem_size_0:
called_computation.1_lowered:
.L_overlay_start_0:
0x88: {  	s2 =	sld [smem:$0x3FD9]  }
0x89: {  	s3 =	sld [smem:$0x3FFE];
	_ =	sdelay $0x1  }
0x8a: {  	s1 =	srdreg.scid  }
0x8b: {  	s0 =	sand.u32 $0x1, s1  }
0x8c: {  	s17 =	sshll.u32 s0, $0xA;
	s2 =	sadd.s32 s3, s2  }
0x8d: {  	s2 =	sadd.s32 s2, s17  }
0x8e: {  	[smem:$0x3FBE] =	sst s2  }
0x8f: {  	_ = 	snop  }
0x90: {  	s2 =	sld [smem:$0x3FD0];
	(tm) =	ssettm $0x1  }
0x91: {  	s18 =	sld [smem:$0x3FFB];
	_ =	sdelay $0x3  }
0x92: {  	_ =	strace s18  }
0x93: {  	s3 =	sld [smem:$0x3FFC];
	_ =	sdelay $0x3  }
0x94: {  	_ =	strace s3  }
0x95: {  	s3 =	sld [smem:$0x3FFD];
	_ =	sdelay $0x3  }
0x96: {  	_ =	strace s3  }
0x97: {  	_ =	strace $0x8FFFFFFF  }
0x98: {  	s19 =	sld [smem:$0x3FDB];
	_ =	sdelay $0x1  }
0x99: {  	s4 =	simm.s32 $_scs_section_size  }
0x9a: {  	s5 =	simm.s32 $_size__tile_overlayer_lowered;
	s6 =	simm.s32 $_tile_overlayer_lowered  }
0x9b: {  	s22 =	simm.s32 $0x1BFF;
	s21 =	sshll.u32 s6, $0x1;
	s3 =	sadd.s32 s4, s19  }
0x9c: {  	s7 =	simm.s32 $0x0;
	s20 =	sshll.u32 s5, $0x1;
	s5 =	sadd.s32 s21, s3  }
0x9d: {  	[timem:s7], [sflag:s22] =	dma.local [hbm:s5], s20  }
0x9e: {  	_ =	swait.ge [sflag:s22], s20  }
0x9f: {  	s4 =	ssub.s32 $0x0, s20;
	[sflag:s22] =	ssyncset.done $0x0  }
0xa0: {  	[sflag:s22] =	ssyncadd.s32 s4;
	_ =	sdelay $0x1  }
0xa1: {  	s23 =	simm.s32 $0x1B8B  }
0xa2: {  	_ =	swait.ge [sflag:s23], $0x1  }
0xa3: {  	[sflag:s23] =	ssyncset.done $0x0  }
0xa4: {  	s25 =	simm.s32 $0x1B8E;
	s24 =	sld [smem:$0x3FFE];
	[sflag:s23] =	ssyncadd.s32 $0xFFFFFFFF  }
0xa5: {  	s26 =	simm.s32 $execute0_lowered;
	[smem:$0x3FD2] =	sst s25  }
0xa6: {  	s5 =	sshll.u32 s26, $0x1;
	_ =	strace $0x80000049;
	[dreg:$0x1] =	wrdreg $0xFFFFFFFF  }
0xa7: {  	s28 =	simm.s32 $_size_execute0_lowered;
	s3 =	sadd.s32 s3, s5;
	[dreg:$0x0] =	wrdreg $0x0  }
0xa8: {  	s5 =	sshll.u32 s28, $0x1;
	[dreg:$0x2] =	wrdreg s3  }
0xa9: {  	[dreg:$0x3] =	wrdreg s5  }
0xaa: {  	[dreg:$0x4] =	wrdreg $0xC0  }
0xab: {  	_ =	task [dreg:s7], $0x5FFFF  }
0xac: {  	[dreg:$0x1] =	wrdreg $0xFFFFFFFF  }
0xad: {  	[dreg:$0x0] =	wrdreg $0x60  }
0xae: {  	[dreg:$0x2] =	wrdreg s24  }
0xaf: {  	[dreg:$0x3] =	wrdreg s2  }
0xb0: {  	[dreg:$0x4] =	wrdreg $0x0  }
0xb1: {  	[dreg:$0x5] =	wrdreg $0x9  }
0xb2: {  	_ =	task.clear_ibuf [dreg:s7], $0x6FFFF;
	_ =	strace $0x90000049  }
0xb3: {  	s29 =	simm.s32 $0x9;
	_ =	strace $0x8000004B  }
0xb4: {  	_ =	swait.ge [sflag:s29], $0x1  }
0xb5: {  	[sflag:s29] =	ssyncadd.s32 $0xFFFFFFFF  }
0xb6: {  	_ =	strace $0x9000004B  }
0xb7: {  	_ =	sfence  }
0xb8: {  	s30 =	sld [smem:$0x0];
	_ =	sdelay $0x2  }
0xb9: {  	s31 =	sshll.u32 s1, $0xD;
	s1 =	sshrl.u32 s1, $0x2  }
0xba: {  	s3 =	sand.u32 $0x4000, s31;
	s1 =	sadd.s32 s1, s30  }
0xbb: {  	s0 =	sor.u32 s3, s0;
	s1 =	sshll.u32 s1, $0x11  }
0xbc: {  	s0 =	sor.u32 s1, s0  }
0xbd: {  	s0 =	sadd.s32 $0x8F2B, s0  }
0xbe: {  	[sflag:s0] =	ssyncadd.remote.s32 $0x1  }
0xbf: {  	_ =	sfence.sel $0xFFFF  }
0xc0: {  	[dreg:$0x0] =	wrdreg $0xFFFFFFFF;
	(pc) =	sbr.abs _section_cstart, $3  }
0xc1: {  	[dreg:$0x1] =	wrdreg $0xFFFFFFFF  }
0xc2: {  	_ =	task.clear_ibuf [dreg:s7], $0x2FFFF;
	_ =	strace $0x9FFFFFFF  }
0xc3: {  	(tm) =	ssettm $0x7FFFFFFF  }
tec
execute0_lowered:
.L_overlay_start_1:
0x0: {  	(tag) =	ssettag $0x1  }
0x1: {  	s0 =	rddreg [dreg:$0x0]  }
0x2: {  	s2 =	rddreg [dreg:$0x2];
	s4 =	simm.s32 $0x0  }
0x3: {  	s10 =	stileid.u32;
	s3 =	srdreg.scid;
	s28 =	simm.s32 $0x3  }
0x4: {  	s29 =	simm.s32 $0x19D00;
	s30 =	simm.s32 $0x1A100;
	s31 =	simm.s32 $0x1A300  }
0x5: {  	s12 =	simm.s32 $0x1A280;
	[smem:$0x7FF] =	sst s4;
	s5 =	sadd.s32 $0x3200, s0  }
0x6: {  	s1 =	smul.u32 $0x1400, s10;
	s6 =	sadd.s32 $0xD400, s0;
	s7 =	sadd.s32 $0x17600, s0  }
0x7: {  	s15 =	sadd.s32 $0x17C00, s0;
	_ =	strace $0x8000004A;
	[dreg:$0x4] =	wrdreg s7  }
0x8: {  	s3 =	sand.u32 $0x1, s3;
	s9 =	sadd.s32 $0x18200, s0;
	[dreg:$0x5] =	wrdreg s15  }
0x9: {  	s8 =	smul.u32 $0x14000, s3;
	[dreg:$0x6] =	wrdreg s9;
	s17 =	sshll.u32 s3, $0x4  }
0xa: {  	s3 =	ssub.s32 $0x2, s3;
	s16 =	sshrl.u32 s1, $0x3;
	s9 =	sor.u32 s10, s17  }
0xb: {  	s18 =	sshrl.u32 s3, $0x1;
	s17 =	simm.s32 $0x5;
	s10 =	simm.s32 $0x1A180  }
0xc: {  	s7 =	sadd.s32 s16, s0;
	s8 =	sadd.s32 s1, s8;
	s11 =	smul.u32 $0x510, s9  }
0xd: {  	s3 =	ssub.s32 s3, s18;
	s19 =	smul.u32 $0x2880, s9;
	s1 =	sadd.s32 s1, s2  }
0xe: {  	s21 =	smul.u32 $0x51, s9;
	s9 =	simm.s32 $0x4;
	s16 =	simm.s32 $0x0  }
0xf: {  	s8 =	sshrl.u32 s8, $0x3;
	[dreg:$0x7] =	wrdreg s1;
	s20 =	sadd.s32 $0x18A00, s7  }
0x10: {  	s26 =	smax.u32 s3, $0x1;
	s3 =	simm.s32 $0x1A000;
	s0 =	sadd.s32 s8, s0  }
0x11: {  	[dreg:$0x8] =	wrdreg s20;
	s22 =	sadd.s32 s5, s11;
	s23 =	sadd.s32 s6, s11  }
0x12: {  	s24 =	sshrl.u32 s19, $0x3;
	s14 =	sadd.s32 $0x4, s21;
	s15 =	sadd.s32 $0x8, s21  }
0x13: {  	[dreg:$0xe] =	wrdreg s26;
	s20 =	simm.s32 $0x1400;
	s26 =	simm.s32 $0x19F00  }
0x14: {  	s8 =	simm.s32 $0x1A080;
	s11 =	simm.s32 $0x1A200;
	[dreg:$0x9] =	wrdreg s22  }
0x15: {  	[dreg:$0xa] =	wrdreg s23;
	s25 =	sadd.s32 $0x500, s24;
	s0 =	sadd.s32 $0x1B200, s0  }
0x16: {  	s22 =	simm.s32 $0x14CC0;
	s23 =	simm.s32 $0x173D8;
	s24 =	simm.s32 $0x19F80  }
0x17: {  	s7 =	sadd.s32 s5, s25;
	s1 =	sadd.s32 s6, s25;
	[dreg:$0xd] =	wrdreg s0  }
0x18: {  	v0 =	vlaneseq.u32;
	s0 =	simm.s32 $0x80;
	s25 =	simm.s32 $0x1;
	[dreg:$0xb] =	wrdreg s7  }
0x19: {  	v0 =	vmul.u32 $0x8, v0;
	[dreg:$0xc] =	wrdreg s1;
	s1 =	simm.s32 $0x1A700;
	s7 =	simm.s32 $0x2  }
.LBB2_1:
0x1a: {  	[dreg:$0xf] =	wrdreg s16  }
0x1b: {  	s13 =	rddreg [dreg:$0x1]  }
0x1c: {  	[tilespmem:s20], [sflag:$0x5] =	stream.linear.gather [hbm4b:s13+s4], $0x138C0, $0x38;
	[tilespmem:$0x1AB00] =	vst v63  }
0x1d: {  	_ =	swait.ge [sflag:s17], $0x138C0  }
0x1e: {  	[sflag:s17] =	ssyncset.done $0x0  }
0x1f: {  	s16 =	rddreg [dreg:$0x4];
	[sflag:s17] =	ssyncadd.s32 $0xFFFEC740  }
0x20: {  	[tilespmem:s22], [sflag:$0x5] =	stream.linear.gather [hbm4b:s16+s4], $0x2718, $0x38;
	[tilespmem:$0x1AB00] =	vst v63  }
0x21: {  	_ =	swait.ge [sflag:s17], $0x2718  }
0x22: {  	[sflag:s17] =	ssyncset.done $0x0  }
0x23: {  	s18 =	rddreg [dreg:$0x5];
	[sflag:s17] =	ssyncadd.s32 $0xFFFFD8E8  }
0x24: {  	[tilespmem:s23], [sflag:$0x5] =	stream.linear.gather [hbm4b:s18+s4], $0x2718, $0x38;
	[tilespmem:$0x1AB00] =	vst v63  }
0x25: {  	s18 =	stileid.u32;
	_ =	swait.ge [sflag:s17], $0x2718  }
0x26: {  	s21 =	simm.s32 $0x19AF0;
	s13 =	sshll.u32 s18, $0x6;
	[sflag:s17] =	ssyncset.done $0x0  }
0x27: {  	s19 =	rddreg [dreg:$0x6];
	s16 =	sor.u32 $0x1C05, s13;
	[sflag:s17] =	ssyncadd.s32 $0xFFFFD8E8  }
0x28: {  	[tilespmem:s21], [sflag:$0x5] =	stream.linear.gather [hbm4b:s19+s4], $0x10, $0x38;
	[tilespmem:$0x1AB00] =	vst v63  }
0x29: {  	_ =	swait.ge [sflag:s17], $0x10;
	[dreg:$0x10] =	wrdreg s16  }
0x2a: {  	s19 =	rddreg [dreg:$0x7]  }
0x2b: {  	[sflag:s17] =	ssyncset.done $0x0;
	s21 =	rddreg [dreg:$0x8];
	s18 =	sshrl.u32 s19, $0x3  }
0x2c: {  	[sflag:s17] =	ssyncadd.s32 $0xFFFFFFF0;
	[dreg:$0x11] =	wrdreg s18  }
0x2d: {  	[spmem:s18], [sflag:s16] =	dma.local [hbm:s21], $0x280  }
0x2e: {  	_ =	swait.ge [sflag:s17], $0x280  }
0x2f: {  	[sflag:s17] =	ssyncset.done $0x0  }
0x30: {  	s19 =	simm.s32 $0x19B00;
	s18 =	rddreg [dreg:$0x9];
	[sflag:s17] =	ssyncadd.s32 $0xFFFFFD80  }
0x31: {  	[tilespmem:s19], [sflag:$0x3] =	stream.linear.gather [hbm4b:s18+s4], $0x200, $0x38;
	[tilespmem:$0x1AB00] =	vst v63  }
0x32: {  	s21 =	rddreg [dreg:$0xa]  }
0x33: {  	[tilespmem:s26], [sflag:$0x3] =	stream.linear.gather [hbm4b:s21+s4], $0x200, $0x38;
	[tilespmem:$0x1AB00] =	vst v63  }
0x34: {  	[bflag:$0x0] =	sbarrier.arrive $0xFFFF  }
0x35: {  	s18 =	simm.s32 $0x0;
	v1 =	vld [tilespmem:$0x19AF0]  }
.LBB2_2:
0x36: {  	_ =	swait.ge [sflag:s28], $0x200  }
0x37: {  	s19 =	sshll.u32 s18, $0x3;
	[sflag:s28] =	ssyncset.done $0x0  }
0x38: {  	s13 =	sadd.s32 s19, s14;
	[sflag:s28] =	ssyncadd.s32 $0xFFFFFE00  }
0x39: {  	s13 =	sshll.u32 s13, $0x4;
	_ =	swait.ge [sflag:s28], $0x200  }
0x3a: {  	s13 =	sand.u32 $0x1FFFFFF0, s13;
	[sflag:s28] =	ssyncset.done $0x0  }
0x3b: {  	s16 =	sadd.s32 s5, s13;
	[sflag:s28] =	ssyncadd.s32 $0xFFFFFE00  }
0x3c: {  	[tilespmem:s29], [sflag:$0x4] =	stream.linear.gather [hbm4b:s16+s4], $0x200, $0x38;
	[tilespmem:$0x1AB00] =	vst v63  }
0x3d: {  	p0 =	seq.s32 s18, $0x0;
	s13 =	sadd.s32 s6, s13  }
0x3e: {  	[tilespmem:s30], [sflag:$0x4] =	stream.linear.gather [hbm4b:s13+s4], $0x200, $0x38;
	[tilespmem:$0x1AB00] =	vst v63  }
0x3f: {  	s13 =	simm.s32 @!p0 $0x1  }
0x40: {  	_ =	swait.ge @!p0 [sflag:s13], $0x400  }
0x41: {  	[sflag:s13] =	ssyncset.done @!p0 $0x0  }
0x42: {  	s16 =	simm.s32 $0x19B00;
	[sflag:s13] =	ssyncadd.s32 @!p0 $0xFFFFFC00  }
0x43: {  	s17 =	simm.s32 $0x19F00;
	v2 =	vld [tilespmem:s16+$0x0]  }
0x44: {  	v3 =	vld [tilespmem:s17+$0x0];
	_ =	sdelay $0x6  }
0x45: {  	v4 =	vld.idx.msk [tilespmem:v2+s22+$0x0], $0xffff  }
0x46: {  	v3 =	vld.idx.msk [tilespmem:v3+s23+$0x0], $0xffff;
	_ =	sdelay $0x4  }
0x47: {  	v3 =	vadd.f32 v3, v4;
	_ =	sdelay $0x1  }
0x48: {  	v4 =	vmul.f32 $2.000000030e-01, v3;
	_ =	sdelay $0x1  }
0x49: {  	v3 =	vmax.f32 v3, v4  }
0x4a: {  	v3 =	vsub.f32 v3, v1;
	_ =	sdelay $0x1  }
0x4b: {  	v3 =	vmul.f32 $1.442695020e+00, v3;
	_ =	sdelay $0x1  }
0x4c: {  	(erf) = vpow2.f32 v3  }
0x4d: {  	s21 =	simm.s32 $0x0  }
0x4e: {  	v3 =	vmov s21  }
0x4f: {  	v3 =	vshll.u32 v3, $0x3  }
0x50: {  	v3 =	vor.u32 v0, v3  }
0x51: {  	v4 =	vor.u32 $0x7, v3  }
0x52: {  	v2 =	vshll.u32 v2, $0x3;
	_ =	sdelay $0x2  }
0x53: {  	v5 =	vpop (erf)  }
0x54: {  	[tilespmem:v4+s31+$0x0] =	vst.idx.msk $0xffff, v5  }
0x55: {  	v4 =	vld.idx.msk [tilespmem:v2+s20+$0x0], $0xffff;
	_ =	sdelay $0x2  }
0x56: {  	v6 =	vor.u32 $0x1, v2;
	_ =	sdelay $0x1  }
0x57: {  	v4 =	vmul.f32 v5, v4;
	_ =	sdelay $0x1  }
0x58: {  	[tilespmem:v3+s31+$0x0] =	vst.idx.msk $0xffff, v4  }
0x59: {  	v4 =	vld.idx.msk [tilespmem:v6+s20+$0x0], $0xffff;
	_ =	sdelay $0x1  }
0x5a: {  	v56 =	vor.u32 $0x1, v3  }
0x5b: {  	v7 =	vor.u32 $0x2, v2;
	_ =	sdelay $0x1  }
0x5c: {  	v4 =	vmul.f32 v5, v4;
	_ =	sdelay $0x1  }
0x5d: {  	[tilespmem:v56+s31+$0x0] =	vst.idx.msk $0xffff, v4  }
0x5e: {  	v4 =	vld.idx.msk [tilespmem:v7+s20+$0x0], $0xffff;
	_ =	sdelay $0x1  }
0x5f: {  	v57 =	vor.u32 $0x2, v3  }
0x60: {  	v58 =	vor.u32 $0x3, v2;
	_ =	sdelay $0x1  }
0x61: {  	v4 =	vmul.f32 v4, v5;
	_ =	sdelay $0x1  }
0x62: {  	[tilespmem:v57+s31+$0x0] =	vst.idx.msk $0xffff, v4  }
0x63: {  	v4 =	vld.idx.msk [tilespmem:v58+s20+$0x0], $0xffff;
	_ =	sdelay $0x1  }
0x64: {  	v59 =	vor.u32 $0x3, v3  }
0x65: {  	v60 =	vor.u32 $0x4, v2;
	_ =	sdelay $0x1  }
0x66: {  	v4 =	vmul.f32 v4, v5;
	_ =	sdelay $0x1  }
0x67: {  	[tilespmem:v59+s31+$0x0] =	vst.idx.msk $0xffff, v4  }
0x68: {  	v4 =	vld.idx.msk [tilespmem:v60+s20+$0x0], $0xffff;
	_ =	sdelay $0x1  }
0x69: {  	v61 =	vor.u32 $0x4, v3  }
0x6a: {  	v62 =	vor.u32 $0x5, v2;
	_ =	sdelay $0x1  }
0x6b: {  	v4 =	vmul.f32 v4, v5;
	_ =	sdelay $0x1  }
0x6c: {  	[tilespmem:v61+s31+$0x0] =	vst.idx.msk $0xffff, v4  }
0x6d: {  	v4 =	vld.idx.msk [tilespmem:v62+s20+$0x0], $0xffff;
	_ =	sdelay $0x1  }
0x6e: {  	v63 =	vor.u32 $0x5, v3  }
0x6f: {  	v2 =	vor.u32 $0x6, v2;
	_ =	sdelay $0x1  }
0x70: {  	v4 =	vmul.f32 v4, v5;
	_ =	sdelay $0x1  }
0x71: {  	[tilespmem:v63+s31+$0x0] =	vst.idx.msk $0xffff, v4  }
0x72: {  	v4 =	vld.idx.msk [tilespmem:v2+s20+$0x0], $0xffff;
	_ =	sdelay $0x1  }
0x73: {  	v2 =	vor.u32 $0x6, v3;
	_ =	sdelay $0x2  }
0x74: {  	s13 =	simm.s32 $0x10;
	v3 =	vmul.f32 v4, v5  }
.LBB2_3:
0x75: {  	_ = 	snop  }
0x76: {  	p1 =	sne.s32 s13, $0x70;
	s16 =	sadd.s32 $0x10, s16;
	s17 =	sadd.s32 $0x10, s17;
	[tilespmem:v2+s31+$0x0] =	vst.idx.msk $0xffff, v3  }
0x77: {  	s21 =	smov.u32 s13;
	s13 =	sadd.s32 $0x10, s13;
	v2 =	vld [tilespmem:s16+$0x0]  }
0x78: {  	v3 =	vld [tilespmem:s17+$0x0];
	_ =	sdelay $0x6  }
0x79: {  	v4 =	vld.idx.msk [tilespmem:v2+s22+$0x0], $0xffff  }
0x7a: {  	v3 =	vld.idx.msk [tilespmem:v3+s23+$0x0], $0xffff;
	_ =	sdelay $0x5  }
0x7b: {  	v3 =	vadd.f32 v3, v4;
	_ =	sdelay $0x1  }
0x7c: {  	v4 =	vmul.f32 $2.000000030e-01, v3;
	_ =	sdelay $0x1  }
0x7d: {  	v3 =	vmax.f32 v3, v4  }
0x7e: {  	v3 =	vsub.f32 v3, v1;
	_ =	sdelay $0x1  }
0x7f: {  	v3 =	vmul.f32 $1.442695020e+00, v3;
	_ =	sdelay $0x1  }
0x80: {  	(erf) = vpow2.f32 v3;
	_ =	sdelay $0x1  }
0x81: {  	v3 =	vmov s21  }
0x82: {  	v3 =	vshll.u32 v3, $0x3  }
0x83: {  	v3 =	vor.u32 v0, v3  }
0x84: {  	v4 =	vor.u32 $0x7, v3  }
0x85: {  	v2 =	vshll.u32 v2, $0x3;
	_ =	sdelay $0x2  }
0x86: {  	v5 =	vpop (erf)  }
0x87: {  	[tilespmem:v4+s31+$0x0] =	vst.idx.msk $0xffff, v5  }
0x88: {  	v4 =	vld.idx.msk [tilespmem:v2+s20+$0x0], $0xffff;
	_ =	sdelay $0x3  }
0x89: {  	v6 =	vor.u32 $0x1, v2;
	_ =	sdelay $0x1  }
0x8a: {  	v4 =	vmul.f32 v5, v4;
	_ =	sdelay $0x1  }
0x8b: {  	[tilespmem:v3+s31+$0x0] =	vst.idx.msk $0xffff, v4  }
0x8c: {  	v4 =	vld.idx.msk [tilespmem:v6+s20+$0x0], $0xffff;
	_ =	sdelay $0x2  }
0x8d: {  	v6 =	vor.u32 $0x1, v3  }
0x8e: {  	v7 =	vor.u32 $0x2, v2;
	_ =	sdelay $0x1  }
0x8f: {  	v4 =	vmul.f32 v5, v4;
	_ =	sdelay $0x1  }
0x90: {  	[tilespmem:v6+s31+$0x0] =	vst.idx.msk $0xffff, v4  }
0x91: {  	v4 =	vld.idx.msk [tilespmem:v7+s20+$0x0], $0xffff;
	_ =	sdelay $0x2  }
0x92: {  	v6 =	vor.u32 $0x2, v3  }
0x93: {  	v7 =	vor.u32 $0x3, v2;
	_ =	sdelay $0x1  }
0x94: {  	v4 =	vmul.f32 v4, v5;
	_ =	sdelay $0x1  }
0x95: {  	[tilespmem:v6+s31+$0x0] =	vst.idx.msk $0xffff, v4  }
0x96: {  	v4 =	vld.idx.msk [tilespmem:v7+s20+$0x0], $0xffff;
	_ =	sdelay $0x2  }
0x97: {  	v6 =	vor.u32 $0x3, v3  }
0x98: {  	v7 =	vor.u32 $0x4, v2;
	_ =	sdelay $0x1  }
0x99: {  	v4 =	vmul.f32 v4, v5;
	_ =	sdelay $0x1  }
0x9a: {  	[tilespmem:v6+s31+$0x0] =	vst.idx.msk $0xffff, v4  }
0x9b: {  	v4 =	vld.idx.msk [tilespmem:v7+s20+$0x0], $0xffff;
	_ =	sdelay $0x2  }
0x9c: {  	v6 =	vor.u32 $0x4, v3  }
0x9d: {  	v7 =	vor.u32 $0x5, v2;
	_ =	sdelay $0x1  }
0x9e: {  	v4 =	vmul.f32 v4, v5;
	_ =	sdelay $0x1  }
0x9f: {  	[tilespmem:v6+s31+$0x0] =	vst.idx.msk $0xffff, v4  }
0xa0: {  	v4 =	vld.idx.msk [tilespmem:v7+s20+$0x0], $0xffff;
	_ =	sdelay $0x2  }
0xa1: {  	v6 =	vor.u32 $0x5, v3  }
0xa2: {  	v2 =	vor.u32 $0x6, v2;
	_ =	sdelay $0x1  }
0xa3: {  	v4 =	vmul.f32 v4, v5;
	_ =	sdelay $0x1  }
0xa4: {  	[tilespmem:v6+s31+$0x0] =	vst.idx.msk $0xffff, v4  }
0xa5: {  	v4 =	vld.idx.msk [tilespmem:v2+s20+$0x0], $0xffff;
	_ =	sdelay $0x1  }
.Ltmp0:
0xa6: {  	(pc) =	sbr.rel @p1 .LBB2_3-.Ltmp0, $2  }
0xa7: {  	v2 =	vor.u32 $0x6, v3;
	_ =	sdelay $0x2  }
0xa8: {  	v3 =	vmul.f32 v4, v5  }
0xa9: {  	_ =	sdelay $0x3  }
0xaa: {  	s13 =	simm.s32 @!p0 $0x2;
	[tilespmem:v2+s31+$0x0] =	vst.idx.msk $0xffff, v3  }
0xab: {  	[spmem:s2] =	stream.indirect.scatter.add.f32 [tilespmem:s31], [sflag:$0x1], $0x8, s26, s0, $0xb8;
	[tilespmem:$0x1AB00] =	vst v63  }
0xac: {  	_ =	swait.ge @!p0 [sflag:s13], $0x400  }
0xad: {  	[sflag:s13] =	ssyncset.done @!p0 $0x0  }
0xae: {  	s16 =	simm.s32 $0x19B80;
	[sflag:s13] =	ssyncadd.s32 @!p0 $0xFFFFFC00  }
0xaf: {  	s17 =	simm.s32 $0x19F80;
	v2 =	vld [tilespmem:s16+$0x0]  }
0xb0: {  	v3 =	vld [tilespmem:s17+$0x0];
	_ =	sdelay $0x6  }
0xb1: {  	v4 =	vld.idx.msk [tilespmem:v2+s22+$0x0], $0xffff  }
0xb2: {  	v3 =	vld.idx.msk [tilespmem:v3+s23+$0x0], $0xffff;
	_ =	sdelay $0x4  }
0xb3: {  	v3 =	vadd.f32 v3, v4;
	_ =	sdelay $0x1  }
0xb4: {  	v4 =	vmul.f32 $2.000000030e-01, v3;
	_ =	sdelay $0x1  }
0xb5: {  	v3 =	vmax.f32 v3, v4  }
0xb6: {  	v3 =	vsub.f32 v3, v1;
	_ =	sdelay $0x1  }
0xb7: {  	v3 =	vmul.f32 $1.442695020e+00, v3;
	_ =	sdelay $0x1  }
0xb8: {  	(erf) = vpow2.f32 v3  }
0xb9: {  	s21 =	simm.s32 $0x0  }
0xba: {  	v3 =	vmov s21  }
0xbb: {  	v3 =	vshll.u32 v3, $0x3  }
0xbc: {  	v3 =	vor.u32 v0, v3  }
0xbd: {  	v4 =	vor.u32 $0x7, v3  }
0xbe: {  	v2 =	vshll.u32 v2, $0x3;
	_ =	sdelay $0x2  }
0xbf: {  	v5 =	vpop (erf)  }
0xc0: {  	[tilespmem:v4+s1+$0x0] =	vst.idx.msk $0xffff, v5  }
0xc1: {  	v4 =	vld.idx.msk [tilespmem:v2+s20+$0x0], $0xffff;
	_ =	sdelay $0x2  }
0xc2: {  	v6 =	vor.u32 $0x1, v2;
	_ =	sdelay $0x1  }
0xc3: {  	v4 =	vmul.f32 v5, v4;
	_ =	sdelay $0x1  }
0xc4: {  	[tilespmem:v3+s1+$0x0] =	vst.idx.msk $0xffff, v4  }
0xc5: {  	v4 =	vld.idx.msk [tilespmem:v6+s20+$0x0], $0xffff;
	_ =	sdelay $0x1  }
0xc6: {  	v56 =	vor.u32 $0x1, v3  }
0xc7: {  	v7 =	vor.u32 $0x2, v2;
	_ =	sdelay $0x1  }
0xc8: {  	v4 =	vmul.f32 v5, v4;
	_ =	sdelay $0x1  }
0xc9: {  	[tilespmem:v56+s1+$0x0] =	vst.idx.msk $0xffff, v4  }
0xca: {  	v4 =	vld.idx.msk [tilespmem:v7+s20+$0x0], $0xffff;
	_ =	sdelay $0x1  }
0xcb: {  	v57 =	vor.u32 $0x2, v3  }
0xcc: {  	v58 =	vor.u32 $0x3, v2;
	_ =	sdelay $0x1  }
0xcd: {  	v4 =	vmul.f32 v4, v5;
	_ =	sdelay $0x1  }
0xce: {  	[tilespmem:v57+s1+$0x0] =	vst.idx.msk $0xffff, v4  }
0xcf: {  	v4 =	vld.idx.msk [tilespmem:v58+s20+$0x0], $0xffff;
	_ =	sdelay $0x1  }
0xd0: {  	v59 =	vor.u32 $0x3, v3  }
0xd1: {  	v60 =	vor.u32 $0x4, v2;
	_ =	sdelay $0x1  }
0xd2: {  	v4 =	vmul.f32 v4, v5;
	_ =	sdelay $0x1  }
0xd3: {  	[tilespmem:v59+s1+$0x0] =	vst.idx.msk $0xffff, v4  }
0xd4: {  	v4 =	vld.idx.msk [tilespmem:v60+s20+$0x0], $0xffff;
	_ =	sdelay $0x1  }
0xd5: {  	v61 =	vor.u32 $0x4, v3  }
0xd6: {  	v62 =	vor.u32 $0x5, v2;
	_ =	sdelay $0x1  }
0xd7: {  	v4 =	vmul.f32 v4, v5;
	_ =	sdelay $0x1  }
0xd8: {  	[tilespmem:v61+s1+$0x0] =	vst.idx.msk $0xffff, v4  }
0xd9: {  	v4 =	vld.idx.msk [tilespmem:v62+s20+$0x0], $0xffff;
	_ =	sdelay $0x1  }
0xda: {  	v63 =	vor.u32 $0x5, v3  }
0xdb: {  	v2 =	vor.u32 $0x6, v2;
	_ =	sdelay $0x1  }
0xdc: {  	v4 =	vmul.f32 v4, v5;
	_ =	sdelay $0x1  }
0xdd: {  	[tilespmem:v63+s1+$0x0] =	vst.idx.msk $0xffff, v4  }
0xde: {  	v4 =	vld.idx.msk [tilespmem:v2+s20+$0x0], $0xffff;
	_ =	sdelay $0x1  }
0xdf: {  	v2 =	vor.u32 $0x6, v3;
	_ =	sdelay $0x2  }
0xe0: {  	s13 =	simm.s32 $0x10;
	v3 =	vmul.f32 v4, v5  }
.LBB2_5:
0xe1: {  	_ = 	snop  }
0xe2: {  	p0 =	sne.s32 s13, $0x70;
	s17 =	sadd.s32 $0x10, s17;
	s16 =	sadd.s32 $0x10, s16;
	[tilespmem:v2+s1+$0x0] =	vst.idx.msk $0xffff, v3  }
0xe3: {  	s21 =	smov.u32 s13;
	s13 =	sadd.s32 $0x10, s13;
	v2 =	vld [tilespmem:s16+$0x0]  }
0xe4: {  	v3 =	vld [tilespmem:s17+$0x0];
	_ =	sdelay $0x6  }
0xe5: {  	v4 =	vld.idx.msk [tilespmem:v2+s22+$0x0], $0xffff  }
0xe6: {  	v3 =	vld.idx.msk [tilespmem:v3+s23+$0x0], $0xffff;
	_ =	sdelay $0x5  }
0xe7: {  	v3 =	vadd.f32 v3, v4;
	_ =	sdelay $0x1  }
0xe8: {  	v4 =	vmul.f32 $2.000000030e-01, v3;
	_ =	sdelay $0x1  }
0xe9: {  	v3 =	vmax.f32 v3, v4  }
0xea: {  	v3 =	vsub.f32 v3, v1;
	_ =	sdelay $0x1  }
0xeb: {  	v3 =	vmul.f32 $1.442695020e+00, v3;
	_ =	sdelay $0x1  }
0xec: {  	(erf) = vpow2.f32 v3;
	_ =	sdelay $0x1  }
0xed: {  	v3 =	vmov s21  }
0xee: {  	v3 =	vshll.u32 v3, $0x3  }
0xef: {  	v3 =	vor.u32 v0, v3  }
0xf0: {  	v4 =	vor.u32 $0x7, v3  }
0xf1: {  	v2 =	vshll.u32 v2, $0x3;
	_ =	sdelay $0x2  }
0xf2: {  	v5 =	vpop (erf)  }
0xf3: {  	[tilespmem:v4+s1+$0x0] =	vst.idx.msk $0xffff, v5  }
0xf4: {  	v4 =	vld.idx.msk [tilespmem:v2+s20+$0x0], $0xffff;
	_ =	sdelay $0x3  }
0xf5: {  	v6 =	vor.u32 $0x1, v2;
	_ =	sdelay $0x1  }
0xf6: {  	v4 =	vmul.f32 v5, v4;
	_ =	sdelay $0x1  }
0xf7: {  	[tilespmem:v3+s1+$0x0] =	vst.idx.msk $0xffff, v4  }
0xf8: {  	v4 =	vld.idx.msk [tilespmem:v6+s20+$0x0], $0xffff;
	_ =	sdelay $0x2  }
0xf9: {  	v6 =	vor.u32 $0x1, v3  }
0xfa: {  	v7 =	vor.u32 $0x2, v2;
	_ =	sdelay $0x1  }
0xfb: {  	v4 =	vmul.f32 v5, v4;
	_ =	sdelay $0x1  }
0xfc: {  	[tilespmem:v6+s1+$0x0] =	vst.idx.msk $0xffff, v4  }
0xfd: {  	v4 =	vld.idx.msk [tilespmem:v7+s20+$0x0], $0xffff;
	_ =	sdelay $0x2  }
0xfe: {  	v6 =	vor.u32 $0x2, v3  }
0xff: {  	v7 =	vor.u32 $0x3, v2;
	_ =	sdelay $0x1  }
0x100: {  	v4 =	vmul.f32 v4, v5;
	_ =	sdelay $0x1  }
0x101: {  	[tilespmem:v6+s1+$0x0] =	vst.idx.msk $0xffff, v4  }
0x102: {  	v4 =	vld.idx.msk [tilespmem:v7+s20+$0x0], $0xffff;
	_ =	sdelay $0x2  }
0x103: {  	v6 =	vor.u32 $0x3, v3  }
0x104: {  	v7 =	vor.u32 $0x4, v2;
	_ =	sdelay $0x1  }
0x105: {  	v4 =	vmul.f32 v4, v5;
	_ =	sdelay $0x1  }
0x106: {  	[tilespmem:v6+s1+$0x0] =	vst.idx.msk $0xffff, v4  }
0x107: {  	v4 =	vld.idx.msk [tilespmem:v7+s20+$0x0], $0xffff;
	_ =	sdelay $0x2  }
0x108: {  	v6 =	vor.u32 $0x4, v3  }
0x109: {  	v7 =	vor.u32 $0x5, v2;
	_ =	sdelay $0x1  }
0x10a: {  	v4 =	vmul.f32 v4, v5;
	_ =	sdelay $0x1  }
0x10b: {  	[tilespmem:v6+s1+$0x0] =	vst.idx.msk $0xffff, v4  }
0x10c: {  	v4 =	vld.idx.msk [tilespmem:v7+s20+$0x0], $0xffff;
	_ =	sdelay $0x2  }
0x10d: {  	v6 =	vor.u32 $0x5, v3  }
0x10e: {  	v2 =	vor.u32 $0x6, v2;
	_ =	sdelay $0x1  }
0x10f: {  	v4 =	vmul.f32 v4, v5;
	_ =	sdelay $0x1  }
0x110: {  	[tilespmem:v6+s1+$0x0] =	vst.idx.msk $0xffff, v4  }
0x111: {  	v4 =	vld.idx.msk [tilespmem:v2+s20+$0x0], $0xffff;
	_ =	sdelay $0x1  }
.Ltmp1:
0x112: {  	(pc) =	sbr.rel @p0 .LBB2_5-.Ltmp1, $2  }
0x113: {  	v2 =	vor.u32 $0x6, v3;
	_ =	sdelay $0x2  }
0x114: {  	v3 =	vmul.f32 v4, v5  }
0x115: {  	_ =	sdelay $0x3  }
0x116: {  	[tilespmem:v2+s1+$0x0] =	vst.idx.msk $0xffff, v3  }
0x117: {  	[spmem:s2] =	stream.indirect.scatter.add.f32 [tilespmem:s1], [sflag:$0x2], $0x8, s24, s0, $0xb8;
	[tilespmem:$0x1AB00] =	vst v63  }
0x118: {  	_ =	swait.ge [sflag:s25], $0x400  }
0x119: {  	[sflag:s25] =	ssyncset.done $0x0  }
0x11a: {  	s16 =	simm.s32 $0x19C00;
	[sflag:s25] =	ssyncadd.s32 $0xFFFFFC00  }
0x11b: {  	s17 =	simm.s32 $0x1A000;
	v2 =	vld [tilespmem:s16+$0x0]  }
0x11c: {  	v3 =	vld [tilespmem:s17+$0x0];
	_ =	sdelay $0x6  }
0x11d: {  	v4 =	vld.idx.msk [tilespmem:v2+s22+$0x0], $0xffff  }
0x11e: {  	v3 =	vld.idx.msk [tilespmem:v3+s23+$0x0], $0xffff;
	_ =	sdelay $0x4  }
0x11f: {  	v3 =	vadd.f32 v3, v4;
	_ =	sdelay $0x1  }
0x120: {  	v4 =	vmul.f32 $2.000000030e-01, v3;
	_ =	sdelay $0x1  }
0x121: {  	v3 =	vmax.f32 v3, v4  }
0x122: {  	v3 =	vsub.f32 v3, v1;
	_ =	sdelay $0x1  }
0x123: {  	v3 =	vmul.f32 $1.442695020e+00, v3;
	_ =	sdelay $0x1  }
0x124: {  	(erf) = vpow2.f32 v3  }
0x125: {  	s13 =	simm.s32 $0x0  }
0x126: {  	v3 =	vmov s13  }
0x127: {  	v3 =	vshll.u32 v3, $0x3  }
0x128: {  	v3 =	vor.u32 v0, v3  }
0x129: {  	v4 =	vor.u32 $0x7, v3  }
0x12a: {  	v2 =	vshll.u32 v2, $0x3;
	_ =	sdelay $0x2  }
0x12b: {  	v5 =	vpop (erf)  }
0x12c: {  	[tilespmem:v4+s31+$0x0] =	vst.idx.msk $0xffff, v5  }
0x12d: {  	v4 =	vld.idx.msk [tilespmem:v2+s20+$0x0], $0xffff;
	_ =	sdelay $0x2  }
0x12e: {  	v6 =	vor.u32 $0x1, v2;
	_ =	sdelay $0x1  }
0x12f: {  	v4 =	vmul.f32 v5, v4;
	_ =	sdelay $0x1  }
0x130: {  	[tilespmem:v3+s31+$0x0] =	vst.idx.msk $0xffff, v4  }
0x131: {  	v4 =	vld.idx.msk [tilespmem:v6+s20+$0x0], $0xffff;
	_ =	sdelay $0x1  }
0x132: {  	v56 =	vor.u32 $0x1, v3  }
0x133: {  	v7 =	vor.u32 $0x2, v2;
	_ =	sdelay $0x1  }
0x134: {  	v4 =	vmul.f32 v5, v4;
	_ =	sdelay $0x1  }
0x135: {  	[tilespmem:v56+s31+$0x0] =	vst.idx.msk $0xffff, v4  }
0x136: {  	v4 =	vld.idx.msk [tilespmem:v7+s20+$0x0], $0xffff;
	_ =	sdelay $0x1  }
0x137: {  	v57 =	vor.u32 $0x2, v3  }
0x138: {  	v58 =	vor.u32 $0x3, v2;
	_ =	sdelay $0x1  }
0x139: {  	v4 =	vmul.f32 v4, v5;
	_ =	sdelay $0x1  }
0x13a: {  	[tilespmem:v57+s31+$0x0] =	vst.idx.msk $0xffff, v4  }
0x13b: {  	v4 =	vld.idx.msk [tilespmem:v58+s20+$0x0], $0xffff;
	_ =	sdelay $0x1  }
0x13c: {  	v59 =	vor.u32 $0x3, v3  }
0x13d: {  	v60 =	vor.u32 $0x4, v2;
	_ =	sdelay $0x1  }
0x13e: {  	v4 =	vmul.f32 v4, v5;
	_ =	sdelay $0x1  }
0x13f: {  	[tilespmem:v59+s31+$0x0] =	vst.idx.msk $0xffff, v4  }
0x140: {  	v4 =	vld.idx.msk [tilespmem:v60+s20+$0x0], $0xffff;
	_ =	sdelay $0x1  }
0x141: {  	v61 =	vor.u32 $0x4, v3  }
0x142: {  	v62 =	vor.u32 $0x5, v2;
	_ =	sdelay $0x1  }
0x143: {  	v4 =	vmul.f32 v4, v5;
	_ =	sdelay $0x1  }
0x144: {  	[tilespmem:v61+s31+$0x0] =	vst.idx.msk $0xffff, v4  }
0x145: {  	v4 =	vld.idx.msk [tilespmem:v62+s20+$0x0], $0xffff;
	_ =	sdelay $0x1  }
0x146: {  	v63 =	vor.u32 $0x5, v3  }
0x147: {  	v2 =	vor.u32 $0x6, v2;
	_ =	sdelay $0x1  }
0x148: {  	v4 =	vmul.f32 v4, v5;
	_ =	sdelay $0x1  }
0x149: {  	[tilespmem:v63+s31+$0x0] =	vst.idx.msk $0xffff, v4  }
0x14a: {  	v4 =	vld.idx.msk [tilespmem:v2+s20+$0x0], $0xffff;
	_ =	sdelay $0x1  }
0x14b: {  	v2 =	vor.u32 $0x6, v3;
	_ =	sdelay $0x2  }
0x14c: {  	s13 =	simm.s32 $0x10;
	v3 =	vmul.f32 v4, v5  }
.LBB2_7:
0x14d: {  	_ = 	snop  }
0x14e: {  	p0 =	sne.s32 s13, $0x70;
	s17 =	sadd.s32 $0x10, s17;
	s16 =	sadd.s32 $0x10, s16;
	[tilespmem:v2+s31+$0x0] =	vst.idx.msk $0xffff, v3  }
0x14f: {  	s21 =	smov.u32 s13;
	s13 =	sadd.s32 $0x10, s13;
	v2 =	vld [tilespmem:s16+$0x0]  }
0x150: {  	v3 =	vld [tilespmem:s17+$0x0];
	_ =	sdelay $0x6  }
0x151: {  	v4 =	vld.idx.msk [tilespmem:v2+s22+$0x0], $0xffff  }
0x152: {  	v3 =	vld.idx.msk [tilespmem:v3+s23+$0x0], $0xffff;
	_ =	sdelay $0x5  }
0x153: {  	v3 =	vadd.f32 v3, v4;
	_ =	sdelay $0x1  }
0x154: {  	v4 =	vmul.f32 $2.000000030e-01, v3;
	_ =	sdelay $0x1  }
0x155: {  	v3 =	vmax.f32 v3, v4  }
0x156: {  	v3 =	vsub.f32 v3, v1;
	_ =	sdelay $0x1  }
0x157: {  	v3 =	vmul.f32 $1.442695020e+00, v3;
	_ =	sdelay $0x1  }
0x158: {  	(erf) = vpow2.f32 v3;
	_ =	sdelay $0x1  }
0x159: {  	v3 =	vmov s21  }
0x15a: {  	v3 =	vshll.u32 v3, $0x3  }
0x15b: {  	v3 =	vor.u32 v0, v3  }
0x15c: {  	v4 =	vor.u32 $0x7, v3  }
0x15d: {  	v2 =	vshll.u32 v2, $0x3;
	_ =	sdelay $0x2  }
0x15e: {  	v5 =	vpop (erf)  }
0x15f: {  	[tilespmem:v4+s31+$0x0] =	vst.idx.msk $0xffff, v5  }
0x160: {  	v4 =	vld.idx.msk [tilespmem:v2+s20+$0x0], $0xffff;
	_ =	sdelay $0x3  }
0x161: {  	v6 =	vor.u32 $0x1, v2;
	_ =	sdelay $0x1  }
0x162: {  	v4 =	vmul.f32 v5, v4;
	_ =	sdelay $0x1  }
0x163: {  	[tilespmem:v3+s31+$0x0] =	vst.idx.msk $0xffff, v4  }
0x164: {  	v4 =	vld.idx.msk [tilespmem:v6+s20+$0x0], $0xffff;
	_ =	sdelay $0x2  }
0x165: {  	v6 =	vor.u32 $0x1, v3  }
0x166: {  	v7 =	vor.u32 $0x2, v2;
	_ =	sdelay $0x1  }
0x167: {  	v4 =	vmul.f32 v5, v4;
	_ =	sdelay $0x1  }
0x168: {  	[tilespmem:v6+s31+$0x0] =	vst.idx.msk $0xffff, v4  }
0x169: {  	v4 =	vld.idx.msk [tilespmem:v7+s20+$0x0], $0xffff;
	_ =	sdelay $0x2  }
0x16a: {  	v6 =	vor.u32 $0x2, v3  }
0x16b: {  	v7 =	vor.u32 $0x3, v2;
	_ =	sdelay $0x1  }
0x16c: {  	v4 =	vmul.f32 v4, v5;
	_ =	sdelay $0x1  }
0x16d: {  	[tilespmem:v6+s31+$0x0] =	vst.idx.msk $0xffff, v4  }
0x16e: {  	v4 =	vld.idx.msk [tilespmem:v7+s20+$0x0], $0xffff;
	_ =	sdelay $0x2  }
0x16f: {  	v6 =	vor.u32 $0x3, v3  }
0x170: {  	v7 =	vor.u32 $0x4, v2;
	_ =	sdelay $0x1  }
0x171: {  	v4 =	vmul.f32 v4, v5;
	_ =	sdelay $0x1  }
0x172: {  	[tilespmem:v6+s31+$0x0] =	vst.idx.msk $0xffff, v4  }
0x173: {  	v4 =	vld.idx.msk [tilespmem:v7+s20+$0x0], $0xffff;
	_ =	sdelay $0x2  }
0x174: {  	v6 =	vor.u32 $0x4, v3  }
0x175: {  	v7 =	vor.u32 $0x5, v2;
	_ =	sdelay $0x1  }
0x176: {  	v4 =	vmul.f32 v4, v5;
	_ =	sdelay $0x1  }
0x177: {  	[tilespmem:v6+s31+$0x0] =	vst.idx.msk $0xffff, v4  }
0x178: {  	v4 =	vld.idx.msk [tilespmem:v7+s20+$0x0], $0xffff;
	_ =	sdelay $0x2  }
0x179: {  	v6 =	vor.u32 $0x5, v3  }
0x17a: {  	v2 =	vor.u32 $0x6, v2;
	_ =	sdelay $0x1  }
0x17b: {  	v4 =	vmul.f32 v4, v5;
	_ =	sdelay $0x1  }
0x17c: {  	[tilespmem:v6+s31+$0x0] =	vst.idx.msk $0xffff, v4  }
0x17d: {  	v4 =	vld.idx.msk [tilespmem:v2+s20+$0x0], $0xffff;
	_ =	sdelay $0x1  }
.Ltmp2:
0x17e: {  	(pc) =	sbr.rel @p0 .LBB2_7-.Ltmp2, $2  }
0x17f: {  	v2 =	vor.u32 $0x6, v3;
	_ =	sdelay $0x2  }
0x180: {  	v3 =	vmul.f32 v4, v5  }
0x181: {  	_ =	sdelay $0x3  }
0x182: {  	[tilespmem:v2+s31+$0x0] =	vst.idx.msk $0xffff, v3  }
0x183: {  	[spmem:s2] =	stream.indirect.scatter.add.f32 [tilespmem:s31], [sflag:$0x1], $0x8, s3, s0, $0xb8;
	[tilespmem:$0x1AB00] =	vst v63  }
0x184: {  	_ =	swait.ge [sflag:s7], $0x400  }
0x185: {  	[sflag:s7] =	ssyncset.done $0x0  }
0x186: {  	s16 =	simm.s32 $0x19C80;
	[sflag:s7] =	ssyncadd.s32 $0xFFFFFC00  }
0x187: {  	s17 =	simm.s32 $0x1A080;
	v2 =	vld [tilespmem:s16+$0x0]  }
0x188: {  	v3 =	vld [tilespmem:s17+$0x0];
	_ =	sdelay $0x6  }
0x189: {  	v4 =	vld.idx.msk [tilespmem:v2+s22+$0x0], $0xffff  }
0x18a: {  	v3 =	vld.idx.msk [tilespmem:v3+s23+$0x0], $0xffff;
	_ =	sdelay $0x4  }
0x18b: {  	v3 =	vadd.f32 v3, v4;
	_ =	sdelay $0x1  }
0x18c: {  	v4 =	vmul.f32 $2.000000030e-01, v3;
	_ =	sdelay $0x1  }
0x18d: {  	v3 =	vmax.f32 v3, v4  }
0x18e: {  	v3 =	vsub.f32 v3, v1;
	_ =	sdelay $0x1  }
0x18f: {  	v3 =	vmul.f32 $1.442695020e+00, v3;
	_ =	sdelay $0x1  }
0x190: {  	(erf) = vpow2.f32 v3  }
0x191: {  	s13 =	simm.s32 $0x0  }
0x192: {  	v3 =	vmov s13  }
0x193: {  	v3 =	vshll.u32 v3, $0x3  }
0x194: {  	v3 =	vor.u32 v0, v3  }
0x195: {  	v4 =	vor.u32 $0x7, v3  }
0x196: {  	v2 =	vshll.u32 v2, $0x3;
	_ =	sdelay $0x2  }
0x197: {  	v5 =	vpop (erf)  }
0x198: {  	[tilespmem:v4+s1+$0x0] =	vst.idx.msk $0xffff, v5  }
0x199: {  	v4 =	vld.idx.msk [tilespmem:v2+s20+$0x0], $0xffff;
	_ =	sdelay $0x2  }
0x19a: {  	v6 =	vor.u32 $0x1, v2;
	_ =	sdelay $0x1  }
0x19b: {  	v4 =	vmul.f32 v5, v4;
	_ =	sdelay $0x1  }
0x19c: {  	[tilespmem:v3+s1+$0x0] =	vst.idx.msk $0xffff, v4  }
0x19d: {  	v4 =	vld.idx.msk [tilespmem:v6+s20+$0x0], $0xffff;
	_ =	sdelay $0x1  }
0x19e: {  	v56 =	vor.u32 $0x1, v3  }
0x19f: {  	v7 =	vor.u32 $0x2, v2;
	_ =	sdelay $0x1  }
0x1a0: {  	v4 =	vmul.f32 v5, v4;
	_ =	sdelay $0x1  }
0x1a1: {  	[tilespmem:v56+s1+$0x0] =	vst.idx.msk $0xffff, v4  }
0x1a2: {  	v4 =	vld.idx.msk [tilespmem:v7+s20+$0x0], $0xffff;
	_ =	sdelay $0x1  }
0x1a3: {  	v57 =	vor.u32 $0x2, v3  }
0x1a4: {  	v58 =	vor.u32 $0x3, v2;
	_ =	sdelay $0x1  }
0x1a5: {  	v4 =	vmul.f32 v4, v5;
	_ =	sdelay $0x1  }
0x1a6: {  	[tilespmem:v57+s1+$0x0] =	vst.idx.msk $0xffff, v4  }
0x1a7: {  	v4 =	vld.idx.msk [tilespmem:v58+s20+$0x0], $0xffff;
	_ =	sdelay $0x1  }
0x1a8: {  	v59 =	vor.u32 $0x3, v3  }
0x1a9: {  	v60 =	vor.u32 $0x4, v2;
	_ =	sdelay $0x1  }
0x1aa: {  	v4 =	vmul.f32 v4, v5;
	_ =	sdelay $0x1  }
0x1ab: {  	[tilespmem:v59+s1+$0x0] =	vst.idx.msk $0xffff, v4  }
0x1ac: {  	v4 =	vld.idx.msk [tilespmem:v60+s20+$0x0], $0xffff;
	_ =	sdelay $0x1  }
0x1ad: {  	v61 =	vor.u32 $0x4, v3  }
0x1ae: {  	v62 =	vor.u32 $0x5, v2;
	_ =	sdelay $0x1  }
0x1af: {  	v4 =	vmul.f32 v4, v5;
	_ =	sdelay $0x1  }
0x1b0: {  	[tilespmem:v61+s1+$0x0] =	vst.idx.msk $0xffff, v4  }
0x1b1: {  	v4 =	vld.idx.msk [tilespmem:v62+s20+$0x0], $0xffff;
	_ =	sdelay $0x1  }
0x1b2: {  	v63 =	vor.u32 $0x5, v3  }
0x1b3: {  	v2 =	vor.u32 $0x6, v2;
	_ =	sdelay $0x1  }
0x1b4: {  	v4 =	vmul.f32 v4, v5;
	_ =	sdelay $0x1  }
0x1b5: {  	[tilespmem:v63+s1+$0x0] =	vst.idx.msk $0xffff, v4  }
0x1b6: {  	v4 =	vld.idx.msk [tilespmem:v2+s20+$0x0], $0xffff;
	_ =	sdelay $0x1  }
0x1b7: {  	v2 =	vor.u32 $0x6, v3;
	_ =	sdelay $0x2  }
0x1b8: {  	s13 =	simm.s32 $0x10;
	v3 =	vmul.f32 v4, v5  }
.LBB2_9:
0x1b9: {  	_ = 	snop  }
0x1ba: {  	p0 =	sne.s32 s13, $0x70;
	s17 =	sadd.s32 $0x10, s17;
	s16 =	sadd.s32 $0x10, s16;
	[tilespmem:v2+s1+$0x0] =	vst.idx.msk $0xffff, v3  }
0x1bb: {  	s21 =	smov.u32 s13;
	s13 =	sadd.s32 $0x10, s13;
	v2 =	vld [tilespmem:s16+$0x0]  }
0x1bc: {  	v3 =	vld [tilespmem:s17+$0x0];
	_ =	sdelay $0x6  }
0x1bd: {  	v4 =	vld.idx.msk [tilespmem:v2+s22+$0x0], $0xffff  }
0x1be: {  	v3 =	vld.idx.msk [tilespmem:v3+s23+$0x0], $0xffff;
	_ =	sdelay $0x5  }
0x1bf: {  	v3 =	vadd.f32 v3, v4;
	_ =	sdelay $0x1  }
0x1c0: {  	v4 =	vmul.f32 $2.000000030e-01, v3;
	_ =	sdelay $0x1  }
0x1c1: {  	v3 =	vmax.f32 v3, v4  }
0x1c2: {  	v3 =	vsub.f32 v3, v1;
	_ =	sdelay $0x1  }
0x1c3: {  	v3 =	vmul.f32 $1.442695020e+00, v3;
	_ =	sdelay $0x1  }
0x1c4: {  	(erf) = vpow2.f32 v3;
	_ =	sdelay $0x1  }
0x1c5: {  	v3 =	vmov s21  }
0x1c6: {  	v3 =	vshll.u32 v3, $0x3  }
0x1c7: {  	v3 =	vor.u32 v0, v3  }
0x1c8: {  	v4 =	vor.u32 $0x7, v3  }
0x1c9: {  	v2 =	vshll.u32 v2, $0x3;
	_ =	sdelay $0x2  }
0x1ca: {  	v5 =	vpop (erf)  }
0x1cb: {  	[tilespmem:v4+s1+$0x0] =	vst.idx.msk $0xffff, v5  }
0x1cc: {  	v4 =	vld.idx.msk [tilespmem:v2+s20+$0x0], $0xffff;
	_ =	sdelay $0x3  }
0x1cd: {  	v6 =	vor.u32 $0x1, v2;
	_ =	sdelay $0x1  }
0x1ce: {  	v4 =	vmul.f32 v5, v4;
	_ =	sdelay $0x1  }
0x1cf: {  	[tilespmem:v3+s1+$0x0] =	vst.idx.msk $0xffff, v4  }
0x1d0: {  	v4 =	vld.idx.msk [tilespmem:v6+s20+$0x0], $0xffff;
	_ =	sdelay $0x2  }
0x1d1: {  	v6 =	vor.u32 $0x1, v3  }
0x1d2: {  	v7 =	vor.u32 $0x2, v2;
	_ =	sdelay $0x1  }
0x1d3: {  	v4 =	vmul.f32 v5, v4;
	_ =	sdelay $0x1  }
0x1d4: {  	[tilespmem:v6+s1+$0x0] =	vst.idx.msk $0xffff, v4  }
0x1d5: {  	v4 =	vld.idx.msk [tilespmem:v7+s20+$0x0], $0xffff;
	_ =	sdelay $0x2  }
0x1d6: {  	v6 =	vor.u32 $0x2, v3  }
0x1d7: {  	v7 =	vor.u32 $0x3, v2;
	_ =	sdelay $0x1  }
0x1d8: {  	v4 =	vmul.f32 v4, v5;
	_ =	sdelay $0x1  }
0x1d9: {  	[tilespmem:v6+s1+$0x0] =	vst.idx.msk $0xffff, v4  }
0x1da: {  	v4 =	vld.idx.msk [tilespmem:v7+s20+$0x0], $0xffff;
	_ =	sdelay $0x2  }
0x1db: {  	v6 =	vor.u32 $0x3, v3  }
0x1dc: {  	v7 =	vor.u32 $0x4, v2;
	_ =	sdelay $0x1  }
0x1dd: {  	v4 =	vmul.f32 v4, v5;
	_ =	sdelay $0x1  }
0x1de: {  	[tilespmem:v6+s1+$0x0] =	vst.idx.msk $0xffff, v4  }
0x1df: {  	v4 =	vld.idx.msk [tilespmem:v7+s20+$0x0], $0xffff;
	_ =	sdelay $0x2  }
0x1e0: {  	v6 =	vor.u32 $0x4, v3  }
0x1e1: {  	v7 =	vor.u32 $0x5, v2;
	_ =	sdelay $0x1  }
0x1e2: {  	v4 =	vmul.f32 v4, v5;
	_ =	sdelay $0x1  }
0x1e3: {  	[tilespmem:v6+s1+$0x0] =	vst.idx.msk $0xffff, v4  }
0x1e4: {  	v4 =	vld.idx.msk [tilespmem:v7+s20+$0x0], $0xffff;
	_ =	sdelay $0x2  }
0x1e5: {  	v6 =	vor.u32 $0x5, v3  }
0x1e6: {  	v2 =	vor.u32 $0x6, v2;
	_ =	sdelay $0x1  }
0x1e7: {  	v4 =	vmul.f32 v4, v5;
	_ =	sdelay $0x1  }
0x1e8: {  	[tilespmem:v6+s1+$0x0] =	vst.idx.msk $0xffff, v4  }
0x1e9: {  	v4 =	vld.idx.msk [tilespmem:v2+s20+$0x0], $0xffff;
	_ =	sdelay $0x1  }
.Ltmp3:
0x1ea: {  	(pc) =	sbr.rel @p0 .LBB2_9-.Ltmp3, $2  }
0x1eb: {  	v2 =	vor.u32 $0x6, v3;
	_ =	sdelay $0x2  }
0x1ec: {  	v3 =	vmul.f32 v4, v5  }
0x1ed: {  	_ =	sdelay $0x3  }
0x1ee: {  	[tilespmem:v2+s1+$0x0] =	vst.idx.msk $0xffff, v3  }
0x1ef: {  	[spmem:s2] =	stream.indirect.scatter.add.f32 [tilespmem:s1], [sflag:$0x2], $0x8, s8, s0, $0xb8;
	[tilespmem:$0x1AB00] =	vst v63  }
0x1f0: {  	_ =	swait.ge [sflag:s9], $0x200  }
0x1f1: {  	p0 =	sgt.u32 s18, $0x8;
	[sflag:s9] =	ssyncset.done $0x0  }
0x1f2: {  	s13 =	sadd.s32 @!p0 s19, s15;
	[sflag:s9] =	ssyncadd.s32 $0xFFFFFE00  }
0x1f3: {  	s13 =	sshll.u32 @!p0 s13, $0x4;
	_ =	swait.ge [sflag:s9], $0x200  }
0x1f4: {  	s17 =	simm.s32 @!p0 $0x0;
	s13 =	sand.u32 @!p0 $0x1FFFFFF0, s13;
	[sflag:s9] =	ssyncset.done $0x0  }
0x1f5: {  	s19 =	simm.s32 @!p0 $0x19B00;
	s16 =	sadd.s32 @!p0 s5, s13;
	[sflag:s9] =	ssyncadd.s32 $0xFFFFFE00  }
0x1f6: {  	[tilespmem:s19], [sflag:$0x3] =	stream.linear.gather @!p0 [hbm4b:s16+s17], $0x200, $0x38;
	[tilespmem:$0x1AB00] =	vst v63  }
0x1f7: {  	s13 =	sadd.s32 @!p0 s6, s13;
	s16 =	simm.s32 @!p0 $0x19F00  }
0x1f8: {  	[tilespmem:s16], [sflag:$0x3] =	stream.linear.gather @!p0 [hbm4b:s13+s17], $0x200, $0x38;
	[tilespmem:$0x1AB00] =	vst v63  }
0x1f9: {  	_ =	swait.ge [sflag:s25], $0x400  }
0x1fa: {  	[sflag:s25] =	ssyncset.done $0x0  }
0x1fb: {  	s16 =	simm.s32 $0x19D00;
	[sflag:s25] =	ssyncadd.s32 $0xFFFFFC00  }
0x1fc: {  	s17 =	simm.s32 $0x1A100;
	v2 =	vld [tilespmem:s16+$0x0]  }
0x1fd: {  	v3 =	vld [tilespmem:s17+$0x0];
	_ =	sdelay $0x6  }
0x1fe: {  	v4 =	vld.idx.msk [tilespmem:v2+s22+$0x0], $0xffff  }
0x1ff: {  	v3 =	vld.idx.msk [tilespmem:v3+s23+$0x0], $0xffff;
	_ =	sdelay $0x4  }
0x200: {  	v3 =	vadd.f32 v3, v4;
	_ =	sdelay $0x1  }
0x201: {  	v4 =	vmul.f32 $2.000000030e-01, v3;
	_ =	sdelay $0x1  }
0x202: {  	v3 =	vmax.f32 v3, v4  }
0x203: {  	v3 =	vsub.f32 v3, v1;
	_ =	sdelay $0x1  }
0x204: {  	v3 =	vmul.f32 $1.442695020e+00, v3;
	_ =	sdelay $0x1  }
0x205: {  	(erf) = vpow2.f32 v3  }
0x206: {  	s21 =	simm.s32 $0x0  }
0x207: {  	v3 =	vmov s21  }
0x208: {  	v3 =	vshll.u32 v3, $0x3  }
0x209: {  	v3 =	vor.u32 v0, v3  }
0x20a: {  	v4 =	vor.u32 $0x7, v3  }
0x20b: {  	v2 =	vshll.u32 v2, $0x3;
	_ =	sdelay $0x2  }
0x20c: {  	v5 =	vpop (erf)  }
0x20d: {  	[tilespmem:v4+s31+$0x0] =	vst.idx.msk $0xffff, v5  }
0x20e: {  	v4 =	vld.idx.msk [tilespmem:v2+s20+$0x0], $0xffff;
	_ =	sdelay $0x2  }
0x20f: {  	v6 =	vor.u32 $0x1, v2;
	_ =	sdelay $0x1  }
0x210: {  	v4 =	vmul.f32 v5, v4;
	_ =	sdelay $0x1  }
0x211: {  	[tilespmem:v3+s31+$0x0] =	vst.idx.msk $0xffff, v4  }
0x212: {  	v4 =	vld.idx.msk [tilespmem:v6+s20+$0x0], $0xffff;
	_ =	sdelay $0x1  }
0x213: {  	v56 =	vor.u32 $0x1, v3  }
0x214: {  	v7 =	vor.u32 $0x2, v2;
	_ =	sdelay $0x1  }
0x215: {  	v4 =	vmul.f32 v5, v4;
	_ =	sdelay $0x1  }
0x216: {  	[tilespmem:v56+s31+$0x0] =	vst.idx.msk $0xffff, v4  }
0x217: {  	v4 =	vld.idx.msk [tilespmem:v7+s20+$0x0], $0xffff;
	_ =	sdelay $0x1  }
0x218: {  	v57 =	vor.u32 $0x2, v3  }
0x219: {  	v58 =	vor.u32 $0x3, v2;
	_ =	sdelay $0x1  }
0x21a: {  	v4 =	vmul.f32 v4, v5;
	_ =	sdelay $0x1  }
0x21b: {  	[tilespmem:v57+s31+$0x0] =	vst.idx.msk $0xffff, v4  }
0x21c: {  	v4 =	vld.idx.msk [tilespmem:v58+s20+$0x0], $0xffff;
	_ =	sdelay $0x1  }
0x21d: {  	v59 =	vor.u32 $0x3, v3  }
0x21e: {  	v60 =	vor.u32 $0x4, v2;
	_ =	sdelay $0x1  }
0x21f: {  	v4 =	vmul.f32 v4, v5;
	_ =	sdelay $0x1  }
0x220: {  	[tilespmem:v59+s31+$0x0] =	vst.idx.msk $0xffff, v4  }
0x221: {  	v4 =	vld.idx.msk [tilespmem:v60+s20+$0x0], $0xffff;
	_ =	sdelay $0x1  }
0x222: {  	v61 =	vor.u32 $0x4, v3  }
0x223: {  	v62 =	vor.u32 $0x5, v2;
	_ =	sdelay $0x1  }
0x224: {  	v4 =	vmul.f32 v4, v5;
	_ =	sdelay $0x1  }
0x225: {  	[tilespmem:v61+s31+$0x0] =	vst.idx.msk $0xffff, v4  }
0x226: {  	v4 =	vld.idx.msk [tilespmem:v62+s20+$0x0], $0xffff;
	_ =	sdelay $0x1  }
0x227: {  	v63 =	vor.u32 $0x5, v3  }
0x228: {  	v2 =	vor.u32 $0x6, v2;
	_ =	sdelay $0x1  }
0x229: {  	v4 =	vmul.f32 v4, v5;
	_ =	sdelay $0x1  }
0x22a: {  	[tilespmem:v63+s31+$0x0] =	vst.idx.msk $0xffff, v4  }
0x22b: {  	v4 =	vld.idx.msk [tilespmem:v2+s20+$0x0], $0xffff;
	_ =	sdelay $0x1  }
0x22c: {  	v2 =	vor.u32 $0x6, v3;
	_ =	sdelay $0x2  }
0x22d: {  	s13 =	simm.s32 $0x10;
	v3 =	vmul.f32 v4, v5  }
.LBB2_11:
0x22e: {  	_ = 	snop  }
0x22f: {  	p0 =	sne.s32 s13, $0x70;
	s16 =	sadd.s32 $0x10, s16;
	s17 =	sadd.s32 $0x10, s17;
	[tilespmem:v2+s31+$0x0] =	vst.idx.msk $0xffff, v3  }
0x230: {  	s19 =	smov.u32 s13;
	s13 =	sadd.s32 $0x10, s13;
	v2 =	vld [tilespmem:s16+$0x0]  }
0x231: {  	v3 =	vld [tilespmem:s17+$0x0];
	_ =	sdelay $0x6  }
0x232: {  	v4 =	vld.idx.msk [tilespmem:v2+s22+$0x0], $0xffff  }
0x233: {  	v3 =	vld.idx.msk [tilespmem:v3+s23+$0x0], $0xffff;
	_ =	sdelay $0x5  }
0x234: {  	v3 =	vadd.f32 v3, v4;
	_ =	sdelay $0x1  }
0x235: {  	v4 =	vmul.f32 $2.000000030e-01, v3;
	_ =	sdelay $0x1  }
0x236: {  	v3 =	vmax.f32 v3, v4  }
0x237: {  	v3 =	vsub.f32 v3, v1;
	_ =	sdelay $0x1  }
0x238: {  	v3 =	vmul.f32 $1.442695020e+00, v3;
	_ =	sdelay $0x1  }
0x239: {  	(erf) = vpow2.f32 v3;
	_ =	sdelay $0x1  }
0x23a: {  	v3 =	vmov s19  }
0x23b: {  	v3 =	vshll.u32 v3, $0x3  }
0x23c: {  	v3 =	vor.u32 v0, v3  }
0x23d: {  	v4 =	vor.u32 $0x7, v3  }
0x23e: {  	v2 =	vshll.u32 v2, $0x3;
	_ =	sdelay $0x2  }
0x23f: {  	v5 =	vpop (erf)  }
0x240: {  	[tilespmem:v4+s31+$0x0] =	vst.idx.msk $0xffff, v5  }
0x241: {  	v4 =	vld.idx.msk [tilespmem:v2+s20+$0x0], $0xffff;
	_ =	sdelay $0x3  }
0x242: {  	v6 =	vor.u32 $0x1, v2;
	_ =	sdelay $0x1  }
0x243: {  	v4 =	vmul.f32 v5, v4;
	_ =	sdelay $0x1  }
0x244: {  	[tilespmem:v3+s31+$0x0] =	vst.idx.msk $0xffff, v4  }
0x245: {  	v4 =	vld.idx.msk [tilespmem:v6+s20+$0x0], $0xffff;
	_ =	sdelay $0x2  }
0x246: {  	v6 =	vor.u32 $0x1, v3  }
0x247: {  	v7 =	vor.u32 $0x2, v2;
	_ =	sdelay $0x1  }
0x248: {  	v4 =	vmul.f32 v5, v4;
	_ =	sdelay $0x1  }
0x249: {  	[tilespmem:v6+s31+$0x0] =	vst.idx.msk $0xffff, v4  }
0x24a: {  	v4 =	vld.idx.msk [tilespmem:v7+s20+$0x0], $0xffff;
	_ =	sdelay $0x2  }
0x24b: {  	v6 =	vor.u32 $0x2, v3  }
0x24c: {  	v7 =	vor.u32 $0x3, v2;
	_ =	sdelay $0x1  }
0x24d: {  	v4 =	vmul.f32 v4, v5;
	_ =	sdelay $0x1  }
0x24e: {  	[tilespmem:v6+s31+$0x0] =	vst.idx.msk $0xffff, v4  }
0x24f: {  	v4 =	vld.idx.msk [tilespmem:v7+s20+$0x0], $0xffff;
	_ =	sdelay $0x2  }
0x250: {  	v6 =	vor.u32 $0x3, v3  }
0x251: {  	v7 =	vor.u32 $0x4, v2;
	_ =	sdelay $0x1  }
0x252: {  	v4 =	vmul.f32 v4, v5;
	_ =	sdelay $0x1  }
0x253: {  	[tilespmem:v6+s31+$0x0] =	vst.idx.msk $0xffff, v4  }
0x254: {  	v4 =	vld.idx.msk [tilespmem:v7+s20+$0x0], $0xffff;
	_ =	sdelay $0x2  }
0x255: {  	v6 =	vor.u32 $0x4, v3  }
0x256: {  	v7 =	vor.u32 $0x5, v2;
	_ =	sdelay $0x1  }
0x257: {  	v4 =	vmul.f32 v4, v5;
	_ =	sdelay $0x1  }
0x258: {  	[tilespmem:v6+s31+$0x0] =	vst.idx.msk $0xffff, v4  }
0x259: {  	v4 =	vld.idx.msk [tilespmem:v7+s20+$0x0], $0xffff;
	_ =	sdelay $0x2  }
0x25a: {  	v6 =	vor.u32 $0x5, v3  }
0x25b: {  	v2 =	vor.u32 $0x6, v2;
	_ =	sdelay $0x1  }
0x25c: {  	v4 =	vmul.f32 v4, v5;
	_ =	sdelay $0x1  }
0x25d: {  	[tilespmem:v6+s31+$0x0] =	vst.idx.msk $0xffff, v4  }
0x25e: {  	v4 =	vld.idx.msk [tilespmem:v2+s20+$0x0], $0xffff;
	_ =	sdelay $0x1  }
.Ltmp4:
0x25f: {  	(pc) =	sbr.rel @p0 .LBB2_11-.Ltmp4, $2  }
0x260: {  	v2 =	vor.u32 $0x6, v3;
	_ =	sdelay $0x2  }
0x261: {  	v3 =	vmul.f32 v4, v5  }
0x262: {  	_ =	sdelay $0x3  }
0x263: {  	[tilespmem:v2+s31+$0x0] =	vst.idx.msk $0xffff, v3  }
0x264: {  	[spmem:s2] =	stream.indirect.scatter.add.f32 [tilespmem:s31], [sflag:$0x1], $0x8, s30, s0, $0xb8;
	[tilespmem:$0x1AB00] =	vst v63  }
0x265: {  	_ =	swait.ge [sflag:s7], $0x400  }
0x266: {  	[sflag:s7] =	ssyncset.done $0x0  }
0x267: {  	s16 =	simm.s32 $0x19D80;
	[sflag:s7] =	ssyncadd.s32 $0xFFFFFC00  }
0x268: {  	s17 =	simm.s32 $0x1A180;
	v2 =	vld [tilespmem:s16+$0x0]  }
0x269: {  	v3 =	vld [tilespmem:s17+$0x0];
	_ =	sdelay $0x6  }
0x26a: {  	v4 =	vld.idx.msk [tilespmem:v2+s22+$0x0], $0xffff  }
0x26b: {  	v3 =	vld.idx.msk [tilespmem:v3+s23+$0x0], $0xffff;
	_ =	sdelay $0x4  }
0x26c: {  	v3 =	vadd.f32 v3, v4;
	_ =	sdelay $0x1  }
0x26d: {  	v4 =	vmul.f32 $2.000000030e-01, v3;
	_ =	sdelay $0x1  }
0x26e: {  	v3 =	vmax.f32 v3, v4  }
0x26f: {  	v3 =	vsub.f32 v3, v1;
	_ =	sdelay $0x1  }
0x270: {  	v3 =	vmul.f32 $1.442695020e+00, v3;
	_ =	sdelay $0x1  }
0x271: {  	(erf) = vpow2.f32 v3  }
0x272: {  	s13 =	simm.s32 $0x0  }
0x273: {  	v3 =	vmov s13  }
0x274: {  	v3 =	vshll.u32 v3, $0x3  }
0x275: {  	v3 =	vor.u32 v0, v3  }
0x276: {  	v4 =	vor.u32 $0x7, v3  }
0x277: {  	v2 =	vshll.u32 v2, $0x3;
	_ =	sdelay $0x2  }
0x278: {  	v5 =	vpop (erf)  }
0x279: {  	[tilespmem:v4+s1+$0x0] =	vst.idx.msk $0xffff, v5  }
0x27a: {  	v4 =	vld.idx.msk [tilespmem:v2+s20+$0x0], $0xffff;
	_ =	sdelay $0x2  }
0x27b: {  	v6 =	vor.u32 $0x1, v2;
	_ =	sdelay $0x1  }
0x27c: {  	v4 =	vmul.f32 v5, v4;
	_ =	sdelay $0x1  }
0x27d: {  	[tilespmem:v3+s1+$0x0] =	vst.idx.msk $0xffff, v4  }
0x27e: {  	v4 =	vld.idx.msk [tilespmem:v6+s20+$0x0], $0xffff;
	_ =	sdelay $0x1  }
0x27f: {  	v56 =	vor.u32 $0x1, v3  }
0x280: {  	v7 =	vor.u32 $0x2, v2;
	_ =	sdelay $0x1  }
0x281: {  	v4 =	vmul.f32 v5, v4;
	_ =	sdelay $0x1  }
0x282: {  	[tilespmem:v56+s1+$0x0] =	vst.idx.msk $0xffff, v4  }
0x283: {  	v4 =	vld.idx.msk [tilespmem:v7+s20+$0x0], $0xffff;
	_ =	sdelay $0x1  }
0x284: {  	v57 =	vor.u32 $0x2, v3  }
0x285: {  	v58 =	vor.u32 $0x3, v2;
	_ =	sdelay $0x1  }
0x286: {  	v4 =	vmul.f32 v4, v5;
	_ =	sdelay $0x1  }
0x287: {  	[tilespmem:v57+s1+$0x0] =	vst.idx.msk $0xffff, v4  }
0x288: {  	v4 =	vld.idx.msk [tilespmem:v58+s20+$0x0], $0xffff;
	_ =	sdelay $0x1  }
0x289: {  	v59 =	vor.u32 $0x3, v3  }
0x28a: {  	v60 =	vor.u32 $0x4, v2;
	_ =	sdelay $0x1  }
0x28b: {  	v4 =	vmul.f32 v4, v5;
	_ =	sdelay $0x1  }
0x28c: {  	[tilespmem:v59+s1+$0x0] =	vst.idx.msk $0xffff, v4  }
0x28d: {  	v4 =	vld.idx.msk [tilespmem:v60+s20+$0x0], $0xffff;
	_ =	sdelay $0x1  }
0x28e: {  	v61 =	vor.u32 $0x4, v3  }
0x28f: {  	v62 =	vor.u32 $0x5, v2;
	_ =	sdelay $0x1  }
0x290: {  	v4 =	vmul.f32 v4, v5;
	_ =	sdelay $0x1  }
0x291: {  	[tilespmem:v61+s1+$0x0] =	vst.idx.msk $0xffff, v4  }
0x292: {  	v4 =	vld.idx.msk [tilespmem:v62+s20+$0x0], $0xffff;
	_ =	sdelay $0x1  }
0x293: {  	v63 =	vor.u32 $0x5, v3  }
0x294: {  	v2 =	vor.u32 $0x6, v2;
	_ =	sdelay $0x1  }
0x295: {  	v4 =	vmul.f32 v4, v5;
	_ =	sdelay $0x1  }
0x296: {  	[tilespmem:v63+s1+$0x0] =	vst.idx.msk $0xffff, v4  }
0x297: {  	v4 =	vld.idx.msk [tilespmem:v2+s20+$0x0], $0xffff;
	_ =	sdelay $0x1  }
0x298: {  	v2 =	vor.u32 $0x6, v3;
	_ =	sdelay $0x2  }
0x299: {  	s13 =	simm.s32 $0x10;
	v3 =	vmul.f32 v4, v5  }
.LBB2_13:
0x29a: {  	_ = 	snop  }
0x29b: {  	p0 =	sne.s32 s13, $0x70;
	s17 =	sadd.s32 $0x10, s17;
	s16 =	sadd.s32 $0x10, s16;
	[tilespmem:v2+s1+$0x0] =	vst.idx.msk $0xffff, v3  }
0x29c: {  	s19 =	smov.u32 s13;
	s13 =	sadd.s32 $0x10, s13;
	v2 =	vld [tilespmem:s16+$0x0]  }
0x29d: {  	v3 =	vld [tilespmem:s17+$0x0];
	_ =	sdelay $0x6  }
0x29e: {  	v4 =	vld.idx.msk [tilespmem:v2+s22+$0x0], $0xffff  }
0x29f: {  	v3 =	vld.idx.msk [tilespmem:v3+s23+$0x0], $0xffff;
	_ =	sdelay $0x5  }
0x2a0: {  	v3 =	vadd.f32 v3, v4;
	_ =	sdelay $0x1  }
0x2a1: {  	v4 =	vmul.f32 $2.000000030e-01, v3;
	_ =	sdelay $0x1  }
0x2a2: {  	v3 =	vmax.f32 v3, v4  }
0x2a3: {  	v3 =	vsub.f32 v3, v1;
	_ =	sdelay $0x1  }
0x2a4: {  	v3 =	vmul.f32 $1.442695020e+00, v3;
	_ =	sdelay $0x1  }
0x2a5: {  	(erf) = vpow2.f32 v3;
	_ =	sdelay $0x1  }
0x2a6: {  	v3 =	vmov s19  }
0x2a7: {  	v3 =	vshll.u32 v3, $0x3  }
0x2a8: {  	v3 =	vor.u32 v0, v3  }
0x2a9: {  	v4 =	vor.u32 $0x7, v3  }
0x2aa: {  	v2 =	vshll.u32 v2, $0x3;
	_ =	sdelay $0x2  }
0x2ab: {  	v5 =	vpop (erf)  }
0x2ac: {  	[tilespmem:v4+s1+$0x0] =	vst.idx.msk $0xffff, v5  }
0x2ad: {  	v4 =	vld.idx.msk [tilespmem:v2+s20+$0x0], $0xffff;
	_ =	sdelay $0x3  }
0x2ae: {  	v6 =	vor.u32 $0x1, v2;
	_ =	sdelay $0x1  }
0x2af: {  	v4 =	vmul.f32 v5, v4;
	_ =	sdelay $0x1  }
0x2b0: {  	[tilespmem:v3+s1+$0x0] =	vst.idx.msk $0xffff, v4  }
0x2b1: {  	v4 =	vld.idx.msk [tilespmem:v6+s20+$0x0], $0xffff;
	_ =	sdelay $0x2  }
0x2b2: {  	v6 =	vor.u32 $0x1, v3  }
0x2b3: {  	v7 =	vor.u32 $0x2, v2;
	_ =	sdelay $0x1  }
0x2b4: {  	v4 =	vmul.f32 v5, v4;
	_ =	sdelay $0x1  }
0x2b5: {  	[tilespmem:v6+s1+$0x0] =	vst.idx.msk $0xffff, v4  }
0x2b6: {  	v4 =	vld.idx.msk [tilespmem:v7+s20+$0x0], $0xffff;
	_ =	sdelay $0x2  }
0x2b7: {  	v6 =	vor.u32 $0x2, v3  }
0x2b8: {  	v7 =	vor.u32 $0x3, v2;
	_ =	sdelay $0x1  }
0x2b9: {  	v4 =	vmul.f32 v4, v5;
	_ =	sdelay $0x1  }
0x2ba: {  	[tilespmem:v6+s1+$0x0] =	vst.idx.msk $0xffff, v4  }
0x2bb: {  	v4 =	vld.idx.msk [tilespmem:v7+s20+$0x0], $0xffff;
	_ =	sdelay $0x2  }
0x2bc: {  	v6 =	vor.u32 $0x3, v3  }
0x2bd: {  	v7 =	vor.u32 $0x4, v2;
	_ =	sdelay $0x1  }
0x2be: {  	v4 =	vmul.f32 v4, v5;
	_ =	sdelay $0x1  }
0x2bf: {  	[tilespmem:v6+s1+$0x0] =	vst.idx.msk $0xffff, v4  }
0x2c0: {  	v4 =	vld.idx.msk [tilespmem:v7+s20+$0x0], $0xffff;
	_ =	sdelay $0x2  }
0x2c1: {  	v6 =	vor.u32 $0x4, v3  }
0x2c2: {  	v7 =	vor.u32 $0x5, v2;
	_ =	sdelay $0x1  }
0x2c3: {  	v4 =	vmul.f32 v4, v5;
	_ =	sdelay $0x1  }
0x2c4: {  	[tilespmem:v6+s1+$0x0] =	vst.idx.msk $0xffff, v4  }
0x2c5: {  	v4 =	vld.idx.msk [tilespmem:v7+s20+$0x0], $0xffff;
	_ =	sdelay $0x2  }
0x2c6: {  	v6 =	vor.u32 $0x5, v3  }
0x2c7: {  	v2 =	vor.u32 $0x6, v2;
	_ =	sdelay $0x1  }
0x2c8: {  	v4 =	vmul.f32 v4, v5;
	_ =	sdelay $0x1  }
0x2c9: {  	[tilespmem:v6+s1+$0x0] =	vst.idx.msk $0xffff, v4  }
0x2ca: {  	v4 =	vld.idx.msk [tilespmem:v2+s20+$0x0], $0xffff;
	_ =	sdelay $0x1  }
.Ltmp5:
0x2cb: {  	(pc) =	sbr.rel @p0 .LBB2_13-.Ltmp5, $2  }
0x2cc: {  	v2 =	vor.u32 $0x6, v3;
	_ =	sdelay $0x2  }
0x2cd: {  	v3 =	vmul.f32 v4, v5  }
0x2ce: {  	_ =	sdelay $0x3  }
0x2cf: {  	[tilespmem:v2+s1+$0x0] =	vst.idx.msk $0xffff, v3  }
0x2d0: {  	[spmem:s2] =	stream.indirect.scatter.add.f32 [tilespmem:s1], [sflag:$0x2], $0x8, s10, s0, $0xb8;
	[tilespmem:$0x1AB00] =	vst v63  }
0x2d1: {  	_ =	swait.ge [sflag:s25], $0x400  }
0x2d2: {  	[sflag:s25] =	ssyncset.done $0x0  }
0x2d3: {  	s16 =	simm.s32 $0x19E00;
	[sflag:s25] =	ssyncadd.s32 $0xFFFFFC00  }
0x2d4: {  	s17 =	simm.s32 $0x1A200;
	v2 =	vld [tilespmem:s16+$0x0]  }
0x2d5: {  	v3 =	vld [tilespmem:s17+$0x0];
	_ =	sdelay $0x6  }
0x2d6: {  	v4 =	vld.idx.msk [tilespmem:v2+s22+$0x0], $0xffff  }
0x2d7: {  	v3 =	vld.idx.msk [tilespmem:v3+s23+$0x0], $0xffff;
	_ =	sdelay $0x4  }
0x2d8: {  	v3 =	vadd.f32 v3, v4;
	_ =	sdelay $0x1  }
0x2d9: {  	v4 =	vmul.f32 $2.000000030e-01, v3;
	_ =	sdelay $0x1  }
0x2da: {  	v3 =	vmax.f32 v3, v4  }
0x2db: {  	v3 =	vsub.f32 v3, v1;
	_ =	sdelay $0x1  }
0x2dc: {  	v3 =	vmul.f32 $1.442695020e+00, v3;
	_ =	sdelay $0x1  }
0x2dd: {  	(erf) = vpow2.f32 v3  }
0x2de: {  	s13 =	simm.s32 $0x0  }
0x2df: {  	v3 =	vmov s13  }
0x2e0: {  	v3 =	vshll.u32 v3, $0x3  }
0x2e1: {  	v3 =	vor.u32 v0, v3  }
0x2e2: {  	v4 =	vor.u32 $0x7, v3  }
0x2e3: {  	v2 =	vshll.u32 v2, $0x3;
	_ =	sdelay $0x2  }
0x2e4: {  	v5 =	vpop (erf)  }
0x2e5: {  	[tilespmem:v4+s31+$0x0] =	vst.idx.msk $0xffff, v5  }
0x2e6: {  	v4 =	vld.idx.msk [tilespmem:v2+s20+$0x0], $0xffff;
	_ =	sdelay $0x2  }
0x2e7: {  	v6 =	vor.u32 $0x1, v2;
	_ =	sdelay $0x1  }
0x2e8: {  	v4 =	vmul.f32 v5, v4;
	_ =	sdelay $0x1  }
0x2e9: {  	[tilespmem:v3+s31+$0x0] =	vst.idx.msk $0xffff, v4  }
0x2ea: {  	v4 =	vld.idx.msk [tilespmem:v6+s20+$0x0], $0xffff;
	_ =	sdelay $0x1  }
0x2eb: {  	v56 =	vor.u32 $0x1, v3  }
0x2ec: {  	v7 =	vor.u32 $0x2, v2;
	_ =	sdelay $0x1  }
0x2ed: {  	v4 =	vmul.f32 v5, v4;
	_ =	sdelay $0x1  }
0x2ee: {  	[tilespmem:v56+s31+$0x0] =	vst.idx.msk $0xffff, v4  }
0x2ef: {  	v4 =	vld.idx.msk [tilespmem:v7+s20+$0x0], $0xffff;
	_ =	sdelay $0x1  }
0x2f0: {  	v57 =	vor.u32 $0x2, v3  }
0x2f1: {  	v58 =	vor.u32 $0x3, v2;
	_ =	sdelay $0x1  }
0x2f2: {  	v4 =	vmul.f32 v4, v5;
	_ =	sdelay $0x1  }
0x2f3: {  	[tilespmem:v57+s31+$0x0] =	vst.idx.msk $0xffff, v4  }
0x2f4: {  	v4 =	vld.idx.msk [tilespmem:v58+s20+$0x0], $0xffff;
	_ =	sdelay $0x1  }
0x2f5: {  	v59 =	vor.u32 $0x3, v3  }
0x2f6: {  	v60 =	vor.u32 $0x4, v2;
	_ =	sdelay $0x1  }
0x2f7: {  	v4 =	vmul.f32 v4, v5;
	_ =	sdelay $0x1  }
0x2f8: {  	[tilespmem:v59+s31+$0x0] =	vst.idx.msk $0xffff, v4  }
0x2f9: {  	v4 =	vld.idx.msk [tilespmem:v60+s20+$0x0], $0xffff;
	_ =	sdelay $0x1  }
0x2fa: {  	v61 =	vor.u32 $0x4, v3  }
0x2fb: {  	v62 =	vor.u32 $0x5, v2;
	_ =	sdelay $0x1  }
0x2fc: {  	v4 =	vmul.f32 v4, v5;
	_ =	sdelay $0x1  }
0x2fd: {  	[tilespmem:v61+s31+$0x0] =	vst.idx.msk $0xffff, v4  }
0x2fe: {  	v4 =	vld.idx.msk [tilespmem:v62+s20+$0x0], $0xffff;
	_ =	sdelay $0x1  }
0x2ff: {  	v63 =	vor.u32 $0x5, v3  }
0x300: {  	v2 =	vor.u32 $0x6, v2;
	_ =	sdelay $0x1  }
0x301: {  	v4 =	vmul.f32 v4, v5;
	_ =	sdelay $0x1  }
0x302: {  	[tilespmem:v63+s31+$0x0] =	vst.idx.msk $0xffff, v4  }
0x303: {  	v4 =	vld.idx.msk [tilespmem:v2+s20+$0x0], $0xffff;
	_ =	sdelay $0x1  }
0x304: {  	v2 =	vor.u32 $0x6, v3;
	_ =	sdelay $0x2  }
0x305: {  	s13 =	simm.s32 $0x10;
	v3 =	vmul.f32 v4, v5  }
.LBB2_15:
0x306: {  	_ = 	snop  }
0x307: {  	p0 =	sne.s32 s13, $0x70;
	s17 =	sadd.s32 $0x10, s17;
	s16 =	sadd.s32 $0x10, s16;
	[tilespmem:v2+s31+$0x0] =	vst.idx.msk $0xffff, v3  }
0x308: {  	s19 =	smov.u32 s13;
	s13 =	sadd.s32 $0x10, s13;
	v2 =	vld [tilespmem:s16+$0x0]  }
0x309: {  	v3 =	vld [tilespmem:s17+$0x0];
	_ =	sdelay $0x6  }
0x30a: {  	v4 =	vld.idx.msk [tilespmem:v2+s22+$0x0], $0xffff  }
0x30b: {  	v3 =	vld.idx.msk [tilespmem:v3+s23+$0x0], $0xffff;
	_ =	sdelay $0x5  }
0x30c: {  	v3 =	vadd.f32 v3, v4;
	_ =	sdelay $0x1  }
0x30d: {  	v4 =	vmul.f32 $2.000000030e-01, v3;
	_ =	sdelay $0x1  }
0x30e: {  	v3 =	vmax.f32 v3, v4  }
0x30f: {  	v3 =	vsub.f32 v3, v1;
	_ =	sdelay $0x1  }
0x310: {  	v3 =	vmul.f32 $1.442695020e+00, v3;
	_ =	sdelay $0x1  }
0x311: {  	(erf) = vpow2.f32 v3;
	_ =	sdelay $0x1  }
0x312: {  	v3 =	vmov s19  }
0x313: {  	v3 =	vshll.u32 v3, $0x3  }
0x314: {  	v3 =	vor.u32 v0, v3  }
0x315: {  	v4 =	vor.u32 $0x7, v3  }
0x316: {  	v2 =	vshll.u32 v2, $0x3;
	_ =	sdelay $0x2  }
0x317: {  	v5 =	vpop (erf)  }
0x318: {  	[tilespmem:v4+s31+$0x0] =	vst.idx.msk $0xffff, v5  }
0x319: {  	v4 =	vld.idx.msk [tilespmem:v2+s20+$0x0], $0xffff;
	_ =	sdelay $0x3  }
0x31a: {  	v6 =	vor.u32 $0x1, v2;
	_ =	sdelay $0x1  }
0x31b: {  	v4 =	vmul.f32 v5, v4;
	_ =	sdelay $0x1  }
0x31c: {  	[tilespmem:v3+s31+$0x0] =	vst.idx.msk $0xffff, v4  }
0x31d: {  	v4 =	vld.idx.msk [tilespmem:v6+s20+$0x0], $0xffff;
	_ =	sdelay $0x2  }
0x31e: {  	v6 =	vor.u32 $0x1, v3  }
0x31f: {  	v7 =	vor.u32 $0x2, v2;
	_ =	sdelay $0x1  }
0x320: {  	v4 =	vmul.f32 v5, v4;
	_ =	sdelay $0x1  }
0x321: {  	[tilespmem:v6+s31+$0x0] =	vst.idx.msk $0xffff, v4  }
0x322: {  	v4 =	vld.idx.msk [tilespmem:v7+s20+$0x0], $0xffff;
	_ =	sdelay $0x2  }
0x323: {  	v6 =	vor.u32 $0x2, v3  }
0x324: {  	v7 =	vor.u32 $0x3, v2;
	_ =	sdelay $0x1  }
0x325: {  	v4 =	vmul.f32 v4, v5;
	_ =	sdelay $0x1  }
0x326: {  	[tilespmem:v6+s31+$0x0] =	vst.idx.msk $0xffff, v4  }
0x327: {  	v4 =	vld.idx.msk [tilespmem:v7+s20+$0x0], $0xffff;
	_ =	sdelay $0x2  }
0x328: {  	v6 =	vor.u32 $0x3, v3  }
0x329: {  	v7 =	vor.u32 $0x4, v2;
	_ =	sdelay $0x1  }
0x32a: {  	v4 =	vmul.f32 v4, v5;
	_ =	sdelay $0x1  }
0x32b: {  	[tilespmem:v6+s31+$0x0] =	vst.idx.msk $0xffff, v4  }
0x32c: {  	v4 =	vld.idx.msk [tilespmem:v7+s20+$0x0], $0xffff;
	_ =	sdelay $0x2  }
0x32d: {  	v6 =	vor.u32 $0x4, v3  }
0x32e: {  	v7 =	vor.u32 $0x5, v2;
	_ =	sdelay $0x1  }
0x32f: {  	v4 =	vmul.f32 v4, v5;
	_ =	sdelay $0x1  }
0x330: {  	[tilespmem:v6+s31+$0x0] =	vst.idx.msk $0xffff, v4  }
0x331: {  	v4 =	vld.idx.msk [tilespmem:v7+s20+$0x0], $0xffff;
	_ =	sdelay $0x2  }
0x332: {  	v6 =	vor.u32 $0x5, v3  }
0x333: {  	v2 =	vor.u32 $0x6, v2;
	_ =	sdelay $0x1  }
0x334: {  	v4 =	vmul.f32 v4, v5;
	_ =	sdelay $0x1  }
0x335: {  	[tilespmem:v6+s31+$0x0] =	vst.idx.msk $0xffff, v4  }
0x336: {  	v4 =	vld.idx.msk [tilespmem:v2+s20+$0x0], $0xffff;
	_ =	sdelay $0x1  }
.Ltmp6:
0x337: {  	(pc) =	sbr.rel @p0 .LBB2_15-.Ltmp6, $2  }
0x338: {  	v2 =	vor.u32 $0x6, v3;
	_ =	sdelay $0x2  }
0x339: {  	v3 =	vmul.f32 v4, v5  }
0x33a: {  	_ =	sdelay $0x3  }
0x33b: {  	[tilespmem:v2+s31+$0x0] =	vst.idx.msk $0xffff, v3  }
0x33c: {  	[spmem:s2] =	stream.indirect.scatter.add.f32 [tilespmem:s31], [sflag:$0x1], $0x8, s11, s0, $0xb8;
	[tilespmem:$0x1AB00] =	vst v63  }
0x33d: {  	_ =	swait.ge [sflag:s7], $0x400  }
0x33e: {  	[sflag:s7] =	ssyncset.done $0x0  }
0x33f: {  	s16 =	simm.s32 $0x19E80;
	[sflag:s7] =	ssyncadd.s32 $0xFFFFFC00  }
0x340: {  	s17 =	simm.s32 $0x1A280;
	v2 =	vld [tilespmem:s16+$0x0]  }
0x341: {  	v3 =	vld [tilespmem:s17+$0x0];
	_ =	sdelay $0x6  }
0x342: {  	v4 =	vld.idx.msk [tilespmem:v2+s22+$0x0], $0xffff  }
0x343: {  	v3 =	vld.idx.msk [tilespmem:v3+s23+$0x0], $0xffff;
	_ =	sdelay $0x4  }
0x344: {  	v3 =	vadd.f32 v3, v4;
	_ =	sdelay $0x1  }
0x345: {  	v4 =	vmul.f32 $2.000000030e-01, v3;
	_ =	sdelay $0x1  }
0x346: {  	v3 =	vmax.f32 v3, v4  }
0x347: {  	v3 =	vsub.f32 v3, v1;
	_ =	sdelay $0x1  }
0x348: {  	v3 =	vmul.f32 $1.442695020e+00, v3;
	_ =	sdelay $0x1  }
0x349: {  	(erf) = vpow2.f32 v3  }
0x34a: {  	s13 =	simm.s32 $0x0  }
0x34b: {  	v3 =	vmov s13  }
0x34c: {  	v3 =	vshll.u32 v3, $0x3  }
0x34d: {  	v3 =	vor.u32 v0, v3  }
0x34e: {  	v4 =	vor.u32 $0x7, v3  }
0x34f: {  	v2 =	vshll.u32 v2, $0x3;
	_ =	sdelay $0x2  }
0x350: {  	v5 =	vpop (erf)  }
0x351: {  	[tilespmem:v4+s1+$0x0] =	vst.idx.msk $0xffff, v5  }
0x352: {  	v4 =	vld.idx.msk [tilespmem:v2+s20+$0x0], $0xffff;
	_ =	sdelay $0x2  }
0x353: {  	v6 =	vor.u32 $0x1, v2;
	_ =	sdelay $0x1  }
0x354: {  	v4 =	vmul.f32 v5, v4;
	_ =	sdelay $0x1  }
0x355: {  	[tilespmem:v3+s1+$0x0] =	vst.idx.msk $0xffff, v4  }
0x356: {  	v4 =	vld.idx.msk [tilespmem:v6+s20+$0x0], $0xffff;
	_ =	sdelay $0x1  }
0x357: {  	v56 =	vor.u32 $0x1, v3  }
0x358: {  	v7 =	vor.u32 $0x2, v2;
	_ =	sdelay $0x1  }
0x359: {  	v4 =	vmul.f32 v5, v4;
	_ =	sdelay $0x1  }
0x35a: {  	[tilespmem:v56+s1+$0x0] =	vst.idx.msk $0xffff, v4  }
0x35b: {  	v4 =	vld.idx.msk [tilespmem:v7+s20+$0x0], $0xffff;
	_ =	sdelay $0x1  }
0x35c: {  	v57 =	vor.u32 $0x2, v3  }
0x35d: {  	v58 =	vor.u32 $0x3, v2;
	_ =	sdelay $0x1  }
0x35e: {  	v4 =	vmul.f32 v4, v5;
	_ =	sdelay $0x1  }
0x35f: {  	[tilespmem:v57+s1+$0x0] =	vst.idx.msk $0xffff, v4  }
0x360: {  	v4 =	vld.idx.msk [tilespmem:v58+s20+$0x0], $0xffff;
	_ =	sdelay $0x1  }
0x361: {  	v59 =	vor.u32 $0x3, v3  }
0x362: {  	v60 =	vor.u32 $0x4, v2;
	_ =	sdelay $0x1  }
0x363: {  	v4 =	vmul.f32 v4, v5;
	_ =	sdelay $0x1  }
0x364: {  	[tilespmem:v59+s1+$0x0] =	vst.idx.msk $0xffff, v4  }
0x365: {  	v4 =	vld.idx.msk [tilespmem:v60+s20+$0x0], $0xffff;
	_ =	sdelay $0x1  }
0x366: {  	v61 =	vor.u32 $0x4, v3  }
0x367: {  	v62 =	vor.u32 $0x5, v2;
	_ =	sdelay $0x1  }
0x368: {  	v4 =	vmul.f32 v4, v5;
	_ =	sdelay $0x1  }
0x369: {  	[tilespmem:v61+s1+$0x0] =	vst.idx.msk $0xffff, v4  }
0x36a: {  	v4 =	vld.idx.msk [tilespmem:v62+s20+$0x0], $0xffff;
	_ =	sdelay $0x1  }
0x36b: {  	v63 =	vor.u32 $0x5, v3  }
0x36c: {  	v2 =	vor.u32 $0x6, v2;
	_ =	sdelay $0x1  }
0x36d: {  	v4 =	vmul.f32 v4, v5;
	_ =	sdelay $0x1  }
0x36e: {  	[tilespmem:v63+s1+$0x0] =	vst.idx.msk $0xffff, v4  }
0x36f: {  	v4 =	vld.idx.msk [tilespmem:v2+s20+$0x0], $0xffff;
	_ =	sdelay $0x1  }
0x370: {  	v2 =	vor.u32 $0x6, v3;
	_ =	sdelay $0x2  }
0x371: {  	s13 =	simm.s32 $0x10;
	v3 =	vmul.f32 v4, v5  }
.LBB2_17:
0x372: {  	_ = 	snop  }
0x373: {  	p0 =	sne.s32 s13, $0x70;
	s17 =	sadd.s32 $0x10, s17;
	s16 =	sadd.s32 $0x10, s16;
	[tilespmem:v2+s1+$0x0] =	vst.idx.msk $0xffff, v3  }
0x374: {  	s19 =	smov.u32 s13;
	s13 =	sadd.s32 $0x10, s13;
	v2 =	vld [tilespmem:s16+$0x0]  }
0x375: {  	v3 =	vld [tilespmem:s17+$0x0];
	_ =	sdelay $0x6  }
0x376: {  	v4 =	vld.idx.msk [tilespmem:v2+s22+$0x0], $0xffff  }
0x377: {  	v3 =	vld.idx.msk [tilespmem:v3+s23+$0x0], $0xffff;
	_ =	sdelay $0x5  }
0x378: {  	v3 =	vadd.f32 v3, v4;
	_ =	sdelay $0x1  }
0x379: {  	v4 =	vmul.f32 $2.000000030e-01, v3;
	_ =	sdelay $0x1  }
0x37a: {  	v3 =	vmax.f32 v3, v4  }
0x37b: {  	v3 =	vsub.f32 v3, v1;
	_ =	sdelay $0x1  }
0x37c: {  	v3 =	vmul.f32 $1.442695020e+00, v3;
	_ =	sdelay $0x1  }
0x37d: {  	(erf) = vpow2.f32 v3;
	_ =	sdelay $0x1  }
0x37e: {  	v3 =	vmov s19  }
0x37f: {  	v3 =	vshll.u32 v3, $0x3  }
0x380: {  	v3 =	vor.u32 v0, v3  }
0x381: {  	v4 =	vor.u32 $0x7, v3  }
0x382: {  	v2 =	vshll.u32 v2, $0x3;
	_ =	sdelay $0x2  }
0x383: {  	v5 =	vpop (erf)  }
0x384: {  	[tilespmem:v4+s1+$0x0] =	vst.idx.msk $0xffff, v5  }
0x385: {  	v4 =	vld.idx.msk [tilespmem:v2+s20+$0x0], $0xffff;
	_ =	sdelay $0x3  }
0x386: {  	v6 =	vor.u32 $0x1, v2;
	_ =	sdelay $0x1  }
0x387: {  	v4 =	vmul.f32 v5, v4;
	_ =	sdelay $0x1  }
0x388: {  	[tilespmem:v3+s1+$0x0] =	vst.idx.msk $0xffff, v4  }
0x389: {  	v4 =	vld.idx.msk [tilespmem:v6+s20+$0x0], $0xffff;
	_ =	sdelay $0x2  }
0x38a: {  	v6 =	vor.u32 $0x1, v3  }
0x38b: {  	v7 =	vor.u32 $0x2, v2;
	_ =	sdelay $0x1  }
0x38c: {  	v4 =	vmul.f32 v5, v4;
	_ =	sdelay $0x1  }
0x38d: {  	[tilespmem:v6+s1+$0x0] =	vst.idx.msk $0xffff, v4  }
0x38e: {  	v4 =	vld.idx.msk [tilespmem:v7+s20+$0x0], $0xffff;
	_ =	sdelay $0x2  }
0x38f: {  	v6 =	vor.u32 $0x2, v3  }
0x390: {  	v7 =	vor.u32 $0x3, v2;
	_ =	sdelay $0x1  }
0x391: {  	v4 =	vmul.f32 v4, v5;
	_ =	sdelay $0x1  }
0x392: {  	[tilespmem:v6+s1+$0x0] =	vst.idx.msk $0xffff, v4  }
0x393: {  	v4 =	vld.idx.msk [tilespmem:v7+s20+$0x0], $0xffff;
	_ =	sdelay $0x2  }
0x394: {  	v6 =	vor.u32 $0x3, v3  }
0x395: {  	v7 =	vor.u32 $0x4, v2;
	_ =	sdelay $0x1  }
0x396: {  	v4 =	vmul.f32 v4, v5;
	_ =	sdelay $0x1  }
0x397: {  	[tilespmem:v6+s1+$0x0] =	vst.idx.msk $0xffff, v4  }
0x398: {  	v4 =	vld.idx.msk [tilespmem:v7+s20+$0x0], $0xffff;
	_ =	sdelay $0x2  }
0x399: {  	v6 =	vor.u32 $0x4, v3  }
0x39a: {  	v7 =	vor.u32 $0x5, v2;
	_ =	sdelay $0x1  }
0x39b: {  	v4 =	vmul.f32 v4, v5;
	_ =	sdelay $0x1  }
0x39c: {  	[tilespmem:v6+s1+$0x0] =	vst.idx.msk $0xffff, v4  }
0x39d: {  	v4 =	vld.idx.msk [tilespmem:v7+s20+$0x0], $0xffff;
	_ =	sdelay $0x2  }
0x39e: {  	v6 =	vor.u32 $0x5, v3  }
0x39f: {  	v2 =	vor.u32 $0x6, v2;
	_ =	sdelay $0x1  }
0x3a0: {  	v4 =	vmul.f32 v4, v5;
	_ =	sdelay $0x1  }
0x3a1: {  	[tilespmem:v6+s1+$0x0] =	vst.idx.msk $0xffff, v4  }
0x3a2: {  	v4 =	vld.idx.msk [tilespmem:v2+s20+$0x0], $0xffff;
	_ =	sdelay $0x1  }
.Ltmp7:
0x3a3: {  	(pc) =	sbr.rel @p0 .LBB2_17-.Ltmp7, $2  }
0x3a4: {  	v2 =	vor.u32 $0x6, v3;
	_ =	sdelay $0x2  }
0x3a5: {  	v3 =	vmul.f32 v4, v5  }
0x3a6: {  	s18 =	sadd.s32 $0x1, s18  }
0x3a7: {  	p0 =	sne.s32 s18, $0xA  }
.Ltmp8:
0x3a8: {  	_ = 	snop;
	(pc) =	sbr.rel @p0 .LBB2_2-.Ltmp8, $3  }
0x3a9: {  	_ =	sdelay $0x1  }
0x3aa: {  	[tilespmem:v2+s1+$0x0] =	vst.idx.msk $0xffff, v3  }
0x3ab: {  	[spmem:s2] =	stream.indirect.scatter.add.f32 [tilespmem:s1], [sflag:$0x2], $0x8, s12, s0, $0xb8;
	[tilespmem:$0x1AB00] =	vst v63  }
0x3ac: {  	_ =	swait.ge [sflag:s25], $0x400  }
0x3ad: {  	[sflag:s25] =	ssyncset.done $0x0  }
0x3ae: {  	[sflag:s25] =	ssyncadd.s32 $0xFFFFFC00  }
0x3af: {  	_ =	swait.ge [sflag:s7], $0x400  }
0x3b0: {  	s13 =	simm.s32 $0x0;
	s18 =	simm.s32 $0x19B00;
	[sflag:s7] =	ssyncset.done $0x0  }
0x3b1: {  	s17 =	simm.s32 $0x5;
	s16 =	rddreg [dreg:$0xb];
	[sflag:s7] =	ssyncadd.s32 $0xFFFFFC00  }
0x3b2: {  	[tilespmem:s18], [sflag:$0x5] =	stream.linear.gather [hbm4b:s16+s13], $0x80, $0x38;
	[tilespmem:$0x1AB00] =	vst v63  }
0x3b3: {  	_ =	swait.ge [sflag:s17], $0x80  }
0x3b4: {  	[sflag:s17] =	ssyncset.done $0x0  }
0x3b5: {  	s19 =	simm.s32 $0x19F00;
	s21 =	rddreg [dreg:$0xc];
	[sflag:s17] =	ssyncadd.s32 $0xFFFFFF80  }
0x3b6: {  	[tilespmem:s19], [sflag:$0x5] =	stream.linear.gather [hbm4b:s21+s13], $0x80, $0x38;
	[tilespmem:$0x1AB00] =	vst v63  }
0x3b7: {  	_ =	swait.ge [sflag:s17], $0x80  }
0x3b8: {  	[sflag:s17] =	ssyncset.done $0x0  }
0x3b9: {  	[sflag:s17] =	ssyncadd.s32 $0xFFFFFF80  }
0x3ba: {  	v2 =	vld [tilespmem:s18+$0x0]  }
0x3bb: {  	v3 =	vld [tilespmem:s19+$0x0];
	_ =	sdelay $0x6  }
0x3bc: {  	v4 =	vld.idx.msk [tilespmem:v2+s22+$0x0], $0xffff  }
0x3bd: {  	v3 =	vld.idx.msk [tilespmem:v3+s23+$0x0], $0xffff;
	_ =	sdelay $0x4  }
0x3be: {  	v3 =	vadd.f32 v3, v4;
	_ =	sdelay $0x1  }
0x3bf: {  	v4 =	vmul.f32 $2.000000030e-01, v3;
	_ =	sdelay $0x1  }
0x3c0: {  	v3 =	vmax.f32 v3, v4  }
0x3c1: {  	v3 =	vsub.f32 v3, v1;
	_ =	sdelay $0x1  }
0x3c2: {  	v3 =	vmul.f32 $1.442695020e+00, v3;
	_ =	sdelay $0x1  }
0x3c3: {  	(erf) = vpow2.f32 v3;
	_ =	sdelay $0x1  }
0x3c4: {  	v3 =	vmov s13  }
0x3c5: {  	v3 =	vshll.u32 v3, $0x3  }
0x3c6: {  	v3 =	vor.u32 v0, v3  }
0x3c7: {  	v4 =	vor.u32 $0x7, v3  }
0x3c8: {  	v2 =	vshll.u32 v2, $0x3;
	_ =	sdelay $0x2  }
0x3c9: {  	v5 =	vpop (erf)  }
0x3ca: {  	[tilespmem:v4+s31+$0x0] =	vst.idx.msk $0xffff, v5  }
0x3cb: {  	v4 =	vld.idx.msk [tilespmem:v2+s20+$0x0], $0xffff;
	_ =	sdelay $0x2  }
0x3cc: {  	v6 =	vor.u32 $0x1, v2;
	_ =	sdelay $0x1  }
0x3cd: {  	v4 =	vmul.f32 v5, v4;
	_ =	sdelay $0x1  }
0x3ce: {  	[tilespmem:v3+s31+$0x0] =	vst.idx.msk $0xffff, v4  }
0x3cf: {  	v4 =	vld.idx.msk [tilespmem:v6+s20+$0x0], $0xffff;
	_ =	sdelay $0x1  }
0x3d0: {  	v56 =	vor.u32 $0x1, v3  }
0x3d1: {  	v7 =	vor.u32 $0x2, v2;
	_ =	sdelay $0x1  }
0x3d2: {  	v4 =	vmul.f32 v5, v4;
	_ =	sdelay $0x1  }
0x3d3: {  	[tilespmem:v56+s31+$0x0] =	vst.idx.msk $0xffff, v4  }
0x3d4: {  	v4 =	vld.idx.msk [tilespmem:v7+s20+$0x0], $0xffff;
	_ =	sdelay $0x1  }
0x3d5: {  	v57 =	vor.u32 $0x2, v3  }
0x3d6: {  	v58 =	vor.u32 $0x3, v2;
	_ =	sdelay $0x1  }
0x3d7: {  	v4 =	vmul.f32 v4, v5;
	_ =	sdelay $0x1  }
0x3d8: {  	[tilespmem:v57+s31+$0x0] =	vst.idx.msk $0xffff, v4  }
0x3d9: {  	v4 =	vld.idx.msk [tilespmem:v58+s20+$0x0], $0xffff;
	_ =	sdelay $0x1  }
0x3da: {  	v59 =	vor.u32 $0x3, v3  }
0x3db: {  	v60 =	vor.u32 $0x4, v2;
	_ =	sdelay $0x1  }
0x3dc: {  	v4 =	vmul.f32 v4, v5;
	_ =	sdelay $0x1  }
0x3dd: {  	[tilespmem:v59+s31+$0x0] =	vst.idx.msk $0xffff, v4  }
0x3de: {  	v4 =	vld.idx.msk [tilespmem:v60+s20+$0x0], $0xffff;
	_ =	sdelay $0x1  }
0x3df: {  	v61 =	vor.u32 $0x4, v3  }
0x3e0: {  	v62 =	vor.u32 $0x5, v2;
	_ =	sdelay $0x1  }
0x3e1: {  	v4 =	vmul.f32 v4, v5;
	_ =	sdelay $0x1  }
0x3e2: {  	[tilespmem:v61+s31+$0x0] =	vst.idx.msk $0xffff, v4  }
0x3e3: {  	v4 =	vld.idx.msk [tilespmem:v62+s20+$0x0], $0xffff;
	_ =	sdelay $0x1  }
0x3e4: {  	v63 =	vor.u32 $0x5, v3  }
0x3e5: {  	v2 =	vor.u32 $0x6, v2;
	_ =	sdelay $0x1  }
0x3e6: {  	v4 =	vmul.f32 v4, v5;
	_ =	sdelay $0x1  }
0x3e7: {  	[tilespmem:v63+s31+$0x0] =	vst.idx.msk $0xffff, v4  }
0x3e8: {  	v4 =	vld.idx.msk [tilespmem:v2+s20+$0x0], $0xffff;
	_ =	sdelay $0x1  }
0x3e9: {  	v2 =	vor.u32 $0x6, v3;
	_ =	sdelay $0x2  }
0x3ea: {  	s13 =	simm.s32 $0x10;
	v3 =	vmul.f32 v4, v5  }
.LBB2_20:
0x3eb: {  	_ = 	snop  }
0x3ec: {  	p0 =	sne.s32 s13, $0x70;
	s18 =	sadd.s32 $0x10, s18;
	s19 =	sadd.s32 $0x10, s19;
	[tilespmem:v2+s31+$0x0] =	vst.idx.msk $0xffff, v3  }
0x3ed: {  	s16 =	smov.u32 s13;
	s13 =	sadd.s32 $0x10, s13;
	v2 =	vld [tilespmem:s18+$0x0]  }
0x3ee: {  	v3 =	vld [tilespmem:s19+$0x0];
	_ =	sdelay $0x6  }
0x3ef: {  	v4 =	vld.idx.msk [tilespmem:v2+s22+$0x0], $0xffff  }
0x3f0: {  	v3 =	vld.idx.msk [tilespmem:v3+s23+$0x0], $0xffff;
	_ =	sdelay $0x5  }
0x3f1: {  	v3 =	vadd.f32 v3, v4;
	_ =	sdelay $0x1  }
0x3f2: {  	v4 =	vmul.f32 $2.000000030e-01, v3;
	_ =	sdelay $0x1  }
0x3f3: {  	v3 =	vmax.f32 v3, v4  }
0x3f4: {  	v3 =	vsub.f32 v3, v1;
	_ =	sdelay $0x1  }
0x3f5: {  	v3 =	vmul.f32 $1.442695020e+00, v3;
	_ =	sdelay $0x1  }
0x3f6: {  	(erf) = vpow2.f32 v3;
	_ =	sdelay $0x1  }
0x3f7: {  	v3 =	vmov s16  }
0x3f8: {  	v3 =	vshll.u32 v3, $0x3  }
0x3f9: {  	v3 =	vor.u32 v0, v3  }
0x3fa: {  	v4 =	vor.u32 $0x7, v3  }
0x3fb: {  	v2 =	vshll.u32 v2, $0x3;
	_ =	sdelay $0x2  }
0x3fc: {  	v5 =	vpop (erf)  }
0x3fd: {  	[tilespmem:v4+s31+$0x0] =	vst.idx.msk $0xffff, v5  }
0x3fe: {  	v4 =	vld.idx.msk [tilespmem:v2+s20+$0x0], $0xffff;
	_ =	sdelay $0x3  }
0x3ff: {  	v6 =	vor.u32 $0x1, v2;
	_ =	sdelay $0x1  }
0x400: {  	v4 =	vmul.f32 v5, v4;
	_ =	sdelay $0x1  }
0x401: {  	[tilespmem:v3+s31+$0x0] =	vst.idx.msk $0xffff, v4  }
0x402: {  	v4 =	vld.idx.msk [tilespmem:v6+s20+$0x0], $0xffff;
	_ =	sdelay $0x2  }
0x403: {  	v6 =	vor.u32 $0x1, v3  }
0x404: {  	v7 =	vor.u32 $0x2, v2;
	_ =	sdelay $0x1  }
0x405: {  	v4 =	vmul.f32 v5, v4;
	_ =	sdelay $0x1  }
0x406: {  	[tilespmem:v6+s31+$0x0] =	vst.idx.msk $0xffff, v4  }
0x407: {  	v4 =	vld.idx.msk [tilespmem:v7+s20+$0x0], $0xffff;
	_ =	sdelay $0x2  }
0x408: {  	v6 =	vor.u32 $0x2, v3  }
0x409: {  	v7 =	vor.u32 $0x3, v2;
	_ =	sdelay $0x1  }
0x40a: {  	v4 =	vmul.f32 v4, v5;
	_ =	sdelay $0x1  }
0x40b: {  	[tilespmem:v6+s31+$0x0] =	vst.idx.msk $0xffff, v4  }
0x40c: {  	v4 =	vld.idx.msk [tilespmem:v7+s20+$0x0], $0xffff;
	_ =	sdelay $0x2  }
0x40d: {  	v6 =	vor.u32 $0x3, v3  }
0x40e: {  	v7 =	vor.u32 $0x4, v2;
	_ =	sdelay $0x1  }
0x40f: {  	v4 =	vmul.f32 v4, v5;
	_ =	sdelay $0x1  }
0x410: {  	[tilespmem:v6+s31+$0x0] =	vst.idx.msk $0xffff, v4  }
0x411: {  	v4 =	vld.idx.msk [tilespmem:v7+s20+$0x0], $0xffff;
	_ =	sdelay $0x2  }
0x412: {  	v6 =	vor.u32 $0x4, v3  }
0x413: {  	v7 =	vor.u32 $0x5, v2;
	_ =	sdelay $0x1  }
0x414: {  	v4 =	vmul.f32 v4, v5;
	_ =	sdelay $0x1  }
0x415: {  	[tilespmem:v6+s31+$0x0] =	vst.idx.msk $0xffff, v4  }
0x416: {  	v4 =	vld.idx.msk [tilespmem:v7+s20+$0x0], $0xffff;
	_ =	sdelay $0x2  }
0x417: {  	v6 =	vor.u32 $0x5, v3  }
0x418: {  	v2 =	vor.u32 $0x6, v2;
	_ =	sdelay $0x1  }
0x419: {  	v4 =	vmul.f32 v4, v5;
	_ =	sdelay $0x1  }
0x41a: {  	[tilespmem:v6+s31+$0x0] =	vst.idx.msk $0xffff, v4  }
0x41b: {  	v4 =	vld.idx.msk [tilespmem:v2+s20+$0x0], $0xffff;
	_ =	sdelay $0x1  }
.Ltmp9:
0x41c: {  	(pc) =	sbr.rel @p0 .LBB2_20-.Ltmp9, $2  }
0x41d: {  	v2 =	vor.u32 $0x6, v3;
	_ =	sdelay $0x2  }
0x41e: {  	v3 =	vmul.f32 v4, v5  }
0x41f: {  	_ =	sdelay $0x3  }
0x420: {  	[tilespmem:v2+s31+$0x0] =	vst.idx.msk $0xffff, v3  }
0x421: {  	[spmem:s2] =	stream.indirect.scatter.add.f32 [tilespmem:s31], [sflag:$0x1], $0x8, s26, s0, $0xb8;
	[tilespmem:$0x1AB00] =	vst v63  }
0x422: {  	_ =	swait.ge [sflag:s25], $0x400  }
0x423: {  	[sflag:s25] =	ssyncset.done $0x0  }
0x424: {  	[sflag:s25] =	ssyncadd.s32 $0xFFFFFC00  }
0x425: {  	[bflag:$0x0] =	sbarrier.arrive $0xFFFF  }
0x426: {  	s13 =	rddreg [dreg:$0xd]  }
0x427: {  	s16 =	rddreg [dreg:$0x10]  }
0x428: {  	s18 =	rddreg [dreg:$0x11]  }
0x429: {  	[hbm:s13], [sflag:s16] =	dma.local [spmem:s18], $0x280  }
0x42a: {  	_ =	swait.ge [sflag:s17], $0x280  }
0x42b: {  	s19 =	rddreg [dreg:$0xf]  }
0x42c: {  	s21 =	rddreg [dreg:$0xe];
	s16 =	sadd.s32 $0x1, s19  }
0x42d: {  	p0 =	sne.s32 s16, s21  }
.Ltmp10:
0x42e: {  	_ = 	snop;
	(pc) =	sbr.rel @p0 .LBB2_1-.Ltmp10, $3  }
0x42f: {  	_ =	sdelay $0x1  }
0x430: {  	[sflag:s17] =	ssyncset.done $0x0  }
0x431: {  	[sflag:s17] =	ssyncadd.s32 $0xFFFFFD80  }
0x432: {  	_ =	sfence.sel $0x180000  }
0x433: {  	[bflag:$0x0] =	sbarrier.arrive $0xFFFF  }
0x434: {  	_ =	strace $0x9000004A  }
0x435: {  	s0 =	stileid.u32;
	[bflag:$0x2] =	sbarrier.arrive $0xFFFF  }
0x436: {  	p0 =	sne.s32 s0, $0x0;
	s0 =	rddreg [dreg:$0x3]  }
0x437: {  	s0 =	sadd.s32 @!p0 $0x100000, s0  }
0x438: {  	[sflag:s0] =	ssyncadd.tile.s32 @!p0 $0x1;
	_ =	shalt  }
.Lfunc_end2:
_tile_overlayer_lowered:
.L_overlay_start_2:
0x439: {  	(tag) =	ssettag $0x2  }
0x43a: {  	s0 =	rddreg [dreg:$0x0];
	s2 =	stileid.u32  }
0x43b: {  	s1 =	rddreg [dreg:$0x1];
	p0 =	sne.s32 s2, $0x0  }
0x43c: {  	s3 =	rddreg [dreg:$0x2];
	[bflag:$0x3] =	sbarrier.arrive $0xFFFF;
	s2 =	simm.s32 @!p0 $0x1C05  }
0x43d: {  	[timem:s3], [sflag:s2] =	dma.local @!p0 [hbm:s0], s1  }
0x43e: {  	s0 =	simm.s32 @!p0 $0x5  }
0x43f: {  	_ =	swait.ge @!p0 [sflag:s0], s1  }
0x440: {  	s1 =	ssub.s32 @!p0 $0x0, s1;
	[sflag:s0] =	ssyncset.done @!p0 $0x0  }
0x441: {  	[sflag:s0] =	ssyncadd.s32 @!p0 s1  }
0x442: {  	[bflag:$0x3] =	sbarrier.arrive $0xFFFF  }
0x443: {  	_ =	shalt  }

// kernel: kernel.7.cloned.1.call-start
scs
__scs_entry_jumppad:
0x0: {  	(pc) =	sbr.rel $0x88, $3  }
0x1: {  	(tag) =	ssettag $0x0;
	lr =	simm.s32 $0x1  }
0x2: {  	[smem:$0x3F97] =	sst lr;
	_ =	strace $0xD0000000  }
0x3: {  	_ = 	snop  }
0x4: {  	_ = 	snop  }
0x5: {  	_ = 	snop  }
0x6: {  	_ = 	snop  }
0x7: {  	_ = 	snop  }
__scs_overlays_trampoline_lowered:
0x8: {  	[smem:$0x3FA6] =	sst s0  }
0x9: {  	[smem:$0x3FA7] =	sst s1  }
0xa: {  	[smem:$0x3FA8] =	sst s2  }
0xb: {  	[smem:$0x3FA9] =	sst s3  }
0xc: {  	[smem:$0x3FAA] =	sst s4  }
0xd: {  	[smem:$0x3FAB] =	sst s5  }
0xe: {  	[smem:$0x3FAC] =	sst s6  }
0xf: {  	[smem:$0x3FAD] =	sst s7  }
0x10: {  	[smem:$0x3FAE] =	sst s8  }
0x11: {  	[smem:$0x3FAF] =	sst s9;
	s0 =	simm.s32 @!p0 $0x0  }
0x12: {  	s1 =	sld [smem:$0x3F95];
	s0 =	simm.s32 @p0 $0x1  }
0x13: {  	[smem:$0x3FB0] =	sst s0;
	s0 =	simm.s32 @!p1 $0x0  }
0x14: {  	s2 =	sld [smem:$0x3F94];
	s0 =	simm.s32 @p1 $0x1  }
0x15: {  	[smem:$0x3FB1] =	sst s0;
	s0 =	simm.s32 @!p2 $0x0  }
0x16: {  	s3 =	sld [smem:$0x3FDB];
	s0 =	simm.s32 @p2 $0x1  }
0x17: {  	s4 =	simm.s32 $0x1BF5;
	[smem:$0x3FB3] =	sst s0  }
0x18: {  	s0 =	sld [smem:$0x3F96];
	_ =	swait.ge [sflag:s4], $0x0  }
0x19: {  	s7 =	sld [smem:$0x3F97]  }
0x1a: {  	s8 =	sadd.s32 $0xFFFFE003, lr  }
0x1b: {  	s9 =	sadd.s32 $0xFFFFFEF7, lr;
	s5 =	simm.s32 $0xFFFFFFFF;
	p2 =	slt.u32 s8, $0xFFFFF086  }
0x1c: {  	p1 =	slt.u32 s9, $0xF7A;
	s5 =	simm.s32 @!p2 $0x0  }
0x1d: {  	s5 =	simm.s32 @p1 $0x1;
	p0 =	seq.s32 s7, s2  }
0x1e: {  	s7 =	smul.u32 @!p0 $0xF7A, s2;
	p2 =	seq.s32 @!p0 s5, $0x0  }
0x1f: {  	s9 =	smul.u32 $0xF7A, s1;
	s8 =	simm.s32 @!p0 $0x1BF5;
	p2 =	por !p2, p0  }
0x20: {  	[sflag:s8] =	ssyncset.s32 @!p0 $0xFFFFF086;
	s6 =	sadd.s32 @!p0 s3, s7;
	s7 =	simm.s32 @!p0 $0x108  }
0x21: {  	s3 =	sadd.s32 s3, s9;
	s6 =	sadd.s32 @!p0 $0x88, s6;
	s7 =	simm.s32 @p2 $0x1082  }
0x22: {  	[simem:s7], [sflag:s8] =	dma.local @!p0 [hbm:s6], $0xF7A  }
0x23: {  	s9 =	sor.u32 $0xD0000000, s2;
	s6 =	simm.s32 $0x108;
	_ =	swait.ge @!p0 [sflag:s8], $0x0  }
0x24: {  	s3 =	sadd.s32 $0x88, s3;
	s6 =	simm.s32 @!p1 $0x1082;
	[sflag:s4] =	ssyncset.s32 $0xFFFFF086  }
0x25: {  	[simem:s6], [sflag:s4] =	dma.local [hbm:s3], $0xF7A  }
0x26: {  	[smem:$0x3F97] =	sst s1;
	(tag) =	ssettag s2;
	_ =	strace s9  }
0x27: {  	s1 =	sld [smem:$0x3FA7]  }
0x28: {  	s2 =	sld [smem:$0x3FA8]  }
0x29: {  	s4 =	sld [smem:$0x3FAA]  }
0x2a: {  	p0 =	seq.s32 s5, $0x0;
	s5 =	sld [smem:$0x3FAB]  }
0x2b: {  	s6 =	sld [smem:$0x3FAC]  }
0x2c: {  	s7 =	sld [smem:$0x3FAD]  }
0x2d: {  	s3 =	simm.s32 $0x108;
	s8 =	sld [smem:$0x3FAE]  }
0x2e: {  	s3 =	simm.s32 @!p0 $0x1082;
	s9 =	sld [smem:$0x3FAF]  }
0x2f: {  	lr =	sadd.s32 s0, s3;
	s0 =	sld [smem:$0x3FA6]  }
0x30: {  	s3 =	sld [smem:$0x3FA9]  }
0x31: {  	[smem:$0x3FB2] =	sst s10  }
0x32: {  	s10 =	sld [smem:$0x3FB0];
	_ =	sdelay $0x3  }
0x33: {  	p0 =	seq.s32 s10, $0x1;
	s10 =	sld [smem:$0x3FB2];
	_ =	sdelay $0x3  }
0x34: {  	[smem:$0x3FB2] =	sst s10  }
0x35: {  	s10 =	sld [smem:$0x3FB1];
	_ =	sdelay $0x3  }
0x36: {  	p1 =	seq.s32 s10, $0x1;
	s10 =	sld [smem:$0x3FB2];
	_ =	sdelay $0x3  }
0x37: {  	[smem:$0x3FB2] =	sst s10  }
0x38: {  	s10 =	sld [smem:$0x3FB3]  }
0x39: {  	_ = 	snop;
	(pc) =	sbr.ind lr, $3  }
0x3a: {  	_ = 	snop  }
0x3b: {  	_ = 	snop  }
0x3c: {  	p2 =	seq.s32 s10, $0x1;
	s10 =	sld [smem:$0x3FB2]  }
0x3d: {  	_ =	shalt  }
0x3e: {  	_ =	shalt  }
0x3f: {  	_ =	shalt  }
0x40: {  	_ =	shalt  }
0x41: {  	_ =	shalt  }
0x42: {  	_ =	shalt  }
0x43: {  	_ =	shalt  }
0x44: {  	_ =	shalt  }
0x45: {  	_ =	shalt  }
0x46: {  	_ =	shalt  }
0x47: {  	_ =	shalt  }
0x48: {  	_ =	shalt  }
0x49: {  	_ =	shalt  }
0x4a: {  	_ =	shalt  }
0x4b: {  	_ =	shalt  }
0x4c: {  	_ =	shalt  }
0x4d: {  	_ =	shalt  }
0x4e: {  	_ =	shalt  }
0x4f: {  	_ =	shalt  }
0x50: {  	_ =	shalt  }
0x51: {  	_ =	shalt  }
0x52: {  	_ =	shalt  }
0x53: {  	_ =	shalt  }
0x54: {  	_ =	shalt  }
0x55: {  	_ =	shalt  }
0x56: {  	_ =	shalt  }
0x57: {  	_ =	shalt  }
0x58: {  	_ =	shalt  }
0x59: {  	_ =	shalt  }
0x5a: {  	_ =	shalt  }
0x5b: {  	_ =	shalt  }
0x5c: {  	_ =	shalt  }
0x5d: {  	_ =	shalt  }
0x5e: {  	_ =	shalt  }
0x5f: {  	_ =	shalt  }
0x60: {  	_ =	shalt  }
0x61: {  	_ =	shalt  }
0x62: {  	_ =	shalt  }
0x63: {  	_ =	shalt  }
0x64: {  	_ =	shalt  }
0x65: {  	_ =	shalt  }
0x66: {  	_ =	shalt  }
0x67: {  	_ =	shalt  }
0x68: {  	_ =	shalt  }
0x69: {  	_ =	shalt  }
0x6a: {  	_ =	shalt  }
0x6b: {  	_ =	shalt  }
0x6c: {  	_ =	shalt  }
0x6d: {  	_ =	shalt  }
0x6e: {  	_ =	shalt  }
0x6f: {  	_ =	shalt  }
0x70: {  	_ =	shalt  }
0x71: {  	_ =	shalt  }
0x72: {  	_ =	shalt  }
0x73: {  	_ =	shalt  }
0x74: {  	_ =	shalt  }
0x75: {  	_ =	shalt  }
0x76: {  	_ =	shalt  }
0x77: {  	_ =	shalt  }
0x78: {  	_ =	shalt  }
0x79: {  	_ =	shalt  }
0x7a: {  	_ =	shalt  }
0x7b: {  	_ =	shalt  }
0x7c: {  	_ =	shalt  }
0x7d: {  	_ =	shalt  }
0x7e: {  	_ =	shalt  }
0x7f: {  	_ =	shalt  }
0x80: {  	_ =	shalt  }
0x81: {  	_ =	shalt  }
0x82: {  	_ =	shalt  }
0x83: {  	_ =	shalt  }
0x84: {  	_ =	shalt  }
0x85: {  	_ =	shalt  }
0x86: {  	_ =	shalt  }
0x87: {  	_ =	shalt  }
.Lfunc_end0:
.L_simem_size_0:
called_computation_lowered:
.L_overlay_start_0:
0x88: {  	s2 =	sld [smem:$0x3FD9]  }
0x89: {  	s3 =	sld [smem:$0x3FFE];
	_ =	sdelay $0x1  }
0x8a: {  	s1 =	srdreg.scid  }
0x8b: {  	s0 =	sand.u32 $0x1, s1  }
0x8c: {  	s17 =	sshll.u32 s0, $0xA;
	s2 =	sadd.s32 s3, s2  }
0x8d: {  	s2 =	sadd.s32 s2, s17  }
0x8e: {  	[smem:$0x3FBE] =	sst s2  }
0x8f: {  	_ = 	snop  }
0x90: {  	s2 =	sld [smem:$0x3FD0];
	(tm) =	ssettm $0x1  }
0x91: {  	s18 =	sld [smem:$0x3FFB];
	_ =	sdelay $0x3  }
0x92: {  	_ =	strace s18  }
0x93: {  	s3 =	sld [smem:$0x3FFC];
	_ =	sdelay $0x3  }
0x94: {  	_ =	strace s3  }
0x95: {  	s3 =	sld [smem:$0x3FFD];
	_ =	sdelay $0x3  }
0x96: {  	_ =	strace s3  }
0x97: {  	_ =	strace $0x8FFFFFFF  }
0x98: {  	s19 =	sld [smem:$0x3FDB];
	_ =	sdelay $0x1  }
0x99: {  	s4 =	simm.s32 $_scs_section_size  }
0x9a: {  	s5 =	simm.s32 $_size__tile_overlayer_lowered;
	s6 =	simm.s32 $_tile_overlayer_lowered  }
0x9b: {  	s22 =	simm.s32 $0x1BFF;
	s21 =	sshll.u32 s6, $0x1;
	s3 =	sadd.s32 s4, s19  }
0x9c: {  	s7 =	simm.s32 $0x0;
	s20 =	sshll.u32 s5, $0x1;
	s5 =	sadd.s32 s21, s3  }
0x9d: {  	[timem:s7], [sflag:s22] =	dma.local [hbm:s5], s20  }
0x9e: {  	_ =	swait.ge [sflag:s22], s20  }
0x9f: {  	s4 =	ssub.s32 $0x0, s20;
	[sflag:s22] =	ssyncset.done $0x0  }
0xa0: {  	[sflag:s22] =	ssyncadd.s32 s4;
	_ =	sdelay $0x1  }
0xa1: {  	s23 =	simm.s32 $0x1B8B  }
0xa2: {  	_ =	swait.ge [sflag:s23], $0x1  }
0xa3: {  	[sflag:s23] =	ssyncset.done $0x0  }
0xa4: {  	s25 =	simm.s32 $0x1B8E;
	s24 =	sld [smem:$0x3FFE];
	[sflag:s23] =	ssyncadd.s32 $0xFFFFFFFF  }
0xa5: {  	s26 =	simm.s32 $execute0_lowered;
	[smem:$0x3FD2] =	sst s25  }
0xa6: {  	s5 =	sshll.u32 s26, $0x1;
	_ =	strace $0x80000046;
	[dreg:$0x1] =	wrdreg $0xFFFFFFFF  }
0xa7: {  	s28 =	simm.s32 $_size_execute0_lowered;
	s3 =	sadd.s32 s3, s5;
	[dreg:$0x0] =	wrdreg $0x0  }
0xa8: {  	s5 =	sshll.u32 s28, $0x1;
	[dreg:$0x2] =	wrdreg s3  }
0xa9: {  	[dreg:$0x3] =	wrdreg s5  }
0xaa: {  	[dreg:$0x4] =	wrdreg $0xC0  }
0xab: {  	_ =	task [dreg:s7], $0x5FFFF  }
0xac: {  	[dreg:$0x1] =	wrdreg $0xFFFFFFFF  }
0xad: {  	[dreg:$0x0] =	wrdreg $0x60  }
0xae: {  	[dreg:$0x2] =	wrdreg s24  }
0xaf: {  	[dreg:$0x3] =	wrdreg s2  }
0xb0: {  	[dreg:$0x4] =	wrdreg $0x0  }
0xb1: {  	[dreg:$0x5] =	wrdreg $0x1AB000  }
0xb2: {  	[dreg:$0x6] =	wrdreg $0x9  }
0xb3: {  	_ =	task.clear_ibuf [dreg:s7], $0x7FFFF;
	_ =	strace $0x90000046  }
0xb4: {  	s29 =	simm.s32 $0x9;
	_ =	strace $0x80000048  }
0xb5: {  	_ =	swait.ge [sflag:s29], $0x1  }
0xb6: {  	[sflag:s29] =	ssyncadd.s32 $0xFFFFFFFF  }
0xb7: {  	_ =	strace $0x90000048  }
0xb8: {  	_ =	sfence  }
0xb9: {  	s30 =	sld [smem:$0x0];
	_ =	sdelay $0x2  }
0xba: {  	s31 =	sshll.u32 s1, $0xD;
	s1 =	sshrl.u32 s1, $0x2  }
0xbb: {  	s3 =	sand.u32 $0x4000, s31;
	s1 =	sadd.s32 s1, s30  }
0xbc: {  	s0 =	sor.u32 s3, s0;
	s1 =	sshll.u32 s1, $0x11  }
0xbd: {  	s0 =	sor.u32 s1, s0  }
0xbe: {  	s0 =	sadd.s32 $0x8F2B, s0  }
0xbf: {  	[sflag:s0] =	ssyncadd.remote.s32 $0x1  }
0xc0: {  	_ =	sfence.sel $0xFFFF  }
0xc1: {  	[dreg:$0x0] =	wrdreg $0xFFFFFFFF;
	(pc) =	sbr.abs _section_cstart, $3  }
0xc2: {  	[dreg:$0x1] =	wrdreg $0xFFFFFFFF  }
0xc3: {  	_ =	task.clear_ibuf [dreg:s7], $0x2FFFF;
	_ =	strace $0x9FFFFFFF  }
0xc4: {  	(tm) =	ssettm $0x7FFFFFFF  }
0xc5: {  	_ =	shalt  }
tec
execute0_lowered:
.L_overlay_start_1:
0x0: {  	(tag) =	ssettag $0x1  }
0x1: {  	s0 =	rddreg [dreg:$0x0]  }
0x2: {  	s2 =	rddreg [dreg:$0x2]  }
0x3: {  	s4 =	rddreg [dreg:$0x3];
	s5 =	simm.s32 $0x0  }
0x4: {  	s15 =	stileid.u32;
	s1 =	srdreg.scid;
	s28 =	simm.s32 $0x173D8  }
0x5: {  	s31 =	simm.s32 $0x19F00;
	s29 =	simm.s32 $0x1A100;
	s30 =	simm.s32 $0x1A300  }
0x6: {  	[smem:$0x7FF] =	sst s5;
	s3 =	smul.u32 $0x1400, s15;
	s1 =	sand.u32 $0x1, s1  }
0x7: {  	s6 =	sadd.s32 $0x3200, s0;
	s9 =	sadd.s32 $0x17600, s0;
	s25 =	sadd.s32 $0x17C00, s0  }
0x8: {  	s26 =	smul.u32 $0x280, s15;
	_ =	strace $0x80000047;
	[dreg:$0x5] =	wrdreg s9  }
0x9: {  	s10 =	sadd.s32 $0x18200, s0;
	s8 =	smul.u32 $0x14000, s1;
	[dreg:$0x6] =	wrdreg s25  }
0xa: {  	s7 =	sadd.s32 $0xD400, s0;
	[dreg:$0x7] =	wrdreg s10;
	s12 =	smul.u32 $0x2800, s1  }
0xb: {  	s13 =	ssub.s32 $0x2, s1;
	s1 =	sshll.u32 s1, $0x4;
	s14 =	sshrl.u32 s3, $0x3  }
0xc: {  	s11 =	sshrl.u32 s26, $0x3;
	s1 =	sor.u32 s15, s1;
	s9 =	sadd.s32 s26, s4  }
0xd: {  	s15 =	simm.s32 $0x1A080;
	s8 =	sadd.s32 s3, s8;
	s10 =	sadd.s32 s14, s0  }
0xe: {  	s11 =	sadd.s32 s11, s0;
	s12 =	sadd.s32 s26, s12;
	s17 =	smul.u32 $0x510, s1  }
0xf: {  	s14 =	sshrl.u32 s13, $0x1;
	s3 =	sadd.s32 s3, s2;
	s19 =	smul.u32 $0x2880, s1  }
0x10: {  	[dreg:$0xa] =	wrdreg s9;
	s1 =	smul.u32 $0x51, s1;
	s9 =	simm.s32 $0x1A700  }
0x11: {  	s8 =	sshrl.u32 s8, $0x3;
	s12 =	sshrl.u32 s12, $0x3;
	s16 =	ssub.s32 s13, s14  }
0x12: {  	[dreg:$0x8] =	wrdreg s3;
	s18 =	sadd.s32 $0x18A00, s10;
	s20 =	sadd.s32 $0x18400, s11  }
0x13: {  	s11 =	simm.s32 $0x1AE00;
	s13 =	simm.s32 $0x1A000;
	s14 =	simm.s32 $0x2  }
0x14: {  	s10 =	simm.s32 $0x0;
	s8 =	sadd.s32 s8, s0;
	[dreg:$0x9] =	wrdreg s18  }
0x15: {  	s0 =	sadd.s32 s12, s0;
	[dreg:$0xb] =	wrdreg s20;
	s21 =	sadd.s32 s6, s17  }
0x16: {  	s22 =	sadd.s32 s7, s17;
	s3 =	sshrl.u32 s19, $0x3;
	s23 =	sadd.s32 $0x4, s1  }
0x17: {  	s1 =	sadd.s32 $0x8, s1;
	s26 =	smax.u32 s16, $0x1;
	[dreg:$0xc] =	wrdreg s21  }
0x18: {  	s18 =	simm.s32 $0x5;
	s12 =	simm.s32 $0x1;
	[dreg:$0xd] =	wrdreg s22  }
0x19: {  	s16 =	simm.s32 $0x4;
	s19 =	simm.s32 $0x1A180;
	[dreg:$0xe] =	wrdreg s23  }
0x1a: {  	s20 =	simm.s32 $0x1A200;
	[dreg:$0xf] =	wrdreg s1;
	s24 =	sadd.s32 $0x500, s3  }
0x1b: {  	s25 =	sadd.s32 $0x1BC00, s8;
	s0 =	sadd.s32 $0x1B200, s0;
	[dreg:$0x14] =	wrdreg s26  }
0x1c: {  	s26 =	simm.s32 $0x14CC0;
	s8 =	simm.s32 $0x1AD80;
	[dreg:$0x12] =	wrdreg s25  }
0x1d: {  	s21 =	simm.s32 $0x1A280;
	s3 =	sadd.s32 s6, s24;
	[dreg:$0x13] =	wrdreg s0  }
0x1e: {  	v0 =	vlaneseq.u32;
	s1 =	sadd.s32 s7, s24;
	s24 =	simm.s32 $0x1400;
	[dreg:$0x10] =	wrdreg s3  }
0x1f: {  	v0 =	vmul.u32 $0x8, v0;
	s0 =	simm.s32 $0x3;
	[dreg:$0x11] =	wrdreg s1;
	s3 =	simm.s32 $0x80  }
.LBB2_1:
0x20: {  	[dreg:$0x15] =	wrdreg s10  }
0x21: {  	s1 =	rddreg [dreg:$0x1]  }
0x22: {  	[tilespmem:s24], [sflag:$0x5] =	stream.linear.gather [hbm4b:s1+s5], $0x138C0, $0x38;
	[tilespmem:$0x1AE80] =	vst v63  }
0x23: {  	_ =	swait.ge [sflag:s18], $0x138C0  }
0x24: {  	[sflag:s18] =	ssyncset.done $0x0  }
0x25: {  	s23 =	rddreg [dreg:$0x5];
	[sflag:s18] =	ssyncadd.s32 $0xFFFEC740  }
0x26: {  	[tilespmem:s26], [sflag:$0x5] =	stream.linear.gather [hbm4b:s23+s5], $0x2718, $0x38;
	[tilespmem:$0x1AE80] =	vst v63  }
0x27: {  	_ =	swait.ge [sflag:s18], $0x2718  }
0x28: {  	[sflag:s18] =	ssyncset.done $0x0  }
0x29: {  	s25 =	rddreg [dreg:$0x6];
	[sflag:s18] =	ssyncadd.s32 $0xFFFFD8E8  }
0x2a: {  	[tilespmem:s28], [sflag:$0x5] =	stream.linear.gather [hbm4b:s25+s5], $0x2718, $0x38;
	[tilespmem:$0x1AE80] =	vst v63  }
0x2b: {  	_ =	swait.ge [sflag:s18], $0x2718  }
0x2c: {  	[sflag:s18] =	ssyncset.done $0x0  }
0x2d: {  	s17 =	simm.s32 $0x19AF0;
	s10 =	rddreg [dreg:$0x7];
	[sflag:s18] =	ssyncadd.s32 $0xFFFFD8E8  }
0x2e: {  	[tilespmem:s17], [sflag:$0x5] =	stream.linear.gather [hbm4b:s10+s5], $0x10, $0x38;
	[tilespmem:$0x1AE80] =	vst v63  }
0x2f: {  	s22 =	stileid.u32;
	_ =	swait.ge [sflag:s18], $0x10  }
0x30: {  	s1 =	sshll.u32 s22, $0x6;
	s23 =	rddreg [dreg:$0x8]  }
0x31: {  	[sflag:s18] =	ssyncset.done $0x0;
	s25 =	rddreg [dreg:$0x9];
	s17 =	sshrl.u32 s23, $0x3  }
0x32: {  	s10 =	sor.u32 $0x1C05, s1;
	[sflag:s18] =	ssyncadd.s32 $0xFFFFFFF0;
	[dreg:$0x17] =	wrdreg s17  }
0x33: {  	[spmem:s17], [sflag:s10] =	dma.local [hbm:s25], $0x280  }
0x34: {  	_ =	swait.ge [sflag:s18], $0x280;
	[dreg:$0x16] =	wrdreg s10  }
0x35: {  	s22 =	rddreg [dreg:$0xa]  }
0x36: {  	[sflag:s18] =	ssyncset.done $0x0;
	s25 =	rddreg [dreg:$0xb];
	s23 =	sshrl.u32 s22, $0x3  }
0x37: {  	[sflag:s18] =	ssyncadd.s32 $0xFFFFFD80;
	[dreg:$0x18] =	wrdreg s23  }
0x38: {  	[spmem:s23], [sflag:s10] =	dma.local [hbm:s25], $0x50  }
0x39: {  	_ =	swait.ge [sflag:s18], $0x50  }
0x3a: {  	[sflag:s18] =	ssyncset.done $0x0  }
0x3b: {  	s23 =	simm.s32 $0x19B00;
	s22 =	rddreg [dreg:$0xc];
	[sflag:s18] =	ssyncadd.s32 $0xFFFFFFB0  }
0x3c: {  	[tilespmem:s23], [sflag:$0x3] =	stream.linear.gather [hbm4b:s22+s5], $0x200, $0x38;
	[tilespmem:$0x1AE80] =	vst v63  }
0x3d: {  	s25 =	rddreg [dreg:$0xd]  }
0x3e: {  	[tilespmem:s31], [sflag:$0x3] =	stream.linear.gather [hbm4b:s25+s5], $0x200, $0x38;
	[tilespmem:$0x1AE80] =	vst v63  }
0x3f: {  	[bflag:$0x0] =	sbarrier.arrive $0xFFFF  }
0x40: {  	s23 =	simm.s32 $0x0;
	v1 =	vld [tilespmem:$0x19AF0]  }
.LBB2_2:
0x41: {  	_ =	swait.ge [sflag:s0], $0x200  }
0x42: {  	s22 =	sshll.u32 s23, $0x3;
	[sflag:s0] =	ssyncset.done $0x0;
	s1 =	rddreg [dreg:$0xe]  }
0x43: {  	[sflag:s0] =	ssyncadd.s32 $0xFFFFFE00;
	s1 =	sadd.s32 s22, s1  }
0x44: {  	_ =	swait.ge [sflag:s0], $0x200;
	s1 =	sshll.u32 s1, $0x4  }
0x45: {  	[sflag:s0] =	ssyncset.done $0x0;
	s1 =	sand.u32 $0x1FFFFFF0, s1  }
0x46: {  	s10 =	simm.s32 $0x19D00;
	[sflag:s0] =	ssyncadd.s32 $0xFFFFFE00;
	s17 =	sadd.s32 s6, s1  }
0x47: {  	[tilespmem:s10], [sflag:$0x4] =	stream.linear.gather [hbm4b:s17+s5], $0x200, $0x38;
	[tilespmem:$0x1AE80] =	vst v63  }
0x48: {  	p0 =	seq.s32 s23, $0x0;
	s1 =	sadd.s32 s7, s1  }
0x49: {  	[tilespmem:s29], [sflag:$0x4] =	stream.linear.gather [hbm4b:s1+s5], $0x200, $0x38;
	[tilespmem:$0x1AE80] =	vst v63  }
0x4a: {  	s1 =	simm.s32 @!p0 $0x1  }
0x4b: {  	_ =	swait.ge @!p0 [sflag:s1], $0x400  }
0x4c: {  	[sflag:s1] =	ssyncset.done @!p0 $0x0  }
0x4d: {  	[sflag:s1] =	ssyncadd.s32 @!p0 $0xFFFFFC00  }
0x4e: {  	_ =	swait.ge @!p0 [sflag:s1], $0x80  }
0x4f: {  	[sflag:s1] =	ssyncset.done @!p0 $0x0  }
0x50: {  	s25 =	simm.s32 $0x19B00;
	[sflag:s1] =	ssyncadd.s32 @!p0 $0xFFFFFF80  }
0x51: {  	s1 =	simm.s32 $0x19F00;
	v2 =	vld [tilespmem:s25+$0x0]  }
0x52: {  	v3 =	vld [tilespmem:s1+$0x0];
	_ =	sdelay $0x6  }
0x53: {  	v4 =	vld.idx.msk [tilespmem:v2+s26+$0x0], $0xffff  }
0x54: {  	v3 =	vld.idx.msk [tilespmem:v3+s28+$0x0], $0xffff;
	_ =	sdelay $0x4  }
0x55: {  	v3 =	vadd.f32 v3, v4;
	_ =	sdelay $0x1  }
0x56: {  	v4 =	vmul.f32 $2.000000030e-01, v3;
	_ =	sdelay $0x1  }
0x57: {  	v3 =	vmax.f32 v3, v4  }
0x58: {  	v3 =	vsub.f32 v3, v1;
	_ =	sdelay $0x1  }
0x59: {  	v3 =	vmul.f32 $1.442695020e+00, v3;
	_ =	sdelay $0x1  }
0x5a: {  	(erf) = vpow2.f32 v3;
	_ =	sdelay $0x5  }
0x5b: {  	v2 =	vshll.u32 v2, $0x3;
	_ =	sdelay $0x2  }
0x5c: {  	s17 =	simm.s32 $0x1AD80;
	v3 =	vpop (erf)  }
0x5d: {  	s18 =	simm.s32 $0x0;
	[tilespmem:s17+$0x0] =	vst v3  }
0x5e: {  	v5 =	vmov s18;
	v4 =	vld.idx.msk [tilespmem:v2+s24+$0x0], $0xffff  }
0x5f: {  	v5 =	vshll.u32 v5, $0x3  }
0x60: {  	v5 =	vor.u32 v0, v5  }
0x61: {  	v6 =	vor.u32 $0x1, v2;
	_ =	sdelay $0x1  }
0x62: {  	v4 =	vmul.f32 v3, v4;
	_ =	sdelay $0x1  }
0x63: {  	[tilespmem:v5+s30+$0x0] =	vst.idx.msk $0xffff, v4  }
0x64: {  	v4 =	vld.idx.msk [tilespmem:v6+s24+$0x0], $0xffff;
	_ =	sdelay $0x1  }
0x65: {  	v54 =	vor.u32 $0x1, v5  }
0x66: {  	v7 =	vor.u32 $0x2, v2;
	_ =	sdelay $0x1  }
0x67: {  	v4 =	vmul.f32 v3, v4;
	_ =	sdelay $0x1  }
0x68: {  	[tilespmem:v54+s30+$0x0] =	vst.idx.msk $0xffff, v4  }
0x69: {  	v4 =	vld.idx.msk [tilespmem:v7+s24+$0x0], $0xffff;
	_ =	sdelay $0x1  }
0x6a: {  	v55 =	vor.u32 $0x2, v5  }
0x6b: {  	v56 =	vor.u32 $0x3, v2;
	_ =	sdelay $0x1  }
0x6c: {  	v4 =	vmul.f32 v4, v3;
	_ =	sdelay $0x1  }
0x6d: {  	[tilespmem:v55+s30+$0x0] =	vst.idx.msk $0xffff, v4  }
0x6e: {  	v4 =	vld.idx.msk [tilespmem:v56+s24+$0x0], $0xffff;
	_ =	sdelay $0x1  }
0x6f: {  	v57 =	vor.u32 $0x3, v5  }
0x70: {  	v58 =	vor.u32 $0x4, v2;
	_ =	sdelay $0x1  }
0x71: {  	v4 =	vmul.f32 v4, v3;
	_ =	sdelay $0x1  }
0x72: {  	[tilespmem:v57+s30+$0x0] =	vst.idx.msk $0xffff, v4  }
0x73: {  	v4 =	vld.idx.msk [tilespmem:v58+s24+$0x0], $0xffff;
	_ =	sdelay $0x1  }
0x74: {  	v59 =	vor.u32 $0x4, v5  }
0x75: {  	v60 =	vor.u32 $0x5, v2;
	_ =	sdelay $0x1  }
0x76: {  	v4 =	vmul.f32 v4, v3;
	_ =	sdelay $0x1  }
0x77: {  	[tilespmem:v59+s30+$0x0] =	vst.idx.msk $0xffff, v4  }
0x78: {  	v4 =	vld.idx.msk [tilespmem:v60+s24+$0x0], $0xffff;
	_ =	sdelay $0x1  }
0x79: {  	v61 =	vor.u32 $0x5, v5  }
0x7a: {  	v62 =	vor.u32 $0x6, v2;
	_ =	sdelay $0x1  }
0x7b: {  	v4 =	vmul.f32 v4, v3;
	_ =	sdelay $0x1  }
0x7c: {  	[tilespmem:v61+s30+$0x0] =	vst.idx.msk $0xffff, v4  }
0x7d: {  	v4 =	vld.idx.msk [tilespmem:v62+s24+$0x0], $0xffff;
	_ =	sdelay $0x1  }
0x7e: {  	v63 =	vor.u32 $0x6, v5  }
0x7f: {  	v2 =	vor.u32 $0x7, v2;
	_ =	sdelay $0x1  }
0x80: {  	v4 =	vmul.f32 v4, v3;
	_ =	sdelay $0x1  }
0x81: {  	[tilespmem:v63+s30+$0x0] =	vst.idx.msk $0xffff, v4  }
0x82: {  	v4 =	vld.idx.msk [tilespmem:v2+s24+$0x0], $0xffff;
	_ =	sdelay $0x1  }
0x83: {  	v2 =	vor.u32 $0x7, v5;
	_ =	sdelay $0x2  }
0x84: {  	s18 =	simm.s32 $0x10;
	v3 =	vmul.f32 v4, v3  }
.LBB2_3:
0x85: {  	_ = 	snop  }
0x86: {  	s25 =	sadd.s32 $0x10, s25;
	s1 =	sadd.s32 $0x10, s1;
	s17 =	sadd.s32 $0x10, s17;
	[tilespmem:v2+s30+$0x0] =	vst.idx.msk $0xffff, v3  }
0x87: {  	p1 =	sne.s32 s18, $0x70;
	s10 =	smov.u32 s18;
	s18 =	sadd.s32 $0x10, s18;
	v2 =	vld [tilespmem:s25+$0x0]  }
0x88: {  	v3 =	vld [tilespmem:s1+$0x0];
	_ =	sdelay $0x6  }
0x89: {  	v4 =	vld.idx.msk [tilespmem:v2+s26+$0x0], $0xffff  }
0x8a: {  	v3 =	vld.idx.msk [tilespmem:v3+s28+$0x0], $0xffff;
	_ =	sdelay $0x5  }
0x8b: {  	v3 =	vadd.f32 v3, v4;
	_ =	sdelay $0x1  }
0x8c: {  	v4 =	vmul.f32 $2.000000030e-01, v3;
	_ =	sdelay $0x1  }
0x8d: {  	v3 =	vmax.f32 v3, v4  }
0x8e: {  	v3 =	vsub.f32 v3, v1;
	_ =	sdelay $0x1  }
0x8f: {  	v3 =	vmul.f32 $1.442695020e+00, v3;
	_ =	sdelay $0x1  }
0x90: {  	(erf) = vpow2.f32 v3;
	_ =	sdelay $0x5  }
0x91: {  	v2 =	vshll.u32 v2, $0x3;
	_ =	sdelay $0x2  }
0x92: {  	v3 =	vpop (erf)  }
0x93: {  	[tilespmem:s17+$0x0] =	vst v3  }
0x94: {  	v4 =	vld.idx.msk [tilespmem:v2+s24+$0x0], $0xffff  }
0x95: {  	v5 =	vmov s10  }
0x96: {  	v5 =	vshll.u32 v5, $0x3  }
0x97: {  	v5 =	vor.u32 v0, v5  }
0x98: {  	v6 =	vor.u32 $0x1, v2;
	_ =	sdelay $0x1  }
0x99: {  	v4 =	vmul.f32 v3, v4;
	_ =	sdelay $0x1  }
0x9a: {  	[tilespmem:v5+s30+$0x0] =	vst.idx.msk $0xffff, v4  }
0x9b: {  	v4 =	vld.idx.msk [tilespmem:v6+s24+$0x0], $0xffff;
	_ =	sdelay $0x2  }
0x9c: {  	v6 =	vor.u32 $0x1, v5  }
0x9d: {  	v7 =	vor.u32 $0x2, v2;
	_ =	sdelay $0x1  }
0x9e: {  	v4 =	vmul.f32 v3, v4;
	_ =	sdelay $0x1  }
0x9f: {  	[tilespmem:v6+s30+$0x0] =	vst.idx.msk $0xffff, v4  }
0xa0: {  	v4 =	vld.idx.msk [tilespmem:v7+s24+$0x0], $0xffff;
	_ =	sdelay $0x2  }
0xa1: {  	v6 =	vor.u32 $0x2, v5  }
0xa2: {  	v7 =	vor.u32 $0x3, v2;
	_ =	sdelay $0x1  }
0xa3: {  	v4 =	vmul.f32 v4, v3;
	_ =	sdelay $0x1  }
0xa4: {  	[tilespmem:v6+s30+$0x0] =	vst.idx.msk $0xffff, v4  }
0xa5: {  	v4 =	vld.idx.msk [tilespmem:v7+s24+$0x0], $0xffff;
	_ =	sdelay $0x2  }
0xa6: {  	v6 =	vor.u32 $0x3, v5  }
0xa7: {  	v7 =	vor.u32 $0x4, v2;
	_ =	sdelay $0x1  }
0xa8: {  	v4 =	vmul.f32 v4, v3;
	_ =	sdelay $0x1  }
0xa9: {  	[tilespmem:v6+s30+$0x0] =	vst.idx.msk $0xffff, v4  }
0xaa: {  	v4 =	vld.idx.msk [tilespmem:v7+s24+$0x0], $0xffff;
	_ =	sdelay $0x2  }
0xab: {  	v6 =	vor.u32 $0x4, v5  }
0xac: {  	v7 =	vor.u32 $0x5, v2;
	_ =	sdelay $0x1  }
0xad: {  	v4 =	vmul.f32 v4, v3;
	_ =	sdelay $0x1  }
0xae: {  	[tilespmem:v6+s30+$0x0] =	vst.idx.msk $0xffff, v4  }
0xaf: {  	v4 =	vld.idx.msk [tilespmem:v7+s24+$0x0], $0xffff;
	_ =	sdelay $0x2  }
0xb0: {  	v6 =	vor.u32 $0x5, v5  }
0xb1: {  	v7 =	vor.u32 $0x6, v2;
	_ =	sdelay $0x1  }
0xb2: {  	v4 =	vmul.f32 v4, v3;
	_ =	sdelay $0x1  }
0xb3: {  	[tilespmem:v6+s30+$0x0] =	vst.idx.msk $0xffff, v4  }
0xb4: {  	v4 =	vld.idx.msk [tilespmem:v7+s24+$0x0], $0xffff;
	_ =	sdelay $0x2  }
0xb5: {  	v6 =	vor.u32 $0x6, v5  }
0xb6: {  	v2 =	vor.u32 $0x7, v2;
	_ =	sdelay $0x1  }
0xb7: {  	v4 =	vmul.f32 v4, v3;
	_ =	sdelay $0x1  }
0xb8: {  	[tilespmem:v6+s30+$0x0] =	vst.idx.msk $0xffff, v4  }
0xb9: {  	v4 =	vld.idx.msk [tilespmem:v2+s24+$0x0], $0xffff;
	_ =	sdelay $0x1  }
.Ltmp0:
0xba: {  	(pc) =	sbr.rel @p1 .LBB2_3-.Ltmp0, $2  }
0xbb: {  	v2 =	vor.u32 $0x7, v5;
	_ =	sdelay $0x2  }
0xbc: {  	v3 =	vmul.f32 v4, v3  }
0xbd: {  	_ =	sdelay $0x3  }
0xbe: {  	[tilespmem:v2+s30+$0x0] =	vst.idx.msk $0xffff, v3  }
0xbf: {  	[spmem:s2] =	stream.indirect.scatter.add.f32 [tilespmem:s30], [sflag:$0x1], $0x8, s31, s3, $0xb8;
	[tilespmem:$0x1AE80] =	vst v63  }
0xc0: {  	s1 =	simm.s32 @!p0 $0x2  }
0xc1: {  	[spmem:s4] =	stream.indirect.scatter.add.f32 [tilespmem:s8], [sflag:$0x1], $0x1, s31, s3, $0xb8;
	[tilespmem:$0x1AE80] =	vst v63  }
0xc2: {  	_ =	swait.ge @!p0 [sflag:s1], $0x400  }
0xc3: {  	[sflag:s1] =	ssyncset.done @!p0 $0x0  }
0xc4: {  	[sflag:s1] =	ssyncadd.s32 @!p0 $0xFFFFFC00  }
0xc5: {  	_ =	swait.ge @!p0 [sflag:s1], $0x80  }
0xc6: {  	[sflag:s1] =	ssyncset.done @!p0 $0x0  }
0xc7: {  	s25 =	simm.s32 $0x19B80;
	[sflag:s1] =	ssyncadd.s32 @!p0 $0xFFFFFF80  }
0xc8: {  	s1 =	simm.s32 $0x19F80;
	v2 =	vld [tilespmem:s25+$0x0]  }
0xc9: {  	v3 =	vld [tilespmem:s1+$0x0];
	_ =	sdelay $0x6  }
0xca: {  	v4 =	vld.idx.msk [tilespmem:v2+s26+$0x0], $0xffff  }
0xcb: {  	v3 =	vld.idx.msk [tilespmem:v3+s28+$0x0], $0xffff;
	_ =	sdelay $0x4  }
0xcc: {  	v3 =	vadd.f32 v3, v4;
	_ =	sdelay $0x1  }
0xcd: {  	v4 =	vmul.f32 $2.000000030e-01, v3;
	_ =	sdelay $0x1  }
0xce: {  	v3 =	vmax.f32 v3, v4  }
0xcf: {  	v3 =	vsub.f32 v3, v1;
	_ =	sdelay $0x1  }
0xd0: {  	v3 =	vmul.f32 $1.442695020e+00, v3;
	_ =	sdelay $0x1  }
0xd1: {  	(erf) = vpow2.f32 v3;
	_ =	sdelay $0x5  }
0xd2: {  	v2 =	vshll.u32 v2, $0x3;
	_ =	sdelay $0x2  }
0xd3: {  	s17 =	simm.s32 $0x1AE00;
	v3 =	vpop (erf)  }
0xd4: {  	s10 =	simm.s32 $0x0;
	[tilespmem:s17+$0x0] =	vst v3  }
0xd5: {  	v5 =	vmov s10;
	v4 =	vld.idx.msk [tilespmem:v2+s24+$0x0], $0xffff  }
0xd6: {  	v5 =	vshll.u32 v5, $0x3  }
0xd7: {  	v5 =	vor.u32 v0, v5  }
0xd8: {  	v6 =	vor.u32 $0x1, v2;
	_ =	sdelay $0x1  }
0xd9: {  	v4 =	vmul.f32 v3, v4;
	_ =	sdelay $0x1  }
0xda: {  	[tilespmem:v5+s9+$0x0] =	vst.idx.msk $0xffff, v4  }
0xdb: {  	v4 =	vld.idx.msk [tilespmem:v6+s24+$0x0], $0xffff;
	_ =	sdelay $0x1  }
0xdc: {  	v54 =	vor.u32 $0x1, v5  }
0xdd: {  	v7 =	vor.u32 $0x2, v2;
	_ =	sdelay $0x1  }
0xde: {  	v4 =	vmul.f32 v3, v4;
	_ =	sdelay $0x1  }
0xdf: {  	[tilespmem:v54+s9+$0x0] =	vst.idx.msk $0xffff, v4  }
0xe0: {  	v4 =	vld.idx.msk [tilespmem:v7+s24+$0x0], $0xffff;
	_ =	sdelay $0x1  }
0xe1: {  	v55 =	vor.u32 $0x2, v5  }
0xe2: {  	v56 =	vor.u32 $0x3, v2;
	_ =	sdelay $0x1  }
0xe3: {  	v4 =	vmul.f32 v4, v3;
	_ =	sdelay $0x1  }
0xe4: {  	[tilespmem:v55+s9+$0x0] =	vst.idx.msk $0xffff, v4  }
0xe5: {  	v4 =	vld.idx.msk [tilespmem:v56+s24+$0x0], $0xffff;
	_ =	sdelay $0x1  }
0xe6: {  	v57 =	vor.u32 $0x3, v5  }
0xe7: {  	v58 =	vor.u32 $0x4, v2;
	_ =	sdelay $0x1  }
0xe8: {  	v4 =	vmul.f32 v4, v3;
	_ =	sdelay $0x1  }
0xe9: {  	[tilespmem:v57+s9+$0x0] =	vst.idx.msk $0xffff, v4  }
0xea: {  	v4 =	vld.idx.msk [tilespmem:v58+s24+$0x0], $0xffff;
	_ =	sdelay $0x1  }
0xeb: {  	v59 =	vor.u32 $0x4, v5  }
0xec: {  	v60 =	vor.u32 $0x5, v2;
	_ =	sdelay $0x1  }
0xed: {  	v4 =	vmul.f32 v4, v3;
	_ =	sdelay $0x1  }
0xee: {  	[tilespmem:v59+s9+$0x0] =	vst.idx.msk $0xffff, v4  }
0xef: {  	v4 =	vld.idx.msk [tilespmem:v60+s24+$0x0], $0xffff;
	_ =	sdelay $0x1  }
0xf0: {  	v61 =	vor.u32 $0x5, v5  }
0xf1: {  	v62 =	vor.u32 $0x6, v2;
	_ =	sdelay $0x1  }
0xf2: {  	v4 =	vmul.f32 v4, v3;
	_ =	sdelay $0x1  }
0xf3: {  	[tilespmem:v61+s9+$0x0] =	vst.idx.msk $0xffff, v4  }
0xf4: {  	v4 =	vld.idx.msk [tilespmem:v62+s24+$0x0], $0xffff;
	_ =	sdelay $0x1  }
0xf5: {  	v63 =	vor.u32 $0x6, v5  }
0xf6: {  	v2 =	vor.u32 $0x7, v2;
	_ =	sdelay $0x1  }
0xf7: {  	v4 =	vmul.f32 v4, v3;
	_ =	sdelay $0x1  }
0xf8: {  	[tilespmem:v63+s9+$0x0] =	vst.idx.msk $0xffff, v4  }
0xf9: {  	v4 =	vld.idx.msk [tilespmem:v2+s24+$0x0], $0xffff;
	_ =	sdelay $0x1  }
0xfa: {  	v2 =	vor.u32 $0x7, v5;
	_ =	sdelay $0x2  }
0xfb: {  	s18 =	simm.s32 $0x10;
	v3 =	vmul.f32 v4, v3  }
.LBB2_5:
0xfc: {  	_ = 	snop  }
0xfd: {  	s1 =	sadd.s32 $0x10, s1;
	s25 =	sadd.s32 $0x10, s25;
	s17 =	sadd.s32 $0x10, s17;
	[tilespmem:v2+s9+$0x0] =	vst.idx.msk $0xffff, v3  }
0xfe: {  	p0 =	sne.s32 s18, $0x70;
	s10 =	smov.u32 s18;
	s18 =	sadd.s32 $0x10, s18;
	v2 =	vld [tilespmem:s25+$0x0]  }
0xff: {  	v3 =	vld [tilespmem:s1+$0x0];
	_ =	sdelay $0x6  }
0x100: {  	v4 =	vld.idx.msk [tilespmem:v2+s26+$0x0], $0xffff  }
0x101: {  	v3 =	vld.idx.msk [tilespmem:v3+s28+$0x0], $0xffff;
	_ =	sdelay $0x5  }
0x102: {  	v3 =	vadd.f32 v3, v4;
	_ =	sdelay $0x1  }
0x103: {  	v4 =	vmul.f32 $2.000000030e-01, v3;
	_ =	sdelay $0x1  }
0x104: {  	v3 =	vmax.f32 v3, v4  }
0x105: {  	v3 =	vsub.f32 v3, v1;
	_ =	sdelay $0x1  }
0x106: {  	v3 =	vmul.f32 $1.442695020e+00, v3;
	_ =	sdelay $0x1  }
0x107: {  	(erf) = vpow2.f32 v3;
	_ =	sdelay $0x5  }
0x108: {  	v2 =	vshll.u32 v2, $0x3;
	_ =	sdelay $0x2  }
0x109: {  	v3 =	vpop (erf)  }
0x10a: {  	[tilespmem:s17+$0x0] =	vst v3  }
0x10b: {  	v4 =	vld.idx.msk [tilespmem:v2+s24+$0x0], $0xffff  }
0x10c: {  	v5 =	vmov s10  }
0x10d: {  	v5 =	vshll.u32 v5, $0x3  }
0x10e: {  	v5 =	vor.u32 v0, v5  }
0x10f: {  	v6 =	vor.u32 $0x1, v2;
	_ =	sdelay $0x1  }
0x110: {  	v4 =	vmul.f32 v3, v4;
	_ =	sdelay $0x1  }
0x111: {  	[tilespmem:v5+s9+$0x0] =	vst.idx.msk $0xffff, v4  }
0x112: {  	v4 =	vld.idx.msk [tilespmem:v6+s24+$0x0], $0xffff;
	_ =	sdelay $0x2  }
0x113: {  	v6 =	vor.u32 $0x1, v5  }
0x114: {  	v7 =	vor.u32 $0x2, v2;
	_ =	sdelay $0x1  }
0x115: {  	v4 =	vmul.f32 v3, v4;
	_ =	sdelay $0x1  }
0x116: {  	[tilespmem:v6+s9+$0x0] =	vst.idx.msk $0xffff, v4  }
0x117: {  	v4 =	vld.idx.msk [tilespmem:v7+s24+$0x0], $0xffff;
	_ =	sdelay $0x2  }
0x118: {  	v6 =	vor.u32 $0x2, v5  }
0x119: {  	v7 =	vor.u32 $0x3, v2;
	_ =	sdelay $0x1  }
0x11a: {  	v4 =	vmul.f32 v4, v3;
	_ =	sdelay $0x1  }
0x11b: {  	[tilespmem:v6+s9+$0x0] =	vst.idx.msk $0xffff, v4  }
0x11c: {  	v4 =	vld.idx.msk [tilespmem:v7+s24+$0x0], $0xffff;
	_ =	sdelay $0x2  }
0x11d: {  	v6 =	vor.u32 $0x3, v5  }
0x11e: {  	v7 =	vor.u32 $0x4, v2;
	_ =	sdelay $0x1  }
0x11f: {  	v4 =	vmul.f32 v4, v3;
	_ =	sdelay $0x1  }
0x120: {  	[tilespmem:v6+s9+$0x0] =	vst.idx.msk $0xffff, v4  }
0x121: {  	v4 =	vld.idx.msk [tilespmem:v7+s24+$0x0], $0xffff;
	_ =	sdelay $0x2  }
0x122: {  	v6 =	vor.u32 $0x4, v5  }
0x123: {  	v7 =	vor.u32 $0x5, v2;
	_ =	sdelay $0x1  }
0x124: {  	v4 =	vmul.f32 v4, v3;
	_ =	sdelay $0x1  }
0x125: {  	[tilespmem:v6+s9+$0x0] =	vst.idx.msk $0xffff, v4  }
0x126: {  	v4 =	vld.idx.msk [tilespmem:v7+s24+$0x0], $0xffff;
	_ =	sdelay $0x2  }
0x127: {  	v6 =	vor.u32 $0x5, v5  }
0x128: {  	v7 =	vor.u32 $0x6, v2;
	_ =	sdelay $0x1  }
0x129: {  	v4 =	vmul.f32 v4, v3;
	_ =	sdelay $0x1  }
0x12a: {  	[tilespmem:v6+s9+$0x0] =	vst.idx.msk $0xffff, v4  }
0x12b: {  	v4 =	vld.idx.msk [tilespmem:v7+s24+$0x0], $0xffff;
	_ =	sdelay $0x2  }
0x12c: {  	v6 =	vor.u32 $0x6, v5  }
0x12d: {  	v2 =	vor.u32 $0x7, v2;
	_ =	sdelay $0x1  }
0x12e: {  	v4 =	vmul.f32 v4, v3;
	_ =	sdelay $0x1  }
0x12f: {  	[tilespmem:v6+s9+$0x0] =	vst.idx.msk $0xffff, v4  }
0x130: {  	v4 =	vld.idx.msk [tilespmem:v2+s24+$0x0], $0xffff;
	_ =	sdelay $0x1  }
.Ltmp1:
0x131: {  	(pc) =	sbr.rel @p0 .LBB2_5-.Ltmp1, $2  }
0x132: {  	v2 =	vor.u32 $0x7, v5;
	_ =	sdelay $0x2  }
0x133: {  	v3 =	vmul.f32 v4, v3  }
0x134: {  	_ =	sdelay $0x3  }
0x135: {  	s1 =	simm.s32 $0x19F80;
	[tilespmem:v2+s9+$0x0] =	vst.idx.msk $0xffff, v3  }
0x136: {  	[spmem:s2] =	stream.indirect.scatter.add.f32 [tilespmem:s9], [sflag:$0x2], $0x8, s1, s3, $0xb8;
	[tilespmem:$0x1AE80] =	vst v63  }
0x137: {  	_ = 	snop  }
0x138: {  	[spmem:s4] =	stream.indirect.scatter.add.f32 [tilespmem:s11], [sflag:$0x2], $0x1, s1, s3, $0xb8;
	[tilespmem:$0x1AE80] =	vst v63  }
0x139: {  	_ =	swait.ge [sflag:s12], $0x400  }
0x13a: {  	[sflag:s12] =	ssyncset.done $0x0  }
0x13b: {  	[sflag:s12] =	ssyncadd.s32 $0xFFFFFC00  }
0x13c: {  	_ =	swait.ge [sflag:s12], $0x80  }
0x13d: {  	[sflag:s12] =	ssyncset.done $0x0  }
0x13e: {  	s25 =	simm.s32 $0x19C00;
	[sflag:s12] =	ssyncadd.s32 $0xFFFFFF80  }
0x13f: {  	s1 =	simm.s32 $0x1A000;
	v2 =	vld [tilespmem:s25+$0x0]  }
0x140: {  	v3 =	vld [tilespmem:s1+$0x0];
	_ =	sdelay $0x6  }
0x141: {  	v4 =	vld.idx.msk [tilespmem:v2+s26+$0x0], $0xffff  }
0x142: {  	v3 =	vld.idx.msk [tilespmem:v3+s28+$0x0], $0xffff;
	_ =	sdelay $0x4  }
0x143: {  	v3 =	vadd.f32 v3, v4;
	_ =	sdelay $0x1  }
0x144: {  	v4 =	vmul.f32 $2.000000030e-01, v3;
	_ =	sdelay $0x1  }
0x145: {  	v3 =	vmax.f32 v3, v4  }
0x146: {  	v3 =	vsub.f32 v3, v1;
	_ =	sdelay $0x1  }
0x147: {  	v3 =	vmul.f32 $1.442695020e+00, v3;
	_ =	sdelay $0x1  }
0x148: {  	(erf) = vpow2.f32 v3;
	_ =	sdelay $0x5  }
0x149: {  	v2 =	vshll.u32 v2, $0x3;
	_ =	sdelay $0x2  }
0x14a: {  	s17 =	simm.s32 $0x1AD80;
	v3 =	vpop (erf)  }
0x14b: {  	s10 =	simm.s32 $0x0;
	[tilespmem:s17+$0x0] =	vst v3  }
0x14c: {  	v5 =	vmov s10;
	v4 =	vld.idx.msk [tilespmem:v2+s24+$0x0], $0xffff  }
0x14d: {  	v5 =	vshll.u32 v5, $0x3  }
0x14e: {  	v5 =	vor.u32 v0, v5  }
0x14f: {  	v6 =	vor.u32 $0x1, v2;
	_ =	sdelay $0x1  }
0x150: {  	v4 =	vmul.f32 v3, v4;
	_ =	sdelay $0x1  }
0x151: {  	[tilespmem:v5+s30+$0x0] =	vst.idx.msk $0xffff, v4  }
0x152: {  	v4 =	vld.idx.msk [tilespmem:v6+s24+$0x0], $0xffff;
	_ =	sdelay $0x1  }
0x153: {  	v54 =	vor.u32 $0x1, v5  }
0x154: {  	v7 =	vor.u32 $0x2, v2;
	_ =	sdelay $0x1  }
0x155: {  	v4 =	vmul.f32 v3, v4;
	_ =	sdelay $0x1  }
0x156: {  	[tilespmem:v54+s30+$0x0] =	vst.idx.msk $0xffff, v4  }
0x157: {  	v4 =	vld.idx.msk [tilespmem:v7+s24+$0x0], $0xffff;
	_ =	sdelay $0x1  }
0x158: {  	v55 =	vor.u32 $0x2, v5  }
0x159: {  	v56 =	vor.u32 $0x3, v2;
	_ =	sdelay $0x1  }
0x15a: {  	v4 =	vmul.f32 v4, v3;
	_ =	sdelay $0x1  }
0x15b: {  	[tilespmem:v55+s30+$0x0] =	vst.idx.msk $0xffff, v4  }
0x15c: {  	v4 =	vld.idx.msk [tilespmem:v56+s24+$0x0], $0xffff;
	_ =	sdelay $0x1  }
0x15d: {  	v57 =	vor.u32 $0x3, v5  }
0x15e: {  	v58 =	vor.u32 $0x4, v2;
	_ =	sdelay $0x1  }
0x15f: {  	v4 =	vmul.f32 v4, v3;
	_ =	sdelay $0x1  }
0x160: {  	[tilespmem:v57+s30+$0x0] =	vst.idx.msk $0xffff, v4  }
0x161: {  	v4 =	vld.idx.msk [tilespmem:v58+s24+$0x0], $0xffff;
	_ =	sdelay $0x1  }
0x162: {  	v59 =	vor.u32 $0x4, v5  }
0x163: {  	v60 =	vor.u32 $0x5, v2;
	_ =	sdelay $0x1  }
0x164: {  	v4 =	vmul.f32 v4, v3;
	_ =	sdelay $0x1  }
0x165: {  	[tilespmem:v59+s30+$0x0] =	vst.idx.msk $0xffff, v4  }
0x166: {  	v4 =	vld.idx.msk [tilespmem:v60+s24+$0x0], $0xffff;
	_ =	sdelay $0x1  }
0x167: {  	v61 =	vor.u32 $0x5, v5  }
0x168: {  	v62 =	vor.u32 $0x6, v2;
	_ =	sdelay $0x1  }
0x169: {  	v4 =	vmul.f32 v4, v3;
	_ =	sdelay $0x1  }
0x16a: {  	[tilespmem:v61+s30+$0x0] =	vst.idx.msk $0xffff, v4  }
0x16b: {  	v4 =	vld.idx.msk [tilespmem:v62+s24+$0x0], $0xffff;
	_ =	sdelay $0x1  }
0x16c: {  	v63 =	vor.u32 $0x6, v5  }
0x16d: {  	v2 =	vor.u32 $0x7, v2;
	_ =	sdelay $0x1  }
0x16e: {  	v4 =	vmul.f32 v4, v3;
	_ =	sdelay $0x1  }
0x16f: {  	[tilespmem:v63+s30+$0x0] =	vst.idx.msk $0xffff, v4  }
0x170: {  	v4 =	vld.idx.msk [tilespmem:v2+s24+$0x0], $0xffff;
	_ =	sdelay $0x1  }
0x171: {  	v2 =	vor.u32 $0x7, v5;
	_ =	sdelay $0x2  }
0x172: {  	s18 =	simm.s32 $0x10;
	v3 =	vmul.f32 v4, v3  }
.LBB2_7:
0x173: {  	_ = 	snop  }
0x174: {  	s1 =	sadd.s32 $0x10, s1;
	s25 =	sadd.s32 $0x10, s25;
	s17 =	sadd.s32 $0x10, s17;
	[tilespmem:v2+s30+$0x0] =	vst.idx.msk $0xffff, v3  }
0x175: {  	p0 =	sne.s32 s18, $0x70;
	s10 =	smov.u32 s18;
	s18 =	sadd.s32 $0x10, s18;
	v2 =	vld [tilespmem:s25+$0x0]  }
0x176: {  	v3 =	vld [tilespmem:s1+$0x0];
	_ =	sdelay $0x6  }
0x177: {  	v4 =	vld.idx.msk [tilespmem:v2+s26+$0x0], $0xffff  }
0x178: {  	v3 =	vld.idx.msk [tilespmem:v3+s28+$0x0], $0xffff;
	_ =	sdelay $0x5  }
0x179: {  	v3 =	vadd.f32 v3, v4;
	_ =	sdelay $0x1  }
0x17a: {  	v4 =	vmul.f32 $2.000000030e-01, v3;
	_ =	sdelay $0x1  }
0x17b: {  	v3 =	vmax.f32 v3, v4  }
0x17c: {  	v3 =	vsub.f32 v3, v1;
	_ =	sdelay $0x1  }
0x17d: {  	v3 =	vmul.f32 $1.442695020e+00, v3;
	_ =	sdelay $0x1  }
0x17e: {  	(erf) = vpow2.f32 v3;
	_ =	sdelay $0x5  }
0x17f: {  	v2 =	vshll.u32 v2, $0x3;
	_ =	sdelay $0x2  }
0x180: {  	v3 =	vpop (erf)  }
0x181: {  	[tilespmem:s17+$0x0] =	vst v3  }
0x182: {  	v4 =	vld.idx.msk [tilespmem:v2+s24+$0x0], $0xffff  }
0x183: {  	v5 =	vmov s10  }
0x184: {  	v5 =	vshll.u32 v5, $0x3  }
0x185: {  	v5 =	vor.u32 v0, v5  }
0x186: {  	v6 =	vor.u32 $0x1, v2;
	_ =	sdelay $0x1  }
0x187: {  	v4 =	vmul.f32 v3, v4;
	_ =	sdelay $0x1  }
0x188: {  	[tilespmem:v5+s30+$0x0] =	vst.idx.msk $0xffff, v4  }
0x189: {  	v4 =	vld.idx.msk [tilespmem:v6+s24+$0x0], $0xffff;
	_ =	sdelay $0x2  }
0x18a: {  	v6 =	vor.u32 $0x1, v5  }
0x18b: {  	v7 =	vor.u32 $0x2, v2;
	_ =	sdelay $0x1  }
0x18c: {  	v4 =	vmul.f32 v3, v4;
	_ =	sdelay $0x1  }
0x18d: {  	[tilespmem:v6+s30+$0x0] =	vst.idx.msk $0xffff, v4  }
0x18e: {  	v4 =	vld.idx.msk [tilespmem:v7+s24+$0x0], $0xffff;
	_ =	sdelay $0x2  }
0x18f: {  	v6 =	vor.u32 $0x2, v5  }
0x190: {  	v7 =	vor.u32 $0x3, v2;
	_ =	sdelay $0x1  }
0x191: {  	v4 =	vmul.f32 v4, v3;
	_ =	sdelay $0x1  }
0x192: {  	[tilespmem:v6+s30+$0x0] =	vst.idx.msk $0xffff, v4  }
0x193: {  	v4 =	vld.idx.msk [tilespmem:v7+s24+$0x0], $0xffff;
	_ =	sdelay $0x2  }
0x194: {  	v6 =	vor.u32 $0x3, v5  }
0x195: {  	v7 =	vor.u32 $0x4, v2;
	_ =	sdelay $0x1  }
0x196: {  	v4 =	vmul.f32 v4, v3;
	_ =	sdelay $0x1  }
0x197: {  	[tilespmem:v6+s30+$0x0] =	vst.idx.msk $0xffff, v4  }
0x198: {  	v4 =	vld.idx.msk [tilespmem:v7+s24+$0x0], $0xffff;
	_ =	sdelay $0x2  }
0x199: {  	v6 =	vor.u32 $0x4, v5  }
0x19a: {  	v7 =	vor.u32 $0x5, v2;
	_ =	sdelay $0x1  }
0x19b: {  	v4 =	vmul.f32 v4, v3;
	_ =	sdelay $0x1  }
0x19c: {  	[tilespmem:v6+s30+$0x0] =	vst.idx.msk $0xffff, v4  }
0x19d: {  	v4 =	vld.idx.msk [tilespmem:v7+s24+$0x0], $0xffff;
	_ =	sdelay $0x2  }
0x19e: {  	v6 =	vor.u32 $0x5, v5  }
0x19f: {  	v7 =	vor.u32 $0x6, v2;
	_ =	sdelay $0x1  }
0x1a0: {  	v4 =	vmul.f32 v4, v3;
	_ =	sdelay $0x1  }
0x1a1: {  	[tilespmem:v6+s30+$0x0] =	vst.idx.msk $0xffff, v4  }
0x1a2: {  	v4 =	vld.idx.msk [tilespmem:v7+s24+$0x0], $0xffff;
	_ =	sdelay $0x2  }
0x1a3: {  	v6 =	vor.u32 $0x6, v5  }
0x1a4: {  	v2 =	vor.u32 $0x7, v2;
	_ =	sdelay $0x1  }
0x1a5: {  	v4 =	vmul.f32 v4, v3;
	_ =	sdelay $0x1  }
0x1a6: {  	[tilespmem:v6+s30+$0x0] =	vst.idx.msk $0xffff, v4  }
0x1a7: {  	v4 =	vld.idx.msk [tilespmem:v2+s24+$0x0], $0xffff;
	_ =	sdelay $0x1  }
.Ltmp2:
0x1a8: {  	(pc) =	sbr.rel @p0 .LBB2_7-.Ltmp2, $2  }
0x1a9: {  	v2 =	vor.u32 $0x7, v5;
	_ =	sdelay $0x2  }
0x1aa: {  	v3 =	vmul.f32 v4, v3  }
0x1ab: {  	_ =	sdelay $0x3  }
0x1ac: {  	[tilespmem:v2+s30+$0x0] =	vst.idx.msk $0xffff, v3  }
0x1ad: {  	[spmem:s2] =	stream.indirect.scatter.add.f32 [tilespmem:s30], [sflag:$0x1], $0x8, s13, s3, $0xb8;
	[tilespmem:$0x1AE80] =	vst v63  }
0x1ae: {  	_ = 	snop  }
0x1af: {  	[spmem:s4] =	stream.indirect.scatter.add.f32 [tilespmem:s8], [sflag:$0x1], $0x1, s13, s3, $0xb8;
	[tilespmem:$0x1AE80] =	vst v63  }
0x1b0: {  	_ =	swait.ge [sflag:s14], $0x400  }
0x1b1: {  	[sflag:s14] =	ssyncset.done $0x0  }
0x1b2: {  	[sflag:s14] =	ssyncadd.s32 $0xFFFFFC00  }
0x1b3: {  	_ =	swait.ge [sflag:s14], $0x80  }
0x1b4: {  	[sflag:s14] =	ssyncset.done $0x0  }
0x1b5: {  	s25 =	simm.s32 $0x19C80;
	[sflag:s14] =	ssyncadd.s32 $0xFFFFFF80  }
0x1b6: {  	s1 =	simm.s32 $0x1A080;
	v2 =	vld [tilespmem:s25+$0x0]  }
0x1b7: {  	v3 =	vld [tilespmem:s1+$0x0];
	_ =	sdelay $0x6  }
0x1b8: {  	v4 =	vld.idx.msk [tilespmem:v2+s26+$0x0], $0xffff  }
0x1b9: {  	v3 =	vld.idx.msk [tilespmem:v3+s28+$0x0], $0xffff;
	_ =	sdelay $0x4  }
0x1ba: {  	v3 =	vadd.f32 v3, v4;
	_ =	sdelay $0x1  }
0x1bb: {  	v4 =	vmul.f32 $2.000000030e-01, v3;
	_ =	sdelay $0x1  }
0x1bc: {  	v3 =	vmax.f32 v3, v4  }
0x1bd: {  	v3 =	vsub.f32 v3, v1;
	_ =	sdelay $0x1  }
0x1be: {  	v3 =	vmul.f32 $1.442695020e+00, v3;
	_ =	sdelay $0x1  }
0x1bf: {  	(erf) = vpow2.f32 v3;
	_ =	sdelay $0x5  }
0x1c0: {  	v2 =	vshll.u32 v2, $0x3;
	_ =	sdelay $0x2  }
0x1c1: {  	s17 =	simm.s32 $0x1AE00;
	v3 =	vpop (erf)  }
0x1c2: {  	s10 =	simm.s32 $0x0;
	[tilespmem:s17+$0x0] =	vst v3  }
0x1c3: {  	v5 =	vmov s10;
	v4 =	vld.idx.msk [tilespmem:v2+s24+$0x0], $0xffff  }
0x1c4: {  	v5 =	vshll.u32 v5, $0x3  }
0x1c5: {  	v5 =	vor.u32 v0, v5  }
0x1c6: {  	v6 =	vor.u32 $0x1, v2;
	_ =	sdelay $0x1  }
0x1c7: {  	v4 =	vmul.f32 v3, v4;
	_ =	sdelay $0x1  }
0x1c8: {  	[tilespmem:v5+s9+$0x0] =	vst.idx.msk $0xffff, v4  }
0x1c9: {  	v4 =	vld.idx.msk [tilespmem:v6+s24+$0x0], $0xffff;
	_ =	sdelay $0x1  }
0x1ca: {  	v54 =	vor.u32 $0x1, v5  }
0x1cb: {  	v7 =	vor.u32 $0x2, v2;
	_ =	sdelay $0x1  }
0x1cc: {  	v4 =	vmul.f32 v3, v4;
	_ =	sdelay $0x1  }
0x1cd: {  	[tilespmem:v54+s9+$0x0] =	vst.idx.msk $0xffff, v4  }
0x1ce: {  	v4 =	vld.idx.msk [tilespmem:v7+s24+$0x0], $0xffff;
	_ =	sdelay $0x1  }
0x1cf: {  	v55 =	vor.u32 $0x2, v5  }
0x1d0: {  	v56 =	vor.u32 $0x3, v2;
	_ =	sdelay $0x1  }
0x1d1: {  	v4 =	vmul.f32 v4, v3;
	_ =	sdelay $0x1  }
0x1d2: {  	[tilespmem:v55+s9+$0x0] =	vst.idx.msk $0xffff, v4  }
0x1d3: {  	v4 =	vld.idx.msk [tilespmem:v56+s24+$0x0], $0xffff;
	_ =	sdelay $0x1  }
0x1d4: {  	v57 =	vor.u32 $0x3, v5  }
0x1d5: {  	v58 =	vor.u32 $0x4, v2;
	_ =	sdelay $0x1  }
0x1d6: {  	v4 =	vmul.f32 v4, v3;
	_ =	sdelay $0x1  }
0x1d7: {  	[tilespmem:v57+s9+$0x0] =	vst.idx.msk $0xffff, v4  }
0x1d8: {  	v4 =	vld.idx.msk [tilespmem:v58+s24+$0x0], $0xffff;
	_ =	sdelay $0x1  }
0x1d9: {  	v59 =	vor.u32 $0x4, v5  }
0x1da: {  	v60 =	vor.u32 $0x5, v2;
	_ =	sdelay $0x1  }
0x1db: {  	v4 =	vmul.f32 v4, v3;
	_ =	sdelay $0x1  }
0x1dc: {  	[tilespmem:v59+s9+$0x0] =	vst.idx.msk $0xffff, v4  }
0x1dd: {  	v4 =	vld.idx.msk [tilespmem:v60+s24+$0x0], $0xffff;
	_ =	sdelay $0x1  }
0x1de: {  	v61 =	vor.u32 $0x5, v5  }
0x1df: {  	v62 =	vor.u32 $0x6, v2;
	_ =	sdelay $0x1  }
0x1e0: {  	v4 =	vmul.f32 v4, v3;
	_ =	sdelay $0x1  }
0x1e1: {  	[tilespmem:v61+s9+$0x0] =	vst.idx.msk $0xffff, v4  }
0x1e2: {  	v4 =	vld.idx.msk [tilespmem:v62+s24+$0x0], $0xffff;
	_ =	sdelay $0x1  }
0x1e3: {  	v63 =	vor.u32 $0x6, v5  }
0x1e4: {  	v2 =	vor.u32 $0x7, v2;
	_ =	sdelay $0x1  }
0x1e5: {  	v4 =	vmul.f32 v4, v3;
	_ =	sdelay $0x1  }
0x1e6: {  	[tilespmem:v63+s9+$0x0] =	vst.idx.msk $0xffff, v4  }
0x1e7: {  	v4 =	vld.idx.msk [tilespmem:v2+s24+$0x0], $0xffff;
	_ =	sdelay $0x1  }
0x1e8: {  	v2 =	vor.u32 $0x7, v5;
	_ =	sdelay $0x2  }
0x1e9: {  	s18 =	simm.s32 $0x10;
	v3 =	vmul.f32 v4, v3  }
.LBB2_9:
0x1ea: {  	_ = 	snop  }
0x1eb: {  	s1 =	sadd.s32 $0x10, s1;
	s25 =	sadd.s32 $0x10, s25;
	s17 =	sadd.s32 $0x10, s17;
	[tilespmem:v2+s9+$0x0] =	vst.idx.msk $0xffff, v3  }
0x1ec: {  	p0 =	sne.s32 s18, $0x70;
	s10 =	smov.u32 s18;
	s18 =	sadd.s32 $0x10, s18;
	v2 =	vld [tilespmem:s25+$0x0]  }
0x1ed: {  	v3 =	vld [tilespmem:s1+$0x0];
	_ =	sdelay $0x6  }
0x1ee: {  	v4 =	vld.idx.msk [tilespmem:v2+s26+$0x0], $0xffff  }
0x1ef: {  	v3 =	vld.idx.msk [tilespmem:v3+s28+$0x0], $0xffff;
	_ =	sdelay $0x5  }
0x1f0: {  	v3 =	vadd.f32 v3, v4;
	_ =	sdelay $0x1  }
0x1f1: {  	v4 =	vmul.f32 $2.000000030e-01, v3;
	_ =	sdelay $0x1  }
0x1f2: {  	v3 =	vmax.f32 v3, v4  }
0x1f3: {  	v3 =	vsub.f32 v3, v1;
	_ =	sdelay $0x1  }
0x1f4: {  	v3 =	vmul.f32 $1.442695020e+00, v3;
	_ =	sdelay $0x1  }
0x1f5: {  	(erf) = vpow2.f32 v3;
	_ =	sdelay $0x5  }
0x1f6: {  	v2 =	vshll.u32 v2, $0x3;
	_ =	sdelay $0x2  }
0x1f7: {  	v3 =	vpop (erf)  }
0x1f8: {  	[tilespmem:s17+$0x0] =	vst v3  }
0x1f9: {  	v4 =	vld.idx.msk [tilespmem:v2+s24+$0x0], $0xffff  }
0x1fa: {  	v5 =	vmov s10  }
0x1fb: {  	v5 =	vshll.u32 v5, $0x3  }
0x1fc: {  	v5 =	vor.u32 v0, v5  }
0x1fd: {  	v6 =	vor.u32 $0x1, v2;
	_ =	sdelay $0x1  }
0x1fe: {  	v4 =	vmul.f32 v3, v4;
	_ =	sdelay $0x1  }
0x1ff: {  	[tilespmem:v5+s9+$0x0] =	vst.idx.msk $0xffff, v4  }
0x200: {  	v4 =	vld.idx.msk [tilespmem:v6+s24+$0x0], $0xffff;
	_ =	sdelay $0x2  }
0x201: {  	v6 =	vor.u32 $0x1, v5  }
0x202: {  	v7 =	vor.u32 $0x2, v2;
	_ =	sdelay $0x1  }
0x203: {  	v4 =	vmul.f32 v3, v4;
	_ =	sdelay $0x1  }
0x204: {  	[tilespmem:v6+s9+$0x0] =	vst.idx.msk $0xffff, v4  }
0x205: {  	v4 =	vld.idx.msk [tilespmem:v7+s24+$0x0], $0xffff;
	_ =	sdelay $0x2  }
0x206: {  	v6 =	vor.u32 $0x2, v5  }
0x207: {  	v7 =	vor.u32 $0x3, v2;
	_ =	sdelay $0x1  }
0x208: {  	v4 =	vmul.f32 v4, v3;
	_ =	sdelay $0x1  }
0x209: {  	[tilespmem:v6+s9+$0x0] =	vst.idx.msk $0xffff, v4  }
0x20a: {  	v4 =	vld.idx.msk [tilespmem:v7+s24+$0x0], $0xffff;
	_ =	sdelay $0x2  }
0x20b: {  	v6 =	vor.u32 $0x3, v5  }
0x20c: {  	v7 =	vor.u32 $0x4, v2;
	_ =	sdelay $0x1  }
0x20d: {  	v4 =	vmul.f32 v4, v3;
	_ =	sdelay $0x1  }
0x20e: {  	[tilespmem:v6+s9+$0x0] =	vst.idx.msk $0xffff, v4  }
0x20f: {  	v4 =	vld.idx.msk [tilespmem:v7+s24+$0x0], $0xffff;
	_ =	sdelay $0x2  }
0x210: {  	v6 =	vor.u32 $0x4, v5  }
0x211: {  	v7 =	vor.u32 $0x5, v2;
	_ =	sdelay $0x1  }
0x212: {  	v4 =	vmul.f32 v4, v3;
	_ =	sdelay $0x1  }
0x213: {  	[tilespmem:v6+s9+$0x0] =	vst.idx.msk $0xffff, v4  }
0x214: {  	v4 =	vld.idx.msk [tilespmem:v7+s24+$0x0], $0xffff;
	_ =	sdelay $0x2  }
0x215: {  	v6 =	vor.u32 $0x5, v5  }
0x216: {  	v7 =	vor.u32 $0x6, v2;
	_ =	sdelay $0x1  }
0x217: {  	v4 =	vmul.f32 v4, v3;
	_ =	sdelay $0x1  }
0x218: {  	[tilespmem:v6+s9+$0x0] =	vst.idx.msk $0xffff, v4  }
0x219: {  	v4 =	vld.idx.msk [tilespmem:v7+s24+$0x0], $0xffff;
	_ =	sdelay $0x2  }
0x21a: {  	v6 =	vor.u32 $0x6, v5  }
0x21b: {  	v2 =	vor.u32 $0x7, v2;
	_ =	sdelay $0x1  }
0x21c: {  	v4 =	vmul.f32 v4, v3;
	_ =	sdelay $0x1  }
0x21d: {  	[tilespmem:v6+s9+$0x0] =	vst.idx.msk $0xffff, v4  }
0x21e: {  	v4 =	vld.idx.msk [tilespmem:v2+s24+$0x0], $0xffff;
	_ =	sdelay $0x1  }
.Ltmp3:
0x21f: {  	(pc) =	sbr.rel @p0 .LBB2_9-.Ltmp3, $2  }
0x220: {  	v2 =	vor.u32 $0x7, v5;
	_ =	sdelay $0x2  }
0x221: {  	v3 =	vmul.f32 v4, v3  }
0x222: {  	_ =	sdelay $0x3  }
0x223: {  	[tilespmem:v2+s9+$0x0] =	vst.idx.msk $0xffff, v3  }
0x224: {  	[spmem:s2] =	stream.indirect.scatter.add.f32 [tilespmem:s9], [sflag:$0x2], $0x8, s15, s3, $0xb8;
	[tilespmem:$0x1AE80] =	vst v63  }
0x225: {  	_ = 	snop  }
0x226: {  	[spmem:s4] =	stream.indirect.scatter.add.f32 [tilespmem:s11], [sflag:$0x2], $0x1, s15, s3, $0xb8;
	[tilespmem:$0x1AE80] =	vst v63  }
0x227: {  	_ =	swait.ge [sflag:s16], $0x200  }
0x228: {  	[sflag:s16] =	ssyncset.done $0x0  }
0x229: {  	[sflag:s16] =	ssyncadd.s32 $0xFFFFFE00  }
0x22a: {  	_ =	swait.ge [sflag:s16], $0x200  }
0x22b: {  	p0 =	sgt.u32 s23, $0x8;
	s1 =	rddreg [dreg:$0xf]  }
0x22c: {  	s1 =	sadd.s32 @!p0 s22, s1  }
0x22d: {  	s1 =	sshll.u32 @!p0 s1, $0x4  }
0x22e: {  	s17 =	simm.s32 @!p0 $0x0;
	[sflag:s16] =	ssyncset.done $0x0;
	s1 =	sand.u32 @!p0 $0x1FFFFFF0, s1  }
0x22f: {  	s18 =	simm.s32 @!p0 $0x19B00;
	[sflag:s16] =	ssyncadd.s32 $0xFFFFFE00;
	s10 =	sadd.s32 @!p0 s6, s1  }
0x230: {  	[tilespmem:s18], [sflag:$0x3] =	stream.linear.gather @!p0 [hbm4b:s10+s17], $0x200, $0x38;
	[tilespmem:$0x1AE80] =	vst v63  }
0x231: {  	s1 =	sadd.s32 @!p0 s7, s1;
	s10 =	simm.s32 @!p0 $0x19F00  }
0x232: {  	[tilespmem:s10], [sflag:$0x3] =	stream.linear.gather @!p0 [hbm4b:s1+s17], $0x200, $0x38;
	[tilespmem:$0x1AE80] =	vst v63  }
0x233: {  	_ =	swait.ge [sflag:s12], $0x400  }
0x234: {  	[sflag:s12] =	ssyncset.done $0x0  }
0x235: {  	[sflag:s12] =	ssyncadd.s32 $0xFFFFFC00  }
0x236: {  	_ =	swait.ge [sflag:s12], $0x80  }
0x237: {  	[sflag:s12] =	ssyncset.done $0x0  }
0x238: {  	s22 =	simm.s32 $0x19D00;
	[sflag:s12] =	ssyncadd.s32 $0xFFFFFF80  }
0x239: {  	s1 =	simm.s32 $0x1A100;
	v2 =	vld [tilespmem:s22+$0x0]  }
0x23a: {  	v3 =	vld [tilespmem:s1+$0x0];
	_ =	sdelay $0x6  }
0x23b: {  	v4 =	vld.idx.msk [tilespmem:v2+s26+$0x0], $0xffff  }
0x23c: {  	v3 =	vld.idx.msk [tilespmem:v3+s28+$0x0], $0xffff;
	_ =	sdelay $0x4  }
0x23d: {  	v3 =	vadd.f32 v3, v4;
	_ =	sdelay $0x1  }
0x23e: {  	v4 =	vmul.f32 $2.000000030e-01, v3;
	_ =	sdelay $0x1  }
0x23f: {  	v3 =	vmax.f32 v3, v4  }
0x240: {  	v3 =	vsub.f32 v3, v1;
	_ =	sdelay $0x1  }
0x241: {  	v3 =	vmul.f32 $1.442695020e+00, v3;
	_ =	sdelay $0x1  }
0x242: {  	(erf) = vpow2.f32 v3;
	_ =	sdelay $0x5  }
0x243: {  	v2 =	vshll.u32 v2, $0x3;
	_ =	sdelay $0x2  }
0x244: {  	s17 =	simm.s32 $0x1AD80;
	v3 =	vpop (erf)  }
0x245: {  	s25 =	simm.s32 $0x0;
	[tilespmem:s17+$0x0] =	vst v3  }
0x246: {  	v5 =	vmov s25;
	v4 =	vld.idx.msk [tilespmem:v2+s24+$0x0], $0xffff  }
0x247: {  	v5 =	vshll.u32 v5, $0x3  }
0x248: {  	v5 =	vor.u32 v0, v5  }
0x249: {  	v6 =	vor.u32 $0x1, v2;
	_ =	sdelay $0x1  }
0x24a: {  	v4 =	vmul.f32 v3, v4;
	_ =	sdelay $0x1  }
0x24b: {  	[tilespmem:v5+s30+$0x0] =	vst.idx.msk $0xffff, v4  }
0x24c: {  	v4 =	vld.idx.msk [tilespmem:v6+s24+$0x0], $0xffff;
	_ =	sdelay $0x1  }
0x24d: {  	v54 =	vor.u32 $0x1, v5  }
0x24e: {  	v7 =	vor.u32 $0x2, v2;
	_ =	sdelay $0x1  }
0x24f: {  	v4 =	vmul.f32 v3, v4;
	_ =	sdelay $0x1  }
0x250: {  	[tilespmem:v54+s30+$0x0] =	vst.idx.msk $0xffff, v4  }
0x251: {  	v4 =	vld.idx.msk [tilespmem:v7+s24+$0x0], $0xffff;
	_ =	sdelay $0x1  }
0x252: {  	v55 =	vor.u32 $0x2, v5  }
0x253: {  	v56 =	vor.u32 $0x3, v2;
	_ =	sdelay $0x1  }
0x254: {  	v4 =	vmul.f32 v4, v3;
	_ =	sdelay $0x1  }
0x255: {  	[tilespmem:v55+s30+$0x0] =	vst.idx.msk $0xffff, v4  }
0x256: {  	v4 =	vld.idx.msk [tilespmem:v56+s24+$0x0], $0xffff;
	_ =	sdelay $0x1  }
0x257: {  	v57 =	vor.u32 $0x3, v5  }
0x258: {  	v58 =	vor.u32 $0x4, v2;
	_ =	sdelay $0x1  }
0x259: {  	v4 =	vmul.f32 v4, v3;
	_ =	sdelay $0x1  }
0x25a: {  	[tilespmem:v57+s30+$0x0] =	vst.idx.msk $0xffff, v4  }
0x25b: {  	v4 =	vld.idx.msk [tilespmem:v58+s24+$0x0], $0xffff;
	_ =	sdelay $0x1  }
0x25c: {  	v59 =	vor.u32 $0x4, v5  }
0x25d: {  	v60 =	vor.u32 $0x5, v2;
	_ =	sdelay $0x1  }
0x25e: {  	v4 =	vmul.f32 v4, v3;
	_ =	sdelay $0x1  }
0x25f: {  	[tilespmem:v59+s30+$0x0] =	vst.idx.msk $0xffff, v4  }
0x260: {  	v4 =	vld.idx.msk [tilespmem:v60+s24+$0x0], $0xffff;
	_ =	sdelay $0x1  }
0x261: {  	v61 =	vor.u32 $0x5, v5  }
0x262: {  	v62 =	vor.u32 $0x6, v2;
	_ =	sdelay $0x1  }
0x263: {  	v4 =	vmul.f32 v4, v3;
	_ =	sdelay $0x1  }
0x264: {  	[tilespmem:v61+s30+$0x0] =	vst.idx.msk $0xffff, v4  }
0x265: {  	v4 =	vld.idx.msk [tilespmem:v62+s24+$0x0], $0xffff;
	_ =	sdelay $0x1  }
0x266: {  	v63 =	vor.u32 $0x6, v5  }
0x267: {  	v2 =	vor.u32 $0x7, v2;
	_ =	sdelay $0x1  }
0x268: {  	v4 =	vmul.f32 v4, v3;
	_ =	sdelay $0x1  }
0x269: {  	[tilespmem:v63+s30+$0x0] =	vst.idx.msk $0xffff, v4  }
0x26a: {  	v4 =	vld.idx.msk [tilespmem:v2+s24+$0x0], $0xffff;
	_ =	sdelay $0x1  }
0x26b: {  	v2 =	vor.u32 $0x7, v5;
	_ =	sdelay $0x2  }
0x26c: {  	s18 =	simm.s32 $0x10;
	v3 =	vmul.f32 v4, v3  }
.LBB2_11:
0x26d: {  	_ = 	snop  }
0x26e: {  	s22 =	sadd.s32 $0x10, s22;
	s1 =	sadd.s32 $0x10, s1;
	s17 =	sadd.s32 $0x10, s17;
	[tilespmem:v2+s30+$0x0] =	vst.idx.msk $0xffff, v3  }
0x26f: {  	p0 =	sne.s32 s18, $0x70;
	s10 =	smov.u32 s18;
	s18 =	sadd.s32 $0x10, s18;
	v2 =	vld [tilespmem:s22+$0x0]  }
0x270: {  	v3 =	vld [tilespmem:s1+$0x0];
	_ =	sdelay $0x6  }
0x271: {  	v4 =	vld.idx.msk [tilespmem:v2+s26+$0x0], $0xffff  }
0x272: {  	v3 =	vld.idx.msk [tilespmem:v3+s28+$0x0], $0xffff;
	_ =	sdelay $0x5  }
0x273: {  	v3 =	vadd.f32 v3, v4;
	_ =	sdelay $0x1  }
0x274: {  	v4 =	vmul.f32 $2.000000030e-01, v3;
	_ =	sdelay $0x1  }
0x275: {  	v3 =	vmax.f32 v3, v4  }
0x276: {  	v3 =	vsub.f32 v3, v1;
	_ =	sdelay $0x1  }
0x277: {  	v3 =	vmul.f32 $1.442695020e+00, v3;
	_ =	sdelay $0x1  }
0x278: {  	(erf) = vpow2.f32 v3;
	_ =	sdelay $0x5  }
0x279: {  	v2 =	vshll.u32 v2, $0x3;
	_ =	sdelay $0x2  }
0x27a: {  	v3 =	vpop (erf)  }
0x27b: {  	[tilespmem:s17+$0x0] =	vst v3  }
0x27c: {  	v4 =	vld.idx.msk [tilespmem:v2+s24+$0x0], $0xffff  }
0x27d: {  	v5 =	vmov s10  }
0x27e: {  	v5 =	vshll.u32 v5, $0x3  }
0x27f: {  	v5 =	vor.u32 v0, v5  }
0x280: {  	v6 =	vor.u32 $0x1, v2;
	_ =	sdelay $0x1  }
0x281: {  	v4 =	vmul.f32 v3, v4;
	_ =	sdelay $0x1  }
0x282: {  	[tilespmem:v5+s30+$0x0] =	vst.idx.msk $0xffff, v4  }
0x283: {  	v4 =	vld.idx.msk [tilespmem:v6+s24+$0x0], $0xffff;
	_ =	sdelay $0x2  }
0x284: {  	v6 =	vor.u32 $0x1, v5  }
0x285: {  	v7 =	vor.u32 $0x2, v2;
	_ =	sdelay $0x1  }
0x286: {  	v4 =	vmul.f32 v3, v4;
	_ =	sdelay $0x1  }
0x287: {  	[tilespmem:v6+s30+$0x0] =	vst.idx.msk $0xffff, v4  }
0x288: {  	v4 =	vld.idx.msk [tilespmem:v7+s24+$0x0], $0xffff;
	_ =	sdelay $0x2  }
0x289: {  	v6 =	vor.u32 $0x2, v5  }
0x28a: {  	v7 =	vor.u32 $0x3, v2;
	_ =	sdelay $0x1  }
0x28b: {  	v4 =	vmul.f32 v4, v3;
	_ =	sdelay $0x1  }
0x28c: {  	[tilespmem:v6+s30+$0x0] =	vst.idx.msk $0xffff, v4  }
0x28d: {  	v4 =	vld.idx.msk [tilespmem:v7+s24+$0x0], $0xffff;
	_ =	sdelay $0x2  }
0x28e: {  	v6 =	vor.u32 $0x3, v5  }
0x28f: {  	v7 =	vor.u32 $0x4, v2;
	_ =	sdelay $0x1  }
0x290: {  	v4 =	vmul.f32 v4, v3;
	_ =	sdelay $0x1  }
0x291: {  	[tilespmem:v6+s30+$0x0] =	vst.idx.msk $0xffff, v4  }
0x292: {  	v4 =	vld.idx.msk [tilespmem:v7+s24+$0x0], $0xffff;
	_ =	sdelay $0x2  }
0x293: {  	v6 =	vor.u32 $0x4, v5  }
0x294: {  	v7 =	vor.u32 $0x5, v2;
	_ =	sdelay $0x1  }
0x295: {  	v4 =	vmul.f32 v4, v3;
	_ =	sdelay $0x1  }
0x296: {  	[tilespmem:v6+s30+$0x0] =	vst.idx.msk $0xffff, v4  }
0x297: {  	v4 =	vld.idx.msk [tilespmem:v7+s24+$0x0], $0xffff;
	_ =	sdelay $0x2  }
0x298: {  	v6 =	vor.u32 $0x5, v5  }
0x299: {  	v7 =	vor.u32 $0x6, v2;
	_ =	sdelay $0x1  }
0x29a: {  	v4 =	vmul.f32 v4, v3;
	_ =	sdelay $0x1  }
0x29b: {  	[tilespmem:v6+s30+$0x0] =	vst.idx.msk $0xffff, v4  }
0x29c: {  	v4 =	vld.idx.msk [tilespmem:v7+s24+$0x0], $0xffff;
	_ =	sdelay $0x2  }
0x29d: {  	v6 =	vor.u32 $0x6, v5  }
0x29e: {  	v2 =	vor.u32 $0x7, v2;
	_ =	sdelay $0x1  }
0x29f: {  	v4 =	vmul.f32 v4, v3;
	_ =	sdelay $0x1  }
0x2a0: {  	[tilespmem:v6+s30+$0x0] =	vst.idx.msk $0xffff, v4  }
0x2a1: {  	v4 =	vld.idx.msk [tilespmem:v2+s24+$0x0], $0xffff;
	_ =	sdelay $0x1  }
.Ltmp4:
0x2a2: {  	(pc) =	sbr.rel @p0 .LBB2_11-.Ltmp4, $2  }
0x2a3: {  	v2 =	vor.u32 $0x7, v5;
	_ =	sdelay $0x2  }
0x2a4: {  	v3 =	vmul.f32 v4, v3  }
0x2a5: {  	_ =	sdelay $0x3  }
0x2a6: {  	[tilespmem:v2+s30+$0x0] =	vst.idx.msk $0xffff, v3  }
0x2a7: {  	[spmem:s2] =	stream.indirect.scatter.add.f32 [tilespmem:s30], [sflag:$0x1], $0x8, s29, s3, $0xb8;
	[tilespmem:$0x1AE80] =	vst v63  }
0x2a8: {  	_ = 	snop  }
0x2a9: {  	[spmem:s4] =	stream.indirect.scatter.add.f32 [tilespmem:s8], [sflag:$0x1], $0x1, s29, s3, $0xb8;
	[tilespmem:$0x1AE80] =	vst v63  }
0x2aa: {  	_ =	swait.ge [sflag:s14], $0x400  }
0x2ab: {  	[sflag:s14] =	ssyncset.done $0x0  }
0x2ac: {  	[sflag:s14] =	ssyncadd.s32 $0xFFFFFC00  }
0x2ad: {  	_ =	swait.ge [sflag:s14], $0x80  }
0x2ae: {  	[sflag:s14] =	ssyncset.done $0x0  }
0x2af: {  	s22 =	simm.s32 $0x19D80;
	[sflag:s14] =	ssyncadd.s32 $0xFFFFFF80  }
0x2b0: {  	s1 =	simm.s32 $0x1A180;
	v2 =	vld [tilespmem:s22+$0x0]  }
0x2b1: {  	v3 =	vld [tilespmem:s1+$0x0];
	_ =	sdelay $0x6  }
0x2b2: {  	v4 =	vld.idx.msk [tilespmem:v2+s26+$0x0], $0xffff  }
0x2b3: {  	v3 =	vld.idx.msk [tilespmem:v3+s28+$0x0], $0xffff;
	_ =	sdelay $0x4  }
0x2b4: {  	v3 =	vadd.f32 v3, v4;
	_ =	sdelay $0x1  }
0x2b5: {  	v4 =	vmul.f32 $2.000000030e-01, v3;
	_ =	sdelay $0x1  }
0x2b6: {  	v3 =	vmax.f32 v3, v4  }
0x2b7: {  	v3 =	vsub.f32 v3, v1;
	_ =	sdelay $0x1  }
0x2b8: {  	v3 =	vmul.f32 $1.442695020e+00, v3;
	_ =	sdelay $0x1  }
0x2b9: {  	(erf) = vpow2.f32 v3;
	_ =	sdelay $0x5  }
0x2ba: {  	v2 =	vshll.u32 v2, $0x3;
	_ =	sdelay $0x2  }
0x2bb: {  	s17 =	simm.s32 $0x1AE00;
	v3 =	vpop (erf)  }
0x2bc: {  	s10 =	simm.s32 $0x0;
	[tilespmem:s17+$0x0] =	vst v3  }
0x2bd: {  	v5 =	vmov s10;
	v4 =	vld.idx.msk [tilespmem:v2+s24+$0x0], $0xffff  }
0x2be: {  	v5 =	vshll.u32 v5, $0x3  }
0x2bf: {  	v5 =	vor.u32 v0, v5  }
0x2c0: {  	v6 =	vor.u32 $0x1, v2;
	_ =	sdelay $0x1  }
0x2c1: {  	v4 =	vmul.f32 v3, v4;
	_ =	sdelay $0x1  }
0x2c2: {  	[tilespmem:v5+s9+$0x0] =	vst.idx.msk $0xffff, v4  }
0x2c3: {  	v4 =	vld.idx.msk [tilespmem:v6+s24+$0x0], $0xffff;
	_ =	sdelay $0x1  }
0x2c4: {  	v54 =	vor.u32 $0x1, v5  }
0x2c5: {  	v7 =	vor.u32 $0x2, v2;
	_ =	sdelay $0x1  }
0x2c6: {  	v4 =	vmul.f32 v3, v4;
	_ =	sdelay $0x1  }
0x2c7: {  	[tilespmem:v54+s9+$0x0] =	vst.idx.msk $0xffff, v4  }
0x2c8: {  	v4 =	vld.idx.msk [tilespmem:v7+s24+$0x0], $0xffff;
	_ =	sdelay $0x1  }
0x2c9: {  	v55 =	vor.u32 $0x2, v5  }
0x2ca: {  	v56 =	vor.u32 $0x3, v2;
	_ =	sdelay $0x1  }
0x2cb: {  	v4 =	vmul.f32 v4, v3;
	_ =	sdelay $0x1  }
0x2cc: {  	[tilespmem:v55+s9+$0x0] =	vst.idx.msk $0xffff, v4  }
0x2cd: {  	v4 =	vld.idx.msk [tilespmem:v56+s24+$0x0], $0xffff;
	_ =	sdelay $0x1  }
0x2ce: {  	v57 =	vor.u32 $0x3, v5  }
0x2cf: {  	v58 =	vor.u32 $0x4, v2;
	_ =	sdelay $0x1  }
0x2d0: {  	v4 =	vmul.f32 v4, v3;
	_ =	sdelay $0x1  }
0x2d1: {  	[tilespmem:v57+s9+$0x0] =	vst.idx.msk $0xffff, v4  }
0x2d2: {  	v4 =	vld.idx.msk [tilespmem:v58+s24+$0x0], $0xffff;
	_ =	sdelay $0x1  }
0x2d3: {  	v59 =	vor.u32 $0x4, v5  }
0x2d4: {  	v60 =	vor.u32 $0x5, v2;
	_ =	sdelay $0x1  }
0x2d5: {  	v4 =	vmul.f32 v4, v3;
	_ =	sdelay $0x1  }
0x2d6: {  	[tilespmem:v59+s9+$0x0] =	vst.idx.msk $0xffff, v4  }
0x2d7: {  	v4 =	vld.idx.msk [tilespmem:v60+s24+$0x0], $0xffff;
	_ =	sdelay $0x1  }
0x2d8: {  	v61 =	vor.u32 $0x5, v5  }
0x2d9: {  	v62 =	vor.u32 $0x6, v2;
	_ =	sdelay $0x1  }
0x2da: {  	v4 =	vmul.f32 v4, v3;
	_ =	sdelay $0x1  }
0x2db: {  	[tilespmem:v61+s9+$0x0] =	vst.idx.msk $0xffff, v4  }
0x2dc: {  	v4 =	vld.idx.msk [tilespmem:v62+s24+$0x0], $0xffff;
	_ =	sdelay $0x1  }
0x2dd: {  	v63 =	vor.u32 $0x6, v5  }
0x2de: {  	v2 =	vor.u32 $0x7, v2;
	_ =	sdelay $0x1  }
0x2df: {  	v4 =	vmul.f32 v4, v3;
	_ =	sdelay $0x1  }
0x2e0: {  	[tilespmem:v63+s9+$0x0] =	vst.idx.msk $0xffff, v4  }
0x2e1: {  	v4 =	vld.idx.msk [tilespmem:v2+s24+$0x0], $0xffff;
	_ =	sdelay $0x1  }
0x2e2: {  	v2 =	vor.u32 $0x7, v5;
	_ =	sdelay $0x2  }
0x2e3: {  	s18 =	simm.s32 $0x10;
	v3 =	vmul.f32 v4, v3  }
.LBB2_13:
0x2e4: {  	_ = 	snop  }
0x2e5: {  	s1 =	sadd.s32 $0x10, s1;
	s22 =	sadd.s32 $0x10, s22;
	s17 =	sadd.s32 $0x10, s17;
	[tilespmem:v2+s9+$0x0] =	vst.idx.msk $0xffff, v3  }
0x2e6: {  	p0 =	sne.s32 s18, $0x70;
	s10 =	smov.u32 s18;
	s18 =	sadd.s32 $0x10, s18;
	v2 =	vld [tilespmem:s22+$0x0]  }
0x2e7: {  	v3 =	vld [tilespmem:s1+$0x0];
	_ =	sdelay $0x6  }
0x2e8: {  	v4 =	vld.idx.msk [tilespmem:v2+s26+$0x0], $0xffff  }
0x2e9: {  	v3 =	vld.idx.msk [tilespmem:v3+s28+$0x0], $0xffff;
	_ =	sdelay $0x5  }
0x2ea: {  	v3 =	vadd.f32 v3, v4;
	_ =	sdelay $0x1  }
0x2eb: {  	v4 =	vmul.f32 $2.000000030e-01, v3;
	_ =	sdelay $0x1  }
0x2ec: {  	v3 =	vmax.f32 v3, v4  }
0x2ed: {  	v3 =	vsub.f32 v3, v1;
	_ =	sdelay $0x1  }
0x2ee: {  	v3 =	vmul.f32 $1.442695020e+00, v3;
	_ =	sdelay $0x1  }
0x2ef: {  	(erf) = vpow2.f32 v3;
	_ =	sdelay $0x5  }
0x2f0: {  	v2 =	vshll.u32 v2, $0x3;
	_ =	sdelay $0x2  }
0x2f1: {  	v3 =	vpop (erf)  }
0x2f2: {  	[tilespmem:s17+$0x0] =	vst v3  }
0x2f3: {  	v4 =	vld.idx.msk [tilespmem:v2+s24+$0x0], $0xffff  }
0x2f4: {  	v5 =	vmov s10  }
0x2f5: {  	v5 =	vshll.u32 v5, $0x3  }
0x2f6: {  	v5 =	vor.u32 v0, v5  }
0x2f7: {  	v6 =	vor.u32 $0x1, v2;
	_ =	sdelay $0x1  }
0x2f8: {  	v4 =	vmul.f32 v3, v4;
	_ =	sdelay $0x1  }
0x2f9: {  	[tilespmem:v5+s9+$0x0] =	vst.idx.msk $0xffff, v4  }
0x2fa: {  	v4 =	vld.idx.msk [tilespmem:v6+s24+$0x0], $0xffff;
	_ =	sdelay $0x2  }
0x2fb: {  	v6 =	vor.u32 $0x1, v5  }
0x2fc: {  	v7 =	vor.u32 $0x2, v2;
	_ =	sdelay $0x1  }
0x2fd: {  	v4 =	vmul.f32 v3, v4;
	_ =	sdelay $0x1  }
0x2fe: {  	[tilespmem:v6+s9+$0x0] =	vst.idx.msk $0xffff, v4  }
0x2ff: {  	v4 =	vld.idx.msk [tilespmem:v7+s24+$0x0], $0xffff;
	_ =	sdelay $0x2  }
0x300: {  	v6 =	vor.u32 $0x2, v5  }
0x301: {  	v7 =	vor.u32 $0x3, v2;
	_ =	sdelay $0x1  }
0x302: {  	v4 =	vmul.f32 v4, v3;
	_ =	sdelay $0x1  }
0x303: {  	[tilespmem:v6+s9+$0x0] =	vst.idx.msk $0xffff, v4  }
0x304: {  	v4 =	vld.idx.msk [tilespmem:v7+s24+$0x0], $0xffff;
	_ =	sdelay $0x2  }
0x305: {  	v6 =	vor.u32 $0x3, v5  }
0x306: {  	v7 =	vor.u32 $0x4, v2;
	_ =	sdelay $0x1  }
0x307: {  	v4 =	vmul.f32 v4, v3;
	_ =	sdelay $0x1  }
0x308: {  	[tilespmem:v6+s9+$0x0] =	vst.idx.msk $0xffff, v4  }
0x309: {  	v4 =	vld.idx.msk [tilespmem:v7+s24+$0x0], $0xffff;
	_ =	sdelay $0x2  }
0x30a: {  	v6 =	vor.u32 $0x4, v5  }
0x30b: {  	v7 =	vor.u32 $0x5, v2;
	_ =	sdelay $0x1  }
0x30c: {  	v4 =	vmul.f32 v4, v3;
	_ =	sdelay $0x1  }
0x30d: {  	[tilespmem:v6+s9+$0x0] =	vst.idx.msk $0xffff, v4  }
0x30e: {  	v4 =	vld.idx.msk [tilespmem:v7+s24+$0x0], $0xffff;
	_ =	sdelay $0x2  }
0x30f: {  	v6 =	vor.u32 $0x5, v5  }
0x310: {  	v7 =	vor.u32 $0x6, v2;
	_ =	sdelay $0x1  }
0x311: {  	v4 =	vmul.f32 v4, v3;
	_ =	sdelay $0x1  }
0x312: {  	[tilespmem:v6+s9+$0x0] =	vst.idx.msk $0xffff, v4  }
0x313: {  	v4 =	vld.idx.msk [tilespmem:v7+s24+$0x0], $0xffff;
	_ =	sdelay $0x2  }
0x314: {  	v6 =	vor.u32 $0x6, v5  }
0x315: {  	v2 =	vor.u32 $0x7, v2;
	_ =	sdelay $0x1  }
0x316: {  	v4 =	vmul.f32 v4, v3;
	_ =	sdelay $0x1  }
0x317: {  	[tilespmem:v6+s9+$0x0] =	vst.idx.msk $0xffff, v4  }
0x318: {  	v4 =	vld.idx.msk [tilespmem:v2+s24+$0x0], $0xffff;
	_ =	sdelay $0x1  }
.Ltmp5:
0x319: {  	(pc) =	sbr.rel @p0 .LBB2_13-.Ltmp5, $2  }
0x31a: {  	v2 =	vor.u32 $0x7, v5;
	_ =	sdelay $0x2  }
0x31b: {  	v3 =	vmul.f32 v4, v3  }
0x31c: {  	_ =	sdelay $0x3  }
0x31d: {  	[tilespmem:v2+s9+$0x0] =	vst.idx.msk $0xffff, v3  }
0x31e: {  	[spmem:s2] =	stream.indirect.scatter.add.f32 [tilespmem:s9], [sflag:$0x2], $0x8, s19, s3, $0xb8;
	[tilespmem:$0x1AE80] =	vst v63  }
0x31f: {  	_ = 	snop  }
0x320: {  	[spmem:s4] =	stream.indirect.scatter.add.f32 [tilespmem:s11], [sflag:$0x2], $0x1, s19, s3, $0xb8;
	[tilespmem:$0x1AE80] =	vst v63  }
0x321: {  	_ =	swait.ge [sflag:s12], $0x400  }
0x322: {  	[sflag:s12] =	ssyncset.done $0x0  }
0x323: {  	[sflag:s12] =	ssyncadd.s32 $0xFFFFFC00  }
0x324: {  	_ =	swait.ge [sflag:s12], $0x80  }
0x325: {  	[sflag:s12] =	ssyncset.done $0x0  }
0x326: {  	s22 =	simm.s32 $0x19E00;
	[sflag:s12] =	ssyncadd.s32 $0xFFFFFF80  }
0x327: {  	s1 =	simm.s32 $0x1A200;
	v2 =	vld [tilespmem:s22+$0x0]  }
0x328: {  	v3 =	vld [tilespmem:s1+$0x0];
	_ =	sdelay $0x6  }
0x329: {  	v4 =	vld.idx.msk [tilespmem:v2+s26+$0x0], $0xffff  }
0x32a: {  	v3 =	vld.idx.msk [tilespmem:v3+s28+$0x0], $0xffff;
	_ =	sdelay $0x4  }
0x32b: {  	v3 =	vadd.f32 v3, v4;
	_ =	sdelay $0x1  }
0x32c: {  	v4 =	vmul.f32 $2.000000030e-01, v3;
	_ =	sdelay $0x1  }
0x32d: {  	v3 =	vmax.f32 v3, v4  }
0x32e: {  	v3 =	vsub.f32 v3, v1;
	_ =	sdelay $0x1  }
0x32f: {  	v3 =	vmul.f32 $1.442695020e+00, v3;
	_ =	sdelay $0x1  }
0x330: {  	(erf) = vpow2.f32 v3;
	_ =	sdelay $0x5  }
0x331: {  	v2 =	vshll.u32 v2, $0x3;
	_ =	sdelay $0x2  }
0x332: {  	s17 =	simm.s32 $0x1AD80;
	v3 =	vpop (erf)  }
0x333: {  	s10 =	simm.s32 $0x0;
	[tilespmem:s17+$0x0] =	vst v3  }
0x334: {  	v5 =	vmov s10;
	v4 =	vld.idx.msk [tilespmem:v2+s24+$0x0], $0xffff  }
0x335: {  	v5 =	vshll.u32 v5, $0x3  }
0x336: {  	v5 =	vor.u32 v0, v5  }
0x337: {  	v6 =	vor.u32 $0x1, v2;
	_ =	sdelay $0x1  }
0x338: {  	v4 =	vmul.f32 v3, v4;
	_ =	sdelay $0x1  }
0x339: {  	[tilespmem:v5+s30+$0x0] =	vst.idx.msk $0xffff, v4  }
0x33a: {  	v4 =	vld.idx.msk [tilespmem:v6+s24+$0x0], $0xffff;
	_ =	sdelay $0x1  }
0x33b: {  	v54 =	vor.u32 $0x1, v5  }
0x33c: {  	v7 =	vor.u32 $0x2, v2;
	_ =	sdelay $0x1  }
0x33d: {  	v4 =	vmul.f32 v3, v4;
	_ =	sdelay $0x1  }
0x33e: {  	[tilespmem:v54+s30+$0x0] =	vst.idx.msk $0xffff, v4  }
0x33f: {  	v4 =	vld.idx.msk [tilespmem:v7+s24+$0x0], $0xffff;
	_ =	sdelay $0x1  }
0x340: {  	v55 =	vor.u32 $0x2, v5  }
0x341: {  	v56 =	vor.u32 $0x3, v2;
	_ =	sdelay $0x1  }
0x342: {  	v4 =	vmul.f32 v4, v3;
	_ =	sdelay $0x1  }
0x343: {  	[tilespmem:v55+s30+$0x0] =	vst.idx.msk $0xffff, v4  }
0x344: {  	v4 =	vld.idx.msk [tilespmem:v56+s24+$0x0], $0xffff;
	_ =	sdelay $0x1  }
0x345: {  	v57 =	vor.u32 $0x3, v5  }
0x346: {  	v58 =	vor.u32 $0x4, v2;
	_ =	sdelay $0x1  }
0x347: {  	v4 =	vmul.f32 v4, v3;
	_ =	sdelay $0x1  }
0x348: {  	[tilespmem:v57+s30+$0x0] =	vst.idx.msk $0xffff, v4  }
0x349: {  	v4 =	vld.idx.msk [tilespmem:v58+s24+$0x0], $0xffff;
	_ =	sdelay $0x1  }
0x34a: {  	v59 =	vor.u32 $0x4, v5  }
0x34b: {  	v60 =	vor.u32 $0x5, v2;
	_ =	sdelay $0x1  }
0x34c: {  	v4 =	vmul.f32 v4, v3;
	_ =	sdelay $0x1  }
0x34d: {  	[tilespmem:v59+s30+$0x0] =	vst.idx.msk $0xffff, v4  }
0x34e: {  	v4 =	vld.idx.msk [tilespmem:v60+s24+$0x0], $0xffff;
	_ =	sdelay $0x1  }
0x34f: {  	v61 =	vor.u32 $0x5, v5  }
0x350: {  	v62 =	vor.u32 $0x6, v2;
	_ =	sdelay $0x1  }
0x351: {  	v4 =	vmul.f32 v4, v3;
	_ =	sdelay $0x1  }
0x352: {  	[tilespmem:v61+s30+$0x0] =	vst.idx.msk $0xffff, v4  }
0x353: {  	v4 =	vld.idx.msk [tilespmem:v62+s24+$0x0], $0xffff;
	_ =	sdelay $0x1  }
0x354: {  	v63 =	vor.u32 $0x6, v5  }
0x355: {  	v2 =	vor.u32 $0x7, v2;
	_ =	sdelay $0x1  }
0x356: {  	v4 =	vmul.f32 v4, v3;
	_ =	sdelay $0x1  }
0x357: {  	[tilespmem:v63+s30+$0x0] =	vst.idx.msk $0xffff, v4  }
0x358: {  	v4 =	vld.idx.msk [tilespmem:v2+s24+$0x0], $0xffff;
	_ =	sdelay $0x1  }
0x359: {  	v2 =	vor.u32 $0x7, v5;
	_ =	sdelay $0x2  }
0x35a: {  	s18 =	simm.s32 $0x10;
	v3 =	vmul.f32 v4, v3  }
.LBB2_15:
0x35b: {  	_ = 	snop  }
0x35c: {  	s1 =	sadd.s32 $0x10, s1;
	s22 =	sadd.s32 $0x10, s22;
	s17 =	sadd.s32 $0x10, s17;
	[tilespmem:v2+s30+$0x0] =	vst.idx.msk $0xffff, v3  }
0x35d: {  	p0 =	sne.s32 s18, $0x70;
	s10 =	smov.u32 s18;
	s18 =	sadd.s32 $0x10, s18;
	v2 =	vld [tilespmem:s22+$0x0]  }
0x35e: {  	v3 =	vld [tilespmem:s1+$0x0];
	_ =	sdelay $0x6  }
0x35f: {  	v4 =	vld.idx.msk [tilespmem:v2+s26+$0x0], $0xffff  }
0x360: {  	v3 =	vld.idx.msk [tilespmem:v3+s28+$0x0], $0xffff;
	_ =	sdelay $0x5  }
0x361: {  	v3 =	vadd.f32 v3, v4;
	_ =	sdelay $0x1  }
0x362: {  	v4 =	vmul.f32 $2.000000030e-01, v3;
	_ =	sdelay $0x1  }
0x363: {  	v3 =	vmax.f32 v3, v4  }
0x364: {  	v3 =	vsub.f32 v3, v1;
	_ =	sdelay $0x1  }
0x365: {  	v3 =	vmul.f32 $1.442695020e+00, v3;
	_ =	sdelay $0x1  }
0x366: {  	(erf) = vpow2.f32 v3;
	_ =	sdelay $0x5  }
0x367: {  	v2 =	vshll.u32 v2, $0x3;
	_ =	sdelay $0x2  }
0x368: {  	v3 =	vpop (erf)  }
0x369: {  	[tilespmem:s17+$0x0] =	vst v3  }
0x36a: {  	v4 =	vld.idx.msk [tilespmem:v2+s24+$0x0], $0xffff  }
0x36b: {  	v5 =	vmov s10  }
0x36c: {  	v5 =	vshll.u32 v5, $0x3  }
0x36d: {  	v5 =	vor.u32 v0, v5  }
0x36e: {  	v6 =	vor.u32 $0x1, v2;
	_ =	sdelay $0x1  }
0x36f: {  	v4 =	vmul.f32 v3, v4;
	_ =	sdelay $0x1  }
0x370: {  	[tilespmem:v5+s30+$0x0] =	vst.idx.msk $0xffff, v4  }
0x371: {  	v4 =	vld.idx.msk [tilespmem:v6+s24+$0x0], $0xffff;
	_ =	sdelay $0x2  }
0x372: {  	v6 =	vor.u32 $0x1, v5  }
0x373: {  	v7 =	vor.u32 $0x2, v2;
	_ =	sdelay $0x1  }
0x374: {  	v4 =	vmul.f32 v3, v4;
	_ =	sdelay $0x1  }
0x375: {  	[tilespmem:v6+s30+$0x0] =	vst.idx.msk $0xffff, v4  }
0x376: {  	v4 =	vld.idx.msk [tilespmem:v7+s24+$0x0], $0xffff;
	_ =	sdelay $0x2  }
0x377: {  	v6 =	vor.u32 $0x2, v5  }
0x378: {  	v7 =	vor.u32 $0x3, v2;
	_ =	sdelay $0x1  }
0x379: {  	v4 =	vmul.f32 v4, v3;
	_ =	sdelay $0x1  }
0x37a: {  	[tilespmem:v6+s30+$0x0] =	vst.idx.msk $0xffff, v4  }
0x37b: {  	v4 =	vld.idx.msk [tilespmem:v7+s24+$0x0], $0xffff;
	_ =	sdelay $0x2  }
0x37c: {  	v6 =	vor.u32 $0x3, v5  }
0x37d: {  	v7 =	vor.u32 $0x4, v2;
	_ =	sdelay $0x1  }
0x37e: {  	v4 =	vmul.f32 v4, v3;
	_ =	sdelay $0x1  }
0x37f: {  	[tilespmem:v6+s30+$0x0] =	vst.idx.msk $0xffff, v4  }
0x380: {  	v4 =	vld.idx.msk [tilespmem:v7+s24+$0x0], $0xffff;
	_ =	sdelay $0x2  }
0x381: {  	v6 =	vor.u32 $0x4, v5  }
0x382: {  	v7 =	vor.u32 $0x5, v2;
	_ =	sdelay $0x1  }
0x383: {  	v4 =	vmul.f32 v4, v3;
	_ =	sdelay $0x1  }
0x384: {  	[tilespmem:v6+s30+$0x0] =	vst.idx.msk $0xffff, v4  }
0x385: {  	v4 =	vld.idx.msk [tilespmem:v7+s24+$0x0], $0xffff;
	_ =	sdelay $0x2  }
0x386: {  	v6 =	vor.u32 $0x5, v5  }
0x387: {  	v7 =	vor.u32 $0x6, v2;
	_ =	sdelay $0x1  }
0x388: {  	v4 =	vmul.f32 v4, v3;
	_ =	sdelay $0x1  }
0x389: {  	[tilespmem:v6+s30+$0x0] =	vst.idx.msk $0xffff, v4  }
0x38a: {  	v4 =	vld.idx.msk [tilespmem:v7+s24+$0x0], $0xffff;
	_ =	sdelay $0x2  }
0x38b: {  	v6 =	vor.u32 $0x6, v5  }
0x38c: {  	v2 =	vor.u32 $0x7, v2;
	_ =	sdelay $0x1  }
0x38d: {  	v4 =	vmul.f32 v4, v3;
	_ =	sdelay $0x1  }
0x38e: {  	[tilespmem:v6+s30+$0x0] =	vst.idx.msk $0xffff, v4  }
0x38f: {  	v4 =	vld.idx.msk [tilespmem:v2+s24+$0x0], $0xffff;
	_ =	sdelay $0x1  }
.Ltmp6:
0x390: {  	(pc) =	sbr.rel @p0 .LBB2_15-.Ltmp6, $2  }
0x391: {  	v2 =	vor.u32 $0x7, v5;
	_ =	sdelay $0x2  }
0x392: {  	v3 =	vmul.f32 v4, v3  }
0x393: {  	_ =	sdelay $0x3  }
0x394: {  	[tilespmem:v2+s30+$0x0] =	vst.idx.msk $0xffff, v3  }
0x395: {  	[spmem:s2] =	stream.indirect.scatter.add.f32 [tilespmem:s30], [sflag:$0x1], $0x8, s20, s3, $0xb8;
	[tilespmem:$0x1AE80] =	vst v63  }
0x396: {  	_ = 	snop  }
0x397: {  	[spmem:s4] =	stream.indirect.scatter.add.f32 [tilespmem:s8], [sflag:$0x1], $0x1, s20, s3, $0xb8;
	[tilespmem:$0x1AE80] =	vst v63  }
0x398: {  	_ =	swait.ge [sflag:s14], $0x400  }
0x399: {  	[sflag:s14] =	ssyncset.done $0x0  }
0x39a: {  	[sflag:s14] =	ssyncadd.s32 $0xFFFFFC00  }
0x39b: {  	_ =	swait.ge [sflag:s14], $0x80  }
0x39c: {  	[sflag:s14] =	ssyncset.done $0x0  }
0x39d: {  	s22 =	simm.s32 $0x19E80;
	[sflag:s14] =	ssyncadd.s32 $0xFFFFFF80  }
0x39e: {  	s1 =	simm.s32 $0x1A280;
	v2 =	vld [tilespmem:s22+$0x0]  }
0x39f: {  	v3 =	vld [tilespmem:s1+$0x0];
	_ =	sdelay $0x6  }
0x3a0: {  	v4 =	vld.idx.msk [tilespmem:v2+s26+$0x0], $0xffff  }
0x3a1: {  	v3 =	vld.idx.msk [tilespmem:v3+s28+$0x0], $0xffff;
	_ =	sdelay $0x4  }
0x3a2: {  	v3 =	vadd.f32 v3, v4;
	_ =	sdelay $0x1  }
0x3a3: {  	v4 =	vmul.f32 $2.000000030e-01, v3;
	_ =	sdelay $0x1  }
0x3a4: {  	v3 =	vmax.f32 v3, v4  }
0x3a5: {  	v3 =	vsub.f32 v3, v1;
	_ =	sdelay $0x1  }
0x3a6: {  	v3 =	vmul.f32 $1.442695020e+00, v3;
	_ =	sdelay $0x1  }
0x3a7: {  	(erf) = vpow2.f32 v3;
	_ =	sdelay $0x5  }
0x3a8: {  	v2 =	vshll.u32 v2, $0x3;
	_ =	sdelay $0x2  }
0x3a9: {  	s17 =	simm.s32 $0x1AE00;
	v3 =	vpop (erf)  }
0x3aa: {  	s10 =	simm.s32 $0x0;
	[tilespmem:s17+$0x0] =	vst v3  }
0x3ab: {  	v5 =	vmov s10;
	v4 =	vld.idx.msk [tilespmem:v2+s24+$0x0], $0xffff  }
0x3ac: {  	v5 =	vshll.u32 v5, $0x3  }
0x3ad: {  	v5 =	vor.u32 v0, v5  }
0x3ae: {  	v6 =	vor.u32 $0x1, v2;
	_ =	sdelay $0x1  }
0x3af: {  	v4 =	vmul.f32 v3, v4;
	_ =	sdelay $0x1  }
0x3b0: {  	[tilespmem:v5+s9+$0x0] =	vst.idx.msk $0xffff, v4  }
0x3b1: {  	v4 =	vld.idx.msk [tilespmem:v6+s24+$0x0], $0xffff;
	_ =	sdelay $0x1  }
0x3b2: {  	v54 =	vor.u32 $0x1, v5  }
0x3b3: {  	v7 =	vor.u32 $0x2, v2;
	_ =	sdelay $0x1  }
0x3b4: {  	v4 =	vmul.f32 v3, v4;
	_ =	sdelay $0x1  }
0x3b5: {  	[tilespmem:v54+s9+$0x0] =	vst.idx.msk $0xffff, v4  }
0x3b6: {  	v4 =	vld.idx.msk [tilespmem:v7+s24+$0x0], $0xffff;
	_ =	sdelay $0x1  }
0x3b7: {  	v55 =	vor.u32 $0x2, v5  }
0x3b8: {  	v56 =	vor.u32 $0x3, v2;
	_ =	sdelay $0x1  }
0x3b9: {  	v4 =	vmul.f32 v4, v3;
	_ =	sdelay $0x1  }
0x3ba: {  	[tilespmem:v55+s9+$0x0] =	vst.idx.msk $0xffff, v4  }
0x3bb: {  	v4 =	vld.idx.msk [tilespmem:v56+s24+$0x0], $0xffff;
	_ =	sdelay $0x1  }
0x3bc: {  	v57 =	vor.u32 $0x3, v5  }
0x3bd: {  	v58 =	vor.u32 $0x4, v2;
	_ =	sdelay $0x1  }
0x3be: {  	v4 =	vmul.f32 v4, v3;
	_ =	sdelay $0x1  }
0x3bf: {  	[tilespmem:v57+s9+$0x0] =	vst.idx.msk $0xffff, v4  }
0x3c0: {  	v4 =	vld.idx.msk [tilespmem:v58+s24+$0x0], $0xffff;
	_ =	sdelay $0x1  }
0x3c1: {  	v59 =	vor.u32 $0x4, v5  }
0x3c2: {  	v60 =	vor.u32 $0x5, v2;
	_ =	sdelay $0x1  }
0x3c3: {  	v4 =	vmul.f32 v4, v3;
	_ =	sdelay $0x1  }
0x3c4: {  	[tilespmem:v59+s9+$0x0] =	vst.idx.msk $0xffff, v4  }
0x3c5: {  	v4 =	vld.idx.msk [tilespmem:v60+s24+$0x0], $0xffff;
	_ =	sdelay $0x1  }
0x3c6: {  	v61 =	vor.u32 $0x5, v5  }
0x3c7: {  	v62 =	vor.u32 $0x6, v2;
	_ =	sdelay $0x1  }
0x3c8: {  	v4 =	vmul.f32 v4, v3;
	_ =	sdelay $0x1  }
0x3c9: {  	[tilespmem:v61+s9+$0x0] =	vst.idx.msk $0xffff, v4  }
0x3ca: {  	v4 =	vld.idx.msk [tilespmem:v62+s24+$0x0], $0xffff;
	_ =	sdelay $0x1  }
0x3cb: {  	v63 =	vor.u32 $0x6, v5  }
0x3cc: {  	v2 =	vor.u32 $0x7, v2;
	_ =	sdelay $0x1  }
0x3cd: {  	v4 =	vmul.f32 v4, v3;
	_ =	sdelay $0x1  }
0x3ce: {  	[tilespmem:v63+s9+$0x0] =	vst.idx.msk $0xffff, v4  }
0x3cf: {  	v4 =	vld.idx.msk [tilespmem:v2+s24+$0x0], $0xffff;
	_ =	sdelay $0x1  }
0x3d0: {  	v2 =	vor.u32 $0x7, v5;
	_ =	sdelay $0x2  }
0x3d1: {  	s18 =	simm.s32 $0x10;
	v3 =	vmul.f32 v4, v3  }
.LBB2_17:
0x3d2: {  	_ = 	snop  }
0x3d3: {  	s1 =	sadd.s32 $0x10, s1;
	s22 =	sadd.s32 $0x10, s22;
	s17 =	sadd.s32 $0x10, s17;
	[tilespmem:v2+s9+$0x0] =	vst.idx.msk $0xffff, v3  }
0x3d4: {  	p0 =	sne.s32 s18, $0x70;
	s10 =	smov.u32 s18;
	s18 =	sadd.s32 $0x10, s18;
	v2 =	vld [tilespmem:s22+$0x0]  }
0x3d5: {  	v3 =	vld [tilespmem:s1+$0x0];
	_ =	sdelay $0x6  }
0x3d6: {  	v4 =	vld.idx.msk [tilespmem:v2+s26+$0x0], $0xffff  }
0x3d7: {  	v3 =	vld.idx.msk [tilespmem:v3+s28+$0x0], $0xffff;
	_ =	sdelay $0x5  }
0x3d8: {  	v3 =	vadd.f32 v3, v4;
	_ =	sdelay $0x1  }
0x3d9: {  	v4 =	vmul.f32 $2.000000030e-01, v3;
	_ =	sdelay $0x1  }
0x3da: {  	v3 =	vmax.f32 v3, v4  }
0x3db: {  	v3 =	vsub.f32 v3, v1;
	_ =	sdelay $0x1  }
0x3dc: {  	v3 =	vmul.f32 $1.442695020e+00, v3;
	_ =	sdelay $0x1  }
0x3dd: {  	(erf) = vpow2.f32 v3;
	_ =	sdelay $0x5  }
0x3de: {  	v2 =	vshll.u32 v2, $0x3;
	_ =	sdelay $0x2  }
0x3df: {  	v3 =	vpop (erf)  }
0x3e0: {  	[tilespmem:s17+$0x0] =	vst v3  }
0x3e1: {  	v4 =	vld.idx.msk [tilespmem:v2+s24+$0x0], $0xffff  }
0x3e2: {  	v5 =	vmov s10  }
0x3e3: {  	v5 =	vshll.u32 v5, $0x3  }
0x3e4: {  	v5 =	vor.u32 v0, v5  }
0x3e5: {  	v6 =	vor.u32 $0x1, v2;
	_ =	sdelay $0x1  }
0x3e6: {  	v4 =	vmul.f32 v3, v4;
	_ =	sdelay $0x1  }
0x3e7: {  	[tilespmem:v5+s9+$0x0] =	vst.idx.msk $0xffff, v4  }
0x3e8: {  	v4 =	vld.idx.msk [tilespmem:v6+s24+$0x0], $0xffff;
	_ =	sdelay $0x2  }
0x3e9: {  	v6 =	vor.u32 $0x1, v5  }
0x3ea: {  	v7 =	vor.u32 $0x2, v2;
	_ =	sdelay $0x1  }
0x3eb: {  	v4 =	vmul.f32 v3, v4;
	_ =	sdelay $0x1  }
0x3ec: {  	[tilespmem:v6+s9+$0x0] =	vst.idx.msk $0xffff, v4  }
0x3ed: {  	v4 =	vld.idx.msk [tilespmem:v7+s24+$0x0], $0xffff;
	_ =	sdelay $0x2  }
0x3ee: {  	v6 =	vor.u32 $0x2, v5  }
0x3ef: {  	v7 =	vor.u32 $0x3, v2;
	_ =	sdelay $0x1  }
0x3f0: {  	v4 =	vmul.f32 v4, v3;
	_ =	sdelay $0x1  }
0x3f1: {  	[tilespmem:v6+s9+$0x0] =	vst.idx.msk $0xffff, v4  }
0x3f2: {  	v4 =	vld.idx.msk [tilespmem:v7+s24+$0x0], $0xffff;
	_ =	sdelay $0x2  }
0x3f3: {  	v6 =	vor.u32 $0x3, v5  }
0x3f4: {  	v7 =	vor.u32 $0x4, v2;
	_ =	sdelay $0x1  }
0x3f5: {  	v4 =	vmul.f32 v4, v3;
	_ =	sdelay $0x1  }
0x3f6: {  	[tilespmem:v6+s9+$0x0] =	vst.idx.msk $0xffff, v4  }
0x3f7: {  	v4 =	vld.idx.msk [tilespmem:v7+s24+$0x0], $0xffff;
	_ =	sdelay $0x2  }
0x3f8: {  	v6 =	vor.u32 $0x4, v5  }
0x3f9: {  	v7 =	vor.u32 $0x5, v2;
	_ =	sdelay $0x1  }
0x3fa: {  	v4 =	vmul.f32 v4, v3;
	_ =	sdelay $0x1  }
0x3fb: {  	[tilespmem:v6+s9+$0x0] =	vst.idx.msk $0xffff, v4  }
0x3fc: {  	v4 =	vld.idx.msk [tilespmem:v7+s24+$0x0], $0xffff;
	_ =	sdelay $0x2  }
0x3fd: {  	v6 =	vor.u32 $0x5, v5  }
0x3fe: {  	v7 =	vor.u32 $0x6, v2;
	_ =	sdelay $0x1  }
0x3ff: {  	v4 =	vmul.f32 v4, v3;
	_ =	sdelay $0x1  }
0x400: {  	[tilespmem:v6+s9+$0x0] =	vst.idx.msk $0xffff, v4  }
0x401: {  	v4 =	vld.idx.msk [tilespmem:v7+s24+$0x0], $0xffff;
	_ =	sdelay $0x2  }
0x402: {  	v6 =	vor.u32 $0x6, v5  }
0x403: {  	v2 =	vor.u32 $0x7, v2;
	_ =	sdelay $0x1  }
0x404: {  	v4 =	vmul.f32 v4, v3;
	_ =	sdelay $0x1  }
0x405: {  	[tilespmem:v6+s9+$0x0] =	vst.idx.msk $0xffff, v4  }
0x406: {  	v4 =	vld.idx.msk [tilespmem:v2+s24+$0x0], $0xffff;
	_ =	sdelay $0x1  }
.Ltmp7:
0x407: {  	(pc) =	sbr.rel @p0 .LBB2_17-.Ltmp7, $2  }
0x408: {  	v2 =	vor.u32 $0x7, v5;
	_ =	sdelay $0x2  }
0x409: {  	v3 =	vmul.f32 v4, v3  }
0x40a: {  	_ = 	snop  }
0x40b: {  	s23 =	sadd.s32 $0x1, s23  }
0x40c: {  	p0 =	sne.s32 s23, $0xA  }
.Ltmp8:
0x40d: {  	_ = 	snop;
	(pc) =	sbr.rel @p0 .LBB2_2-.Ltmp8, $4  }
0x40e: {  	[tilespmem:v2+s9+$0x0] =	vst.idx.msk $0xffff, v3  }
0x40f: {  	[spmem:s2] =	stream.indirect.scatter.add.f32 [tilespmem:s9], [sflag:$0x2], $0x8, s21, s3, $0xb8;
	[tilespmem:$0x1AE80] =	vst v63  }
0x410: {  	_ = 	snop  }
0x411: {  	[spmem:s4] =	stream.indirect.scatter.add.f32 [tilespmem:s11], [sflag:$0x2], $0x1, s21, s3, $0xb8;
	[tilespmem:$0x1AE80] =	vst v63  }
0x412: {  	_ =	swait.ge [sflag:s12], $0x400  }
0x413: {  	[sflag:s12] =	ssyncset.done $0x0  }
0x414: {  	[sflag:s12] =	ssyncadd.s32 $0xFFFFFC00  }
0x415: {  	_ =	swait.ge [sflag:s12], $0x80  }
0x416: {  	[sflag:s12] =	ssyncset.done $0x0  }
0x417: {  	[sflag:s12] =	ssyncadd.s32 $0xFFFFFF80  }
0x418: {  	_ =	swait.ge [sflag:s14], $0x400  }
0x419: {  	[sflag:s14] =	ssyncset.done $0x0  }
0x41a: {  	[sflag:s14] =	ssyncadd.s32 $0xFFFFFC00  }
0x41b: {  	_ =	swait.ge [sflag:s14], $0x80  }
0x41c: {  	s10 =	simm.s32 $0x0;
	s22 =	simm.s32 $0x19B00;
	[sflag:s14] =	ssyncset.done $0x0  }
0x41d: {  	s18 =	simm.s32 $0x5;
	s1 =	rddreg [dreg:$0x10];
	[sflag:s14] =	ssyncadd.s32 $0xFFFFFF80  }
0x41e: {  	[tilespmem:s22], [sflag:$0x5] =	stream.linear.gather [hbm4b:s1+s10], $0x80, $0x38;
	[tilespmem:$0x1AE80] =	vst v63  }
0x41f: {  	_ =	swait.ge [sflag:s18], $0x80  }
0x420: {  	[sflag:s18] =	ssyncset.done $0x0  }
0x421: {  	s23 =	simm.s32 $0x19F00;
	s25 =	rddreg [dreg:$0x11];
	[sflag:s18] =	ssyncadd.s32 $0xFFFFFF80  }
0x422: {  	[tilespmem:s23], [sflag:$0x5] =	stream.linear.gather [hbm4b:s25+s10], $0x80, $0x38;
	[tilespmem:$0x1AE80] =	vst v63  }
0x423: {  	_ =	swait.ge [sflag:s18], $0x80  }
0x424: {  	[sflag:s18] =	ssyncset.done $0x0  }
0x425: {  	[sflag:s18] =	ssyncadd.s32 $0xFFFFFF80  }
0x426: {  	v2 =	vld [tilespmem:s22+$0x0]  }
0x427: {  	v3 =	vld [tilespmem:s23+$0x0];
	_ =	sdelay $0x6  }
0x428: {  	v4 =	vld.idx.msk [tilespmem:v2+s26+$0x0], $0xffff  }
0x429: {  	v3 =	vld.idx.msk [tilespmem:v3+s28+$0x0], $0xffff;
	_ =	sdelay $0x4  }
0x42a: {  	v3 =	vadd.f32 v3, v4;
	_ =	sdelay $0x1  }
0x42b: {  	v4 =	vmul.f32 $2.000000030e-01, v3;
	_ =	sdelay $0x1  }
0x42c: {  	v3 =	vmax.f32 v3, v4  }
0x42d: {  	v3 =	vsub.f32 v3, v1;
	_ =	sdelay $0x1  }
0x42e: {  	v3 =	vmul.f32 $1.442695020e+00, v3;
	_ =	sdelay $0x1  }
0x42f: {  	(erf) = vpow2.f32 v3;
	_ =	sdelay $0x5  }
0x430: {  	v2 =	vshll.u32 v2, $0x3;
	_ =	sdelay $0x2  }
0x431: {  	s1 =	simm.s32 $0x1AD80;
	v3 =	vpop (erf)  }
0x432: {  	[tilespmem:s1+$0x0] =	vst v3  }
0x433: {  	v5 =	vmov s10;
	v4 =	vld.idx.msk [tilespmem:v2+s24+$0x0], $0xffff  }
0x434: {  	v5 =	vshll.u32 v5, $0x3  }
0x435: {  	v5 =	vor.u32 v0, v5  }
0x436: {  	v6 =	vor.u32 $0x1, v2;
	_ =	sdelay $0x1  }
0x437: {  	v4 =	vmul.f32 v3, v4;
	_ =	sdelay $0x1  }
0x438: {  	[tilespmem:v5+s30+$0x0] =	vst.idx.msk $0xffff, v4  }
0x439: {  	v4 =	vld.idx.msk [tilespmem:v6+s24+$0x0], $0xffff;
	_ =	sdelay $0x1  }
0x43a: {  	v54 =	vor.u32 $0x1, v5  }
0x43b: {  	v7 =	vor.u32 $0x2, v2;
	_ =	sdelay $0x1  }
0x43c: {  	v4 =	vmul.f32 v3, v4;
	_ =	sdelay $0x1  }
0x43d: {  	[tilespmem:v54+s30+$0x0] =	vst.idx.msk $0xffff, v4  }
0x43e: {  	v4 =	vld.idx.msk [tilespmem:v7+s24+$0x0], $0xffff;
	_ =	sdelay $0x1  }
0x43f: {  	v55 =	vor.u32 $0x2, v5  }
0x440: {  	v56 =	vor.u32 $0x3, v2;
	_ =	sdelay $0x1  }
0x441: {  	v4 =	vmul.f32 v4, v3;
	_ =	sdelay $0x1  }
0x442: {  	[tilespmem:v55+s30+$0x0] =	vst.idx.msk $0xffff, v4  }
0x443: {  	v4 =	vld.idx.msk [tilespmem:v56+s24+$0x0], $0xffff;
	_ =	sdelay $0x1  }
0x444: {  	v57 =	vor.u32 $0x3, v5  }
0x445: {  	v58 =	vor.u32 $0x4, v2;
	_ =	sdelay $0x1  }
0x446: {  	v4 =	vmul.f32 v4, v3;
	_ =	sdelay $0x1  }
0x447: {  	[tilespmem:v57+s30+$0x0] =	vst.idx.msk $0xffff, v4  }
0x448: {  	v4 =	vld.idx.msk [tilespmem:v58+s24+$0x0], $0xffff;
	_ =	sdelay $0x1  }
0x449: {  	v59 =	vor.u32 $0x4, v5  }
0x44a: {  	v60 =	vor.u32 $0x5, v2;
	_ =	sdelay $0x1  }
0x44b: {  	v4 =	vmul.f32 v4, v3;
	_ =	sdelay $0x1  }
0x44c: {  	[tilespmem:v59+s30+$0x0] =	vst.idx.msk $0xffff, v4  }
0x44d: {  	v4 =	vld.idx.msk [tilespmem:v60+s24+$0x0], $0xffff;
	_ =	sdelay $0x1  }
0x44e: {  	v61 =	vor.u32 $0x5, v5  }
0x44f: {  	v62 =	vor.u32 $0x6, v2;
	_ =	sdelay $0x1  }
0x450: {  	v4 =	vmul.f32 v4, v3;
	_ =	sdelay $0x1  }
0x451: {  	[tilespmem:v61+s30+$0x0] =	vst.idx.msk $0xffff, v4  }
0x452: {  	v4 =	vld.idx.msk [tilespmem:v62+s24+$0x0], $0xffff;
	_ =	sdelay $0x1  }
0x453: {  	v63 =	vor.u32 $0x6, v5  }
0x454: {  	v2 =	vor.u32 $0x7, v2;
	_ =	sdelay $0x1  }
0x455: {  	v4 =	vmul.f32 v4, v3;
	_ =	sdelay $0x1  }
0x456: {  	[tilespmem:v63+s30+$0x0] =	vst.idx.msk $0xffff, v4  }
0x457: {  	v4 =	vld.idx.msk [tilespmem:v2+s24+$0x0], $0xffff;
	_ =	sdelay $0x1  }
0x458: {  	v2 =	vor.u32 $0x7, v5;
	_ =	sdelay $0x2  }
0x459: {  	s17 =	simm.s32 $0x10;
	v3 =	vmul.f32 v4, v3  }
.LBB2_20:
0x45a: {  	_ = 	snop  }
0x45b: {  	s22 =	sadd.s32 $0x10, s22;
	s23 =	sadd.s32 $0x10, s23;
	s1 =	sadd.s32 $0x10, s1;
	[tilespmem:v2+s30+$0x0] =	vst.idx.msk $0xffff, v3  }
0x45c: {  	p0 =	sne.s32 s17, $0x70;
	s10 =	smov.u32 s17;
	s17 =	sadd.s32 $0x10, s17;
	v2 =	vld [tilespmem:s22+$0x0]  }
0x45d: {  	v3 =	vld [tilespmem:s23+$0x0];
	_ =	sdelay $0x6  }
0x45e: {  	v4 =	vld.idx.msk [tilespmem:v2+s26+$0x0], $0xffff  }
0x45f: {  	v3 =	vld.idx.msk [tilespmem:v3+s28+$0x0], $0xffff;
	_ =	sdelay $0x5  }
0x460: {  	v3 =	vadd.f32 v3, v4;
	_ =	sdelay $0x1  }
0x461: {  	v4 =	vmul.f32 $2.000000030e-01, v3;
	_ =	sdelay $0x1  }
0x462: {  	v3 =	vmax.f32 v3, v4  }
0x463: {  	v3 =	vsub.f32 v3, v1;
	_ =	sdelay $0x1  }
0x464: {  	v3 =	vmul.f32 $1.442695020e+00, v3;
	_ =	sdelay $0x1  }
0x465: {  	(erf) = vpow2.f32 v3;
	_ =	sdelay $0x5  }
0x466: {  	v2 =	vshll.u32 v2, $0x3;
	_ =	sdelay $0x2  }
0x467: {  	v3 =	vpop (erf)  }
0x468: {  	[tilespmem:s1+$0x0] =	vst v3  }
0x469: {  	v4 =	vld.idx.msk [tilespmem:v2+s24+$0x0], $0xffff  }
0x46a: {  	v5 =	vmov s10  }
0x46b: {  	v5 =	vshll.u32 v5, $0x3  }
0x46c: {  	v5 =	vor.u32 v0, v5  }
0x46d: {  	v6 =	vor.u32 $0x1, v2;
	_ =	sdelay $0x1  }
0x46e: {  	v4 =	vmul.f32 v3, v4;
	_ =	sdelay $0x1  }
0x46f: {  	[tilespmem:v5+s30+$0x0] =	vst.idx.msk $0xffff, v4  }
0x470: {  	v4 =	vld.idx.msk [tilespmem:v6+s24+$0x0], $0xffff;
	_ =	sdelay $0x2  }
0x471: {  	v6 =	vor.u32 $0x1, v5  }
0x472: {  	v7 =	vor.u32 $0x2, v2;
	_ =	sdelay $0x1  }
0x473: {  	v4 =	vmul.f32 v3, v4;
	_ =	sdelay $0x1  }
0x474: {  	[tilespmem:v6+s30+$0x0] =	vst.idx.msk $0xffff, v4  }
0x475: {  	v4 =	vld.idx.msk [tilespmem:v7+s24+$0x0], $0xffff;
	_ =	sdelay $0x2  }
0x476: {  	v6 =	vor.u32 $0x2, v5  }
0x477: {  	v7 =	vor.u32 $0x3, v2;
	_ =	sdelay $0x1  }
0x478: {  	v4 =	vmul.f32 v4, v3;
	_ =	sdelay $0x1  }
0x479: {  	[tilespmem:v6+s30+$0x0] =	vst.idx.msk $0xffff, v4  }
0x47a: {  	v4 =	vld.idx.msk [tilespmem:v7+s24+$0x0], $0xffff;
	_ =	sdelay $0x2  }
0x47b: {  	v6 =	vor.u32 $0x3, v5  }
0x47c: {  	v7 =	vor.u32 $0x4, v2;
	_ =	sdelay $0x1  }
0x47d: {  	v4 =	vmul.f32 v4, v3;
	_ =	sdelay $0x1  }
0x47e: {  	[tilespmem:v6+s30+$0x0] =	vst.idx.msk $0xffff, v4  }
0x47f: {  	v4 =	vld.idx.msk [tilespmem:v7+s24+$0x0], $0xffff;
	_ =	sdelay $0x2  }
0x480: {  	v6 =	vor.u32 $0x4, v5  }
0x481: {  	v7 =	vor.u32 $0x5, v2;
	_ =	sdelay $0x1  }
0x482: {  	v4 =	vmul.f32 v4, v3;
	_ =	sdelay $0x1  }
0x483: {  	[tilespmem:v6+s30+$0x0] =	vst.idx.msk $0xffff, v4  }
0x484: {  	v4 =	vld.idx.msk [tilespmem:v7+s24+$0x0], $0xffff;
	_ =	sdelay $0x2  }
0x485: {  	v6 =	vor.u32 $0x5, v5  }
0x486: {  	v7 =	vor.u32 $0x6, v2;
	_ =	sdelay $0x1  }
0x487: {  	v4 =	vmul.f32 v4, v3;
	_ =	sdelay $0x1  }
0x488: {  	[tilespmem:v6+s30+$0x0] =	vst.idx.msk $0xffff, v4  }
0x489: {  	v4 =	vld.idx.msk [tilespmem:v7+s24+$0x0], $0xffff;
	_ =	sdelay $0x2  }
0x48a: {  	v6 =	vor.u32 $0x6, v5  }
0x48b: {  	v2 =	vor.u32 $0x7, v2;
	_ =	sdelay $0x1  }
0x48c: {  	v4 =	vmul.f32 v4, v3;
	_ =	sdelay $0x1  }
0x48d: {  	[tilespmem:v6+s30+$0x0] =	vst.idx.msk $0xffff, v4  }
0x48e: {  	v4 =	vld.idx.msk [tilespmem:v2+s24+$0x0], $0xffff;
	_ =	sdelay $0x1  }
.Ltmp9:
0x48f: {  	(pc) =	sbr.rel @p0 .LBB2_20-.Ltmp9, $2  }
0x490: {  	v2 =	vor.u32 $0x7, v5;
	_ =	sdelay $0x2  }
0x491: {  	v3 =	vmul.f32 v4, v3  }
0x492: {  	_ =	sdelay $0x3  }
0x493: {  	[tilespmem:v2+s30+$0x0] =	vst.idx.msk $0xffff, v3  }
0x494: {  	[spmem:s2] =	stream.indirect.scatter.add.f32 [tilespmem:s30], [sflag:$0x1], $0x8, s31, s3, $0xb8;
	[tilespmem:$0x1AE80] =	vst v63  }
0x495: {  	_ = 	snop  }
0x496: {  	[spmem:s4] =	stream.indirect.scatter.add.f32 [tilespmem:s8], [sflag:$0x1], $0x1, s31, s3, $0xb8;
	[tilespmem:$0x1AE80] =	vst v63  }
0x497: {  	_ =	swait.ge [sflag:s12], $0x400  }
0x498: {  	[sflag:s12] =	ssyncset.done $0x0  }
0x499: {  	[sflag:s12] =	ssyncadd.s32 $0xFFFFFC00  }
0x49a: {  	_ =	swait.ge [sflag:s12], $0x80  }
0x49b: {  	[sflag:s12] =	ssyncset.done $0x0  }
0x49c: {  	[sflag:s12] =	ssyncadd.s32 $0xFFFFFF80  }
0x49d: {  	[bflag:$0x0] =	sbarrier.arrive $0xFFFF  }
0x49e: {  	s1 =	rddreg [dreg:$0x12]  }
0x49f: {  	s10 =	rddreg [dreg:$0x16]  }
0x4a0: {  	s17 =	rddreg [dreg:$0x17]  }
0x4a1: {  	[hbm:s1], [sflag:s10] =	dma.local [spmem:s17], $0x280  }
0x4a2: {  	_ =	swait.ge [sflag:s18], $0x280  }
0x4a3: {  	[sflag:s18] =	ssyncset.done $0x0;
	s17 =	rddreg [dreg:$0x13]  }
0x4a4: {  	s22 =	rddreg [dreg:$0x18];
	[sflag:s18] =	ssyncadd.s32 $0xFFFFFD80  }
0x4a5: {  	[hbm:s17], [sflag:s10] =	dma.local [spmem:s22], $0x50  }
0x4a6: {  	_ =	swait.ge [sflag:s18], $0x50  }
0x4a7: {  	s23 =	rddreg [dreg:$0x15]  }
0x4a8: {  	s25 =	rddreg [dreg:$0x14];
	s10 =	sadd.s32 $0x1, s23  }
0x4a9: {  	p0 =	sne.s32 s10, s25  }
.Ltmp10:
0x4aa: {  	_ = 	snop;
	(pc) =	sbr.rel @p0 .LBB2_1-.Ltmp10, $3  }
0x4ab: {  	_ =	sdelay $0x1  }
0x4ac: {  	[sflag:s18] =	ssyncset.done $0x0  }
0x4ad: {  	[sflag:s18] =	ssyncadd.s32 $0xFFFFFFB0  }
0x4ae: {  	_ =	sfence.sel $0x180000  }
0x4af: {  	[bflag:$0x0] =	sbarrier.arrive $0xFFFF  }
0x4b0: {  	_ =	strace $0x90000047  }
0x4b1: {  	s0 =	stileid.u32;
	[bflag:$0x2] =	sbarrier.arrive $0xFFFF  }
0x4b2: {  	p0 =	sne.s32 s0, $0x0;
	s0 =	rddreg [dreg:$0x4]  }
0x4b3: {  	s0 =	sadd.s32 @!p0 $0x100000, s0  }
0x4b4: {  	[sflag:s0] =	ssyncadd.tile.s32 @!p0 $0x1;
	_ =	shalt  }
.Lfunc_end2:
_tile_overlayer_lowered:
.L_overlay_start_2:
0x4b5: {  	(tag) =	ssettag $0x2  }
0x4b6: {  	s0 =	rddreg [dreg:$0x0];
	s2 =	stileid.u32  }
0x4b7: {  	s1 =	rddreg [dreg:$0x1];
	p0 =	sne.s32 s2, $0x0  }
0x4b8: {  	s3 =	rddreg [dreg:$0x2];
	[bflag:$0x3] =	sbarrier.arrive $0xFFFF;
	s2 =	simm.s32 @!p0 $0x1C05  }
0x4b9: {  	[timem:s3], [sflag:s2] =	dma.local @!p0 [hbm:s0], s1  }
0x4ba: {  	s0 =	simm.s32 @!p0 $0x5  }
0x4bb: {  	_ =	swait.ge @!p0 [sflag:s0], s1  }
0x4bc: {  	s1 =	ssub.s32 @!p0 $0x0, s1;
	[sflag:s0] =	ssyncset.done @!p0 $0x0  }
0x4bd: {  	[sflag:s0] =	ssyncadd.s32 @!p0 s1  }
0x4be: {  	[bflag:$0x3] =	sbarrier.arrive $0xFFFF  }
0x4bf: {  	_ =	shalt  }

</sc_bundles>
